<compile_context>
chip_gen: v7x
topology: tpu7x:2x2x1
jax: 0.10.2.dev20260603
libtpu: 0.0.44.dev20260713+nightly
codegen_flags: <defaults>
</compile_context>

<pallas_src>
import functools

import jax
import jax.numpy as jnp
from jax import lax
from jax.experimental import pallas as pl
from jax.experimental.pallas import tpu as pltpu
from jax.experimental.pallas import tpu_sc as plsc

NC = 2
NS = 16
NW = NC * NS
B = 16384
D = 16
BPW = B // NW
NG = BPW // 16


@functools.cache
def _mesh():
    return plsc.VectorSubcoreMesh(
        core_axis_name="c", subcore_axis_name="s", num_cores=NC, num_subcores=NS
    )


def _sc_body(idx_hbm, nodeT, relaT, linkT, err_hbm, *scratch):
    idx_v = scratch[0]
    tbuf = scratch[1]
    out_v = scratch[2]
    sem = scratch[3]
    slabs = scratch[4:]
    wid = lax.axis_index("s") * NC + lax.axis_index("c")
    pltpu.sync_copy(idx_hbm.at[wid], idx_v)

    tabs = (relaT, linkT, nodeT, nodeT, nodeT, nodeT)
    cols = (0, 0, 1, 2, 3, 4)
    iota = lax.iota(jnp.int32, 16)

    def group(g, carry):
        base = g * 16
        vecs = [
            plsc.load_gather(
                idx_v,
                [(c * BPW + base + iota) >> 7, (c * BPW + base + iota) & 127],
            )
            for c in range(5)
        ]
        for half in range(2):
            copies = []
            for l8 in range(8):
                l = half * 8 + l8
                for t in range(6):
                    i = vecs[cols[t]][l]
                    off = pl.multiple_of((i >> 7) * 128, 128)
                    copies.append(pltpu.async_copy(
                        tabs[t].at[:, pl.ds(off, 128)], slabs[l8 * 6 + t], sem))
            for c in copies:
                c.wait()
            for l8 in range(8):
                l = half * 8 + l8
                sub = [jnp.full((16,), vecs[c][l] & 127, jnp.int32)
                       for c in range(5)]
                rk = plsc.load_gather(slabs[l8 * 6 + 0], [iota, sub[0]])
                lk = plsc.load_gather(slabs[l8 * 6 + 1], [iota, sub[0]])
                pi = plsc.load_gather(slabs[l8 * 6 + 2], [iota, sub[1]])
                pj = plsc.load_gather(slabs[l8 * 6 + 3], [iota, sub[2]])
                ni = plsc.load_gather(slabs[l8 * 6 + 4], [iota, sub[3]])
                nj = plsc.load_gather(slabs[l8 * 6 + 5], [iota, sub[4]])
                t_ = (nj - ni - pj + pi) * rk + (ni * nj - pi * pj) * lk
                plsc.store_scatter(tbuf, [iota * 16 + l], t_)
        acc = jnp.zeros((16,), jnp.float32)
        for d in range(16):
            acc = acc + plsc.load_gather(tbuf, [d * 16 + iota])
        flat = base + iota
        plsc.store_scatter(out_v, [flat >> 7, flat & 127], acc)
        return carry

    lax.fori_loop(0, NG, group, 0)
    pltpu.sync_copy(out_v, err_hbm.at[wid])


@functools.cache
def _sc_err():
    return pl.kernel(
        _sc_body,
        out_type=jax.ShapeDtypeStruct((NW, 4, 128), jnp.float32),
        mesh=_mesh(),
        scratch_types=[
            pltpu.VMEM((5 * BPW // 128, 128), jnp.int32),
            pltpu.VMEM((256,), jnp.float32),
            pltpu.VMEM((4, 128), jnp.float32),
            pltpu.SemaphoreType.DMA,
        ] + [pltpu.VMEM((D, 128), jnp.float32)] * 48,
        compiler_params=pltpu.CompilerParams(needs_layout_passes=False),
    )


def _softplus_body(x_ref, o_ref):
    v = x_ref[...]
    o_ref[...] = jnp.maximum(v, 0.0) + jnp.log1p(jnp.exp(-jnp.abs(v)))


def _softplus_tc(err):
    x = err.reshape(128, 128)
    y = pl.pallas_call(
        _softplus_body,
        out_shape=jax.ShapeDtypeStruct((128, 128), jnp.float32),
    )(x)
    return y.reshape(B)


def kernel(batchVector, nodeEmbedding, relaEmbedding, linkEmbedding):
    idx = (batchVector.astype(jnp.int32)
           .reshape(NW, BPW, 5)
           .transpose(0, 2, 1)
           .reshape(NW, 5 * BPW // 128, 128))
    err = _sc_err()(idx, nodeEmbedding.T, relaEmbedding.T, linkEmbedding.T)
    return _softplus_tc(err.reshape(B))

# --- scband reference (transcript-rebuilt; emitter-appended) ---
"""Pipeline reference for scband-marine-71356586655999 (READ-ONLY COPY).

The authoritative reference and input builder live on the scoring server;
editing this copy changes nothing except your own understanding.
"""

import jax, jax.numpy as jnp
import numpy as np

NODE_COUNT = 1000000
RELA_COUNT = 1000000
DIM = 16
BATCH = 16384

def setup_inputs(seed: int = 0) -> dict:
    key = jax.random.key(seed)
    k1, k2, k3, k4 = jax.random.split(key, 4)
    batchVector = jax.random.randint(k1, (BATCH, 5), 0, NODE_COUNT, dtype=jnp.int64) if jax.config.jax_enable_x64 else jax.random.randint(k1, (BATCH, 5), 0, NODE_COUNT).astype(jnp.int32)
    nodeEmbedding = jax.random.normal(k2, (NODE_COUNT, DIM), dtype=jnp.float32)
    relaEmbedding = jax.random.normal(k3, (RELA_COUNT, DIM), dtype=jnp.float32)
    linkEmbedding = jax.random.normal(k4, (RELA_COUNT, DIM), dtype=jnp.float32)
    return {
        'batchVector': batchVector,
        'nodeEmbedding': nodeEmbedding,
        'relaEmbedding': relaEmbedding,
        'linkEmbedding': linkEmbedding,
    }

def reference(batchVector, nodeEmbedding, relaEmbedding, linkEmbedding):
    idx_k = batchVector[:, 0]
    link_k = jnp.take(linkEmbedding, idx_k, axis=0)
    rela_k = jnp.take(relaEmbedding, idx_k, axis=0)
    idx_i = batchVector[:, 1]
    idx_j = batchVector[:, 2]
    pos_i = jnp.take(nodeEmbedding, idx_i, axis=0)
    pos_j = jnp.take(nodeEmbedding, idx_j, axis=0)
    neg_i = jnp.take(nodeEmbedding, batchVector[:, 3], axis=0)
    neg_j = jnp.take(nodeEmbedding, batchVector[:, 4], axis=0)
    relaError = jnp.sum((neg_j - neg_i - pos_j + pos_i) * rela_k, axis=1)
    linkError = jnp.sum((neg_i * neg_j - pos_i * pos_j) * link_k, axis=1)
    loss = jax.nn.softplus(relaError + linkError)
    return loss

if __name__ == "__main__":
    import jax
    _d = setup_inputs()
    print(jax.jit(kernel)(*tuple(_d.values())))

</pallas_src>

<mosaic_0001>
#map = affine_map<(d0, d1) -> (0, 0, 0)>
#map1 = affine_map<(d0, d1) -> (0, 0)>
module attributes {stable_mosaic.version = 14 : i64} {
  func.func @_sc_body(%arg0: i32, %arg1: i32, %arg2: memref<32x20x128xi32, #tpu.memory_space<hbm>>, %arg3: memref<16x1000000xf32, #tpu.memory_space<hbm>>, %arg4: memref<16x1000000xf32, #tpu.memory_space<hbm>>, %arg5: memref<16x1000000xf32, #tpu.memory_space<hbm>>, %arg6: memref<32x4x128xf32, #tpu.memory_space<hbm>>, %arg7: memref<20x128xi32, #tpu.memory_space<vmem>>, %arg8: memref<256xf32, #tpu.memory_space<vmem>>, %arg9: memref<4x128xf32, #tpu.memory_space<vmem>>, %arg10: memref<!tpu.dma_semaphore, #tpu.memory_space<semaphore_mem>>, %arg11: memref<16x128xf32, #tpu.memory_space<vmem>>, %arg12: memref<16x128xf32, #tpu.memory_space<vmem>>, %arg13: memref<16x128xf32, #tpu.memory_space<vmem>>, %arg14: memref<16x128xf32, #tpu.memory_space<vmem>>, %arg15: memref<16x128xf32, #tpu.memory_space<vmem>>, %arg16: memref<16x128xf32, #tpu.memory_space<vmem>>, %arg17: memref<16x128xf32, #tpu.memory_space<vmem>>, %arg18: memref<16x128xf32, #tpu.memory_space<vmem>>, %arg19: memref<16x128xf32, #tpu.memory_space<vmem>>, %arg20: memref<16x128xf32, #tpu.memory_space<vmem>>, %arg21: memref<16x128xf32, #tpu.memory_space<vmem>>, %arg22: memref<16x128xf32, #tpu.memory_space<vmem>>, %arg23: memref<16x128xf32, #tpu.memory_space<vmem>>, %arg24: memref<16x128xf32, #tpu.memory_space<vmem>>, %arg25: memref<16x128xf32, #tpu.memory_space<vmem>>, %arg26: memref<16x128xf32, #tpu.memory_space<vmem>>, %arg27: memref<16x128xf32, #tpu.memory_space<vmem>>, %arg28: memref<16x128xf32, #tpu.memory_space<vmem>>, %arg29: memref<16x128xf32, #tpu.memory_space<vmem>>, %arg30: memref<16x128xf32, #tpu.memory_space<vmem>>, %arg31: memref<16x128xf32, #tpu.memory_space<vmem>>, %arg32: memref<16x128xf32, #tpu.memory_space<vmem>>, %arg33: memref<16x128xf32, #tpu.memory_space<vmem>>, %arg34: memref<16x128xf32, #tpu.memory_space<vmem>>, %arg35: memref<16x128xf32, #tpu.memory_space<vmem>>, %arg36: memref<16x128xf32, #tpu.memory_space<vmem>>, %arg37: memref<16x128xf32, #tpu.memory_space<vmem>>, %arg38: memref<16x128xf32, #tpu.memory_space<vmem>>, %arg39: memref<16x128xf32, #tpu.memory_space<vmem>>, %arg40: memref<16x128xf32, #tpu.memory_space<vmem>>, %arg41: memref<16x128xf32, #tpu.memory_space<vmem>>, %arg42: memref<16x128xf32, #tpu.memory_space<vmem>>, %arg43: memref<16x128xf32, #tpu.memory_space<vmem>>, %arg44: memref<16x128xf32, #tpu.memory_space<vmem>>, %arg45: memref<16x128xf32, #tpu.memory_space<vmem>>, %arg46: memref<16x128xf32, #tpu.memory_space<vmem>>, %arg47: memref<16x128xf32, #tpu.memory_space<vmem>>, %arg48: memref<16x128xf32, #tpu.memory_space<vmem>>, %arg49: memref<16x128xf32, #tpu.memory_space<vmem>>, %arg50: memref<16x128xf32, #tpu.memory_space<vmem>>, %arg51: memref<16x128xf32, #tpu.memory_space<vmem>>, %arg52: memref<16x128xf32, #tpu.memory_space<vmem>>, %arg53: memref<16x128xf32, #tpu.memory_space<vmem>>, %arg54: memref<16x128xf32, #tpu.memory_space<vmem>>, %arg55: memref<16x128xf32, #tpu.memory_space<vmem>>, %arg56: memref<16x128xf32, #tpu.memory_space<vmem>>, %arg57: memref<16x128xf32, #tpu.memory_space<vmem>>, %arg58: memref<16x128xf32, #tpu.memory_space<vmem>>) attributes {dimension_semantics = [#tpu.dimension_semantics<core_parallel>, #tpu.dimension_semantics<subcore_parallel>], iteration_bounds = array<i64: 2, 16>, scalar_prefetch = 0 : i64, scratch_operands = 52 : i64, tpu.core_type = #tpu.core_type<sc_vector_subcore>, window_params = [{transform_indices = #map}, {transform_indices = #map1}, {transform_indices = #map1}, {transform_indices = #map1}, {transform_indices = #map}]} {
    %mul3A = arith.constant 2 : i32
    %mul3A_0 = arith.muli %arg1, %mul3A : i32
    %add3A = arith.addi %mul3A_0, %arg0 : i32
    "tpu.region"() ({
      %run_scoped3A = tpu.sem_alloc : memref<!tpu.dma_semaphore, #tpu.memory_space<semaphore_mem>>
      %dma_start3A = arith.constant 0 : i32
      %dma_start3A_6 = arith.constant 0 : i32
      %dma_start3A_7 = tpu.memref_slice %arg2[%add3A, %dma_start3A, %dma_start3A_6] : memref<32x20x128xi32, #tpu.memory_space<hbm>> -> memref<1x20x128xi32, #tpu.memory_space<hbm>>
      %dma_start3A_8 = tpu.memref_squeeze %dma_start3A_7 : memref<1x20x128xi32, #tpu.memory_space<hbm>> -> memref<20x128xi32, #tpu.memory_space<hbm>>
      %dma_start3A_9 = arith.constant 0 : i32
      %dma_start3A_10 = arith.constant 0 : i32
      %dma_start3A_11 = tpu.memref_slice %arg2[%add3A, %dma_start3A_9, %dma_start3A_10] : memref<32x20x128xi32, #tpu.memory_space<hbm>> -> memref<1x20x128xi32, #tpu.memory_space<hbm>>
      %dma_start3A_12 = tpu.memref_squeeze %dma_start3A_11 : memref<1x20x128xi32, #tpu.memory_space<hbm>> -> memref<20x128xi32, #tpu.memory_space<hbm>>
      tpu.enqueue_dma source(%dma_start3A_12 : memref<20x128xi32, #tpu.memory_space<hbm>>) target(%arg7 : memref<20x128xi32, #tpu.memory_space<vmem>>) target_semaphore(%run_scoped3A : memref<!tpu.dma_semaphore, #tpu.memory_space<semaphore_mem>>)
      %dma_wait3A = arith.constant 0 : i32
      %dma_wait3A_13 = arith.constant 0 : i32
      %dma_wait3A_14 = tpu.memref_slice %arg2[%add3A, %dma_wait3A, %dma_wait3A_13] : memref<32x20x128xi32, #tpu.memory_space<hbm>> -> memref<1x20x128xi32, #tpu.memory_space<hbm>>
      %dma_wait3A_15 = tpu.memref_squeeze %dma_wait3A_14 : memref<1x20x128xi32, #tpu.memory_space<hbm>> -> memref<20x128xi32, #tpu.memory_space<hbm>>
      %dma_wait3A_16 = arith.constant 0 : i32
      %dma_wait3A_17 = arith.constant 0 : i32
      %dma_wait3A_18 = tpu.memref_slice %arg2[%add3A, %dma_wait3A_16, %dma_wait3A_17] : memref<32x20x128xi32, #tpu.memory_space<hbm>> -> memref<1x20x128xi32, #tpu.memory_space<hbm>>
      %dma_wait3A_19 = tpu.memref_squeeze %dma_wait3A_18 : memref<1x20x128xi32, #tpu.memory_space<hbm>> -> memref<20x128xi32, #tpu.memory_space<hbm>>
      tpu.wait_dma2 semaphore(%run_scoped3A : memref<!tpu.dma_semaphore, #tpu.memory_space<semaphore_mem>>) src(%dma_wait3A_19 : memref<20x128xi32, #tpu.memory_space<hbm>>) dst(%arg7 : memref<20x128xi32, #tpu.memory_space<vmem>>)
      tpu.yield
    }) : () -> ()
    %iota3A = tpu.iota {dimensions = array<i32: 0>} : vector<16xi32>
    %scan3A = arith.constant 0 : i32
    %scan3A_1 = arith.constant 0 : i32
    %scan3A_2 = arith.constant 32 : i32
    %scan3A_3 = arith.addi %scan3A_1, %scan3A_2 : i32
    %scan3A_4 = arith.constant 1 : i32
    scf.for %scan3A_6 = %scan3A_1 to %scan3A_3 step %scan3A_4  : i32 {
      %mul3A_7 = arith.constant 16 : i32
      %mul3A_8 = arith.muli %scan3A_6, %mul3A_7 : i32
      %add3A_9 = arith.constant 0 : i32
      %add3A_10 = arith.addi %add3A_9, %mul3A_8 : i32
      %add3A_11 = vector.broadcast %add3A_10 : i32 to vector<16xi32>
      %add3A_12 = arith.addi %add3A_11, %iota3A : vector<16xi32>
      %shift_right_arithmetic3A = arith.constant 7 : i32
      %shift_right_arithmetic3A_13 = vector.broadcast %shift_right_arithmetic3A : i32 to vector<16xi32>
      %shift_right_arithmetic3A_14 = arith.shrsi %add3A_12, %shift_right_arithmetic3A_13 : vector<16xi32>
      %add3A_15 = arith.constant 0 : i32
      %add3A_16 = arith.addi %add3A_15, %mul3A_8 : i32
      %add3A_17 = vector.broadcast %add3A_16 : i32 to vector<16xi32>
      %add3A_18 = arith.addi %add3A_17, %iota3A : vector<16xi32>
      %and3A = arith.constant 127 : i32
      %and3A_19 = vector.broadcast %and3A : i32 to vector<16xi32>
      %and3A_20 = arith.andi %add3A_18, %and3A_19 : vector<16xi32>
      %gather3A = tpu.vector_load_idx %arg7[%shift_right_arithmetic3A_14, %and3A_20] : memref<20x128xi32, #tpu.memory_space<vmem>>[vector<16xi32>, vector<16xi32>], vector<16xi32>,
      %add3A_21 = arith.constant 512 : i32
      %add3A_22 = arith.addi %add3A_21, %mul3A_8 : i32
      %add3A_23 = vector.broadcast %add3A_22 : i32 to vector<16xi32>
      %add3A_24 = arith.addi %add3A_23, %iota3A : vector<16xi32>
      %shift_right_arithmetic3A_25 = arith.constant 7 : i32
      %shift_right_arithmetic3A_26 = vector.broadcast %shift_right_arithmetic3A_25 : i32 to vector<16xi32>
      %shift_right_arithmetic3A_27 = arith.shrsi %add3A_24, %shift_right_arithmetic3A_26 : vector<16xi32>
      %add3A_28 = arith.constant 512 : i32
      %add3A_29 = arith.addi %add3A_28, %mul3A_8 : i32
      %add3A_30 = vector.broadcast %add3A_29 : i32 to vector<16xi32>
      %add3A_31 = arith.addi %add3A_30, %iota3A : vector<16xi32>
      %and3A_32 = arith.constant 127 : i32
      %and3A_33 = vector.broadcast %and3A_32 : i32 to vector<16xi32>
      %and3A_34 = arith.andi %add3A_31, %and3A_33 : vector<16xi32>
      %gather3A_35 = tpu.vector_load_idx %arg7[%shift_right_arithmetic3A_27, %and3A_34] : memref<20x128xi32, #tpu.memory_space<vmem>>[vector<16xi32>, vector<16xi32>], vector<16xi32>,
      %add3A_36 = arith.constant 1024 : i32
      %add3A_37 = arith.addi %add3A_36, %mul3A_8 : i32
      %add3A_38 = vector.broadcast %add3A_37 : i32 to vector<16xi32>
      %add3A_39 = arith.addi %add3A_38, %iota3A : vector<16xi32>
      %shift_right_arithmetic3A_40 = arith.constant 7 : i32
      %shift_right_arithmetic3A_41 = vector.broadcast %shift_right_arithmetic3A_40 : i32 to vector<16xi32>
      %shift_right_arithmetic3A_42 = arith.shrsi %add3A_39, %shift_right_arithmetic3A_41 : vector<16xi32>
      %add3A_43 = arith.constant 1024 : i32
      %add3A_44 = arith.addi %add3A_43, %mul3A_8 : i32
      %add3A_45 = vector.broadcast %add3A_44 : i32 to vector<16xi32>
      %add3A_46 = arith.addi %add3A_45, %iota3A : vector<16xi32>
      %and3A_47 = arith.constant 127 : i32
      %and3A_48 = vector.broadcast %and3A_47 : i32 to vector<16xi32>
      %and3A_49 = arith.andi %add3A_46, %and3A_48 : vector<16xi32>
      %gather3A_50 = tpu.vector_load_idx %arg7[%shift_right_arithmetic3A_42, %and3A_49] : memref<20x128xi32, #tpu.memory_space<vmem>>[vector<16xi32>, vector<16xi32>], vector<16xi32>,
      %add3A_51 = arith.constant 1536 : i32
      %add3A_52 = arith.addi %add3A_51, %mul3A_8 : i32
      %add3A_53 = vector.broadcast %add3A_52 : i32 to vector<16xi32>
      %add3A_54 = arith.addi %add3A_53, %iota3A : vector<16xi32>
      %shift_right_arithmetic3A_55 = arith.constant 7 : i32
      %shift_right_arithmetic3A_56 = vector.broadcast %shift_right_arithmetic3A_55 : i32 to vector<16xi32>
      %shift_right_arithmetic3A_57 = arith.shrsi %add3A_54, %shift_right_arithmetic3A_56 : vector<16xi32>
      %add3A_58 = arith.constant 1536 : i32
      %add3A_59 = arith.addi %add3A_58, %mul3A_8 : i32
      %add3A_60 = vector.broadcast %add3A_59 : i32 to vector<16xi32>
      %add3A_61 = arith.addi %add3A_60, %iota3A : vector<16xi32>
      %and3A_62 = arith.constant 127 : i32
      %and3A_63 = vector.broadcast %and3A_62 : i32 to vector<16xi32>
      %and3A_64 = arith.andi %add3A_61, %and3A_63 : vector<16xi32>
      %gather3A_65 = tpu.vector_load_idx %arg7[%shift_right_arithmetic3A_57, %and3A_64] : memref<20x128xi32, #tpu.memory_space<vmem>>[vector<16xi32>, vector<16xi32>], vector<16xi32>,
      %add3A_66 = arith.constant 2048 : i32
      %add3A_67 = arith.addi %add3A_66, %mul3A_8 : i32
      %add3A_68 = vector.broadcast %add3A_67 : i32 to vector<16xi32>
      %add3A_69 = arith.addi %add3A_68, %iota3A : vector<16xi32>
      %shift_right_arithmetic3A_70 = arith.constant 7 : i32
      %shift_right_arithmetic3A_71 = vector.broadcast %shift_right_arithmetic3A_70 : i32 to vector<16xi32>
      %shift_right_arithmetic3A_72 = arith.shrsi %add3A_69, %shift_right_arithmetic3A_71 : vector<16xi32>
      %add3A_73 = arith.constant 2048 : i32
      %add3A_74 = arith.addi %add3A_73, %mul3A_8 : i32
      %add3A_75 = vector.broadcast %add3A_74 : i32 to vector<16xi32>
      %add3A_76 = arith.addi %add3A_75, %iota3A : vector<16xi32>
      %and3A_77 = arith.constant 127 : i32
      %and3A_78 = vector.broadcast %and3A_77 : i32 to vector<16xi32>
      %and3A_79 = arith.andi %add3A_76, %and3A_78 : vector<16xi32>
      %gather3A_80 = tpu.vector_load_idx %arg7[%shift_right_arithmetic3A_72, %and3A_79] : memref<20x128xi32, #tpu.memory_space<vmem>>[vector<16xi32>, vector<16xi32>], vector<16xi32>,
      %slice3A = vector.extract_strided_slice %gather3A {offsets = [0], sizes = [1], strides = [1]} : vector<16xi32> to vector<1xi32>
      %squeeze3A = vector.extract %slice3A[0] : i32 from vector<1xi32>
      %shift_right_arithmetic3A_81 = arith.constant 7 : i32
      %shift_right_arithmetic3A_82 = arith.shrsi %squeeze3A, %shift_right_arithmetic3A_81 : i32
      %mul3A_83 = arith.constant 128 : i32
      %mul3A_84 = arith.muli %shift_right_arithmetic3A_82, %mul3A_83 : i32
      %multiple_of3A = tpu.assume_multiple %mul3A_84, 128 : i32
      %dma_start3A = arith.constant 0 : i32
      %dma_start3A_85 = tpu.memref_slice %arg4[%dma_start3A, %multiple_of3A] : memref<16x1000000xf32, #tpu.memory_space<hbm>> -> memref<16x128xf32, #tpu.memory_space<hbm>>
      %dma_start3A_86 = arith.constant 0 : i32
      %dma_start3A_87 = tpu.memref_slice %arg4[%dma_start3A_86, %multiple_of3A] : memref<16x1000000xf32, #tpu.memory_space<hbm>> -> memref<16x128xf32, #tpu.memory_space<hbm>>
      tpu.enqueue_dma source(%dma_start3A_87 : memref<16x128xf32, #tpu.memory_space<hbm>>) target(%arg11 : memref<16x128xf32, #tpu.memory_space<vmem>>) target_semaphore(%arg10 : memref<!tpu.dma_semaphore, #tpu.memory_space<semaphore_mem>>)
      %slice3A_88 = vector.extract_strided_slice %gather3A {offsets = [0], sizes = [1], strides = [1]} : vector<16xi32> to vector<1xi32>
      %squeeze3A_89 = vector.extract %slice3A_88[0] : i32 from vector<1xi32>
      %shift_right_arithmetic3A_90 = arith.constant 7 : i32
      %shift_right_arithmetic3A_91 = arith.shrsi %squeeze3A_89, %shift_right_arithmetic3A_90 : i32
      %mul3A_92 = arith.constant 128 : i32
      %mul3A_93 = arith.muli %shift_right_arithmetic3A_91, %mul3A_92 : i32
      %multiple_of3A_94 = tpu.assume_multiple %mul3A_93, 128 : i32
      %dma_start3A_95 = arith.constant 0 : i32
      %dma_start3A_96 = tpu.memref_slice %arg5[%dma_start3A_95, %multiple_of3A_94] : memref<16x1000000xf32, #tpu.memory_space<hbm>> -> memref<16x128xf32, #tpu.memory_space<hbm>>
      %dma_start3A_97 = arith.constant 0 : i32
      %dma_start3A_98 = tpu.memref_slice %arg5[%dma_start3A_97, %multiple_of3A_94] : memref<16x1000000xf32, #tpu.memory_space<hbm>> -> memref<16x128xf32, #tpu.memory_space<hbm>>
      tpu.enqueue_dma source(%dma_start3A_98 : memref<16x128xf32, #tpu.memory_space<hbm>>) target(%arg12 : memref<16x128xf32, #tpu.memory_space<vmem>>) target_semaphore(%arg10 : memref<!tpu.dma_semaphore, #tpu.memory_space<semaphore_mem>>)
      %slice3A_99 = vector.extract_strided_slice %gather3A_35 {offsets = [0], sizes = [1], strides = [1]} : vector<16xi32> to vector<1xi32>
      %squeeze3A_100 = vector.extract %slice3A_99[0] : i32 from vector<1xi32>
      %shift_right_arithmetic3A_101 = arith.constant 7 : i32
      %shift_right_arithmetic3A_102 = arith.shrsi %squeeze3A_100, %shift_right_arithmetic3A_101 : i32
      %mul3A_103 = arith.constant 128 : i32
      %mul3A_104 = arith.muli %shift_right_arithmetic3A_102, %mul3A_103 : i32
      %multiple_of3A_105 = tpu.assume_multiple %mul3A_104, 128 : i32
      %dma_start3A_106 = arith.constant 0 : i32
      %dma_start3A_107 = tpu.memref_slice %arg3[%dma_start3A_106, %multiple_of3A_105] : memref<16x1000000xf32, #tpu.memory_space<hbm>> -> memref<16x128xf32, #tpu.memory_space<hbm>>
      %dma_start3A_108 = arith.constant 0 : i32
      %dma_start3A_109 = tpu.memref_slice %arg3[%dma_start3A_108, %multiple_of3A_105] : memref<16x1000000xf32, #tpu.memory_space<hbm>> -> memref<16x128xf32, #tpu.memory_space<hbm>>
      tpu.enqueue_dma source(%dma_start3A_109 : memref<16x128xf32, #tpu.memory_space<hbm>>) target(%arg13 : memref<16x128xf32, #tpu.memory_space<vmem>>) target_semaphore(%arg10 : memref<!tpu.dma_semaphore, #tpu.memory_space<semaphore_mem>>)
      %slice3A_110 = vector.extract_strided_slice %gather3A_50 {offsets = [0], sizes = [1], strides = [1]} : vector<16xi32> to vector<1xi32>
      %squeeze3A_111 = vector.extract %slice3A_110[0] : i32 from vector<1xi32>
      %shift_right_arithmetic3A_112 = arith.constant 7 : i32
      %shift_right_arithmetic3A_113 = arith.shrsi %squeeze3A_111, %shift_right_arithmetic3A_112 : i32
      %mul3A_114 = arith.constant 128 : i32
      %mul3A_115 = arith.muli %shift_right_arithmetic3A_113, %mul3A_114 : i32
      %multiple_of3A_116 = tpu.assume_multiple %mul3A_115, 128 : i32
      %dma_start3A_117 = arith.constant 0 : i32
      %dma_start3A_118 = tpu.memref_slice %arg3[%dma_start3A_117, %multiple_of3A_116] : memref<16x1000000xf32, #tpu.memory_space<hbm>> -> memref<16x128xf32, #tpu.memory_space<hbm>>
      %dma_start3A_119 = arith.constant 0 : i32
      %dma_start3A_120 = tpu.memref_slice %arg3[%dma_start3A_119, %multiple_of3A_116] : memref<16x1000000xf32, #tpu.memory_space<hbm>> -> memref<16x128xf32, #tpu.memory_space<hbm>>
      tpu.enqueue_dma source(%dma_start3A_120 : memref<16x128xf32, #tpu.memory_space<hbm>>) target(%arg14 : memref<16x128xf32, #tpu.memory_space<vmem>>) target_semaphore(%arg10 : memref<!tpu.dma_semaphore, #tpu.memory_space<semaphore_mem>>)
      %slice3A_121 = vector.extract_strided_slice %gather3A_65 {offsets = [0], sizes = [1], strides = [1]} : vector<16xi32> to vector<1xi32>
      %squeeze3A_122 = vector.extract %slice3A_121[0] : i32 from vector<1xi32>
      %shift_right_arithmetic3A_123 = arith.constant 7 : i32
      %shift_right_arithmetic3A_124 = arith.shrsi %squeeze3A_122, %shift_right_arithmetic3A_123 : i32
      %mul3A_125 = arith.constant 128 : i32
      %mul3A_126 = arith.muli %shift_right_arithmetic3A_124, %mul3A_125 : i32
      %multiple_of3A_127 = tpu.assume_multiple %mul3A_126, 128 : i32
      %dma_start3A_128 = arith.constant 0 : i32
      %dma_start3A_129 = tpu.memref_slice %arg3[%dma_start3A_128, %multiple_of3A_127] : memref<16x1000000xf32, #tpu.memory_space<hbm>> -> memref<16x128xf32, #tpu.memory_space<hbm>>
      %dma_start3A_130 = arith.constant 0 : i32
      %dma_start3A_131 = tpu.memref_slice %arg3[%dma_start3A_130, %multiple_of3A_127] : memref<16x1000000xf32, #tpu.memory_space<hbm>> -> memref<16x128xf32, #tpu.memory_space<hbm>>
      tpu.enqueue_dma source(%dma_start3A_131 : memref<16x128xf32, #tpu.memory_space<hbm>>) target(%arg15 : memref<16x128xf32, #tpu.memory_space<vmem>>) target_semaphore(%arg10 : memref<!tpu.dma_semaphore, #tpu.memory_space<semaphore_mem>>)
      %slice3A_132 = vector.extract_strided_slice %gather3A_80 {offsets = [0], sizes = [1], strides = [1]} : vector<16xi32> to vector<1xi32>
      %squeeze3A_133 = vector.extract %slice3A_132[0] : i32 from vector<1xi32>
      %shift_right_arithmetic3A_134 = arith.constant 7 : i32
      %shift_right_arithmetic3A_135 = arith.shrsi %squeeze3A_133, %shift_right_arithmetic3A_134 : i32
      %mul3A_136 = arith.constant 128 : i32
      %mul3A_137 = arith.muli %shift_right_arithmetic3A_135, %mul3A_136 : i32
      %multiple_of3A_138 = tpu.assume_multiple %mul3A_137, 128 : i32
      %dma_start3A_139 = arith.constant 0 : i32
      %dma_start3A_140 = tpu.memref_slice %arg3[%dma_start3A_139, %multiple_of3A_138] : memref<16x1000000xf32, #tpu.memory_space<hbm>> -> memref<16x128xf32, #tpu.memory_space<hbm>>
      %dma_start3A_141 = arith.constant 0 : i32
      %dma_start3A_142 = tpu.memref_slice %arg3[%dma_start3A_141, %multiple_of3A_138] : memref<16x1000000xf32, #tpu.memory_space<hbm>> -> memref<16x128xf32, #tpu.memory_space<hbm>>
      tpu.enqueue_dma source(%dma_start3A_142 : memref<16x128xf32, #tpu.memory_space<hbm>>) target(%arg16 : memref<16x128xf32, #tpu.memory_space<vmem>>) target_semaphore(%arg10 : memref<!tpu.dma_semaphore, #tpu.memory_space<semaphore_mem>>)
      %slice3A_143 = vector.extract_strided_slice %gather3A {offsets = [1], sizes = [1], strides = [1]} : vector<16xi32> to vector<1xi32>
      %squeeze3A_144 = vector.extract %slice3A_143[0] : i32 from vector<1xi32>
      %shift_right_arithmetic3A_145 = arith.constant 7 : i32
      %shift_right_arithmetic3A_146 = arith.shrsi %squeeze3A_144, %shift_right_arithmetic3A_145 : i32
      %mul3A_147 = arith.constant 128 : i32
      %mul3A_148 = arith.muli %shift_right_arithmetic3A_146, %mul3A_147 : i32
      %multiple_of3A_149 = tpu.assume_multiple %mul3A_148, 128 : i32
      %dma_start3A_150 = arith.constant 0 : i32
      %dma_start3A_151 = tpu.memref_slice %arg4[%dma_start3A_150, %multiple_of3A_149] : memref<16x1000000xf32, #tpu.memory_space<hbm>> -> memref<16x128xf32, #tpu.memory_space<hbm>>
      %dma_start3A_152 = arith.constant 0 : i32
      %dma_start3A_153 = tpu.memref_slice %arg4[%dma_start3A_152, %multiple_of3A_149] : memref<16x1000000xf32, #tpu.memory_space<hbm>> -> memref<16x128xf32, #tpu.memory_space<hbm>>
      tpu.enqueue_dma source(%dma_start3A_153 : memref<16x128xf32, #tpu.memory_space<hbm>>) target(%arg17 : memref<16x128xf32, #tpu.memory_space<vmem>>) target_semaphore(%arg10 : memref<!tpu.dma_semaphore, #tpu.memory_space<semaphore_mem>>)
      %slice3A_154 = vector.extract_strided_slice %gather3A {offsets = [1], sizes = [1], strides = [1]} : vector<16xi32> to vector<1xi32>
      %squeeze3A_155 = vector.extract %slice3A_154[0] : i32 from vector<1xi32>
      %shift_right_arithmetic3A_156 = arith.constant 7 : i32
      %shift_right_arithmetic3A_157 = arith.shrsi %squeeze3A_155, %shift_right_arithmetic3A_156 : i32
      %mul3A_158 = arith.constant 128 : i32
      %mul3A_159 = arith.muli %shift_right_arithmetic3A_157, %mul3A_158 : i32
      %multiple_of3A_160 = tpu.assume_multiple %mul3A_159, 128 : i32
      %dma_start3A_161 = arith.constant 0 : i32
      %dma_start3A_162 = tpu.memref_slice %arg5[%dma_start3A_161, %multiple_of3A_160] : memref<16x1000000xf32, #tpu.memory_space<hbm>> -> memref<16x128xf32, #tpu.memory_space<hbm>>
      %dma_start3A_163 = arith.constant 0 : i32
      %dma_start3A_164 = tpu.memref_slice %arg5[%dma_start3A_163, %multiple_of3A_160] : memref<16x1000000xf32, #tpu.memory_space<hbm>> -> memref<16x128xf32, #tpu.memory_space<hbm>>
      tpu.enqueue_dma source(%dma_start3A_164 : memref<16x128xf32, #tpu.memory_space<hbm>>) target(%arg18 : memref<16x128xf32, #tpu.memory_space<vmem>>) target_semaphore(%arg10 : memref<!tpu.dma_semaphore, #tpu.memory_space<semaphore_mem>>)
      %slice3A_165 = vector.extract_strided_slice %gather3A_35 {offsets = [1], sizes = [1], strides = [1]} : vector<16xi32> to vector<1xi32>
      %squeeze3A_166 = vector.extract %slice3A_165[0] : i32 from vector<1xi32>
      %shift_right_arithmetic3A_167 = arith.constant 7 : i32
      %shift_right_arithmetic3A_168 = arith.shrsi %squeeze3A_166, %shift_right_arithmetic3A_167 : i32
      %mul3A_169 = arith.constant 128 : i32
      %mul3A_170 = arith.muli %shift_right_arithmetic3A_168, %mul3A_169 : i32
      %multiple_of3A_171 = tpu.assume_multiple %mul3A_170, 128 : i32
      %dma_start3A_172 = arith.constant 0 : i32
      %dma_start3A_173 = tpu.memref_slice %arg3[%dma_start3A_172, %multiple_of3A_171] : memref<16x1000000xf32, #tpu.memory_space<hbm>> -> memref<16x128xf32, #tpu.memory_space<hbm>>
      %dma_start3A_174 = arith.constant 0 : i32
      %dma_start3A_175 = tpu.memref_slice %arg3[%dma_start3A_174, %multiple_of3A_171] : memref<16x1000000xf32, #tpu.memory_space<hbm>> -> memref<16x128xf32, #tpu.memory_space<hbm>>
      tpu.enqueue_dma source(%dma_start3A_175 : memref<16x128xf32, #tpu.memory_space<hbm>>) target(%arg19 : memref<16x128xf32, #tpu.memory_space<vmem>>) target_semaphore(%arg10 : memref<!tpu.dma_semaphore, #tpu.memory_space<semaphore_mem>>)
      %slice3A_176 = vector.extract_strided_slice %gather3A_50 {offsets = [1], sizes = [1], strides = [1]} : vector<16xi32> to vector<1xi32>
      %squeeze3A_177 = vector.extract %slice3A_176[0] : i32 from vector<1xi32>
      %shift_right_arithmetic3A_178 = arith.constant 7 : i32
      %shift_right_arithmetic3A_179 = arith.shrsi %squeeze3A_177, %shift_right_arithmetic3A_178 : i32
      %mul3A_180 = arith.constant 128 : i32
      %mul3A_181 = arith.muli %shift_right_arithmetic3A_179, %mul3A_180 : i32
      %multiple_of3A_182 = tpu.assume_multiple %mul3A_181, 128 : i32
      %dma_start3A_183 = arith.constant 0 : i32
      %dma_start3A_184 = tpu.memref_slice %arg3[%dma_start3A_183, %multiple_of3A_182] : memref<16x1000000xf32, #tpu.memory_space<hbm>> -> memref<16x128xf32, #tpu.memory_space<hbm>>
      %dma_start3A_185 = arith.constant 0 : i32
      %dma_start3A_186 = tpu.memref_slice %arg3[%dma_start3A_185, %multiple_of3A_182] : memref<16x1000000xf32, #tpu.memory_space<hbm>> -> memref<16x128xf32, #tpu.memory_space<hbm>>
      tpu.enqueue_dma source(%dma_start3A_186 : memref<16x128xf32, #tpu.memory_space<hbm>>) target(%arg20 : memref<16x128xf32, #tpu.memory_space<vmem>>) target_semaphore(%arg10 : memref<!tpu.dma_semaphore, #tpu.memory_space<semaphore_mem>>)
      %slice3A_187 = vector.extract_strided_slice %gather3A_65 {offsets = [1], sizes = [1], strides = [1]} : vector<16xi32> to vector<1xi32>
      %squeeze3A_188 = vector.extract %slice3A_187[0] : i32 from vector<1xi32>
      %shift_right_arithmetic3A_189 = arith.constant 7 : i32
      %shift_right_arithmetic3A_190 = arith.shrsi %squeeze3A_188, %shift_right_arithmetic3A_189 : i32
      %mul3A_191 = arith.constant 128 : i32
      %mul3A_192 = arith.muli %shift_right_arithmetic3A_190, %mul3A_191 : i32
      %multiple_of3A_193 = tpu.assume_multiple %mul3A_192, 128 : i32
      %dma_start3A_194 = arith.constant 0 : i32
      %dma_start3A_195 = tpu.memref_slice %arg3[%dma_start3A_194, %multiple_of3A_193] : memref<16x1000000xf32, #tpu.memory_space<hbm>> -> memref<16x128xf32, #tpu.memory_space<hbm>>
      %dma_start3A_196 = arith.constant 0 : i32
      %dma_start3A_197 = tpu.memref_slice %arg3[%dma_start3A_196, %multiple_of3A_193] : memref<16x1000000xf32, #tpu.memory_space<hbm>> -> memref<16x128xf32, #tpu.memory_space<hbm>>
      tpu.enqueue_dma source(%dma_start3A_197 : memref<16x128xf32, #tpu.memory_space<hbm>>) target(%arg21 : memref<16x128xf32, #tpu.memory_space<vmem>>) target_semaphore(%arg10 : memref<!tpu.dma_semaphore, #tpu.memory_space<semaphore_mem>>)
      %slice3A_198 = vector.extract_strided_slice %gather3A_80 {offsets = [1], sizes = [1], strides = [1]} : vector<16xi32> to vector<1xi32>
      %squeeze3A_199 = vector.extract %slice3A_198[0] : i32 from vector<1xi32>
      %shift_right_arithmetic3A_200 = arith.constant 7 : i32
      %shift_right_arithmetic3A_201 = arith.shrsi %squeeze3A_199, %shift_right_arithmetic3A_200 : i32
      %mul3A_202 = arith.constant 128 : i32
      %mul3A_203 = arith.muli %shift_right_arithmetic3A_201, %mul3A_202 : i32
      %multiple_of3A_204 = tpu.assume_multiple %mul3A_203, 128 : i32
      %dma_start3A_205 = arith.constant 0 : i32
      %dma_start3A_206 = tpu.memref_slice %arg3[%dma_start3A_205, %multiple_of3A_204] : memref<16x1000000xf32, #tpu.memory_space<hbm>> -> memref<16x128xf32, #tpu.memory_space<hbm>>
      %dma_start3A_207 = arith.constant 0 : i32
      %dma_start3A_208 = tpu.memref_slice %arg3[%dma_start3A_207, %multiple_of3A_204] : memref<16x1000000xf32, #tpu.memory_space<hbm>> -> memref<16x128xf32, #tpu.memory_space<hbm>>
      tpu.enqueue_dma source(%dma_start3A_208 : memref<16x128xf32, #tpu.memory_space<hbm>>) target(%arg22 : memref<16x128xf32, #tpu.memory_space<vmem>>) target_semaphore(%arg10 : memref<!tpu.dma_semaphore, #tpu.memory_space<semaphore_mem>>)
      %slice3A_209 = vector.extract_strided_slice %gather3A {offsets = [2], sizes = [1], strides = [1]} : vector<16xi32> to vector<1xi32>
      %squeeze3A_210 = vector.extract %slice3A_209[0] : i32 from vector<1xi32>
      %shift_right_arithmetic3A_211 = arith.constant 7 : i32
      %shift_right_arithmetic3A_212 = arith.shrsi %squeeze3A_210, %shift_right_arithmetic3A_211 : i32
      %mul3A_213 = arith.constant 128 : i32
      %mul3A_214 = arith.muli %shift_right_arithmetic3A_212, %mul3A_213 : i32
      %multiple_of3A_215 = tpu.assume_multiple %mul3A_214, 128 : i32
      %dma_start3A_216 = arith.constant 0 : i32
      %dma_start3A_217 = tpu.memref_slice %arg4[%dma_start3A_216, %multiple_of3A_215] : memref<16x1000000xf32, #tpu.memory_space<hbm>> -> memref<16x128xf32, #tpu.memory_space<hbm>>
      %dma_start3A_218 = arith.constant 0 : i32
      %dma_start3A_219 = tpu.memref_slice %arg4[%dma_start3A_218, %multiple_of3A_215] : memref<16x1000000xf32, #tpu.memory_space<hbm>> -> memref<16x128xf32, #tpu.memory_space<hbm>>
      tpu.enqueue_dma source(%dma_start3A_219 : memref<16x128xf32, #tpu.memory_space<hbm>>) target(%arg23 : memref<16x128xf32, #tpu.memory_space<vmem>>) target_semaphore(%arg10 : memref<!tpu.dma_semaphore, #tpu.memory_space<semaphore_mem>>)
      %slice3A_220 = vector.extract_strided_slice %gather3A {offsets = [2], sizes = [1], strides = [1]} : vector<16xi32> to vector<1xi32>
      %squeeze3A_221 = vector.extract %slice3A_220[0] : i32 from vector<1xi32>
      %shift_right_arithmetic3A_222 = arith.constant 7 : i32
      %shift_right_arithmetic3A_223 = arith.shrsi %squeeze3A_221, %shift_right_arithmetic3A_222 : i32
      %mul3A_224 = arith.constant 128 : i32
      %mul3A_225 = arith.muli %shift_right_arithmetic3A_223, %mul3A_224 : i32
      %multiple_of3A_226 = tpu.assume_multiple %mul3A_225, 128 : i32
      %dma_start3A_227 = arith.constant 0 : i32
      %dma_start3A_228 = tpu.memref_slice %arg5[%dma_start3A_227, %multiple_of3A_226] : memref<16x1000000xf32, #tpu.memory_space<hbm>> -> memref<16x128xf32, #tpu.memory_space<hbm>>
      %dma_start3A_229 = arith.constant 0 : i32
      %dma_start3A_230 = tpu.memref_slice %arg5[%dma_start3A_229, %multiple_of3A_226] : memref<16x1000000xf32, #tpu.memory_space<hbm>> -> memref<16x128xf32, #tpu.memory_space<hbm>>
      tpu.enqueue_dma source(%dma_start3A_230 : memref<16x128xf32, #tpu.memory_space<hbm>>) target(%arg24 : memref<16x128xf32, #tpu.memory_space<vmem>>) target_semaphore(%arg10 : memref<!tpu.dma_semaphore, #tpu.memory_space<semaphore_mem>>)
      %slice3A_231 = vector.extract_strided_slice %gather3A_35 {offsets = [2], sizes = [1], strides = [1]} : vector<16xi32> to vector<1xi32>
      %squeeze3A_232 = vector.extract %slice3A_231[0] : i32 from vector<1xi32>
      %shift_right_arithmetic3A_233 = arith.constant 7 : i32
      %shift_right_arithmetic3A_234 = arith.shrsi %squeeze3A_232, %shift_right_arithmetic3A_233 : i32
      %mul3A_235 = arith.constant 128 : i32
      %mul3A_236 = arith.muli %shift_right_arithmetic3A_234, %mul3A_235 : i32
      %multiple_of3A_237 = tpu.assume_multiple %mul3A_236, 128 : i32
      %dma_start3A_238 = arith.constant 0 : i32
      %dma_start3A_239 = tpu.memref_slice %arg3[%dma_start3A_238, %multiple_of3A_237] : memref<16x1000000xf32, #tpu.memory_space<hbm>> -> memref<16x128xf32, #tpu.memory_space<hbm>>
      %dma_start3A_240 = arith.constant 0 : i32
      %dma_start3A_241 = tpu.memref_slice %arg3[%dma_start3A_240, %multiple_of3A_237] : memref<16x1000000xf32, #tpu.memory_space<hbm>> -> memref<16x128xf32, #tpu.memory_space<hbm>>
      tpu.enqueue_dma source(%dma_start3A_241 : memref<16x128xf32, #tpu.memory_space<hbm>>) target(%arg25 : memref<16x128xf32, #tpu.memory_space<vmem>>) target_semaphore(%arg10 : memref<!tpu.dma_semaphore, #tpu.memory_space<semaphore_mem>>)
      %slice3A_242 = vector.extract_strided_slice %gather3A_50 {offsets = [2], sizes = [1], strides = [1]} : vector<16xi32> to vector<1xi32>
      %squeeze3A_243 = vector.extract %slice3A_242[0] : i32 from vector<1xi32>
      %shift_right_arithmetic3A_244 = arith.constant 7 : i32
      %shift_right_arithmetic3A_245 = arith.shrsi %squeeze3A_243, %shift_right_arithmetic3A_244 : i32
      %mul3A_246 = arith.constant 128 : i32
      %mul3A_247 = arith.muli %shift_right_arithmetic3A_245, %mul3A_246 : i32
      %multiple_of3A_248 = tpu.assume_multiple %mul3A_247, 128 : i32
      %dma_start3A_249 = arith.constant 0 : i32
      %dma_start3A_250 = tpu.memref_slice %arg3[%dma_start3A_249, %multiple_of3A_248] : memref<16x1000000xf32, #tpu.memory_space<hbm>> -> memref<16x128xf32, #tpu.memory_space<hbm>>
      %dma_start3A_251 = arith.constant 0 : i32
      %dma_start3A_252 = tpu.memref_slice %arg3[%dma_start3A_251, %multiple_of3A_248] : memref<16x1000000xf32, #tpu.memory_space<hbm>> -> memref<16x128xf32, #tpu.memory_space<hbm>>
      tpu.enqueue_dma source(%dma_start3A_252 : memref<16x128xf32, #tpu.memory_space<hbm>>) target(%arg26 : memref<16x128xf32, #tpu.memory_space<vmem>>) target_semaphore(%arg10 : memref<!tpu.dma_semaphore, #tpu.memory_space<semaphore_mem>>)
      %slice3A_253 = vector.extract_strided_slice %gather3A_65 {offsets = [2], sizes = [1], strides = [1]} : vector<16xi32> to vector<1xi32>
      %squeeze3A_254 = vector.extract %slice3A_253[0] : i32 from vector<1xi32>
      %shift_right_arithmetic3A_255 = arith.constant 7 : i32
      %shift_right_arithmetic3A_256 = arith.shrsi %squeeze3A_254, %shift_right_arithmetic3A_255 : i32
      %mul3A_257 = arith.constant 128 : i32
      %mul3A_258 = arith.muli %shift_right_arithmetic3A_256, %mul3A_257 : i32
      %multiple_of3A_259 = tpu.assume_multiple %mul3A_258, 128 : i32
      %dma_start3A_260 = arith.constant 0 : i32
      %dma_start3A_261 = tpu.memref_slice %arg3[%dma_start3A_260, %multiple_of3A_259] : memref<16x1000000xf32, #tpu.memory_space<hbm>> -> memref<16x128xf32, #tpu.memory_space<hbm>>
      %dma_start3A_262 = arith.constant 0 : i32
      %dma_start3A_263 = tpu.memref_slice %arg3[%dma_start3A_262, %multiple_of3A_259] : memref<16x1000000xf32, #tpu.memory_space<hbm>> -> memref<16x128xf32, #tpu.memory_space<hbm>>
      tpu.enqueue_dma source(%dma_start3A_263 : memref<16x128xf32, #tpu.memory_space<hbm>>) target(%arg27 : memref<16x128xf32, #tpu.memory_space<vmem>>) target_semaphore(%arg10 : memref<!tpu.dma_semaphore, #tpu.memory_space<semaphore_mem>>)
      %slice3A_264 = vector.extract_strided_slice %gather3A_80 {offsets = [2], sizes = [1], strides = [1]} : vector<16xi32> to vector<1xi32>
      %squeeze3A_265 = vector.extract %slice3A_264[0] : i32 from vector<1xi32>
      %shift_right_arithmetic3A_266 = arith.constant 7 : i32
      %shift_right_arithmetic3A_267 = arith.shrsi %squeeze3A_265, %shift_right_arithmetic3A_266 : i32
      %mul3A_268 = arith.constant 128 : i32
      %mul3A_269 = arith.muli %shift_right_arithmetic3A_267, %mul3A_268 : i32
      %multiple_of3A_270 = tpu.assume_multiple %mul3A_269, 128 : i32
      %dma_start3A_271 = arith.constant 0 : i32
      %dma_start3A_272 = tpu.memref_slice %arg3[%dma_start3A_271, %multiple_of3A_270] : memref<16x1000000xf32, #tpu.memory_space<hbm>> -> memref<16x128xf32, #tpu.memory_space<hbm>>
      %dma_start3A_273 = arith.constant 0 : i32
      %dma_start3A_274 = tpu.memref_slice %arg3[%dma_start3A_273, %multiple_of3A_270] : memref<16x1000000xf32, #tpu.memory_space<hbm>> -> memref<16x128xf32, #tpu.memory_space<hbm>>
      tpu.enqueue_dma source(%dma_start3A_274 : memref<16x128xf32, #tpu.memory_space<hbm>>) target(%arg28 : memref<16x128xf32, #tpu.memory_space<vmem>>) target_semaphore(%arg10 : memref<!tpu.dma_semaphore, #tpu.memory_space<semaphore_mem>>)
      %slice3A_275 = vector.extract_strided_slice %gather3A {offsets = [3], sizes = [1], strides = [1]} : vector<16xi32> to vector<1xi32>
      %squeeze3A_276 = vector.extract %slice3A_275[0] : i32 from vector<1xi32>
      %shift_right_arithmetic3A_277 = arith.constant 7 : i32
      %shift_right_arithmetic3A_278 = arith.shrsi %squeeze3A_276, %shift_right_arithmetic3A_277 : i32
      %mul3A_279 = arith.constant 128 : i32
      %mul3A_280 = arith.muli %shift_right_arithmetic3A_278, %mul3A_279 : i32
      %multiple_of3A_281 = tpu.assume_multiple %mul3A_280, 128 : i32
      %dma_start3A_282 = arith.constant 0 : i32
      %dma_start3A_283 = tpu.memref_slice %arg4[%dma_start3A_282, %multiple_of3A_281] : memref<16x1000000xf32, #tpu.memory_space<hbm>> -> memref<16x128xf32, #tpu.memory_space<hbm>>
      %dma_start3A_284 = arith.constant 0 : i32
      %dma_start3A_285 = tpu.memref_slice %arg4[%dma_start3A_284, %multiple_of3A_281] : memref<16x1000000xf32, #tpu.memory_space<hbm>> -> memref<16x128xf32, #tpu.memory_space<hbm>>
      tpu.enqueue_dma source(%dma_start3A_285 : memref<16x128xf32, #tpu.memory_space<hbm>>) target(%arg29 : memref<16x128xf32, #tpu.memory_space<vmem>>) target_semaphore(%arg10 : memref<!tpu.dma_semaphore, #tpu.memory_space<semaphore_mem>>)
      %slice3A_286 = vector.extract_strided_slice %gather3A {offsets = [3], sizes = [1], strides = [1]} : vector<16xi32> to vector<1xi32>
      %squeeze3A_287 = vector.extract %slice3A_286[0] : i32 from vector<1xi32>
      %shift_right_arithmetic3A_288 = arith.constant 7 : i32
      %shift_right_arithmetic3A_289 = arith.shrsi %squeeze3A_287, %shift_right_arithmetic3A_288 : i32
      %mul3A_290 = arith.constant 128 : i32
      %mul3A_291 = arith.muli %shift_right_arithmetic3A_289, %mul3A_290 : i32
      %multiple_of3A_292 = tpu.assume_multiple %mul3A_291, 128 : i32
      %dma_start3A_293 = arith.constant 0 : i32
      %dma_start3A_294 = tpu.memref_slice %arg5[%dma_start3A_293, %multiple_of3A_292] : memref<16x1000000xf32, #tpu.memory_space<hbm>> -> memref<16x128xf32, #tpu.memory_space<hbm>>
      %dma_start3A_295 = arith.constant 0 : i32
      %dma_start3A_296 = tpu.memref_slice %arg5[%dma_start3A_295, %multiple_of3A_292] : memref<16x1000000xf32, #tpu.memory_space<hbm>> -> memref<16x128xf32, #tpu.memory_space<hbm>>
      tpu.enqueue_dma source(%dma_start3A_296 : memref<16x128xf32, #tpu.memory_space<hbm>>) target(%arg30 : memref<16x128xf32, #tpu.memory_space<vmem>>) target_semaphore(%arg10 : memref<!tpu.dma_semaphore, #tpu.memory_space<semaphore_mem>>)
      %slice3A_297 = vector.extract_strided_slice %gather3A_35 {offsets = [3], sizes = [1], strides = [1]} : vector<16xi32> to vector<1xi32>
      %squeeze3A_298 = vector.extract %slice3A_297[0] : i32 from vector<1xi32>
      %shift_right_arithmetic3A_299 = arith.constant 7 : i32
      %shift_right_arithmetic3A_300 = arith.shrsi %squeeze3A_298, %shift_right_arithmetic3A_299 : i32
      %mul3A_301 = arith.constant 128 : i32
      %mul3A_302 = arith.muli %shift_right_arithmetic3A_300, %mul3A_301 : i32
      %multiple_of3A_303 = tpu.assume_multiple %mul3A_302, 128 : i32
      %dma_start3A_304 = arith.constant 0 : i32
      %dma_start3A_305 = tpu.memref_slice %arg3[%dma_start3A_304, %multiple_of3A_303] : memref<16x1000000xf32, #tpu.memory_space<hbm>> -> memref<16x128xf32, #tpu.memory_space<hbm>>
      %dma_start3A_306 = arith.constant 0 : i32
      %dma_start3A_307 = tpu.memref_slice %arg3[%dma_start3A_306, %multiple_of3A_303] : memref<16x1000000xf32, #tpu.memory_space<hbm>> -> memref<16x128xf32, #tpu.memory_space<hbm>>
      tpu.enqueue_dma source(%dma_start3A_307 : memref<16x128xf32, #tpu.memory_space<hbm>>) target(%arg31 : memref<16x128xf32, #tpu.memory_space<vmem>>) target_semaphore(%arg10 : memref<!tpu.dma_semaphore, #tpu.memory_space<semaphore_mem>>)
      %slice3A_308 = vector.extract_strided_slice %gather3A_50 {offsets = [3], sizes = [1], strides = [1]} : vector<16xi32> to vector<1xi32>
      %squeeze3A_309 = vector.extract %slice3A_308[0] : i32 from vector<1xi32>
      %shift_right_arithmetic3A_310 = arith.constant 7 : i32
      %shift_right_arithmetic3A_311 = arith.shrsi %squeeze3A_309, %shift_right_arithmetic3A_310 : i32
      %mul3A_312 = arith.constant 128 : i32
      %mul3A_313 = arith.muli %shift_right_arithmetic3A_311, %mul3A_312 : i32
      %multiple_of3A_314 = tpu.assume_multiple %mul3A_313, 128 : i32
      %dma_start3A_315 = arith.constant 0 : i32
      %dma_start3A_316 = tpu.memref_slice %arg3[%dma_start3A_315, %multiple_of3A_314] : memref<16x1000000xf32, #tpu.memory_space<hbm>> -> memref<16x128xf32, #tpu.memory_space<hbm>>
      %dma_start3A_317 = arith.constant 0 : i32
      %dma_start3A_318 = tpu.memref_slice %arg3[%dma_start3A_317, %multiple_of3A_314] : memref<16x1000000xf32, #tpu.memory_space<hbm>> -> memref<16x128xf32, #tpu.memory_space<hbm>>
      tpu.enqueue_dma source(%dma_start3A_318 : memref<16x128xf32, #tpu.memory_space<hbm>>) target(%arg32 : memref<16x128xf32, #tpu.memory_space<vmem>>) target_semaphore(%arg10 : memref<!tpu.dma_semaphore, #tpu.memory_space<semaphore_mem>>)
      %slice3A_319 = vector.extract_strided_slice %gather3A_65 {offsets = [3], sizes = [1], strides = [1]} : vector<16xi32> to vector<1xi32>
      %squeeze3A_320 = vector.extract %slice3A_319[0] : i32 from vector<1xi32>
      %shift_right_arithmetic3A_321 = arith.constant 7 : i32
      %shift_right_arithmetic3A_322 = arith.shrsi %squeeze3A_320, %shift_right_arithmetic3A_321 : i32
      %mul3A_323 = arith.constant 128 : i32
      %mul3A_324 = arith.muli %shift_right_arithmetic3A_322, %mul3A_323 : i32
      %multiple_of3A_325 = tpu.assume_multiple %mul3A_324, 128 : i32
      %dma_start3A_326 = arith.constant 0 : i32
      %dma_start3A_327 = tpu.memref_slice %arg3[%dma_start3A_326, %multiple_of3A_325] : memref<16x1000000xf32, #tpu.memory_space<hbm>> -> memref<16x128xf32, #tpu.memory_space<hbm>>
      %dma_start3A_328 = arith.constant 0 : i32
      %dma_start3A_329 = tpu.memref_slice %arg3[%dma_start3A_328, %multiple_of3A_325] : memref<16x1000000xf32, #tpu.memory_space<hbm>> -> memref<16x128xf32, #tpu.memory_space<hbm>>
      tpu.enqueue_dma source(%dma_start3A_329 : memref<16x128xf32, #tpu.memory_space<hbm>>) target(%arg33 : memref<16x128xf32, #tpu.memory_space<vmem>>) target_semaphore(%arg10 : memref<!tpu.dma_semaphore, #tpu.memory_space<semaphore_mem>>)
      %slice3A_330 = vector.extract_strided_slice %gather3A_80 {offsets = [3], sizes = [1], strides = [1]} : vector<16xi32> to vector<1xi32>
      %squeeze3A_331 = vector.extract %slice3A_330[0] : i32 from vector<1xi32>
      %shift_right_arithmetic3A_332 = arith.constant 7 : i32
      %shift_right_arithmetic3A_333 = arith.shrsi %squeeze3A_331, %shift_right_arithmetic3A_332 : i32
      %mul3A_334 = arith.constant 128 : i32
      %mul3A_335 = arith.muli %shift_right_arithmetic3A_333, %mul3A_334 : i32
      %multiple_of3A_336 = tpu.assume_multiple %mul3A_335, 128 : i32
      %dma_start3A_337 = arith.constant 0 : i32
      %dma_start3A_338 = tpu.memref_slice %arg3[%dma_start3A_337, %multiple_of3A_336] : memref<16x1000000xf32, #tpu.memory_space<hbm>> -> memref<16x128xf32, #tpu.memory_space<hbm>>
      %dma_start3A_339 = arith.constant 0 : i32
      %dma_start3A_340 = tpu.memref_slice %arg3[%dma_start3A_339, %multiple_of3A_336] : memref<16x1000000xf32, #tpu.memory_space<hbm>> -> memref<16x128xf32, #tpu.memory_space<hbm>>
      tpu.enqueue_dma source(%dma_start3A_340 : memref<16x128xf32, #tpu.memory_space<hbm>>) target(%arg34 : memref<16x128xf32, #tpu.memory_space<vmem>>) target_semaphore(%arg10 : memref<!tpu.dma_semaphore, #tpu.memory_space<semaphore_mem>>)
      %slice3A_341 = vector.extract_strided_slice %gather3A {offsets = [4], sizes = [1], strides = [1]} : vector<16xi32> to vector<1xi32>
      %squeeze3A_342 = vector.extract %slice3A_341[0] : i32 from vector<1xi32>
      %shift_right_arithmetic3A_343 = arith.constant 7 : i32
      %shift_right_arithmetic3A_344 = arith.shrsi %squeeze3A_342, %shift_right_arithmetic3A_343 : i32
      %mul3A_345 = arith.constant 128 : i32
      %mul3A_346 = arith.muli %shift_right_arithmetic3A_344, %mul3A_345 : i32
      %multiple_of3A_347 = tpu.assume_multiple %mul3A_346, 128 : i32
      %dma_start3A_348 = arith.constant 0 : i32
      %dma_start3A_349 = tpu.memref_slice %arg4[%dma_start3A_348, %multiple_of3A_347] : memref<16x1000000xf32, #tpu.memory_space<hbm>> -> memref<16x128xf32, #tpu.memory_space<hbm>>
      %dma_start3A_350 = arith.constant 0 : i32
      %dma_start3A_351 = tpu.memref_slice %arg4[%dma_start3A_350, %multiple_of3A_347] : memref<16x1000000xf32, #tpu.memory_space<hbm>> -> memref<16x128xf32, #tpu.memory_space<hbm>>
      tpu.enqueue_dma source(%dma_start3A_351 : memref<16x128xf32, #tpu.memory_space<hbm>>) target(%arg35 : memref<16x128xf32, #tpu.memory_space<vmem>>) target_semaphore(%arg10 : memref<!tpu.dma_semaphore, #tpu.memory_space<semaphore_mem>>)
      %slice3A_352 = vector.extract_strided_slice %gather3A {offsets = [4], sizes = [1], strides = [1]} : vector<16xi32> to vector<1xi32>
      %squeeze3A_353 = vector.extract %slice3A_352[0] : i32 from vector<1xi32>
      %shift_right_arithmetic3A_354 = arith.constant 7 : i32
      %shift_right_arithmetic3A_355 = arith.shrsi %squeeze3A_353, %shift_right_arithmetic3A_354 : i32
      %mul3A_356 = arith.constant 128 : i32
      %mul3A_357 = arith.muli %shift_right_arithmetic3A_355, %mul3A_356 : i32
      %multiple_of3A_358 = tpu.assume_multiple %mul3A_357, 128 : i32
      %dma_start3A_359 = arith.constant 0 : i32
      %dma_start3A_360 = tpu.memref_slice %arg5[%dma_start3A_359, %multiple_of3A_358] : memref<16x1000000xf32, #tpu.memory_space<hbm>> -> memref<16x128xf32, #tpu.memory_space<hbm>>
      %dma_start3A_361 = arith.constant 0 : i32
      %dma_start3A_362 = tpu.memref_slice %arg5[%dma_start3A_361, %multiple_of3A_358] : memref<16x1000000xf32, #tpu.memory_space<hbm>> -> memref<16x128xf32, #tpu.memory_space<hbm>>
      tpu.enqueue_dma source(%dma_start3A_362 : memref<16x128xf32, #tpu.memory_space<hbm>>) target(%arg36 : memref<16x128xf32, #tpu.memory_space<vmem>>) target_semaphore(%arg10 : memref<!tpu.dma_semaphore, #tpu.memory_space<semaphore_mem>>)
      %slice3A_363 = vector.extract_strided_slice %gather3A_35 {offsets = [4], sizes = [1], strides = [1]} : vector<16xi32> to vector<1xi32>
      %squeeze3A_364 = vector.extract %slice3A_363[0] : i32 from vector<1xi32>
      %shift_right_arithmetic3A_365 = arith.constant 7 : i32
      %shift_right_arithmetic3A_366 = arith.shrsi %squeeze3A_364, %shift_right_arithmetic3A_365 : i32
      %mul3A_367 = arith.constant 128 : i32
      %mul3A_368 = arith.muli %shift_right_arithmetic3A_366, %mul3A_367 : i32
      %multiple_of3A_369 = tpu.assume_multiple %mul3A_368, 128 : i32
      %dma_start3A_370 = arith.constant 0 : i32
      %dma_start3A_371 = tpu.memref_slice %arg3[%dma_start3A_370, %multiple_of3A_369] : memref<16x1000000xf32, #tpu.memory_space<hbm>> -> memref<16x128xf32, #tpu.memory_space<hbm>>
      %dma_start3A_372 = arith.constant 0 : i32
      %dma_start3A_373 = tpu.memref_slice %arg3[%dma_start3A_372, %multiple_of3A_369] : memref<16x1000000xf32, #tpu.memory_space<hbm>> -> memref<16x128xf32, #tpu.memory_space<hbm>>
      tpu.enqueue_dma source(%dma_start3A_373 : memref<16x128xf32, #tpu.memory_space<hbm>>) target(%arg37 : memref<16x128xf32, #tpu.memory_space<vmem>>) target_semaphore(%arg10 : memref<!tpu.dma_semaphore, #tpu.memory_space<semaphore_mem>>)
      %slice3A_374 = vector.extract_strided_slice %gather3A_50 {offsets = [4], sizes = [1], strides = [1]} : vector<16xi32> to vector<1xi32>
      %squeeze3A_375 = vector.extract %slice3A_374[0] : i32 from vector<1xi32>
      %shift_right_arithmetic3A_376 = arith.constant 7 : i32
      %shift_right_arithmetic3A_377 = arith.shrsi %squeeze3A_375, %shift_right_arithmetic3A_376 : i32
      %mul3A_378 = arith.constant 128 : i32
      %mul3A_379 = arith.muli %shift_right_arithmetic3A_377, %mul3A_378 : i32
      %multiple_of3A_380 = tpu.assume_multiple %mul3A_379, 128 : i32
      %dma_start3A_381 = arith.constant 0 : i32
      %dma_start3A_382 = tpu.memref_slice %arg3[%dma_start3A_381, %multiple_of3A_380] : memref<16x1000000xf32, #tpu.memory_space<hbm>> -> memref<16x128xf32, #tpu.memory_space<hbm>>
      %dma_start3A_383 = arith.constant 0 : i32
      %dma_start3A_384 = tpu.memref_slice %arg3[%dma_start3A_383, %multiple_of3A_380] : memref<16x1000000xf32, #tpu.memory_space<hbm>> -> memref<16x128xf32, #tpu.memory_space<hbm>>
      tpu.enqueue_dma source(%dma_start3A_384 : memref<16x128xf32, #tpu.memory_space<hbm>>) target(%arg38 : memref<16x128xf32, #tpu.memory_space<vmem>>) target_semaphore(%arg10 : memref<!tpu.dma_semaphore, #tpu.memory_space<semaphore_mem>>)
      %slice3A_385 = vector.extract_strided_slice %gather3A_65 {offsets = [4], sizes = [1], strides = [1]} : vector<16xi32> to vector<1xi32>
      %squeeze3A_386 = vector.extract %slice3A_385[0] : i32 from vector<1xi32>
      %shift_right_arithmetic3A_387 = arith.constant 7 : i32
      %shift_right_arithmetic3A_388 = arith.shrsi %squeeze3A_386, %shift_right_arithmetic3A_387 : i32
      %mul3A_389 = arith.constant 128 : i32
      %mul3A_390 = arith.muli %shift_right_arithmetic3A_388, %mul3A_389 : i32
      %multiple_of3A_391 = tpu.assume_multiple %mul3A_390, 128 : i32
      %dma_start3A_392 = arith.constant 0 : i32
      %dma_start3A_393 = tpu.memref_slice %arg3[%dma_start3A_392, %multiple_of3A_391] : memref<16x1000000xf32, #tpu.memory_space<hbm>> -> memref<16x128xf32, #tpu.memory_space<hbm>>
      %dma_start3A_394 = arith.constant 0 : i32
      %dma_start3A_395 = tpu.memref_slice %arg3[%dma_start3A_394, %multiple_of3A_391] : memref<16x1000000xf32, #tpu.memory_space<hbm>> -> memref<16x128xf32, #tpu.memory_space<hbm>>
      tpu.enqueue_dma source(%dma_start3A_395 : memref<16x128xf32, #tpu.memory_space<hbm>>) target(%arg39 : memref<16x128xf32, #tpu.memory_space<vmem>>) target_semaphore(%arg10 : memref<!tpu.dma_semaphore, #tpu.memory_space<semaphore_mem>>)
      %slice3A_396 = vector.extract_strided_slice %gather3A_80 {offsets = [4], sizes = [1], strides = [1]} : vector<16xi32> to vector<1xi32>
      %squeeze3A_397 = vector.extract %slice3A_396[0] : i32 from vector<1xi32>
      %shift_right_arithmetic3A_398 = arith.constant 7 : i32
      %shift_right_arithmetic3A_399 = arith.shrsi %squeeze3A_397, %shift_right_arithmetic3A_398 : i32
      %mul3A_400 = arith.constant 128 : i32
      %mul3A_401 = arith.muli %shift_right_arithmetic3A_399, %mul3A_400 : i32
      %multiple_of3A_402 = tpu.assume_multiple %mul3A_401, 128 : i32
      %dma_start3A_403 = arith.constant 0 : i32
      %dma_start3A_404 = tpu.memref_slice %arg3[%dma_start3A_403, %multiple_of3A_402] : memref<16x1000000xf32, #tpu.memory_space<hbm>> -> memref<16x128xf32, #tpu.memory_space<hbm>>
      %dma_start3A_405 = arith.constant 0 : i32
      %dma_start3A_406 = tpu.memref_slice %arg3[%dma_start3A_405, %multiple_of3A_402] : memref<16x1000000xf32, #tpu.memory_space<hbm>> -> memref<16x128xf32, #tpu.memory_space<hbm>>
      tpu.enqueue_dma source(%dma_start3A_406 : memref<16x128xf32, #tpu.memory_space<hbm>>) target(%arg40 : memref<16x128xf32, #tpu.memory_space<vmem>>) target_semaphore(%arg10 : memref<!tpu.dma_semaphore, #tpu.memory_space<semaphore_mem>>)
      %slice3A_407 = vector.extract_strided_slice %gather3A {offsets = [5], sizes = [1], strides = [1]} : vector<16xi32> to vector<1xi32>
      %squeeze3A_408 = vector.extract %slice3A_407[0] : i32 from vector<1xi32>
      %shift_right_arithmetic3A_409 = arith.constant 7 : i32
      %shift_right_arithmetic3A_410 = arith.shrsi %squeeze3A_408, %shift_right_arithmetic3A_409 : i32
      %mul3A_411 = arith.constant 128 : i32
      %mul3A_412 = arith.muli %shift_right_arithmetic3A_410, %mul3A_411 : i32
      %multiple_of3A_413 = tpu.assume_multiple %mul3A_412, 128 : i32
      %dma_start3A_414 = arith.constant 0 : i32
      %dma_start3A_415 = tpu.memref_slice %arg4[%dma_start3A_414, %multiple_of3A_413] : memref<16x1000000xf32, #tpu.memory_space<hbm>> -> memref<16x128xf32, #tpu.memory_space<hbm>>
      %dma_start3A_416 = arith.constant 0 : i32
      %dma_start3A_417 = tpu.memref_slice %arg4[%dma_start3A_416, %multiple_of3A_413] : memref<16x1000000xf32, #tpu.memory_space<hbm>> -> memref<16x128xf32, #tpu.memory_space<hbm>>
      tpu.enqueue_dma source(%dma_start3A_417 : memref<16x128xf32, #tpu.memory_space<hbm>>) target(%arg41 : memref<16x128xf32, #tpu.memory_space<vmem>>) target_semaphore(%arg10 : memref<!tpu.dma_semaphore, #tpu.memory_space<semaphore_mem>>)
      %slice3A_418 = vector.extract_strided_slice %gather3A {offsets = [5], sizes = [1], strides = [1]} : vector<16xi32> to vector<1xi32>
      %squeeze3A_419 = vector.extract %slice3A_418[0] : i32 from vector<1xi32>
      %shift_right_arithmetic3A_420 = arith.constant 7 : i32
      %shift_right_arithmetic3A_421 = arith.shrsi %squeeze3A_419, %shift_right_arithmetic3A_420 : i32
      %mul3A_422 = arith.constant 128 : i32
      %mul3A_423 = arith.muli %shift_right_arithmetic3A_421, %mul3A_422 : i32
      %multiple_of3A_424 = tpu.assume_multiple %mul3A_423, 128 : i32
      %dma_start3A_425 = arith.constant 0 : i32
      %dma_start3A_426 = tpu.memref_slice %arg5[%dma_start3A_425, %multiple_of3A_424] : memref<16x1000000xf32, #tpu.memory_space<hbm>> -> memref<16x128xf32, #tpu.memory_space<hbm>>
      %dma_start3A_427 = arith.constant 0 : i32
      %dma_start3A_428 = tpu.memref_slice %arg5[%dma_start3A_427, %multiple_of3A_424] : memref<16x1000000xf32, #tpu.memory_space<hbm>> -> memref<16x128xf32, #tpu.memory_space<hbm>>
      tpu.enqueue_dma source(%dma_start3A_428 : memref<16x128xf32, #tpu.memory_space<hbm>>) target(%arg42 : memref<16x128xf32, #tpu.memory_space<vmem>>) target_semaphore(%arg10 : memref<!tpu.dma_semaphore, #tpu.memory_space<semaphore_mem>>)
      %slice3A_429 = vector.extract_strided_slice %gather3A_35 {offsets = [5], sizes = [1], strides = [1]} : vector<16xi32> to vector<1xi32>
      %squeeze3A_430 = vector.extract %slice3A_429[0] : i32 from vector<1xi32>
      %shift_right_arithmetic3A_431 = arith.constant 7 : i32
      %shift_right_arithmetic3A_432 = arith.shrsi %squeeze3A_430, %shift_right_arithmetic3A_431 : i32
      %mul3A_433 = arith.constant 128 : i32
      %mul3A_434 = arith.muli %shift_right_arithmetic3A_432, %mul3A_433 : i32
      %multiple_of3A_435 = tpu.assume_multiple %mul3A_434, 128 : i32
      %dma_start3A_436 = arith.constant 0 : i32
      %dma_start3A_437 = tpu.memref_slice %arg3[%dma_start3A_436, %multiple_of3A_435] : memref<16x1000000xf32, #tpu.memory_space<hbm>> -> memref<16x128xf32, #tpu.memory_space<hbm>>
      %dma_start3A_438 = arith.constant 0 : i32
      %dma_start3A_439 = tpu.memref_slice %arg3[%dma_start3A_438, %multiple_of3A_435] : memref<16x1000000xf32, #tpu.memory_space<hbm>> -> memref<16x128xf32, #tpu.memory_space<hbm>>
      tpu.enqueue_dma source(%dma_start3A_439 : memref<16x128xf32, #tpu.memory_space<hbm>>) target(%arg43 : memref<16x128xf32, #tpu.memory_space<vmem>>) target_semaphore(%arg10 : memref<!tpu.dma_semaphore, #tpu.memory_space<semaphore_mem>>)
      %slice3A_440 = vector.extract_strided_slice %gather3A_50 {offsets = [5], sizes = [1], strides = [1]} : vector<16xi32> to vector<1xi32>
      %squeeze3A_441 = vector.extract %slice3A_440[0] : i32 from vector<1xi32>
      %shift_right_arithmetic3A_442 = arith.constant 7 : i32
      %shift_right_arithmetic3A_443 = arith.shrsi %squeeze3A_441, %shift_right_arithmetic3A_442 : i32
      %mul3A_444 = arith.constant 128 : i32
      %mul3A_445 = arith.muli %shift_right_arithmetic3A_443, %mul3A_444 : i32
      %multiple_of3A_446 = tpu.assume_multiple %mul3A_445, 128 : i32
      %dma_start3A_447 = arith.constant 0 : i32
      %dma_start3A_448 = tpu.memref_slice %arg3[%dma_start3A_447, %multiple_of3A_446] : memref<16x1000000xf32, #tpu.memory_space<hbm>> -> memref<16x128xf32, #tpu.memory_space<hbm>>
      %dma_start3A_449 = arith.constant 0 : i32
      %dma_start3A_450 = tpu.memref_slice %arg3[%dma_start3A_449, %multiple_of3A_446] : memref<16x1000000xf32, #tpu.memory_space<hbm>> -> memref<16x128xf32, #tpu.memory_space<hbm>>
      tpu.enqueue_dma source(%dma_start3A_450 : memref<16x128xf32, #tpu.memory_space<hbm>>) target(%arg44 : memref<16x128xf32, #tpu.memory_space<vmem>>) target_semaphore(%arg10 : memref<!tpu.dma_semaphore, #tpu.memory_space<semaphore_mem>>)
      %slice3A_451 = vector.extract_strided_slice %gather3A_65 {offsets = [5], sizes = [1], strides = [1]} : vector<16xi32> to vector<1xi32>
      %squeeze3A_452 = vector.extract %slice3A_451[0] : i32 from vector<1xi32>
      %shift_right_arithmetic3A_453 = arith.constant 7 : i32
      %shift_right_arithmetic3A_454 = arith.shrsi %squeeze3A_452, %shift_right_arithmetic3A_453 : i32
      %mul3A_455 = arith.constant 128 : i32
      %mul3A_456 = arith.muli %shift_right_arithmetic3A_454, %mul3A_455 : i32
      %multiple_of3A_457 = tpu.assume_multiple %mul3A_456, 128 : i32
      %dma_start3A_458 = arith.constant 0 : i32
      %dma_start3A_459 = tpu.memref_slice %arg3[%dma_start3A_458, %multiple_of3A_457] : memref<16x1000000xf32, #tpu.memory_space<hbm>> -> memref<16x128xf32, #tpu.memory_space<hbm>>
      %dma_start3A_460 = arith.constant 0 : i32
      %dma_start3A_461 = tpu.memref_slice %arg3[%dma_start3A_460, %multiple_of3A_457] : memref<16x1000000xf32, #tpu.memory_space<hbm>> -> memref<16x128xf32, #tpu.memory_space<hbm>>
      tpu.enqueue_dma source(%dma_start3A_461 : memref<16x128xf32, #tpu.memory_space<hbm>>) target(%arg45 : memref<16x128xf32, #tpu.memory_space<vmem>>) target_semaphore(%arg10 : memref<!tpu.dma_semaphore, #tpu.memory_space<semaphore_mem>>)
      %slice3A_462 = vector.extract_strided_slice %gather3A_80 {offsets = [5], sizes = [1], strides = [1]} : vector<16xi32> to vector<1xi32>
      %squeeze3A_463 = vector.extract %slice3A_462[0] : i32 from vector<1xi32>
      %shift_right_arithmetic3A_464 = arith.constant 7 : i32
      %shift_right_arithmetic3A_465 = arith.shrsi %squeeze3A_463, %shift_right_arithmetic3A_464 : i32
      %mul3A_466 = arith.constant 128 : i32
      %mul3A_467 = arith.muli %shift_right_arithmetic3A_465, %mul3A_466 : i32
      %multiple_of3A_468 = tpu.assume_multiple %mul3A_467, 128 : i32
      %dma_start3A_469 = arith.constant 0 : i32
      %dma_start3A_470 = tpu.memref_slice %arg3[%dma_start3A_469, %multiple_of3A_468] : memref<16x1000000xf32, #tpu.memory_space<hbm>> -> memref<16x128xf32, #tpu.memory_space<hbm>>
      %dma_start3A_471 = arith.constant 0 : i32
      %dma_start3A_472 = tpu.memref_slice %arg3[%dma_start3A_471, %multiple_of3A_468] : memref<16x1000000xf32, #tpu.memory_space<hbm>> -> memref<16x128xf32, #tpu.memory_space<hbm>>
      tpu.enqueue_dma source(%dma_start3A_472 : memref<16x128xf32, #tpu.memory_space<hbm>>) target(%arg46 : memref<16x128xf32, #tpu.memory_space<vmem>>) target_semaphore(%arg10 : memref<!tpu.dma_semaphore, #tpu.memory_space<semaphore_mem>>)
      %slice3A_473 = vector.extract_strided_slice %gather3A {offsets = [6], sizes = [1], strides = [1]} : vector<16xi32> to vector<1xi32>
      %squeeze3A_474 = vector.extract %slice3A_473[0] : i32 from vector<1xi32>
      %shift_right_arithmetic3A_475 = arith.constant 7 : i32
      %shift_right_arithmetic3A_476 = arith.shrsi %squeeze3A_474, %shift_right_arithmetic3A_475 : i32
      %mul3A_477 = arith.constant 128 : i32
      %mul3A_478 = arith.muli %shift_right_arithmetic3A_476, %mul3A_477 : i32
      %multiple_of3A_479 = tpu.assume_multiple %mul3A_478, 128 : i32
      %dma_start3A_480 = arith.constant 0 : i32
      %dma_start3A_481 = tpu.memref_slice %arg4[%dma_start3A_480, %multiple_of3A_479] : memref<16x1000000xf32, #tpu.memory_space<hbm>> -> memref<16x128xf32, #tpu.memory_space<hbm>>
      %dma_start3A_482 = arith.constant 0 : i32
      %dma_start3A_483 = tpu.memref_slice %arg4[%dma_start3A_482, %multiple_of3A_479] : memref<16x1000000xf32, #tpu.memory_space<hbm>> -> memref<16x128xf32, #tpu.memory_space<hbm>>
      tpu.enqueue_dma source(%dma_start3A_483 : memref<16x128xf32, #tpu.memory_space<hbm>>) target(%arg47 : memref<16x128xf32, #tpu.memory_space<vmem>>) target_semaphore(%arg10 : memref<!tpu.dma_semaphore, #tpu.memory_space<semaphore_mem>>)
      %slice3A_484 = vector.extract_strided_slice %gather3A {offsets = [6], sizes = [1], strides = [1]} : vector<16xi32> to vector<1xi32>
      %squeeze3A_485 = vector.extract %slice3A_484[0] : i32 from vector<1xi32>
      %shift_right_arithmetic3A_486 = arith.constant 7 : i32
      %shift_right_arithmetic3A_487 = arith.shrsi %squeeze3A_485, %shift_right_arithmetic3A_486 : i32
      %mul3A_488 = arith.constant 128 : i32
      %mul3A_489 = arith.muli %shift_right_arithmetic3A_487, %mul3A_488 : i32
      %multiple_of3A_490 = tpu.assume_multiple %mul3A_489, 128 : i32
      %dma_start3A_491 = arith.constant 0 : i32
      %dma_start3A_492 = tpu.memref_slice %arg5[%dma_start3A_491, %multiple_of3A_490] : memref<16x1000000xf32, #tpu.memory_space<hbm>> -> memref<16x128xf32, #tpu.memory_space<hbm>>
      %dma_start3A_493 = arith.constant 0 : i32
      %dma_start3A_494 = tpu.memref_slice %arg5[%dma_start3A_493, %multiple_of3A_490] : memref<16x1000000xf32, #tpu.memory_space<hbm>> -> memref<16x128xf32, #tpu.memory_space<hbm>>
      tpu.enqueue_dma source(%dma_start3A_494 : memref<16x128xf32, #tpu.memory_space<hbm>>) target(%arg48 : memref<16x128xf32, #tpu.memory_space<vmem>>) target_semaphore(%arg10 : memref<!tpu.dma_semaphore, #tpu.memory_space<semaphore_mem>>)
      %slice3A_495 = vector.extract_strided_slice %gather3A_35 {offsets = [6], sizes = [1], strides = [1]} : vector<16xi32> to vector<1xi32>
      %squeeze3A_496 = vector.extract %slice3A_495[0] : i32 from vector<1xi32>
      %shift_right_arithmetic3A_497 = arith.constant 7 : i32
      %shift_right_arithmetic3A_498 = arith.shrsi %squeeze3A_496, %shift_right_arithmetic3A_497 : i32
      %mul3A_499 = arith.constant 128 : i32
      %mul3A_500 = arith.muli %shift_right_arithmetic3A_498, %mul3A_499 : i32
      %multiple_of3A_501 = tpu.assume_multiple %mul3A_500, 128 : i32
      %dma_start3A_502 = arith.constant 0 : i32
      %dma_start3A_503 = tpu.memref_slice %arg3[%dma_start3A_502, %multiple_of3A_501] : memref<16x1000000xf32, #tpu.memory_space<hbm>> -> memref<16x128xf32, #tpu.memory_space<hbm>>
      %dma_start3A_504 = arith.constant 0 : i32
      %dma_start3A_505 = tpu.memref_slice %arg3[%dma_start3A_504, %multiple_of3A_501] : memref<16x1000000xf32, #tpu.memory_space<hbm>> -> memref<16x128xf32, #tpu.memory_space<hbm>>
      tpu.enqueue_dma source(%dma_start3A_505 : memref<16x128xf32, #tpu.memory_space<hbm>>) target(%arg49 : memref<16x128xf32, #tpu.memory_space<vmem>>) target_semaphore(%arg10 : memref<!tpu.dma_semaphore, #tpu.memory_space<semaphore_mem>>)
      %slice3A_506 = vector.extract_strided_slice %gather3A_50 {offsets = [6], sizes = [1], strides = [1]} : vector<16xi32> to vector<1xi32>
      %squeeze3A_507 = vector.extract %slice3A_506[0] : i32 from vector<1xi32>
      %shift_right_arithmetic3A_508 = arith.constant 7 : i32
      %shift_right_arithmetic3A_509 = arith.shrsi %squeeze3A_507, %shift_right_arithmetic3A_508 : i32
      %mul3A_510 = arith.constant 128 : i32
      %mul3A_511 = arith.muli %shift_right_arithmetic3A_509, %mul3A_510 : i32
      %multiple_of3A_512 = tpu.assume_multiple %mul3A_511, 128 : i32
      %dma_start3A_513 = arith.constant 0 : i32
      %dma_start3A_514 = tpu.memref_slice %arg3[%dma_start3A_513, %multiple_of3A_512] : memref<16x1000000xf32, #tpu.memory_space<hbm>> -> memref<16x128xf32, #tpu.memory_space<hbm>>
      %dma_start3A_515 = arith.constant 0 : i32
      %dma_start3A_516 = tpu.memref_slice %arg3[%dma_start3A_515, %multiple_of3A_512] : memref<16x1000000xf32, #tpu.memory_space<hbm>> -> memref<16x128xf32, #tpu.memory_space<hbm>>
      tpu.enqueue_dma source(%dma_start3A_516 : memref<16x128xf32, #tpu.memory_space<hbm>>) target(%arg50 : memref<16x128xf32, #tpu.memory_space<vmem>>) target_semaphore(%arg10 : memref<!tpu.dma_semaphore, #tpu.memory_space<semaphore_mem>>)
      %slice3A_517 = vector.extract_strided_slice %gather3A_65 {offsets = [6], sizes = [1], strides = [1]} : vector<16xi32> to vector<1xi32>
      %squeeze3A_518 = vector.extract %slice3A_517[0] : i32 from vector<1xi32>
      %shift_right_arithmetic3A_519 = arith.constant 7 : i32
      %shift_right_arithmetic3A_520 = arith.shrsi %squeeze3A_518, %shift_right_arithmetic3A_519 : i32
      %mul3A_521 = arith.constant 128 : i32
      %mul3A_522 = arith.muli %shift_right_arithmetic3A_520, %mul3A_521 : i32
      %multiple_of3A_523 = tpu.assume_multiple %mul3A_522, 128 : i32
      %dma_start3A_524 = arith.constant 0 : i32
      %dma_start3A_525 = tpu.memref_slice %arg3[%dma_start3A_524, %multiple_of3A_523] : memref<16x1000000xf32, #tpu.memory_space<hbm>> -> memref<16x128xf32, #tpu.memory_space<hbm>>
      %dma_start3A_526 = arith.constant 0 : i32
      %dma_start3A_527 = tpu.memref_slice %arg3[%dma_start3A_526, %multiple_of3A_523] : memref<16x1000000xf32, #tpu.memory_space<hbm>> -> memref<16x128xf32, #tpu.memory_space<hbm>>
      tpu.enqueue_dma source(%dma_start3A_527 : memref<16x128xf32, #tpu.memory_space<hbm>>) target(%arg51 : memref<16x128xf32, #tpu.memory_space<vmem>>) target_semaphore(%arg10 : memref<!tpu.dma_semaphore, #tpu.memory_space<semaphore_mem>>)
      %slice3A_528 = vector.extract_strided_slice %gather3A_80 {offsets = [6], sizes = [1], strides = [1]} : vector<16xi32> to vector<1xi32>
      %squeeze3A_529 = vector.extract %slice3A_528[0] : i32 from vector<1xi32>
      %shift_right_arithmetic3A_530 = arith.constant 7 : i32
      %shift_right_arithmetic3A_531 = arith.shrsi %squeeze3A_529, %shift_right_arithmetic3A_530 : i32
      %mul3A_532 = arith.constant 128 : i32
      %mul3A_533 = arith.muli %shift_right_arithmetic3A_531, %mul3A_532 : i32
      %multiple_of3A_534 = tpu.assume_multiple %mul3A_533, 128 : i32
      %dma_start3A_535 = arith.constant 0 : i32
      %dma_start3A_536 = tpu.memref_slice %arg3[%dma_start3A_535, %multiple_of3A_534] : memref<16x1000000xf32, #tpu.memory_space<hbm>> -> memref<16x128xf32, #tpu.memory_space<hbm>>
      %dma_start3A_537 = arith.constant 0 : i32
      %dma_start3A_538 = tpu.memref_slice %arg3[%dma_start3A_537, %multiple_of3A_534] : memref<16x1000000xf32, #tpu.memory_space<hbm>> -> memref<16x128xf32, #tpu.memory_space<hbm>>
      tpu.enqueue_dma source(%dma_start3A_538 : memref<16x128xf32, #tpu.memory_space<hbm>>) target(%arg52 : memref<16x128xf32, #tpu.memory_space<vmem>>) target_semaphore(%arg10 : memref<!tpu.dma_semaphore, #tpu.memory_space<semaphore_mem>>)
      %slice3A_539 = vector.extract_strided_slice %gather3A {offsets = [7], sizes = [1], strides = [1]} : vector<16xi32> to vector<1xi32>
      %squeeze3A_540 = vector.extract %slice3A_539[0] : i32 from vector<1xi32>
      %shift_right_arithmetic3A_541 = arith.constant 7 : i32
      %shift_right_arithmetic3A_542 = arith.shrsi %squeeze3A_540, %shift_right_arithmetic3A_541 : i32
      %mul3A_543 = arith.constant 128 : i32
      %mul3A_544 = arith.muli %shift_right_arithmetic3A_542, %mul3A_543 : i32
      %multiple_of3A_545 = tpu.assume_multiple %mul3A_544, 128 : i32
      %dma_start3A_546 = arith.constant 0 : i32
      %dma_start3A_547 = tpu.memref_slice %arg4[%dma_start3A_546, %multiple_of3A_545] : memref<16x1000000xf32, #tpu.memory_space<hbm>> -> memref<16x128xf32, #tpu.memory_space<hbm>>
      %dma_start3A_548 = arith.constant 0 : i32
      %dma_start3A_549 = tpu.memref_slice %arg4[%dma_start3A_548, %multiple_of3A_545] : memref<16x1000000xf32, #tpu.memory_space<hbm>> -> memref<16x128xf32, #tpu.memory_space<hbm>>
      tpu.enqueue_dma source(%dma_start3A_549 : memref<16x128xf32, #tpu.memory_space<hbm>>) target(%arg53 : memref<16x128xf32, #tpu.memory_space<vmem>>) target_semaphore(%arg10 : memref<!tpu.dma_semaphore, #tpu.memory_space<semaphore_mem>>)
      %slice3A_550 = vector.extract_strided_slice %gather3A {offsets = [7], sizes = [1], strides = [1]} : vector<16xi32> to vector<1xi32>
      %squeeze3A_551 = vector.extract %slice3A_550[0] : i32 from vector<1xi32>
      %shift_right_arithmetic3A_552 = arith.constant 7 : i32
      %shift_right_arithmetic3A_553 = arith.shrsi %squeeze3A_551, %shift_right_arithmetic3A_552 : i32
      %mul3A_554 = arith.constant 128 : i32
      %mul3A_555 = arith.muli %shift_right_arithmetic3A_553, %mul3A_554 : i32
      %multiple_of3A_556 = tpu.assume_multiple %mul3A_555, 128 : i32
      %dma_start3A_557 = arith.constant 0 : i32
      %dma_start3A_558 = tpu.memref_slice %arg5[%dma_start3A_557, %multiple_of3A_556] : memref<16x1000000xf32, #tpu.memory_space<hbm>> -> memref<16x128xf32, #tpu.memory_space<hbm>>
      %dma_start3A_559 = arith.constant 0 : i32
      %dma_start3A_560 = tpu.memref_slice %arg5[%dma_start3A_559, %multiple_of3A_556] : memref<16x1000000xf32, #tpu.memory_space<hbm>> -> memref<16x128xf32, #tpu.memory_space<hbm>>
      tpu.enqueue_dma source(%dma_start3A_560 : memref<16x128xf32, #tpu.memory_space<hbm>>) target(%arg54 : memref<16x128xf32, #tpu.memory_space<vmem>>) target_semaphore(%arg10 : memref<!tpu.dma_semaphore, #tpu.memory_space<semaphore_mem>>)
      %slice3A_561 = vector.extract_strided_slice %gather3A_35 {offsets = [7], sizes = [1], strides = [1]} : vector<16xi32> to vector<1xi32>
      %squeeze3A_562 = vector.extract %slice3A_561[0] : i32 from vector<1xi32>
      %shift_right_arithmetic3A_563 = arith.constant 7 : i32
      %shift_right_arithmetic3A_564 = arith.shrsi %squeeze3A_562, %shift_right_arithmetic3A_563 : i32
      %mul3A_565 = arith.constant 128 : i32
      %mul3A_566 = arith.muli %shift_right_arithmetic3A_564, %mul3A_565 : i32
      %multiple_of3A_567 = tpu.assume_multiple %mul3A_566, 128 : i32
      %dma_start3A_568 = arith.constant 0 : i32
      %dma_start3A_569 = tpu.memref_slice %arg3[%dma_start3A_568, %multiple_of3A_567] : memref<16x1000000xf32, #tpu.memory_space<hbm>> -> memref<16x128xf32, #tpu.memory_space<hbm>>
      %dma_start3A_570 = arith.constant 0 : i32
      %dma_start3A_571 = tpu.memref_slice %arg3[%dma_start3A_570, %multiple_of3A_567] : memref<16x1000000xf32, #tpu.memory_space<hbm>> -> memref<16x128xf32, #tpu.memory_space<hbm>>
      tpu.enqueue_dma source(%dma_start3A_571 : memref<16x128xf32, #tpu.memory_space<hbm>>) target(%arg55 : memref<16x128xf32, #tpu.memory_space<vmem>>) target_semaphore(%arg10 : memref<!tpu.dma_semaphore, #tpu.memory_space<semaphore_mem>>)
      %slice3A_572 = vector.extract_strided_slice %gather3A_50 {offsets = [7], sizes = [1], strides = [1]} : vector<16xi32> to vector<1xi32>
      %squeeze3A_573 = vector.extract %slice3A_572[0] : i32 from vector<1xi32>
      %shift_right_arithmetic3A_574 = arith.constant 7 : i32
      %shift_right_arithmetic3A_575 = arith.shrsi %squeeze3A_573, %shift_right_arithmetic3A_574 : i32
      %mul3A_576 = arith.constant 128 : i32
      %mul3A_577 = arith.muli %shift_right_arithmetic3A_575, %mul3A_576 : i32
      %multiple_of3A_578 = tpu.assume_multiple %mul3A_577, 128 : i32
      %dma_start3A_579 = arith.constant 0 : i32
      %dma_start3A_580 = tpu.memref_slice %arg3[%dma_start3A_579, %multiple_of3A_578] : memref<16x1000000xf32, #tpu.memory_space<hbm>> -> memref<16x128xf32, #tpu.memory_space<hbm>>
      %dma_start3A_581 = arith.constant 0 : i32
      %dma_start3A_582 = tpu.memref_slice %arg3[%dma_start3A_581, %multiple_of3A_578] : memref<16x1000000xf32, #tpu.memory_space<hbm>> -> memref<16x128xf32, #tpu.memory_space<hbm>>
      tpu.enqueue_dma source(%dma_start3A_582 : memref<16x128xf32, #tpu.memory_space<hbm>>) target(%arg56 : memref<16x128xf32, #tpu.memory_space<vmem>>) target_semaphore(%arg10 : memref<!tpu.dma_semaphore, #tpu.memory_space<semaphore_mem>>)
      %slice3A_583 = vector.extract_strided_slice %gather3A_65 {offsets = [7], sizes = [1], strides = [1]} : vector<16xi32> to vector<1xi32>
      %squeeze3A_584 = vector.extract %slice3A_583[0] : i32 from vector<1xi32>
      %shift_right_arithmetic3A_585 = arith.constant 7 : i32
      %shift_right_arithmetic3A_586 = arith.shrsi %squeeze3A_584, %shift_right_arithmetic3A_585 : i32
      %mul3A_587 = arith.constant 128 : i32
      %mul3A_588 = arith.muli %shift_right_arithmetic3A_586, %mul3A_587 : i32
      %multiple_of3A_589 = tpu.assume_multiple %mul3A_588, 128 : i32
      %dma_start3A_590 = arith.constant 0 : i32
      %dma_start3A_591 = tpu.memref_slice %arg3[%dma_start3A_590, %multiple_of3A_589] : memref<16x1000000xf32, #tpu.memory_space<hbm>> -> memref<16x128xf32, #tpu.memory_space<hbm>>
      %dma_start3A_592 = arith.constant 0 : i32
      %dma_start3A_593 = tpu.memref_slice %arg3[%dma_start3A_592, %multiple_of3A_589] : memref<16x1000000xf32, #tpu.memory_space<hbm>> -> memref<16x128xf32, #tpu.memory_space<hbm>>
      tpu.enqueue_dma source(%dma_start3A_593 : memref<16x128xf32, #tpu.memory_space<hbm>>) target(%arg57 : memref<16x128xf32, #tpu.memory_space<vmem>>) target_semaphore(%arg10 : memref<!tpu.dma_semaphore, #tpu.memory_space<semaphore_mem>>)
      %slice3A_594 = vector.extract_strided_slice %gather3A_80 {offsets = [7], sizes = [1], strides = [1]} : vector<16xi32> to vector<1xi32>
      %squeeze3A_595 = vector.extract %slice3A_594[0] : i32 from vector<1xi32>
      %shift_right_arithmetic3A_596 = arith.constant 7 : i32
      %shift_right_arithmetic3A_597 = arith.shrsi %squeeze3A_595, %shift_right_arithmetic3A_596 : i32
      %mul3A_598 = arith.constant 128 : i32
      %mul3A_599 = arith.muli %shift_right_arithmetic3A_597, %mul3A_598 : i32
      %multiple_of3A_600 = tpu.assume_multiple %mul3A_599, 128 : i32
      %dma_start3A_601 = arith.constant 0 : i32
      %dma_start3A_602 = tpu.memref_slice %arg3[%dma_start3A_601, %multiple_of3A_600] : memref<16x1000000xf32, #tpu.memory_space<hbm>> -> memref<16x128xf32, #tpu.memory_space<hbm>>
      %dma_start3A_603 = arith.constant 0 : i32
      %dma_start3A_604 = tpu.memref_slice %arg3[%dma_start3A_603, %multiple_of3A_600] : memref<16x1000000xf32, #tpu.memory_space<hbm>> -> memref<16x128xf32, #tpu.memory_space<hbm>>
      tpu.enqueue_dma source(%dma_start3A_604 : memref<16x128xf32, #tpu.memory_space<hbm>>) target(%arg58 : memref<16x128xf32, #tpu.memory_space<vmem>>) target_semaphore(%arg10 : memref<!tpu.dma_semaphore, #tpu.memory_space<semaphore_mem>>)
      %dma_wait3A = arith.constant 0 : i32
      %dma_wait3A_605 = tpu.memref_slice %arg4[%dma_wait3A, %multiple_of3A] : memref<16x1000000xf32, #tpu.memory_space<hbm>> -> memref<16x128xf32, #tpu.memory_space<hbm>>
      %dma_wait3A_606 = arith.constant 0 : i32
      %dma_wait3A_607 = tpu.memref_slice %arg4[%dma_wait3A_606, %multiple_of3A] : memref<16x1000000xf32, #tpu.memory_space<hbm>> -> memref<16x128xf32, #tpu.memory_space<hbm>>
      tpu.wait_dma2 semaphore(%arg10 : memref<!tpu.dma_semaphore, #tpu.memory_space<semaphore_mem>>) src(%dma_wait3A_607 : memref<16x128xf32, #tpu.memory_space<hbm>>) dst(%arg11 : memref<16x128xf32, #tpu.memory_space<vmem>>)
      %dma_wait3A_608 = arith.constant 0 : i32
      %dma_wait3A_609 = tpu.memref_slice %arg5[%dma_wait3A_608, %multiple_of3A_94] : memref<16x1000000xf32, #tpu.memory_space<hbm>> -> memref<16x128xf32, #tpu.memory_space<hbm>>
      %dma_wait3A_610 = arith.constant 0 : i32
      %dma_wait3A_611 = tpu.memref_slice %arg5[%dma_wait3A_610, %multiple_of3A_94] : memref<16x1000000xf32, #tpu.memory_space<hbm>> -> memref<16x128xf32, #tpu.memory_space<hbm>>
      tpu.wait_dma2 semaphore(%arg10 : memref<!tpu.dma_semaphore, #tpu.memory_space<semaphore_mem>>) src(%dma_wait3A_611 : memref<16x128xf32, #tpu.memory_space<hbm>>) dst(%arg12 : memref<16x128xf32, #tpu.memory_space<vmem>>)
      %dma_wait3A_612 = arith.constant 0 : i32
      %dma_wait3A_613 = tpu.memref_slice %arg3[%dma_wait3A_612, %multiple_of3A_105] : memref<16x1000000xf32, #tpu.memory_space<hbm>> -> memref<16x128xf32, #tpu.memory_space<hbm>>
      %dma_wait3A_614 = arith.constant 0 : i32
      %dma_wait3A_615 = tpu.memref_slice %arg3[%dma_wait3A_614, %multiple_of3A_105] : memref<16x1000000xf32, #tpu.memory_space<hbm>> -> memref<16x128xf32, #tpu.memory_space<hbm>>
      tpu.wait_dma2 semaphore(%arg10 : memref<!tpu.dma_semaphore, #tpu.memory_space<semaphore_mem>>) src(%dma_wait3A_615 : memref<16x128xf32, #tpu.memory_space<hbm>>) dst(%arg13 : memref<16x128xf32, #tpu.memory_space<vmem>>)
      %dma_wait3A_616 = arith.constant 0 : i32
      %dma_wait3A_617 = tpu.memref_slice %arg3[%dma_wait3A_616, %multiple_of3A_116] : memref<16x1000000xf32, #tpu.memory_space<hbm>> -> memref<16x128xf32, #tpu.memory_space<hbm>>
      %dma_wait3A_618 = arith.constant 0 : i32
      %dma_wait3A_619 = tpu.memref_slice %arg3[%dma_wait3A_618, %multiple_of3A_116] : memref<16x1000000xf32, #tpu.memory_space<hbm>> -> memref<16x128xf32, #tpu.memory_space<hbm>>
      tpu.wait_dma2 semaphore(%arg10 : memref<!tpu.dma_semaphore, #tpu.memory_space<semaphore_mem>>) src(%dma_wait3A_619 : memref<16x128xf32, #tpu.memory_space<hbm>>) dst(%arg14 : memref<16x128xf32, #tpu.memory_space<vmem>>)
      %dma_wait3A_620 = arith.constant 0 : i32
      %dma_wait3A_621 = tpu.memref_slice %arg3[%dma_wait3A_620, %multiple_of3A_127] : memref<16x1000000xf32, #tpu.memory_space<hbm>> -> memref<16x128xf32, #tpu.memory_space<hbm>>
      %dma_wait3A_622 = arith.constant 0 : i32
      %dma_wait3A_623 = tpu.memref_slice %arg3[%dma_wait3A_622, %multiple_of3A_127] : memref<16x1000000xf32, #tpu.memory_space<hbm>> -> memref<16x128xf32, #tpu.memory_space<hbm>>
      tpu.wait_dma2 semaphore(%arg10 : memref<!tpu.dma_semaphore, #tpu.memory_space<semaphore_mem>>) src(%dma_wait3A_623 : memref<16x128xf32, #tpu.memory_space<hbm>>) dst(%arg15 : memref<16x128xf32, #tpu.memory_space<vmem>>)
      %dma_wait3A_624 = arith.constant 0 : i32
      %dma_wait3A_625 = tpu.memref_slice %arg3[%dma_wait3A_624, %multiple_of3A_138] : memref<16x1000000xf32, #tpu.memory_space<hbm>> -> memref<16x128xf32, #tpu.memory_space<hbm>>
      %dma_wait3A_626 = arith.constant 0 : i32
      %dma_wait3A_627 = tpu.memref_slice %arg3[%dma_wait3A_626, %multiple_of3A_138] : memref<16x1000000xf32, #tpu.memory_space<hbm>> -> memref<16x128xf32, #tpu.memory_space<hbm>>
      tpu.wait_dma2 semaphore(%arg10 : memref<!tpu.dma_semaphore, #tpu.memory_space<semaphore_mem>>) src(%dma_wait3A_627 : memref<16x128xf32, #tpu.memory_space<hbm>>) dst(%arg16 : memref<16x128xf32, #tpu.memory_space<vmem>>)
      %dma_wait3A_628 = arith.constant 0 : i32
      %dma_wait3A_629 = tpu.memref_slice %arg4[%dma_wait3A_628, %multiple_of3A_149] : memref<16x1000000xf32, #tpu.memory_space<hbm>> -> memref<16x128xf32, #tpu.memory_space<hbm>>
      %dma_wait3A_630 = arith.constant 0 : i32
      %dma_wait3A_631 = tpu.memref_slice %arg4[%dma_wait3A_630, %multiple_of3A_149] : memref<16x1000000xf32, #tpu.memory_space<hbm>> -> memref<16x128xf32, #tpu.memory_space<hbm>>
      tpu.wait_dma2 semaphore(%arg10 : memref<!tpu.dma_semaphore, #tpu.memory_space<semaphore_mem>>) src(%dma_wait3A_631 : memref<16x128xf32, #tpu.memory_space<hbm>>) dst(%arg17 : memref<16x128xf32, #tpu.memory_space<vmem>>)
      %dma_wait3A_632 = arith.constant 0 : i32
      %dma_wait3A_633 = tpu.memref_slice %arg5[%dma_wait3A_632, %multiple_of3A_160] : memref<16x1000000xf32, #tpu.memory_space<hbm>> -> memref<16x128xf32, #tpu.memory_space<hbm>>
      %dma_wait3A_634 = arith.constant 0 : i32
      %dma_wait3A_635 = tpu.memref_slice %arg5[%dma_wait3A_634, %multiple_of3A_160] : memref<16x1000000xf32, #tpu.memory_space<hbm>> -> memref<16x128xf32, #tpu.memory_space<hbm>>
      tpu.wait_dma2 semaphore(%arg10 : memref<!tpu.dma_semaphore, #tpu.memory_space<semaphore_mem>>) src(%dma_wait3A_635 : memref<16x128xf32, #tpu.memory_space<hbm>>) dst(%arg18 : memref<16x128xf32, #tpu.memory_space<vmem>>)
      %dma_wait3A_636 = arith.constant 0 : i32
      %dma_wait3A_637 = tpu.memref_slice %arg3[%dma_wait3A_636, %multiple_of3A_171] : memref<16x1000000xf32, #tpu.memory_space<hbm>> -> memref<16x128xf32, #tpu.memory_space<hbm>>
      %dma_wait3A_638 = arith.constant 0 : i32
      %dma_wait3A_639 = tpu.memref_slice %arg3[%dma_wait3A_638, %multiple_of3A_171] : memref<16x1000000xf32, #tpu.memory_space<hbm>> -> memref<16x128xf32, #tpu.memory_space<hbm>>
      tpu.wait_dma2 semaphore(%arg10 : memref<!tpu.dma_semaphore, #tpu.memory_space<semaphore_mem>>) src(%dma_wait3A_639 : memref<16x128xf32, #tpu.memory_space<hbm>>) dst(%arg19 : memref<16x128xf32, #tpu.memory_space<vmem>>)
      %dma_wait3A_640 = arith.constant 0 : i32
      %dma_wait3A_641 = tpu.memref_slice %arg3[%dma_wait3A_640, %multiple_of3A_182] : memref<16x1000000xf32, #tpu.memory_space<hbm>> -> memref<16x128xf32, #tpu.memory_space<hbm>>
      %dma_wait3A_642 = arith.constant 0 : i32
      %dma_wait3A_643 = tpu.memref_slice %arg3[%dma_wait3A_642, %multiple_of3A_182] : memref<16x1000000xf32, #tpu.memory_space<hbm>> -> memref<16x128xf32, #tpu.memory_space<hbm>>
      tpu.wait_dma2 semaphore(%arg10 : memref<!tpu.dma_semaphore, #tpu.memory_space<semaphore_mem>>) src(%dma_wait3A_643 : memref<16x128xf32, #tpu.memory_space<hbm>>) dst(%arg20 : memref<16x128xf32, #tpu.memory_space<vmem>>)
      %dma_wait3A_644 = arith.constant 0 : i32
      %dma_wait3A_645 = tpu.memref_slice %arg3[%dma_wait3A_644, %multiple_of3A_193] : memref<16x1000000xf32, #tpu.memory_space<hbm>> -> memref<16x128xf32, #tpu.memory_space<hbm>>
      %dma_wait3A_646 = arith.constant 0 : i32
      %dma_wait3A_647 = tpu.memref_slice %arg3[%dma_wait3A_646, %multiple_of3A_193] : memref<16x1000000xf32, #tpu.memory_space<hbm>> -> memref<16x128xf32, #tpu.memory_space<hbm>>
      tpu.wait_dma2 semaphore(%arg10 : memref<!tpu.dma_semaphore, #tpu.memory_space<semaphore_mem>>) src(%dma_wait3A_647 : memref<16x128xf32, #tpu.memory_space<hbm>>) dst(%arg21 : memref<16x128xf32, #tpu.memory_space<vmem>>)
      %dma_wait3A_648 = arith.constant 0 : i32
      %dma_wait3A_649 = tpu.memref_slice %arg3[%dma_wait3A_648, %multiple_of3A_204] : memref<16x1000000xf32, #tpu.memory_space<hbm>> -> memref<16x128xf32, #tpu.memory_space<hbm>>
      %dma_wait3A_650 = arith.constant 0 : i32
      %dma_wait3A_651 = tpu.memref_slice %arg3[%dma_wait3A_650, %multiple_of3A_204] : memref<16x1000000xf32, #tpu.memory_space<hbm>> -> memref<16x128xf32, #tpu.memory_space<hbm>>
      tpu.wait_dma2 semaphore(%arg10 : memref<!tpu.dma_semaphore, #tpu.memory_space<semaphore_mem>>) src(%dma_wait3A_651 : memref<16x128xf32, #tpu.memory_space<hbm>>) dst(%arg22 : memref<16x128xf32, #tpu.memory_space<vmem>>)
      %dma_wait3A_652 = arith.constant 0 : i32
      %dma_wait3A_653 = tpu.memref_slice %arg4[%dma_wait3A_652, %multiple_of3A_215] : memref<16x1000000xf32, #tpu.memory_space<hbm>> -> memref<16x128xf32, #tpu.memory_space<hbm>>
      %dma_wait3A_654 = arith.constant 0 : i32
      %dma_wait3A_655 = tpu.memref_slice %arg4[%dma_wait3A_654, %multiple_of3A_215] : memref<16x1000000xf32, #tpu.memory_space<hbm>> -> memref<16x128xf32, #tpu.memory_space<hbm>>
      tpu.wait_dma2 semaphore(%arg10 : memref<!tpu.dma_semaphore, #tpu.memory_space<semaphore_mem>>) src(%dma_wait3A_655 : memref<16x128xf32, #tpu.memory_space<hbm>>) dst(%arg23 : memref<16x128xf32, #tpu.memory_space<vmem>>)
      %dma_wait3A_656 = arith.constant 0 : i32
      %dma_wait3A_657 = tpu.memref_slice %arg5[%dma_wait3A_656, %multiple_of3A_226] : memref<16x1000000xf32, #tpu.memory_space<hbm>> -> memref<16x128xf32, #tpu.memory_space<hbm>>
      %dma_wait3A_658 = arith.constant 0 : i32
      %dma_wait3A_659 = tpu.memref_slice %arg5[%dma_wait3A_658, %multiple_of3A_226] : memref<16x1000000xf32, #tpu.memory_space<hbm>> -> memref<16x128xf32, #tpu.memory_space<hbm>>
      tpu.wait_dma2 semaphore(%arg10 : memref<!tpu.dma_semaphore, #tpu.memory_space<semaphore_mem>>) src(%dma_wait3A_659 : memref<16x128xf32, #tpu.memory_space<hbm>>) dst(%arg24 : memref<16x128xf32, #tpu.memory_space<vmem>>)
      %dma_wait3A_660 = arith.constant 0 : i32
      %dma_wait3A_661 = tpu.memref_slice %arg3[%dma_wait3A_660, %multiple_of3A_237] : memref<16x1000000xf32, #tpu.memory_space<hbm>> -> memref<16x128xf32, #tpu.memory_space<hbm>>
      %dma_wait3A_662 = arith.constant 0 : i32
      %dma_wait3A_663 = tpu.memref_slice %arg3[%dma_wait3A_662, %multiple_of3A_237] : memref<16x1000000xf32, #tpu.memory_space<hbm>> -> memref<16x128xf32, #tpu.memory_space<hbm>>
      tpu.wait_dma2 semaphore(%arg10 : memref<!tpu.dma_semaphore, #tpu.memory_space<semaphore_mem>>) src(%dma_wait3A_663 : memref<16x128xf32, #tpu.memory_space<hbm>>) dst(%arg25 : memref<16x128xf32, #tpu.memory_space<vmem>>)
      %dma_wait3A_664 = arith.constant 0 : i32
      %dma_wait3A_665 = tpu.memref_slice %arg3[%dma_wait3A_664, %multiple_of3A_248] : memref<16x1000000xf32, #tpu.memory_space<hbm>> -> memref<16x128xf32, #tpu.memory_space<hbm>>
      %dma_wait3A_666 = arith.constant 0 : i32
      %dma_wait3A_667 = tpu.memref_slice %arg3[%dma_wait3A_666, %multiple_of3A_248] : memref<16x1000000xf32, #tpu.memory_space<hbm>> -> memref<16x128xf32, #tpu.memory_space<hbm>>
      tpu.wait_dma2 semaphore(%arg10 : memref<!tpu.dma_semaphore, #tpu.memory_space<semaphore_mem>>) src(%dma_wait3A_667 : memref<16x128xf32, #tpu.memory_space<hbm>>) dst(%arg26 : memref<16x128xf32, #tpu.memory_space<vmem>>)
      %dma_wait3A_668 = arith.constant 0 : i32
      %dma_wait3A_669 = tpu.memref_slice %arg3[%dma_wait3A_668, %multiple_of3A_259] : memref<16x1000000xf32, #tpu.memory_space<hbm>> -> memref<16x128xf32, #tpu.memory_space<hbm>>
      %dma_wait3A_670 = arith.constant 0 : i32
      %dma_wait3A_671 = tpu.memref_slice %arg3[%dma_wait3A_670, %multiple_of3A_259] : memref<16x1000000xf32, #tpu.memory_space<hbm>> -> memref<16x128xf32, #tpu.memory_space<hbm>>
      tpu.wait_dma2 semaphore(%arg10 : memref<!tpu.dma_semaphore, #tpu.memory_space<semaphore_mem>>) src(%dma_wait3A_671 : memref<16x128xf32, #tpu.memory_space<hbm>>) dst(%arg27 : memref<16x128xf32, #tpu.memory_space<vmem>>)
      %dma_wait3A_672 = arith.constant 0 : i32
      %dma_wait3A_673 = tpu.memref_slice %arg3[%dma_wait3A_672, %multiple_of3A_270] : memref<16x1000000xf32, #tpu.memory_space<hbm>> -> memref<16x128xf32, #tpu.memory_space<hbm>>
      %dma_wait3A_674 = arith.constant 0 : i32
      %dma_wait3A_675 = tpu.memref_slice %arg3[%dma_wait3A_674, %multiple_of3A_270] : memref<16x1000000xf32, #tpu.memory_space<hbm>> -> memref<16x128xf32, #tpu.memory_space<hbm>>
      tpu.wait_dma2 semaphore(%arg10 : memref<!tpu.dma_semaphore, #tpu.memory_space<semaphore_mem>>) src(%dma_wait3A_675 : memref<16x128xf32, #tpu.memory_space<hbm>>) dst(%arg28 : memref<16x128xf32, #tpu.memory_space<vmem>>)
      %dma_wait3A_676 = arith.constant 0 : i32
      %dma_wait3A_677 = tpu.memref_slice %arg4[%dma_wait3A_676, %multiple_of3A_281] : memref<16x1000000xf32, #tpu.memory_space<hbm>> -> memref<16x128xf32, #tpu.memory_space<hbm>>
      %dma_wait3A_678 = arith.constant 0 : i32
      %dma_wait3A_679 = tpu.memref_slice %arg4[%dma_wait3A_678, %multiple_of3A_281] : memref<16x1000000xf32, #tpu.memory_space<hbm>> -> memref<16x128xf32, #tpu.memory_space<hbm>>
      tpu.wait_dma2 semaphore(%arg10 : memref<!tpu.dma_semaphore, #tpu.memory_space<semaphore_mem>>) src(%dma_wait3A_679 : memref<16x128xf32, #tpu.memory_space<hbm>>) dst(%arg29 : memref<16x128xf32, #tpu.memory_space<vmem>>)
      %dma_wait3A_680 = arith.constant 0 : i32
      %dma_wait3A_681 = tpu.memref_slice %arg5[%dma_wait3A_680, %multiple_of3A_292] : memref<16x1000000xf32, #tpu.memory_space<hbm>> -> memref<16x128xf32, #tpu.memory_space<hbm>>
      %dma_wait3A_682 = arith.constant 0 : i32
      %dma_wait3A_683 = tpu.memref_slice %arg5[%dma_wait3A_682, %multiple_of3A_292] : memref<16x1000000xf32, #tpu.memory_space<hbm>> -> memref<16x128xf32, #tpu.memory_space<hbm>>
      tpu.wait_dma2 semaphore(%arg10 : memref<!tpu.dma_semaphore, #tpu.memory_space<semaphore_mem>>) src(%dma_wait3A_683 : memref<16x128xf32, #tpu.memory_space<hbm>>) dst(%arg30 : memref<16x128xf32, #tpu.memory_space<vmem>>)
      %dma_wait3A_684 = arith.constant 0 : i32
      %dma_wait3A_685 = tpu.memref_slice %arg3[%dma_wait3A_684, %multiple_of3A_303] : memref<16x1000000xf32, #tpu.memory_space<hbm>> -> memref<16x128xf32, #tpu.memory_space<hbm>>
      %dma_wait3A_686 = arith.constant 0 : i32
      %dma_wait3A_687 = tpu.memref_slice %arg3[%dma_wait3A_686, %multiple_of3A_303] : memref<16x1000000xf32, #tpu.memory_space<hbm>> -> memref<16x128xf32, #tpu.memory_space<hbm>>
      tpu.wait_dma2 semaphore(%arg10 : memref<!tpu.dma_semaphore, #tpu.memory_space<semaphore_mem>>) src(%dma_wait3A_687 : memref<16x128xf32, #tpu.memory_space<hbm>>) dst(%arg31 : memref<16x128xf32, #tpu.memory_space<vmem>>)
      %dma_wait3A_688 = arith.constant 0 : i32
      %dma_wait3A_689 = tpu.memref_slice %arg3[%dma_wait3A_688, %multiple_of3A_314] : memref<16x1000000xf32, #tpu.memory_space<hbm>> -> memref<16x128xf32, #tpu.memory_space<hbm>>
      %dma_wait3A_690 = arith.constant 0 : i32
      %dma_wait3A_691 = tpu.memref_slice %arg3[%dma_wait3A_690, %multiple_of3A_314] : memref<16x1000000xf32, #tpu.memory_space<hbm>> -> memref<16x128xf32, #tpu.memory_space<hbm>>
      tpu.wait_dma2 semaphore(%arg10 : memref<!tpu.dma_semaphore, #tpu.memory_space<semaphore_mem>>) src(%dma_wait3A_691 : memref<16x128xf32, #tpu.memory_space<hbm>>) dst(%arg32 : memref<16x128xf32, #tpu.memory_space<vmem>>)
      %dma_wait3A_692 = arith.constant 0 : i32
      %dma_wait3A_693 = tpu.memref_slice %arg3[%dma_wait3A_692, %multiple_of3A_325] : memref<16x1000000xf32, #tpu.memory_space<hbm>> -> memref<16x128xf32, #tpu.memory_space<hbm>>
      %dma_wait3A_694 = arith.constant 0 : i32
      %dma_wait3A_695 = tpu.memref_slice %arg3[%dma_wait3A_694, %multiple_of3A_325] : memref<16x1000000xf32, #tpu.memory_space<hbm>> -> memref<16x128xf32, #tpu.memory_space<hbm>>
      tpu.wait_dma2 semaphore(%arg10 : memref<!tpu.dma_semaphore, #tpu.memory_space<semaphore_mem>>) src(%dma_wait3A_695 : memref<16x128xf32, #tpu.memory_space<hbm>>) dst(%arg33 : memref<16x128xf32, #tpu.memory_space<vmem>>)
      %dma_wait3A_696 = arith.constant 0 : i32
      %dma_wait3A_697 = tpu.memref_slice %arg3[%dma_wait3A_696, %multiple_of3A_336] : memref<16x1000000xf32, #tpu.memory_space<hbm>> -> memref<16x128xf32, #tpu.memory_space<hbm>>
      %dma_wait3A_698 = arith.constant 0 : i32
      %dma_wait3A_699 = tpu.memref_slice %arg3[%dma_wait3A_698, %multiple_of3A_336] : memref<16x1000000xf32, #tpu.memory_space<hbm>> -> memref<16x128xf32, #tpu.memory_space<hbm>>
      tpu.wait_dma2 semaphore(%arg10 : memref<!tpu.dma_semaphore, #tpu.memory_space<semaphore_mem>>) src(%dma_wait3A_699 : memref<16x128xf32, #tpu.memory_space<hbm>>) dst(%arg34 : memref<16x128xf32, #tpu.memory_space<vmem>>)
      %dma_wait3A_700 = arith.constant 0 : i32
      %dma_wait3A_701 = tpu.memref_slice %arg4[%dma_wait3A_700, %multiple_of3A_347] : memref<16x1000000xf32, #tpu.memory_space<hbm>> -> memref<16x128xf32, #tpu.memory_space<hbm>>
      %dma_wait3A_702 = arith.constant 0 : i32
      %dma_wait3A_703 = tpu.memref_slice %arg4[%dma_wait3A_702, %multiple_of3A_347] : memref<16x1000000xf32, #tpu.memory_space<hbm>> -> memref<16x128xf32, #tpu.memory_space<hbm>>
      tpu.wait_dma2 semaphore(%arg10 : memref<!tpu.dma_semaphore, #tpu.memory_space<semaphore_mem>>) src(%dma_wait3A_703 : memref<16x128xf32, #tpu.memory_space<hbm>>) dst(%arg35 : memref<16x128xf32, #tpu.memory_space<vmem>>)
      %dma_wait3A_704 = arith.constant 0 : i32
      %dma_wait3A_705 = tpu.memref_slice %arg5[%dma_wait3A_704, %multiple_of3A_358] : memref<16x1000000xf32, #tpu.memory_space<hbm>> -> memref<16x128xf32, #tpu.memory_space<hbm>>
      %dma_wait3A_706 = arith.constant 0 : i32
      %dma_wait3A_707 = tpu.memref_slice %arg5[%dma_wait3A_706, %multiple_of3A_358] : memref<16x1000000xf32, #tpu.memory_space<hbm>> -> memref<16x128xf32, #tpu.memory_space<hbm>>
      tpu.wait_dma2 semaphore(%arg10 : memref<!tpu.dma_semaphore, #tpu.memory_space<semaphore_mem>>) src(%dma_wait3A_707 : memref<16x128xf32, #tpu.memory_space<hbm>>) dst(%arg36 : memref<16x128xf32, #tpu.memory_space<vmem>>)
      %dma_wait3A_708 = arith.constant 0 : i32
      %dma_wait3A_709 = tpu.memref_slice %arg3[%dma_wait3A_708, %multiple_of3A_369] : memref<16x1000000xf32, #tpu.memory_space<hbm>> -> memref<16x128xf32, #tpu.memory_space<hbm>>
      %dma_wait3A_710 = arith.constant 0 : i32
      %dma_wait3A_711 = tpu.memref_slice %arg3[%dma_wait3A_710, %multiple_of3A_369] : memref<16x1000000xf32, #tpu.memory_space<hbm>> -> memref<16x128xf32, #tpu.memory_space<hbm>>
      tpu.wait_dma2 semaphore(%arg10 : memref<!tpu.dma_semaphore, #tpu.memory_space<semaphore_mem>>) src(%dma_wait3A_711 : memref<16x128xf32, #tpu.memory_space<hbm>>) dst(%arg37 : memref<16x128xf32, #tpu.memory_space<vmem>>)
      %dma_wait3A_712 = arith.constant 0 : i32
      %dma_wait3A_713 = tpu.memref_slice %arg3[%dma_wait3A_712, %multiple_of3A_380] : memref<16x1000000xf32, #tpu.memory_space<hbm>> -> memref<16x128xf32, #tpu.memory_space<hbm>>
      %dma_wait3A_714 = arith.constant 0 : i32
      %dma_wait3A_715 = tpu.memref_slice %arg3[%dma_wait3A_714, %multiple_of3A_380] : memref<16x1000000xf32, #tpu.memory_space<hbm>> -> memref<16x128xf32, #tpu.memory_space<hbm>>
      tpu.wait_dma2 semaphore(%arg10 : memref<!tpu.dma_semaphore, #tpu.memory_space<semaphore_mem>>) src(%dma_wait3A_715 : memref<16x128xf32, #tpu.memory_space<hbm>>) dst(%arg38 : memref<16x128xf32, #tpu.memory_space<vmem>>)
      %dma_wait3A_716 = arith.constant 0 : i32
      %dma_wait3A_717 = tpu.memref_slice %arg3[%dma_wait3A_716, %multiple_of3A_391] : memref<16x1000000xf32, #tpu.memory_space<hbm>> -> memref<16x128xf32, #tpu.memory_space<hbm>>
      %dma_wait3A_718 = arith.constant 0 : i32
      %dma_wait3A_719 = tpu.memref_slice %arg3[%dma_wait3A_718, %multiple_of3A_391] : memref<16x1000000xf32, #tpu.memory_space<hbm>> -> memref<16x128xf32, #tpu.memory_space<hbm>>
      tpu.wait_dma2 semaphore(%arg10 : memref<!tpu.dma_semaphore, #tpu.memory_space<semaphore_mem>>) src(%dma_wait3A_719 : memref<16x128xf32, #tpu.memory_space<hbm>>) dst(%arg39 : memref<16x128xf32, #tpu.memory_space<vmem>>)
      %dma_wait3A_720 = arith.constant 0 : i32
      %dma_wait3A_721 = tpu.memref_slice %arg3[%dma_wait3A_720, %multiple_of3A_402] : memref<16x1000000xf32, #tpu.memory_space<hbm>> -> memref<16x128xf32, #tpu.memory_space<hbm>>
      %dma_wait3A_722 = arith.constant 0 : i32
      %dma_wait3A_723 = tpu.memref_slice %arg3[%dma_wait3A_722, %multiple_of3A_402] : memref<16x1000000xf32, #tpu.memory_space<hbm>> -> memref<16x128xf32, #tpu.memory_space<hbm>>
      tpu.wait_dma2 semaphore(%arg10 : memref<!tpu.dma_semaphore, #tpu.memory_space<semaphore_mem>>) src(%dma_wait3A_723 : memref<16x128xf32, #tpu.memory_space<hbm>>) dst(%arg40 : memref<16x128xf32, #tpu.memory_space<vmem>>)
      %dma_wait3A_724 = arith.constant 0 : i32
      %dma_wait3A_725 = tpu.memref_slice %arg4[%dma_wait3A_724, %multiple_of3A_413] : memref<16x1000000xf32, #tpu.memory_space<hbm>> -> memref<16x128xf32, #tpu.memory_space<hbm>>
      %dma_wait3A_726 = arith.constant 0 : i32
      %dma_wait3A_727 = tpu.memref_slice %arg4[%dma_wait3A_726, %multiple_of3A_413] : memref<16x1000000xf32, #tpu.memory_space<hbm>> -> memref<16x128xf32, #tpu.memory_space<hbm>>
      tpu.wait_dma2 semaphore(%arg10 : memref<!tpu.dma_semaphore, #tpu.memory_space<semaphore_mem>>) src(%dma_wait3A_727 : memref<16x128xf32, #tpu.memory_space<hbm>>) dst(%arg41 : memref<16x128xf32, #tpu.memory_space<vmem>>)
      %dma_wait3A_728 = arith.constant 0 : i32
      %dma_wait3A_729 = tpu.memref_slice %arg5[%dma_wait3A_728, %multiple_of3A_424] : memref<16x1000000xf32, #tpu.memory_space<hbm>> -> memref<16x128xf32, #tpu.memory_space<hbm>>
      %dma_wait3A_730 = arith.constant 0 : i32
      %dma_wait3A_731 = tpu.memref_slice %arg5[%dma_wait3A_730, %multiple_of3A_424] : memref<16x1000000xf32, #tpu.memory_space<hbm>> -> memref<16x128xf32, #tpu.memory_space<hbm>>
      tpu.wait_dma2 semaphore(%arg10 : memref<!tpu.dma_semaphore, #tpu.memory_space<semaphore_mem>>) src(%dma_wait3A_731 : memref<16x128xf32, #tpu.memory_space<hbm>>) dst(%arg42 : memref<16x128xf32, #tpu.memory_space<vmem>>)
      %dma_wait3A_732 = arith.constant 0 : i32
      %dma_wait3A_733 = tpu.memref_slice %arg3[%dma_wait3A_732, %multiple_of3A_435] : memref<16x1000000xf32, #tpu.memory_space<hbm>> -> memref<16x128xf32, #tpu.memory_space<hbm>>
      %dma_wait3A_734 = arith.constant 0 : i32
      %dma_wait3A_735 = tpu.memref_slice %arg3[%dma_wait3A_734, %multiple_of3A_435] : memref<16x1000000xf32, #tpu.memory_space<hbm>> -> memref<16x128xf32, #tpu.memory_space<hbm>>
      tpu.wait_dma2 semaphore(%arg10 : memref<!tpu.dma_semaphore, #tpu.memory_space<semaphore_mem>>) src(%dma_wait3A_735 : memref<16x128xf32, #tpu.memory_space<hbm>>) dst(%arg43 : memref<16x128xf32, #tpu.memory_space<vmem>>)
      %dma_wait3A_736 = arith.constant 0 : i32
      %dma_wait3A_737 = tpu.memref_slice %arg3[%dma_wait3A_736, %multiple_of3A_446] : memref<16x1000000xf32, #tpu.memory_space<hbm>> -> memref<16x128xf32, #tpu.memory_space<hbm>>
      %dma_wait3A_738 = arith.constant 0 : i32
      %dma_wait3A_739 = tpu.memref_slice %arg3[%dma_wait3A_738, %multiple_of3A_446] : memref<16x1000000xf32, #tpu.memory_space<hbm>> -> memref<16x128xf32, #tpu.memory_space<hbm>>
      tpu.wait_dma2 semaphore(%arg10 : memref<!tpu.dma_semaphore, #tpu.memory_space<semaphore_mem>>) src(%dma_wait3A_739 : memref<16x128xf32, #tpu.memory_space<hbm>>) dst(%arg44 : memref<16x128xf32, #tpu.memory_space<vmem>>)
      %dma_wait3A_740 = arith.constant 0 : i32
      %dma_wait3A_741 = tpu.memref_slice %arg3[%dma_wait3A_740, %multiple_of3A_457] : memref<16x1000000xf32, #tpu.memory_space<hbm>> -> memref<16x128xf32, #tpu.memory_space<hbm>>
      %dma_wait3A_742 = arith.constant 0 : i32
      %dma_wait3A_743 = tpu.memref_slice %arg3[%dma_wait3A_742, %multiple_of3A_457] : memref<16x1000000xf32, #tpu.memory_space<hbm>> -> memref<16x128xf32, #tpu.memory_space<hbm>>
      tpu.wait_dma2 semaphore(%arg10 : memref<!tpu.dma_semaphore, #tpu.memory_space<semaphore_mem>>) src(%dma_wait3A_743 : memref<16x128xf32, #tpu.memory_space<hbm>>) dst(%arg45 : memref<16x128xf32, #tpu.memory_space<vmem>>)
      %dma_wait3A_744 = arith.constant 0 : i32
      %dma_wait3A_745 = tpu.memref_slice %arg3[%dma_wait3A_744, %multiple_of3A_468] : memref<16x1000000xf32, #tpu.memory_space<hbm>> -> memref<16x128xf32, #tpu.memory_space<hbm>>
      %dma_wait3A_746 = arith.constant 0 : i32
      %dma_wait3A_747 = tpu.memref_slice %arg3[%dma_wait3A_746, %multiple_of3A_468] : memref<16x1000000xf32, #tpu.memory_space<hbm>> -> memref<16x128xf32, #tpu.memory_space<hbm>>
      tpu.wait_dma2 semaphore(%arg10 : memref<!tpu.dma_semaphore, #tpu.memory_space<semaphore_mem>>) src(%dma_wait3A_747 : memref<16x128xf32, #tpu.memory_space<hbm>>) dst(%arg46 : memref<16x128xf32, #tpu.memory_space<vmem>>)
      %dma_wait3A_748 = arith.constant 0 : i32
      %dma_wait3A_749 = tpu.memref_slice %arg4[%dma_wait3A_748, %multiple_of3A_479] : memref<16x1000000xf32, #tpu.memory_space<hbm>> -> memref<16x128xf32, #tpu.memory_space<hbm>>
      %dma_wait3A_750 = arith.constant 0 : i32
      %dma_wait3A_751 = tpu.memref_slice %arg4[%dma_wait3A_750, %multiple_of3A_479] : memref<16x1000000xf32, #tpu.memory_space<hbm>> -> memref<16x128xf32, #tpu.memory_space<hbm>>
      tpu.wait_dma2 semaphore(%arg10 : memref<!tpu.dma_semaphore, #tpu.memory_space<semaphore_mem>>) src(%dma_wait3A_751 : memref<16x128xf32, #tpu.memory_space<hbm>>) dst(%arg47 : memref<16x128xf32, #tpu.memory_space<vmem>>)
      %dma_wait3A_752 = arith.constant 0 : i32
      %dma_wait3A_753 = tpu.memref_slice %arg5[%dma_wait3A_752, %multiple_of3A_490] : memref<16x1000000xf32, #tpu.memory_space<hbm>> -> memref<16x128xf32, #tpu.memory_space<hbm>>
      %dma_wait3A_754 = arith.constant 0 : i32
      %dma_wait3A_755 = tpu.memref_slice %arg5[%dma_wait3A_754, %multiple_of3A_490] : memref<16x1000000xf32, #tpu.memory_space<hbm>> -> memref<16x128xf32, #tpu.memory_space<hbm>>
      tpu.wait_dma2 semaphore(%arg10 : memref<!tpu.dma_semaphore, #tpu.memory_space<semaphore_mem>>) src(%dma_wait3A_755 : memref<16x128xf32, #tpu.memory_space<hbm>>) dst(%arg48 : memref<16x128xf32, #tpu.memory_space<vmem>>)
      %dma_wait3A_756 = arith.constant 0 : i32
      %dma_wait3A_757 = tpu.memref_slice %arg3[%dma_wait3A_756, %multiple_of3A_501] : memref<16x1000000xf32, #tpu.memory_space<hbm>> -> memref<16x128xf32, #tpu.memory_space<hbm>>
      %dma_wait3A_758 = arith.constant 0 : i32
      %dma_wait3A_759 = tpu.memref_slice %arg3[%dma_wait3A_758, %multiple_of3A_501] : memref<16x1000000xf32, #tpu.memory_space<hbm>> -> memref<16x128xf32, #tpu.memory_space<hbm>>
      tpu.wait_dma2 semaphore(%arg10 : memref<!tpu.dma_semaphore, #tpu.memory_space<semaphore_mem>>) src(%dma_wait3A_759 : memref<16x128xf32, #tpu.memory_space<hbm>>) dst(%arg49 : memref<16x128xf32, #tpu.memory_space<vmem>>)
      %dma_wait3A_760 = arith.constant 0 : i32
      %dma_wait3A_761 = tpu.memref_slice %arg3[%dma_wait3A_760, %multiple_of3A_512] : memref<16x1000000xf32, #tpu.memory_space<hbm>> -> memref<16x128xf32, #tpu.memory_space<hbm>>
      %dma_wait3A_762 = arith.constant 0 : i32
      %dma_wait3A_763 = tpu.memref_slice %arg3[%dma_wait3A_762, %multiple_of3A_512] : memref<16x1000000xf32, #tpu.memory_space<hbm>> -> memref<16x128xf32, #tpu.memory_space<hbm>>
      tpu.wait_dma2 semaphore(%arg10 : memref<!tpu.dma_semaphore, #tpu.memory_space<semaphore_mem>>) src(%dma_wait3A_763 : memref<16x128xf32, #tpu.memory_space<hbm>>) dst(%arg50 : memref<16x128xf32, #tpu.memory_space<vmem>>)
      %dma_wait3A_764 = arith.constant 0 : i32
      %dma_wait3A_765 = tpu.memref_slice %arg3[%dma_wait3A_764, %multiple_of3A_523] : memref<16x1000000xf32, #tpu.memory_space<hbm>> -> memref<16x128xf32, #tpu.memory_space<hbm>>
      %dma_wait3A_766 = arith.constant 0 : i32
      %dma_wait3A_767 = tpu.memref_slice %arg3[%dma_wait3A_766, %multiple_of3A_523] : memref<16x1000000xf32, #tpu.memory_space<hbm>> -> memref<16x128xf32, #tpu.memory_space<hbm>>
      tpu.wait_dma2 semaphore(%arg10 : memref<!tpu.dma_semaphore, #tpu.memory_space<semaphore_mem>>) src(%dma_wait3A_767 : memref<16x128xf32, #tpu.memory_space<hbm>>) dst(%arg51 : memref<16x128xf32, #tpu.memory_space<vmem>>)
      %dma_wait3A_768 = arith.constant 0 : i32
      %dma_wait3A_769 = tpu.memref_slice %arg3[%dma_wait3A_768, %multiple_of3A_534] : memref<16x1000000xf32, #tpu.memory_space<hbm>> -> memref<16x128xf32, #tpu.memory_space<hbm>>
      %dma_wait3A_770 = arith.constant 0 : i32
      %dma_wait3A_771 = tpu.memref_slice %arg3[%dma_wait3A_770, %multiple_of3A_534] : memref<16x1000000xf32, #tpu.memory_space<hbm>> -> memref<16x128xf32, #tpu.memory_space<hbm>>
      tpu.wait_dma2 semaphore(%arg10 : memref<!tpu.dma_semaphore, #tpu.memory_space<semaphore_mem>>) src(%dma_wait3A_771 : memref<16x128xf32, #tpu.memory_space<hbm>>) dst(%arg52 : memref<16x128xf32, #tpu.memory_space<vmem>>)
      %dma_wait3A_772 = arith.constant 0 : i32
      %dma_wait3A_773 = tpu.memref_slice %arg4[%dma_wait3A_772, %multiple_of3A_545] : memref<16x1000000xf32, #tpu.memory_space<hbm>> -> memref<16x128xf32, #tpu.memory_space<hbm>>
      %dma_wait3A_774 = arith.constant 0 : i32
      %dma_wait3A_775 = tpu.memref_slice %arg4[%dma_wait3A_774, %multiple_of3A_545] : memref<16x1000000xf32, #tpu.memory_space<hbm>> -> memref<16x128xf32, #tpu.memory_space<hbm>>
      tpu.wait_dma2 semaphore(%arg10 : memref<!tpu.dma_semaphore, #tpu.memory_space<semaphore_mem>>) src(%dma_wait3A_775 : memref<16x128xf32, #tpu.memory_space<hbm>>) dst(%arg53 : memref<16x128xf32, #tpu.memory_space<vmem>>)
      %dma_wait3A_776 = arith.constant 0 : i32
      %dma_wait3A_777 = tpu.memref_slice %arg5[%dma_wait3A_776, %multiple_of3A_556] : memref<16x1000000xf32, #tpu.memory_space<hbm>> -> memref<16x128xf32, #tpu.memory_space<hbm>>
      %dma_wait3A_778 = arith.constant 0 : i32
      %dma_wait3A_779 = tpu.memref_slice %arg5[%dma_wait3A_778, %multiple_of3A_556] : memref<16x1000000xf32, #tpu.memory_space<hbm>> -> memref<16x128xf32, #tpu.memory_space<hbm>>
      tpu.wait_dma2 semaphore(%arg10 : memref<!tpu.dma_semaphore, #tpu.memory_space<semaphore_mem>>) src(%dma_wait3A_779 : memref<16x128xf32, #tpu.memory_space<hbm>>) dst(%arg54 : memref<16x128xf32, #tpu.memory_space<vmem>>)
      %dma_wait3A_780 = arith.constant 0 : i32
      %dma_wait3A_781 = tpu.memref_slice %arg3[%dma_wait3A_780, %multiple_of3A_567] : memref<16x1000000xf32, #tpu.memory_space<hbm>> -> memref<16x128xf32, #tpu.memory_space<hbm>>
      %dma_wait3A_782 = arith.constant 0 : i32
      %dma_wait3A_783 = tpu.memref_slice %arg3[%dma_wait3A_782, %multiple_of3A_567] : memref<16x1000000xf32, #tpu.memory_space<hbm>> -> memref<16x128xf32, #tpu.memory_space<hbm>>
      tpu.wait_dma2 semaphore(%arg10 : memref<!tpu.dma_semaphore, #tpu.memory_space<semaphore_mem>>) src(%dma_wait3A_783 : memref<16x128xf32, #tpu.memory_space<hbm>>) dst(%arg55 : memref<16x128xf32, #tpu.memory_space<vmem>>)
      %dma_wait3A_784 = arith.constant 0 : i32
      %dma_wait3A_785 = tpu.memref_slice %arg3[%dma_wait3A_784, %multiple_of3A_578] : memref<16x1000000xf32, #tpu.memory_space<hbm>> -> memref<16x128xf32, #tpu.memory_space<hbm>>
      %dma_wait3A_786 = arith.constant 0 : i32
      %dma_wait3A_787 = tpu.memref_slice %arg3[%dma_wait3A_786, %multiple_of3A_578] : memref<16x1000000xf32, #tpu.memory_space<hbm>> -> memref<16x128xf32, #tpu.memory_space<hbm>>
      tpu.wait_dma2 semaphore(%arg10 : memref<!tpu.dma_semaphore, #tpu.memory_space<semaphore_mem>>) src(%dma_wait3A_787 : memref<16x128xf32, #tpu.memory_space<hbm>>) dst(%arg56 : memref<16x128xf32, #tpu.memory_space<vmem>>)
      %dma_wait3A_788 = arith.constant 0 : i32
      %dma_wait3A_789 = tpu.memref_slice %arg3[%dma_wait3A_788, %multiple_of3A_589] : memref<16x1000000xf32, #tpu.memory_space<hbm>> -> memref<16x128xf32, #tpu.memory_space<hbm>>
      %dma_wait3A_790 = arith.constant 0 : i32
      %dma_wait3A_791 = tpu.memref_slice %arg3[%dma_wait3A_790, %multiple_of3A_589] : memref<16x1000000xf32, #tpu.memory_space<hbm>> -> memref<16x128xf32, #tpu.memory_space<hbm>>
      tpu.wait_dma2 semaphore(%arg10 : memref<!tpu.dma_semaphore, #tpu.memory_space<semaphore_mem>>) src(%dma_wait3A_791 : memref<16x128xf32, #tpu.memory_space<hbm>>) dst(%arg57 : memref<16x128xf32, #tpu.memory_space<vmem>>)
      %dma_wait3A_792 = arith.constant 0 : i32
      %dma_wait3A_793 = tpu.memref_slice %arg3[%dma_wait3A_792, %multiple_of3A_600] : memref<16x1000000xf32, #tpu.memory_space<hbm>> -> memref<16x128xf32, #tpu.memory_space<hbm>>
      %dma_wait3A_794 = arith.constant 0 : i32
      %dma_wait3A_795 = tpu.memref_slice %arg3[%dma_wait3A_794, %multiple_of3A_600] : memref<16x1000000xf32, #tpu.memory_space<hbm>> -> memref<16x128xf32, #tpu.memory_space<hbm>>
      tpu.wait_dma2 semaphore(%arg10 : memref<!tpu.dma_semaphore, #tpu.memory_space<semaphore_mem>>) src(%dma_wait3A_795 : memref<16x128xf32, #tpu.memory_space<hbm>>) dst(%arg58 : memref<16x128xf32, #tpu.memory_space<vmem>>)
      %slice3A_796 = vector.extract_strided_slice %gather3A {offsets = [0], sizes = [1], strides = [1]} : vector<16xi32> to vector<1xi32>
      %squeeze3A_797 = vector.extract %slice3A_796[0] : i32 from vector<1xi32>
      %and3A_798 = arith.constant 127 : i32
      %and3A_799 = arith.andi %squeeze3A_797, %and3A_798 : i32
      %broadcast_in_dim3A = vector.broadcast %and3A_799 : i32 to vector<16xi32>
      %slice3A_800 = vector.extract_strided_slice %gather3A_35 {offsets = [0], sizes = [1], strides = [1]} : vector<16xi32> to vector<1xi32>
      %squeeze3A_801 = vector.extract %slice3A_800[0] : i32 from vector<1xi32>
      %and3A_802 = arith.constant 127 : i32
      %and3A_803 = arith.andi %squeeze3A_801, %and3A_802 : i32
      %broadcast_in_dim3A_804 = vector.broadcast %and3A_803 : i32 to vector<16xi32>
      %slice3A_805 = vector.extract_strided_slice %gather3A_50 {offsets = [0], sizes = [1], strides = [1]} : vector<16xi32> to vector<1xi32>
      %squeeze3A_806 = vector.extract %slice3A_805[0] : i32 from vector<1xi32>
      %and3A_807 = arith.constant 127 : i32
      %and3A_808 = arith.andi %squeeze3A_806, %and3A_807 : i32
      %broadcast_in_dim3A_809 = vector.broadcast %and3A_808 : i32 to vector<16xi32>
      %slice3A_810 = vector.extract_strided_slice %gather3A_65 {offsets = [0], sizes = [1], strides = [1]} : vector<16xi32> to vector<1xi32>
      %squeeze3A_811 = vector.extract %slice3A_810[0] : i32 from vector<1xi32>
      %and3A_812 = arith.constant 127 : i32
      %and3A_813 = arith.andi %squeeze3A_811, %and3A_812 : i32
      %broadcast_in_dim3A_814 = vector.broadcast %and3A_813 : i32 to vector<16xi32>
      %slice3A_815 = vector.extract_strided_slice %gather3A_80 {offsets = [0], sizes = [1], strides = [1]} : vector<16xi32> to vector<1xi32>
      %squeeze3A_816 = vector.extract %slice3A_815[0] : i32 from vector<1xi32>
      %and3A_817 = arith.constant 127 : i32
      %and3A_818 = arith.andi %squeeze3A_816, %and3A_817 : i32
      %broadcast_in_dim3A_819 = vector.broadcast %and3A_818 : i32 to vector<16xi32>
      %gather3A_820 = tpu.vector_load_idx %arg11[%iota3A, %broadcast_in_dim3A] : memref<16x128xf32, #tpu.memory_space<vmem>>[vector<16xi32>, vector<16xi32>], vector<16xf32>,
      %gather3A_821 = tpu.vector_load_idx %arg12[%iota3A, %broadcast_in_dim3A] : memref<16x128xf32, #tpu.memory_space<vmem>>[vector<16xi32>, vector<16xi32>], vector<16xf32>,
      %gather3A_822 = tpu.vector_load_idx %arg13[%iota3A, %broadcast_in_dim3A_804] : memref<16x128xf32, #tpu.memory_space<vmem>>[vector<16xi32>, vector<16xi32>], vector<16xf32>,
      %gather3A_823 = tpu.vector_load_idx %arg14[%iota3A, %broadcast_in_dim3A_809] : memref<16x128xf32, #tpu.memory_space<vmem>>[vector<16xi32>, vector<16xi32>], vector<16xf32>,
      %gather3A_824 = tpu.vector_load_idx %arg15[%iota3A, %broadcast_in_dim3A_814] : memref<16x128xf32, #tpu.memory_space<vmem>>[vector<16xi32>, vector<16xi32>], vector<16xf32>,
      %gather3A_825 = tpu.vector_load_idx %arg16[%iota3A, %broadcast_in_dim3A_819] : memref<16x128xf32, #tpu.memory_space<vmem>>[vector<16xi32>, vector<16xi32>], vector<16xf32>,
      %sub3A = arith.subf %gather3A_825, %gather3A_824 : vector<16xf32>
      %sub3A_826 = arith.subf %sub3A, %gather3A_823 : vector<16xf32>
      %add3A_827 = arith.addf %sub3A_826, %gather3A_822 : vector<16xf32>
      %mul3A_828 = arith.mulf %add3A_827, %gather3A_820 : vector<16xf32>
      %mul3A_829 = arith.mulf %gather3A_824, %gather3A_825 : vector<16xf32>
      %mul3A_830 = arith.mulf %gather3A_822, %gather3A_823 : vector<16xf32>
      %sub3A_831 = arith.subf %mul3A_829, %mul3A_830 : vector<16xf32>
      %mul3A_832 = arith.mulf %sub3A_831, %gather3A_821 : vector<16xf32>
      %add3A_833 = arith.addf %mul3A_828, %mul3A_832 : vector<16xf32>
      %mul3A_834 = arith.constant 16 : i32
      %mul3A_835 = vector.broadcast %mul3A_834 : i32 to vector<16xi32>
      %mul3A_836 = arith.muli %iota3A, %mul3A_835 : vector<16xi32>
      %add3A_837 = arith.constant 0 : i32
      %add3A_838 = vector.broadcast %add3A_837 : i32 to vector<16xi32>
      %add3A_839 = arith.addi %mul3A_836, %add3A_838 : vector<16xi32>
      tpu.vector_store_idx %arg8[%add3A_839], %add3A_833 : memref<256xf32, #tpu.memory_space<vmem>>[vector<16xi32>], vector<16xf32>,
      %slice3A_840 = vector.extract_strided_slice %gather3A {offsets = [1], sizes = [1], strides = [1]} : vector<16xi32> to vector<1xi32>
      %squeeze3A_841 = vector.extract %slice3A_840[0] : i32 from vector<1xi32>
      %and3A_842 = arith.constant 127 : i32
      %and3A_843 = arith.andi %squeeze3A_841, %and3A_842 : i32
      %broadcast_in_dim3A_844 = vector.broadcast %and3A_843 : i32 to vector<16xi32>
      %slice3A_845 = vector.extract_strided_slice %gather3A_35 {offsets = [1], sizes = [1], strides = [1]} : vector<16xi32> to vector<1xi32>
      %squeeze3A_846 = vector.extract %slice3A_845[0] : i32 from vector<1xi32>
      %and3A_847 = arith.constant 127 : i32
      %and3A_848 = arith.andi %squeeze3A_846, %and3A_847 : i32
      %broadcast_in_dim3A_849 = vector.broadcast %and3A_848 : i32 to vector<16xi32>
      %slice3A_850 = vector.extract_strided_slice %gather3A_50 {offsets = [1], sizes = [1], strides = [1]} : vector<16xi32> to vector<1xi32>
      %squeeze3A_851 = vector.extract %slice3A_850[0] : i32 from vector<1xi32>
      %and3A_852 = arith.constant 127 : i32
      %and3A_853 = arith.andi %squeeze3A_851, %and3A_852 : i32
      %broadcast_in_dim3A_854 = vector.broadcast %and3A_853 : i32 to vector<16xi32>
      %slice3A_855 = vector.extract_strided_slice %gather3A_65 {offsets = [1], sizes = [1], strides = [1]} : vector<16xi32> to vector<1xi32>
      %squeeze3A_856 = vector.extract %slice3A_855[0] : i32 from vector<1xi32>
      %and3A_857 = arith.constant 127 : i32
      %and3A_858 = arith.andi %squeeze3A_856, %and3A_857 : i32
      %broadcast_in_dim3A_859 = vector.broadcast %and3A_858 : i32 to vector<16xi32>
      %slice3A_860 = vector.extract_strided_slice %gather3A_80 {offsets = [1], sizes = [1], strides = [1]} : vector<16xi32> to vector<1xi32>
      %squeeze3A_861 = vector.extract %slice3A_860[0] : i32 from vector<1xi32>
      %and3A_862 = arith.constant 127 : i32
      %and3A_863 = arith.andi %squeeze3A_861, %and3A_862 : i32
      %broadcast_in_dim3A_864 = vector.broadcast %and3A_863 : i32 to vector<16xi32>
      %gather3A_865 = tpu.vector_load_idx %arg17[%iota3A, %broadcast_in_dim3A_844] : memref<16x128xf32, #tpu.memory_space<vmem>>[vector<16xi32>, vector<16xi32>], vector<16xf32>,
      %gather3A_866 = tpu.vector_load_idx %arg18[%iota3A, %broadcast_in_dim3A_844] : memref<16x128xf32, #tpu.memory_space<vmem>>[vector<16xi32>, vector<16xi32>], vector<16xf32>,
      %gather3A_867 = tpu.vector_load_idx %arg19[%iota3A, %broadcast_in_dim3A_849] : memref<16x128xf32, #tpu.memory_space<vmem>>[vector<16xi32>, vector<16xi32>], vector<16xf32>,
      %gather3A_868 = tpu.vector_load_idx %arg20[%iota3A, %broadcast_in_dim3A_854] : memref<16x128xf32, #tpu.memory_space<vmem>>[vector<16xi32>, vector<16xi32>], vector<16xf32>,
      %gather3A_869 = tpu.vector_load_idx %arg21[%iota3A, %broadcast_in_dim3A_859] : memref<16x128xf32, #tpu.memory_space<vmem>>[vector<16xi32>, vector<16xi32>], vector<16xf32>,
      %gather3A_870 = tpu.vector_load_idx %arg22[%iota3A, %broadcast_in_dim3A_864] : memref<16x128xf32, #tpu.memory_space<vmem>>[vector<16xi32>, vector<16xi32>], vector<16xf32>,
      %sub3A_871 = arith.subf %gather3A_870, %gather3A_869 : vector<16xf32>
      %sub3A_872 = arith.subf %sub3A_871, %gather3A_868 : vector<16xf32>
      %add3A_873 = arith.addf %sub3A_872, %gather3A_867 : vector<16xf32>
      %mul3A_874 = arith.mulf %add3A_873, %gather3A_865 : vector<16xf32>
      %mul3A_875 = arith.mulf %gather3A_869, %gather3A_870 : vector<16xf32>
      %mul3A_876 = arith.mulf %gather3A_867, %gather3A_868 : vector<16xf32>
      %sub3A_877 = arith.subf %mul3A_875, %mul3A_876 : vector<16xf32>
      %mul3A_878 = arith.mulf %sub3A_877, %gather3A_866 : vector<16xf32>
      %add3A_879 = arith.addf %mul3A_874, %mul3A_878 : vector<16xf32>
      %mul3A_880 = arith.constant 16 : i32
      %mul3A_881 = vector.broadcast %mul3A_880 : i32 to vector<16xi32>
      %mul3A_882 = arith.muli %iota3A, %mul3A_881 : vector<16xi32>
      %add3A_883 = arith.constant 1 : i32
      %add3A_884 = vector.broadcast %add3A_883 : i32 to vector<16xi32>
      %add3A_885 = arith.addi %mul3A_882, %add3A_884 : vector<16xi32>
      tpu.vector_store_idx %arg8[%add3A_885], %add3A_879 : memref<256xf32, #tpu.memory_space<vmem>>[vector<16xi32>], vector<16xf32>,
      %slice3A_886 = vector.extract_strided_slice %gather3A {offsets = [2], sizes = [1], strides = [1]} : vector<16xi32> to vector<1xi32>
      %squeeze3A_887 = vector.extract %slice3A_886[0] : i32 from vector<1xi32>
      %and3A_888 = arith.constant 127 : i32
      %and3A_889 = arith.andi %squeeze3A_887, %and3A_888 : i32
      %broadcast_in_dim3A_890 = vector.broadcast %and3A_889 : i32 to vector<16xi32>
      %slice3A_891 = vector.extract_strided_slice %gather3A_35 {offsets = [2], sizes = [1], strides = [1]} : vector<16xi32> to vector<1xi32>
      %squeeze3A_892 = vector.extract %slice3A_891[0] : i32 from vector<1xi32>
      %and3A_893 = arith.constant 127 : i32
      %and3A_894 = arith.andi %squeeze3A_892, %and3A_893 : i32
      %broadcast_in_dim3A_895 = vector.broadcast %and3A_894 : i32 to vector<16xi32>
      %slice3A_896 = vector.extract_strided_slice %gather3A_50 {offsets = [2], sizes = [1], strides = [1]} : vector<16xi32> to vector<1xi32>
      %squeeze3A_897 = vector.extract %slice3A_896[0] : i32 from vector<1xi32>
      %and3A_898 = arith.constant 127 : i32
      %and3A_899 = arith.andi %squeeze3A_897, %and3A_898 : i32
      %broadcast_in_dim3A_900 = vector.broadcast %and3A_899 : i32 to vector<16xi32>
      %slice3A_901 = vector.extract_strided_slice %gather3A_65 {offsets = [2], sizes = [1], strides = [1]} : vector<16xi32> to vector<1xi32>
      %squeeze3A_902 = vector.extract %slice3A_901[0] : i32 from vector<1xi32>
      %and3A_903 = arith.constant 127 : i32
      %and3A_904 = arith.andi %squeeze3A_902, %and3A_903 : i32
      %broadcast_in_dim3A_905 = vector.broadcast %and3A_904 : i32 to vector<16xi32>
      %slice3A_906 = vector.extract_strided_slice %gather3A_80 {offsets = [2], sizes = [1], strides = [1]} : vector<16xi32> to vector<1xi32>
      %squeeze3A_907 = vector.extract %slice3A_906[0] : i32 from vector<1xi32>
      %and3A_908 = arith.constant 127 : i32
      %and3A_909 = arith.andi %squeeze3A_907, %and3A_908 : i32
      %broadcast_in_dim3A_910 = vector.broadcast %and3A_909 : i32 to vector<16xi32>
      %gather3A_911 = tpu.vector_load_idx %arg23[%iota3A, %broadcast_in_dim3A_890] : memref<16x128xf32, #tpu.memory_space<vmem>>[vector<16xi32>, vector<16xi32>], vector<16xf32>,
      %gather3A_912 = tpu.vector_load_idx %arg24[%iota3A, %broadcast_in_dim3A_890] : memref<16x128xf32, #tpu.memory_space<vmem>>[vector<16xi32>, vector<16xi32>], vector<16xf32>,
      %gather3A_913 = tpu.vector_load_idx %arg25[%iota3A, %broadcast_in_dim3A_895] : memref<16x128xf32, #tpu.memory_space<vmem>>[vector<16xi32>, vector<16xi32>], vector<16xf32>,
      %gather3A_914 = tpu.vector_load_idx %arg26[%iota3A, %broadcast_in_dim3A_900] : memref<16x128xf32, #tpu.memory_space<vmem>>[vector<16xi32>, vector<16xi32>], vector<16xf32>,
      %gather3A_915 = tpu.vector_load_idx %arg27[%iota3A, %broadcast_in_dim3A_905] : memref<16x128xf32, #tpu.memory_space<vmem>>[vector<16xi32>, vector<16xi32>], vector<16xf32>,
      %gather3A_916 = tpu.vector_load_idx %arg28[%iota3A, %broadcast_in_dim3A_910] : memref<16x128xf32, #tpu.memory_space<vmem>>[vector<16xi32>, vector<16xi32>], vector<16xf32>,
      %sub3A_917 = arith.subf %gather3A_916, %gather3A_915 : vector<16xf32>
      %sub3A_918 = arith.subf %sub3A_917, %gather3A_914 : vector<16xf32>
      %add3A_919 = arith.addf %sub3A_918, %gather3A_913 : vector<16xf32>
      %mul3A_920 = arith.mulf %add3A_919, %gather3A_911 : vector<16xf32>
      %mul3A_921 = arith.mulf %gather3A_915, %gather3A_916 : vector<16xf32>
      %mul3A_922 = arith.mulf %gather3A_913, %gather3A_914 : vector<16xf32>
      %sub3A_923 = arith.subf %mul3A_921, %mul3A_922 : vector<16xf32>
      %mul3A_924 = arith.mulf %sub3A_923, %gather3A_912 : vector<16xf32>
      %add3A_925 = arith.addf %mul3A_920, %mul3A_924 : vector<16xf32>
      %mul3A_926 = arith.constant 16 : i32
      %mul3A_927 = vector.broadcast %mul3A_926 : i32 to vector<16xi32>
      %mul3A_928 = arith.muli %iota3A, %mul3A_927 : vector<16xi32>
      %add3A_929 = arith.constant 2 : i32
      %add3A_930 = vector.broadcast %add3A_929 : i32 to vector<16xi32>
      %add3A_931 = arith.addi %mul3A_928, %add3A_930 : vector<16xi32>
      tpu.vector_store_idx %arg8[%add3A_931], %add3A_925 : memref<256xf32, #tpu.memory_space<vmem>>[vector<16xi32>], vector<16xf32>,
      %slice3A_932 = vector.extract_strided_slice %gather3A {offsets = [3], sizes = [1], strides = [1]} : vector<16xi32> to vector<1xi32>
      %squeeze3A_933 = vector.extract %slice3A_932[0] : i32 from vector<1xi32>
      %and3A_934 = arith.constant 127 : i32
      %and3A_935 = arith.andi %squeeze3A_933, %and3A_934 : i32
      %broadcast_in_dim3A_936 = vector.broadcast %and3A_935 : i32 to vector<16xi32>
      %slice3A_937 = vector.extract_strided_slice %gather3A_35 {offsets = [3], sizes = [1], strides = [1]} : vector<16xi32> to vector<1xi32>
      %squeeze3A_938 = vector.extract %slice3A_937[0] : i32 from vector<1xi32>
      %and3A_939 = arith.constant 127 : i32
      %and3A_940 = arith.andi %squeeze3A_938, %and3A_939 : i32
      %broadcast_in_dim3A_941 = vector.broadcast %and3A_940 : i32 to vector<16xi32>
      %slice3A_942 = vector.extract_strided_slice %gather3A_50 {offsets = [3], sizes = [1], strides = [1]} : vector<16xi32> to vector<1xi32>
      %squeeze3A_943 = vector.extract %slice3A_942[0] : i32 from vector<1xi32>
      %and3A_944 = arith.constant 127 : i32
      %and3A_945 = arith.andi %squeeze3A_943, %and3A_944 : i32
      %broadcast_in_dim3A_946 = vector.broadcast %and3A_945 : i32 to vector<16xi32>
      %slice3A_947 = vector.extract_strided_slice %gather3A_65 {offsets = [3], sizes = [1], strides = [1]} : vector<16xi32> to vector<1xi32>
      %squeeze3A_948 = vector.extract %slice3A_947[0] : i32 from vector<1xi32>
      %and3A_949 = arith.constant 127 : i32
      %and3A_950 = arith.andi %squeeze3A_948, %and3A_949 : i32
      %broadcast_in_dim3A_951 = vector.broadcast %and3A_950 : i32 to vector<16xi32>
      %slice3A_952 = vector.extract_strided_slice %gather3A_80 {offsets = [3], sizes = [1], strides = [1]} : vector<16xi32> to vector<1xi32>
      %squeeze3A_953 = vector.extract %slice3A_952[0] : i32 from vector<1xi32>
      %and3A_954 = arith.constant 127 : i32
      %and3A_955 = arith.andi %squeeze3A_953, %and3A_954 : i32
      %broadcast_in_dim3A_956 = vector.broadcast %and3A_955 : i32 to vector<16xi32>
      %gather3A_957 = tpu.vector_load_idx %arg29[%iota3A, %broadcast_in_dim3A_936] : memref<16x128xf32, #tpu.memory_space<vmem>>[vector<16xi32>, vector<16xi32>], vector<16xf32>,
      %gather3A_958 = tpu.vector_load_idx %arg30[%iota3A, %broadcast_in_dim3A_936] : memref<16x128xf32, #tpu.memory_space<vmem>>[vector<16xi32>, vector<16xi32>], vector<16xf32>,
      %gather3A_959 = tpu.vector_load_idx %arg31[%iota3A, %broadcast_in_dim3A_941] : memref<16x128xf32, #tpu.memory_space<vmem>>[vector<16xi32>, vector<16xi32>], vector<16xf32>,
      %gather3A_960 = tpu.vector_load_idx %arg32[%iota3A, %broadcast_in_dim3A_946] : memref<16x128xf32, #tpu.memory_space<vmem>>[vector<16xi32>, vector<16xi32>], vector<16xf32>,
      %gather3A_961 = tpu.vector_load_idx %arg33[%iota3A, %broadcast_in_dim3A_951] : memref<16x128xf32, #tpu.memory_space<vmem>>[vector<16xi32>, vector<16xi32>], vector<16xf32>,
      %gather3A_962 = tpu.vector_load_idx %arg34[%iota3A, %broadcast_in_dim3A_956] : memref<16x128xf32, #tpu.memory_space<vmem>>[vector<16xi32>, vector<16xi32>], vector<16xf32>,
      %sub3A_963 = arith.subf %gather3A_962, %gather3A_961 : vector<16xf32>
      %sub3A_964 = arith.subf %sub3A_963, %gather3A_960 : vector<16xf32>
      %add3A_965 = arith.addf %sub3A_964, %gather3A_959 : vector<16xf32>
      %mul3A_966 = arith.mulf %add3A_965, %gather3A_957 : vector<16xf32>
      %mul3A_967 = arith.mulf %gather3A_961, %gather3A_962 : vector<16xf32>
      %mul3A_968 = arith.mulf %gather3A_959, %gather3A_960 : vector<16xf32>
      %sub3A_969 = arith.subf %mul3A_967, %mul3A_968 : vector<16xf32>
      %mul3A_970 = arith.mulf %sub3A_969, %gather3A_958 : vector<16xf32>
      %add3A_971 = arith.addf %mul3A_966, %mul3A_970 : vector<16xf32>
      %mul3A_972 = arith.constant 16 : i32
      %mul3A_973 = vector.broadcast %mul3A_972 : i32 to vector<16xi32>
      %mul3A_974 = arith.muli %iota3A, %mul3A_973 : vector<16xi32>
      %add3A_975 = arith.constant 3 : i32
      %add3A_976 = vector.broadcast %add3A_975 : i32 to vector<16xi32>
      %add3A_977 = arith.addi %mul3A_974, %add3A_976 : vector<16xi32>
      tpu.vector_store_idx %arg8[%add3A_977], %add3A_971 : memref<256xf32, #tpu.memory_space<vmem>>[vector<16xi32>], vector<16xf32>,
      %slice3A_978 = vector.extract_strided_slice %gather3A {offsets = [4], sizes = [1], strides = [1]} : vector<16xi32> to vector<1xi32>
      %squeeze3A_979 = vector.extract %slice3A_978[0] : i32 from vector<1xi32>
      %and3A_980 = arith.constant 127 : i32
      %and3A_981 = arith.andi %squeeze3A_979, %and3A_980 : i32
      %broadcast_in_dim3A_982 = vector.broadcast %and3A_981 : i32 to vector<16xi32>
      %slice3A_983 = vector.extract_strided_slice %gather3A_35 {offsets = [4], sizes = [1], strides = [1]} : vector<16xi32> to vector<1xi32>
      %squeeze3A_984 = vector.extract %slice3A_983[0] : i32 from vector<1xi32>
      %and3A_985 = arith.constant 127 : i32
      %and3A_986 = arith.andi %squeeze3A_984, %and3A_985 : i32
      %broadcast_in_dim3A_987 = vector.broadcast %and3A_986 : i32 to vector<16xi32>
      %slice3A_988 = vector.extract_strided_slice %gather3A_50 {offsets = [4], sizes = [1], strides = [1]} : vector<16xi32> to vector<1xi32>
      %squeeze3A_989 = vector.extract %slice3A_988[0] : i32 from vector<1xi32>
      %and3A_990 = arith.constant 127 : i32
      %and3A_991 = arith.andi %squeeze3A_989, %and3A_990 : i32
      %broadcast_in_dim3A_992 = vector.broadcast %and3A_991 : i32 to vector<16xi32>
      %slice3A_993 = vector.extract_strided_slice %gather3A_65 {offsets = [4], sizes = [1], strides = [1]} : vector<16xi32> to vector<1xi32>
      %squeeze3A_994 = vector.extract %slice3A_993[0] : i32 from vector<1xi32>
      %and3A_995 = arith.constant 127 : i32
      %and3A_996 = arith.andi %squeeze3A_994, %and3A_995 : i32
      %broadcast_in_dim3A_997 = vector.broadcast %and3A_996 : i32 to vector<16xi32>
      %slice3A_998 = vector.extract_strided_slice %gather3A_80 {offsets = [4], sizes = [1], strides = [1]} : vector<16xi32> to vector<1xi32>
      %squeeze3A_999 = vector.extract %slice3A_998[0] : i32 from vector<1xi32>
      %and3A_1000 = arith.constant 127 : i32
      %and3A_1001 = arith.andi %squeeze3A_999, %and3A_1000 : i32
      %broadcast_in_dim3A_1002 = vector.broadcast %and3A_1001 : i32 to vector<16xi32>
      %gather3A_1003 = tpu.vector_load_idx %arg35[%iota3A, %broadcast_in_dim3A_982] : memref<16x128xf32, #tpu.memory_space<vmem>>[vector<16xi32>, vector<16xi32>], vector<16xf32>,
      %gather3A_1004 = tpu.vector_load_idx %arg36[%iota3A, %broadcast_in_dim3A_982] : memref<16x128xf32, #tpu.memory_space<vmem>>[vector<16xi32>, vector<16xi32>], vector<16xf32>,
      %gather3A_1005 = tpu.vector_load_idx %arg37[%iota3A, %broadcast_in_dim3A_987] : memref<16x128xf32, #tpu.memory_space<vmem>>[vector<16xi32>, vector<16xi32>], vector<16xf32>,
      %gather3A_1006 = tpu.vector_load_idx %arg38[%iota3A, %broadcast_in_dim3A_992] : memref<16x128xf32, #tpu.memory_space<vmem>>[vector<16xi32>, vector<16xi32>], vector<16xf32>,
      %gather3A_1007 = tpu.vector_load_idx %arg39[%iota3A, %broadcast_in_dim3A_997] : memref<16x128xf32, #tpu.memory_space<vmem>>[vector<16xi32>, vector<16xi32>], vector<16xf32>,
      %gather3A_1008 = tpu.vector_load_idx %arg40[%iota3A, %broadcast_in_dim3A_1002] : memref<16x128xf32, #tpu.memory_space<vmem>>[vector<16xi32>, vector<16xi32>], vector<16xf32>,
      %sub3A_1009 = arith.subf %gather3A_1008, %gather3A_1007 : vector<16xf32>
      %sub3A_1010 = arith.subf %sub3A_1009, %gather3A_1006 : vector<16xf32>
      %add3A_1011 = arith.addf %sub3A_1010, %gather3A_1005 : vector<16xf32>
      %mul3A_1012 = arith.mulf %add3A_1011, %gather3A_1003 : vector<16xf32>
      %mul3A_1013 = arith.mulf %gather3A_1007, %gather3A_1008 : vector<16xf32>
      %mul3A_1014 = arith.mulf %gather3A_1005, %gather3A_1006 : vector<16xf32>
      %sub3A_1015 = arith.subf %mul3A_1013, %mul3A_1014 : vector<16xf32>
      %mul3A_1016 = arith.mulf %sub3A_1015, %gather3A_1004 : vector<16xf32>
      %add3A_1017 = arith.addf %mul3A_1012, %mul3A_1016 : vector<16xf32>
      %mul3A_1018 = arith.constant 16 : i32
      %mul3A_1019 = vector.broadcast %mul3A_1018 : i32 to vector<16xi32>
      %mul3A_1020 = arith.muli %iota3A, %mul3A_1019 : vector<16xi32>
      %add3A_1021 = arith.constant 4 : i32
      %add3A_1022 = vector.broadcast %add3A_1021 : i32 to vector<16xi32>
      %add3A_1023 = arith.addi %mul3A_1020, %add3A_1022 : vector<16xi32>
      tpu.vector_store_idx %arg8[%add3A_1023], %add3A_1017 : memref<256xf32, #tpu.memory_space<vmem>>[vector<16xi32>], vector<16xf32>,
      %slice3A_1024 = vector.extract_strided_slice %gather3A {offsets = [5], sizes = [1], strides = [1]} : vector<16xi32> to vector<1xi32>
      %squeeze3A_1025 = vector.extract %slice3A_1024[0] : i32 from vector<1xi32>
      %and3A_1026 = arith.constant 127 : i32
      %and3A_1027 = arith.andi %squeeze3A_1025, %and3A_1026 : i32
      %broadcast_in_dim3A_1028 = vector.broadcast %and3A_1027 : i32 to vector<16xi32>
      %slice3A_1029 = vector.extract_strided_slice %gather3A_35 {offsets = [5], sizes = [1], strides = [1]} : vector<16xi32> to vector<1xi32>
      %squeeze3A_1030 = vector.extract %slice3A_1029[0] : i32 from vector<1xi32>
      %and3A_1031 = arith.constant 127 : i32
      %and3A_1032 = arith.andi %squeeze3A_1030, %and3A_1031 : i32
      %broadcast_in_dim3A_1033 = vector.broadcast %and3A_1032 : i32 to vector<16xi32>
      %slice3A_1034 = vector.extract_strided_slice %gather3A_50 {offsets = [5], sizes = [1], strides = [1]} : vector<16xi32> to vector<1xi32>
      %squeeze3A_1035 = vector.extract %slice3A_1034[0] : i32 from vector<1xi32>
      %and3A_1036 = arith.constant 127 : i32
      %and3A_1037 = arith.andi %squeeze3A_1035, %and3A_1036 : i32
      %broadcast_in_dim3A_1038 = vector.broadcast %and3A_1037 : i32 to vector<16xi32>
      %slice3A_1039 = vector.extract_strided_slice %gather3A_65 {offsets = [5], sizes = [1], strides = [1]} : vector<16xi32> to vector<1xi32>
      %squeeze3A_1040 = vector.extract %slice3A_1039[0] : i32 from vector<1xi32>
      %and3A_1041 = arith.constant 127 : i32
      %and3A_1042 = arith.andi %squeeze3A_1040, %and3A_1041 : i32
      %broadcast_in_dim3A_1043 = vector.broadcast %and3A_1042 : i32 to vector<16xi32>
      %slice3A_1044 = vector.extract_strided_slice %gather3A_80 {offsets = [5], sizes = [1], strides = [1]} : vector<16xi32> to vector<1xi32>
      %squeeze3A_1045 = vector.extract %slice3A_1044[0] : i32 from vector<1xi32>
      %and3A_1046 = arith.constant 127 : i32
      %and3A_1047 = arith.andi %squeeze3A_1045, %and3A_1046 : i32
      %broadcast_in_dim3A_1048 = vector.broadcast %and3A_1047 : i32 to vector<16xi32>
      %gather3A_1049 = tpu.vector_load_idx %arg41[%iota3A, %broadcast_in_dim3A_1028] : memref<16x128xf32, #tpu.memory_space<vmem>>[vector<16xi32>, vector<16xi32>], vector<16xf32>,
      %gather3A_1050 = tpu.vector_load_idx %arg42[%iota3A, %broadcast_in_dim3A_1028] : memref<16x128xf32, #tpu.memory_space<vmem>>[vector<16xi32>, vector<16xi32>], vector<16xf32>,
      %gather3A_1051 = tpu.vector_load_idx %arg43[%iota3A, %broadcast_in_dim3A_1033] : memref<16x128xf32, #tpu.memory_space<vmem>>[vector<16xi32>, vector<16xi32>], vector<16xf32>,
      %gather3A_1052 = tpu.vector_load_idx %arg44[%iota3A, %broadcast_in_dim3A_1038] : memref<16x128xf32, #tpu.memory_space<vmem>>[vector<16xi32>, vector<16xi32>], vector<16xf32>,
      %gather3A_1053 = tpu.vector_load_idx %arg45[%iota3A, %broadcast_in_dim3A_1043] : memref<16x128xf32, #tpu.memory_space<vmem>>[vector<16xi32>, vector<16xi32>], vector<16xf32>,
      %gather3A_1054 = tpu.vector_load_idx %arg46[%iota3A, %broadcast_in_dim3A_1048] : memref<16x128xf32, #tpu.memory_space<vmem>>[vector<16xi32>, vector<16xi32>], vector<16xf32>,
      %sub3A_1055 = arith.subf %gather3A_1054, %gather3A_1053 : vector<16xf32>
      %sub3A_1056 = arith.subf %sub3A_1055, %gather3A_1052 : vector<16xf32>
      %add3A_1057 = arith.addf %sub3A_1056, %gather3A_1051 : vector<16xf32>
      %mul3A_1058 = arith.mulf %add3A_1057, %gather3A_1049 : vector<16xf32>
      %mul3A_1059 = arith.mulf %gather3A_1053, %gather3A_1054 : vector<16xf32>
      %mul3A_1060 = arith.mulf %gather3A_1051, %gather3A_1052 : vector<16xf32>
      %sub3A_1061 = arith.subf %mul3A_1059, %mul3A_1060 : vector<16xf32>
      %mul3A_1062 = arith.mulf %sub3A_1061, %gather3A_1050 : vector<16xf32>
      %add3A_1063 = arith.addf %mul3A_1058, %mul3A_1062 : vector<16xf32>
      %mul3A_1064 = arith.constant 16 : i32
      %mul3A_1065 = vector.broadcast %mul3A_1064 : i32 to vector<16xi32>
      %mul3A_1066 = arith.muli %iota3A, %mul3A_1065 : vector<16xi32>
      %add3A_1067 = arith.constant 5 : i32
      %add3A_1068 = vector.broadcast %add3A_1067 : i32 to vector<16xi32>
      %add3A_1069 = arith.addi %mul3A_1066, %add3A_1068 : vector<16xi32>
      tpu.vector_store_idx %arg8[%add3A_1069], %add3A_1063 : memref<256xf32, #tpu.memory_space<vmem>>[vector<16xi32>], vector<16xf32>,
      %slice3A_1070 = vector.extract_strided_slice %gather3A {offsets = [6], sizes = [1], strides = [1]} : vector<16xi32> to vector<1xi32>
      %squeeze3A_1071 = vector.extract %slice3A_1070[0] : i32 from vector<1xi32>
      %and3A_1072 = arith.constant 127 : i32
      %and3A_1073 = arith.andi %squeeze3A_1071, %and3A_1072 : i32
      %broadcast_in_dim3A_1074 = vector.broadcast %and3A_1073 : i32 to vector<16xi32>
      %slice3A_1075 = vector.extract_strided_slice %gather3A_35 {offsets = [6], sizes = [1], strides = [1]} : vector<16xi32> to vector<1xi32>
      %squeeze3A_1076 = vector.extract %slice3A_1075[0] : i32 from vector<1xi32>
      %and3A_1077 = arith.constant 127 : i32
      %and3A_1078 = arith.andi %squeeze3A_1076, %and3A_1077 : i32
      %broadcast_in_dim3A_1079 = vector.broadcast %and3A_1078 : i32 to vector<16xi32>
      %slice3A_1080 = vector.extract_strided_slice %gather3A_50 {offsets = [6], sizes = [1], strides = [1]} : vector<16xi32> to vector<1xi32>
      %squeeze3A_1081 = vector.extract %slice3A_1080[0] : i32 from vector<1xi32>
      %and3A_1082 = arith.constant 127 : i32
      %and3A_1083 = arith.andi %squeeze3A_1081, %and3A_1082 : i32
      %broadcast_in_dim3A_1084 = vector.broadcast %and3A_1083 : i32 to vector<16xi32>
      %slice3A_1085 = vector.extract_strided_slice %gather3A_65 {offsets = [6], sizes = [1], strides = [1]} : vector<16xi32> to vector<1xi32>
      %squeeze3A_1086 = vector.extract %slice3A_1085[0] : i32 from vector<1xi32>
      %and3A_1087 = arith.constant 127 : i32
      %and3A_1088 = arith.andi %squeeze3A_1086, %and3A_1087 : i32
      %broadcast_in_dim3A_1089 = vector.broadcast %and3A_1088 : i32 to vector<16xi32>
      %slice3A_1090 = vector.extract_strided_slice %gather3A_80 {offsets = [6], sizes = [1], strides = [1]} : vector<16xi32> to vector<1xi32>
      %squeeze3A_1091 = vector.extract %slice3A_1090[0] : i32 from vector<1xi32>
      %and3A_1092 = arith.constant 127 : i32
      %and3A_1093 = arith.andi %squeeze3A_1091, %and3A_1092 : i32
      %broadcast_in_dim3A_1094 = vector.broadcast %and3A_1093 : i32 to vector<16xi32>
      %gather3A_1095 = tpu.vector_load_idx %arg47[%iota3A, %broadcast_in_dim3A_1074] : memref<16x128xf32, #tpu.memory_space<vmem>>[vector<16xi32>, vector<16xi32>], vector<16xf32>,
      %gather3A_1096 = tpu.vector_load_idx %arg48[%iota3A, %broadcast_in_dim3A_1074] : memref<16x128xf32, #tpu.memory_space<vmem>>[vector<16xi32>, vector<16xi32>], vector<16xf32>,
      %gather3A_1097 = tpu.vector_load_idx %arg49[%iota3A, %broadcast_in_dim3A_1079] : memref<16x128xf32, #tpu.memory_space<vmem>>[vector<16xi32>, vector<16xi32>], vector<16xf32>,
      %gather3A_1098 = tpu.vector_load_idx %arg50[%iota3A, %broadcast_in_dim3A_1084] : memref<16x128xf32, #tpu.memory_space<vmem>>[vector<16xi32>, vector<16xi32>], vector<16xf32>,
      %gather3A_1099 = tpu.vector_load_idx %arg51[%iota3A, %broadcast_in_dim3A_1089] : memref<16x128xf32, #tpu.memory_space<vmem>>[vector<16xi32>, vector<16xi32>], vector<16xf32>,
      %gather3A_1100 = tpu.vector_load_idx %arg52[%iota3A, %broadcast_in_dim3A_1094] : memref<16x128xf32, #tpu.memory_space<vmem>>[vector<16xi32>, vector<16xi32>], vector<16xf32>,
      %sub3A_1101 = arith.subf %gather3A_1100, %gather3A_1099 : vector<16xf32>
      %sub3A_1102 = arith.subf %sub3A_1101, %gather3A_1098 : vector<16xf32>
      %add3A_1103 = arith.addf %sub3A_1102, %gather3A_1097 : vector<16xf32>
      %mul3A_1104 = arith.mulf %add3A_1103, %gather3A_1095 : vector<16xf32>
      %mul3A_1105 = arith.mulf %gather3A_1099, %gather3A_1100 : vector<16xf32>
      %mul3A_1106 = arith.mulf %gather3A_1097, %gather3A_1098 : vector<16xf32>
      %sub3A_1107 = arith.subf %mul3A_1105, %mul3A_1106 : vector<16xf32>
      %mul3A_1108 = arith.mulf %sub3A_1107, %gather3A_1096 : vector<16xf32>
      %add3A_1109 = arith.addf %mul3A_1104, %mul3A_1108 : vector<16xf32>
      %mul3A_1110 = arith.constant 16 : i32
      %mul3A_1111 = vector.broadcast %mul3A_1110 : i32 to vector<16xi32>
      %mul3A_1112 = arith.muli %iota3A, %mul3A_1111 : vector<16xi32>
      %add3A_1113 = arith.constant 6 : i32
      %add3A_1114 = vector.broadcast %add3A_1113 : i32 to vector<16xi32>
      %add3A_1115 = arith.addi %mul3A_1112, %add3A_1114 : vector<16xi32>
      tpu.vector_store_idx %arg8[%add3A_1115], %add3A_1109 : memref<256xf32, #tpu.memory_space<vmem>>[vector<16xi32>], vector<16xf32>,
      %slice3A_1116 = vector.extract_strided_slice %gather3A {offsets = [7], sizes = [1], strides = [1]} : vector<16xi32> to vector<1xi32>
      %squeeze3A_1117 = vector.extract %slice3A_1116[0] : i32 from vector<1xi32>
      %and3A_1118 = arith.constant 127 : i32
      %and3A_1119 = arith.andi %squeeze3A_1117, %and3A_1118 : i32
      %broadcast_in_dim3A_1120 = vector.broadcast %and3A_1119 : i32 to vector<16xi32>
      %slice3A_1121 = vector.extract_strided_slice %gather3A_35 {offsets = [7], sizes = [1], strides = [1]} : vector<16xi32> to vector<1xi32>
      %squeeze3A_1122 = vector.extract %slice3A_1121[0] : i32 from vector<1xi32>
      %and3A_1123 = arith.constant 127 : i32
      %and3A_1124 = arith.andi %squeeze3A_1122, %and3A_1123 : i32
      %broadcast_in_dim3A_1125 = vector.broadcast %and3A_1124 : i32 to vector<16xi32>
      %slice3A_1126 = vector.extract_strided_slice %gather3A_50 {offsets = [7], sizes = [1], strides = [1]} : vector<16xi32> to vector<1xi32>
      %squeeze3A_1127 = vector.extract %slice3A_1126[0] : i32 from vector<1xi32>
      %and3A_1128 = arith.constant 127 : i32
      %and3A_1129 = arith.andi %squeeze3A_1127, %and3A_1128 : i32
      %broadcast_in_dim3A_1130 = vector.broadcast %and3A_1129 : i32 to vector<16xi32>
      %slice3A_1131 = vector.extract_strided_slice %gather3A_65 {offsets = [7], sizes = [1], strides = [1]} : vector<16xi32> to vector<1xi32>
      %squeeze3A_1132 = vector.extract %slice3A_1131[0] : i32 from vector<1xi32>
      %and3A_1133 = arith.constant 127 : i32
      %and3A_1134 = arith.andi %squeeze3A_1132, %and3A_1133 : i32
      %broadcast_in_dim3A_1135 = vector.broadcast %and3A_1134 : i32 to vector<16xi32>
      %slice3A_1136 = vector.extract_strided_slice %gather3A_80 {offsets = [7], sizes = [1], strides = [1]} : vector<16xi32> to vector<1xi32>
      %squeeze3A_1137 = vector.extract %slice3A_1136[0] : i32 from vector<1xi32>
      %and3A_1138 = arith.constant 127 : i32
      %and3A_1139 = arith.andi %squeeze3A_1137, %and3A_1138 : i32
      %broadcast_in_dim3A_1140 = vector.broadcast %and3A_1139 : i32 to vector<16xi32>
      %gather3A_1141 = tpu.vector_load_idx %arg53[%iota3A, %broadcast_in_dim3A_1120] : memref<16x128xf32, #tpu.memory_space<vmem>>[vector<16xi32>, vector<16xi32>], vector<16xf32>,
      %gather3A_1142 = tpu.vector_load_idx %arg54[%iota3A, %broadcast_in_dim3A_1120] : memref<16x128xf32, #tpu.memory_space<vmem>>[vector<16xi32>, vector<16xi32>], vector<16xf32>,
      %gather3A_1143 = tpu.vector_load_idx %arg55[%iota3A, %broadcast_in_dim3A_1125] : memref<16x128xf32, #tpu.memory_space<vmem>>[vector<16xi32>, vector<16xi32>], vector<16xf32>,
      %gather3A_1144 = tpu.vector_load_idx %arg56[%iota3A, %broadcast_in_dim3A_1130] : memref<16x128xf32, #tpu.memory_space<vmem>>[vector<16xi32>, vector<16xi32>], vector<16xf32>,
      %gather3A_1145 = tpu.vector_load_idx %arg57[%iota3A, %broadcast_in_dim3A_1135] : memref<16x128xf32, #tpu.memory_space<vmem>>[vector<16xi32>, vector<16xi32>], vector<16xf32>,
      %gather3A_1146 = tpu.vector_load_idx %arg58[%iota3A, %broadcast_in_dim3A_1140] : memref<16x128xf32, #tpu.memory_space<vmem>>[vector<16xi32>, vector<16xi32>], vector<16xf32>,
      %sub3A_1147 = arith.subf %gather3A_1146, %gather3A_1145 : vector<16xf32>
      %sub3A_1148 = arith.subf %sub3A_1147, %gather3A_1144 : vector<16xf32>
      %add3A_1149 = arith.addf %sub3A_1148, %gather3A_1143 : vector<16xf32>
      %mul3A_1150 = arith.mulf %add3A_1149, %gather3A_1141 : vector<16xf32>
      %mul3A_1151 = arith.mulf %gather3A_1145, %gather3A_1146 : vector<16xf32>
      %mul3A_1152 = arith.mulf %gather3A_1143, %gather3A_1144 : vector<16xf32>
      %sub3A_1153 = arith.subf %mul3A_1151, %mul3A_1152 : vector<16xf32>
      %mul3A_1154 = arith.mulf %sub3A_1153, %gather3A_1142 : vector<16xf32>
      %add3A_1155 = arith.addf %mul3A_1150, %mul3A_1154 : vector<16xf32>
      %mul3A_1156 = arith.constant 16 : i32
      %mul3A_1157 = vector.broadcast %mul3A_1156 : i32 to vector<16xi32>
      %mul3A_1158 = arith.muli %iota3A, %mul3A_1157 : vector<16xi32>
      %add3A_1159 = arith.constant 7 : i32
      %add3A_1160 = vector.broadcast %add3A_1159 : i32 to vector<16xi32>
      %add3A_1161 = arith.addi %mul3A_1158, %add3A_1160 : vector<16xi32>
      tpu.vector_store_idx %arg8[%add3A_1161], %add3A_1155 : memref<256xf32, #tpu.memory_space<vmem>>[vector<16xi32>], vector<16xf32>,
      %slice3A_1162 = vector.extract_strided_slice %gather3A {offsets = [8], sizes = [1], strides = [1]} : vector<16xi32> to vector<1xi32>
      %squeeze3A_1163 = vector.extract %slice3A_1162[0] : i32 from vector<1xi32>
      %shift_right_arithmetic3A_1164 = arith.constant 7 : i32
      %shift_right_arithmetic3A_1165 = arith.shrsi %squeeze3A_1163, %shift_right_arithmetic3A_1164 : i32
      %mul3A_1166 = arith.constant 128 : i32
      %mul3A_1167 = arith.muli %shift_right_arithmetic3A_1165, %mul3A_1166 : i32
      %multiple_of3A_1168 = tpu.assume_multiple %mul3A_1167, 128 : i32
      %dma_start3A_1169 = arith.constant 0 : i32
      %dma_start3A_1170 = tpu.memref_slice %arg4[%dma_start3A_1169, %multiple_of3A_1168] : memref<16x1000000xf32, #tpu.memory_space<hbm>> -> memref<16x128xf32, #tpu.memory_space<hbm>>
      %dma_start3A_1171 = arith.constant 0 : i32
      %dma_start3A_1172 = tpu.memref_slice %arg4[%dma_start3A_1171, %multiple_of3A_1168] : memref<16x1000000xf32, #tpu.memory_space<hbm>> -> memref<16x128xf32, #tpu.memory_space<hbm>>
      tpu.enqueue_dma source(%dma_start3A_1172 : memref<16x128xf32, #tpu.memory_space<hbm>>) target(%arg11 : memref<16x128xf32, #tpu.memory_space<vmem>>) target_semaphore(%arg10 : memref<!tpu.dma_semaphore, #tpu.memory_space<semaphore_mem>>)
      %slice3A_1173 = vector.extract_strided_slice %gather3A {offsets = [8], sizes = [1], strides = [1]} : vector<16xi32> to vector<1xi32>
      %squeeze3A_1174 = vector.extract %slice3A_1173[0] : i32 from vector<1xi32>
      %shift_right_arithmetic3A_1175 = arith.constant 7 : i32
      %shift_right_arithmetic3A_1176 = arith.shrsi %squeeze3A_1174, %shift_right_arithmetic3A_1175 : i32
      %mul3A_1177 = arith.constant 128 : i32
      %mul3A_1178 = arith.muli %shift_right_arithmetic3A_1176, %mul3A_1177 : i32
      %multiple_of3A_1179 = tpu.assume_multiple %mul3A_1178, 128 : i32
      %dma_start3A_1180 = arith.constant 0 : i32
      %dma_start3A_1181 = tpu.memref_slice %arg5[%dma_start3A_1180, %multiple_of3A_1179] : memref<16x1000000xf32, #tpu.memory_space<hbm>> -> memref<16x128xf32, #tpu.memory_space<hbm>>
      %dma_start3A_1182 = arith.constant 0 : i32
      %dma_start3A_1183 = tpu.memref_slice %arg5[%dma_start3A_1182, %multiple_of3A_1179] : memref<16x1000000xf32, #tpu.memory_space<hbm>> -> memref<16x128xf32, #tpu.memory_space<hbm>>
      tpu.enqueue_dma source(%dma_start3A_1183 : memref<16x128xf32, #tpu.memory_space<hbm>>) target(%arg12 : memref<16x128xf32, #tpu.memory_space<vmem>>) target_semaphore(%arg10 : memref<!tpu.dma_semaphore, #tpu.memory_space<semaphore_mem>>)
      %slice3A_1184 = vector.extract_strided_slice %gather3A_35 {offsets = [8], sizes = [1], strides = [1]} : vector<16xi32> to vector<1xi32>
      %squeeze3A_1185 = vector.extract %slice3A_1184[0] : i32 from vector<1xi32>
      %shift_right_arithmetic3A_1186 = arith.constant 7 : i32
      %shift_right_arithmetic3A_1187 = arith.shrsi %squeeze3A_1185, %shift_right_arithmetic3A_1186 : i32
      %mul3A_1188 = arith.constant 128 : i32
      %mul3A_1189 = arith.muli %shift_right_arithmetic3A_1187, %mul3A_1188 : i32
      %multiple_of3A_1190 = tpu.assume_multiple %mul3A_1189, 128 : i32
      %dma_start3A_1191 = arith.constant 0 : i32
      %dma_start3A_1192 = tpu.memref_slice %arg3[%dma_start3A_1191, %multiple_of3A_1190] : memref<16x1000000xf32, #tpu.memory_space<hbm>> -> memref<16x128xf32, #tpu.memory_space<hbm>>
      %dma_start3A_1193 = arith.constant 0 : i32
      %dma_start3A_1194 = tpu.memref_slice %arg3[%dma_start3A_1193, %multiple_of3A_1190] : memref<16x1000000xf32, #tpu.memory_space<hbm>> -> memref<16x128xf32, #tpu.memory_space<hbm>>
      tpu.enqueue_dma source(%dma_start3A_1194 : memref<16x128xf32, #tpu.memory_space<hbm>>) target(%arg13 : memref<16x128xf32, #tpu.memory_space<vmem>>) target_semaphore(%arg10 : memref<!tpu.dma_semaphore, #tpu.memory_space<semaphore_mem>>)
      %slice3A_1195 = vector.extract_strided_slice %gather3A_50 {offsets = [8], sizes = [1], strides = [1]} : vector<16xi32> to vector<1xi32>
      %squeeze3A_1196 = vector.extract %slice3A_1195[0] : i32 from vector<1xi32>
      %shift_right_arithmetic3A_1197 = arith.constant 7 : i32
      %shift_right_arithmetic3A_1198 = arith.shrsi %squeeze3A_1196, %shift_right_arithmetic3A_1197 : i32
      %mul3A_1199 = arith.constant 128 : i32
      %mul3A_1200 = arith.muli %shift_right_arithmetic3A_1198, %mul3A_1199 : i32
      %multiple_of3A_1201 = tpu.assume_multiple %mul3A_1200, 128 : i32
      %dma_start3A_1202 = arith.constant 0 : i32
      %dma_start3A_1203 = tpu.memref_slice %arg3[%dma_start3A_1202, %multiple_of3A_1201] : memref<16x1000000xf32, #tpu.memory_space<hbm>> -> memref<16x128xf32, #tpu.memory_space<hbm>>
      %dma_start3A_1204 = arith.constant 0 : i32
      %dma_start3A_1205 = tpu.memref_slice %arg3[%dma_start3A_1204, %multiple_of3A_1201] : memref<16x1000000xf32, #tpu.memory_space<hbm>> -> memref<16x128xf32, #tpu.memory_space<hbm>>
      tpu.enqueue_dma source(%dma_start3A_1205 : memref<16x128xf32, #tpu.memory_space<hbm>>) target(%arg14 : memref<16x128xf32, #tpu.memory_space<vmem>>) target_semaphore(%arg10 : memref<!tpu.dma_semaphore, #tpu.memory_space<semaphore_mem>>)
      %slice3A_1206 = vector.extract_strided_slice %gather3A_65 {offsets = [8], sizes = [1], strides = [1]} : vector<16xi32> to vector<1xi32>
      %squeeze3A_1207 = vector.extract %slice3A_1206[0] : i32 from vector<1xi32>
      %shift_right_arithmetic3A_1208 = arith.constant 7 : i32
      %shift_right_arithmetic3A_1209 = arith.shrsi %squeeze3A_1207, %shift_right_arithmetic3A_1208 : i32
      %mul3A_1210 = arith.constant 128 : i32
      %mul3A_1211 = arith.muli %shift_right_arithmetic3A_1209, %mul3A_1210 : i32
      %multiple_of3A_1212 = tpu.assume_multiple %mul3A_1211, 128 : i32
      %dma_start3A_1213 = arith.constant 0 : i32
      %dma_start3A_1214 = tpu.memref_slice %arg3[%dma_start3A_1213, %multiple_of3A_1212] : memref<16x1000000xf32, #tpu.memory_space<hbm>> -> memref<16x128xf32, #tpu.memory_space<hbm>>
      %dma_start3A_1215 = arith.constant 0 : i32
      %dma_start3A_1216 = tpu.memref_slice %arg3[%dma_start3A_1215, %multiple_of3A_1212] : memref<16x1000000xf32, #tpu.memory_space<hbm>> -> memref<16x128xf32, #tpu.memory_space<hbm>>
      tpu.enqueue_dma source(%dma_start3A_1216 : memref<16x128xf32, #tpu.memory_space<hbm>>) target(%arg15 : memref<16x128xf32, #tpu.memory_space<vmem>>) target_semaphore(%arg10 : memref<!tpu.dma_semaphore, #tpu.memory_space<semaphore_mem>>)
      %slice3A_1217 = vector.extract_strided_slice %gather3A_80 {offsets = [8], sizes = [1], strides = [1]} : vector<16xi32> to vector<1xi32>
      %squeeze3A_1218 = vector.extract %slice3A_1217[0] : i32 from vector<1xi32>
      %shift_right_arithmetic3A_1219 = arith.constant 7 : i32
      %shift_right_arithmetic3A_1220 = arith.shrsi %squeeze3A_1218, %shift_right_arithmetic3A_1219 : i32
      %mul3A_1221 = arith.constant 128 : i32
      %mul3A_1222 = arith.muli %shift_right_arithmetic3A_1220, %mul3A_1221 : i32
      %multiple_of3A_1223 = tpu.assume_multiple %mul3A_1222, 128 : i32
      %dma_start3A_1224 = arith.constant 0 : i32
      %dma_start3A_1225 = tpu.memref_slice %arg3[%dma_start3A_1224, %multiple_of3A_1223] : memref<16x1000000xf32, #tpu.memory_space<hbm>> -> memref<16x128xf32, #tpu.memory_space<hbm>>
      %dma_start3A_1226 = arith.constant 0 : i32
      %dma_start3A_1227 = tpu.memref_slice %arg3[%dma_start3A_1226, %multiple_of3A_1223] : memref<16x1000000xf32, #tpu.memory_space<hbm>> -> memref<16x128xf32, #tpu.memory_space<hbm>>
      tpu.enqueue_dma source(%dma_start3A_1227 : memref<16x128xf32, #tpu.memory_space<hbm>>) target(%arg16 : memref<16x128xf32, #tpu.memory_space<vmem>>) target_semaphore(%arg10 : memref<!tpu.dma_semaphore, #tpu.memory_space<semaphore_mem>>)
      %slice3A_1228 = vector.extract_strided_slice %gather3A {offsets = [9], sizes = [1], strides = [1]} : vector<16xi32> to vector<1xi32>
      %squeeze3A_1229 = vector.extract %slice3A_1228[0] : i32 from vector<1xi32>
      %shift_right_arithmetic3A_1230 = arith.constant 7 : i32
      %shift_right_arithmetic3A_1231 = arith.shrsi %squeeze3A_1229, %shift_right_arithmetic3A_1230 : i32
      %mul3A_1232 = arith.constant 128 : i32
      %mul3A_1233 = arith.muli %shift_right_arithmetic3A_1231, %mul3A_1232 : i32
      %multiple_of3A_1234 = tpu.assume_multiple %mul3A_1233, 128 : i32
      %dma_start3A_1235 = arith.constant 0 : i32
      %dma_start3A_1236 = tpu.memref_slice %arg4[%dma_start3A_1235, %multiple_of3A_1234] : memref<16x1000000xf32, #tpu.memory_space<hbm>> -> memref<16x128xf32, #tpu.memory_space<hbm>>
      %dma_start3A_1237 = arith.constant 0 : i32
      %dma_start3A_1238 = tpu.memref_slice %arg4[%dma_start3A_1237, %multiple_of3A_1234] : memref<16x1000000xf32, #tpu.memory_space<hbm>> -> memref<16x128xf32, #tpu.memory_space<hbm>>
      tpu.enqueue_dma source(%dma_start3A_1238 : memref<16x128xf32, #tpu.memory_space<hbm>>) target(%arg17 : memref<16x128xf32, #tpu.memory_space<vmem>>) target_semaphore(%arg10 : memref<!tpu.dma_semaphore, #tpu.memory_space<semaphore_mem>>)
      %slice3A_1239 = vector.extract_strided_slice %gather3A {offsets = [9], sizes = [1], strides = [1]} : vector<16xi32> to vector<1xi32>
      %squeeze3A_1240 = vector.extract %slice3A_1239[0] : i32 from vector<1xi32>
      %shift_right_arithmetic3A_1241 = arith.constant 7 : i32
      %shift_right_arithmetic3A_1242 = arith.shrsi %squeeze3A_1240, %shift_right_arithmetic3A_1241 : i32
      %mul3A_1243 = arith.constant 128 : i32
      %mul3A_1244 = arith.muli %shift_right_arithmetic3A_1242, %mul3A_1243 : i32
      %multiple_of3A_1245 = tpu.assume_multiple %mul3A_1244, 128 : i32
      %dma_start3A_1246 = arith.constant 0 : i32
      %dma_start3A_1247 = tpu.memref_slice %arg5[%dma_start3A_1246, %multiple_of3A_1245] : memref<16x1000000xf32, #tpu.memory_space<hbm>> -> memref<16x128xf32, #tpu.memory_space<hbm>>
      %dma_start3A_1248 = arith.constant 0 : i32
      %dma_start3A_1249 = tpu.memref_slice %arg5[%dma_start3A_1248, %multiple_of3A_1245] : memref<16x1000000xf32, #tpu.memory_space<hbm>> -> memref<16x128xf32, #tpu.memory_space<hbm>>
      tpu.enqueue_dma source(%dma_start3A_1249 : memref<16x128xf32, #tpu.memory_space<hbm>>) target(%arg18 : memref<16x128xf32, #tpu.memory_space<vmem>>) target_semaphore(%arg10 : memref<!tpu.dma_semaphore, #tpu.memory_space<semaphore_mem>>)
      %slice3A_1250 = vector.extract_strided_slice %gather3A_35 {offsets = [9], sizes = [1], strides = [1]} : vector<16xi32> to vector<1xi32>
      %squeeze3A_1251 = vector.extract %slice3A_1250[0] : i32 from vector<1xi32>
      %shift_right_arithmetic3A_1252 = arith.constant 7 : i32
      %shift_right_arithmetic3A_1253 = arith.shrsi %squeeze3A_1251, %shift_right_arithmetic3A_1252 : i32
      %mul3A_1254 = arith.constant 128 : i32
      %mul3A_1255 = arith.muli %shift_right_arithmetic3A_1253, %mul3A_1254 : i32
      %multiple_of3A_1256 = tpu.assume_multiple %mul3A_1255, 128 : i32
      %dma_start3A_1257 = arith.constant 0 : i32
      %dma_start3A_1258 = tpu.memref_slice %arg3[%dma_start3A_1257, %multiple_of3A_1256] : memref<16x1000000xf32, #tpu.memory_space<hbm>> -> memref<16x128xf32, #tpu.memory_space<hbm>>
      %dma_start3A_1259 = arith.constant 0 : i32
      %dma_start3A_1260 = tpu.memref_slice %arg3[%dma_start3A_1259, %multiple_of3A_1256] : memref<16x1000000xf32, #tpu.memory_space<hbm>> -> memref<16x128xf32, #tpu.memory_space<hbm>>
      tpu.enqueue_dma source(%dma_start3A_1260 : memref<16x128xf32, #tpu.memory_space<hbm>>) target(%arg19 : memref<16x128xf32, #tpu.memory_space<vmem>>) target_semaphore(%arg10 : memref<!tpu.dma_semaphore, #tpu.memory_space<semaphore_mem>>)
      %slice3A_1261 = vector.extract_strided_slice %gather3A_50 {offsets = [9], sizes = [1], strides = [1]} : vector<16xi32> to vector<1xi32>
      %squeeze3A_1262 = vector.extract %slice3A_1261[0] : i32 from vector<1xi32>
      %shift_right_arithmetic3A_1263 = arith.constant 7 : i32
      %shift_right_arithmetic3A_1264 = arith.shrsi %squeeze3A_1262, %shift_right_arithmetic3A_1263 : i32
      %mul3A_1265 = arith.constant 128 : i32
      %mul3A_1266 = arith.muli %shift_right_arithmetic3A_1264, %mul3A_1265 : i32
      %multiple_of3A_1267 = tpu.assume_multiple %mul3A_1266, 128 : i32
      %dma_start3A_1268 = arith.constant 0 : i32
      %dma_start3A_1269 = tpu.memref_slice %arg3[%dma_start3A_1268, %multiple_of3A_1267] : memref<16x1000000xf32, #tpu.memory_space<hbm>> -> memref<16x128xf32, #tpu.memory_space<hbm>>
      %dma_start3A_1270 = arith.constant 0 : i32
      %dma_start3A_1271 = tpu.memref_slice %arg3[%dma_start3A_1270, %multiple_of3A_1267] : memref<16x1000000xf32, #tpu.memory_space<hbm>> -> memref<16x128xf32, #tpu.memory_space<hbm>>
      tpu.enqueue_dma source(%dma_start3A_1271 : memref<16x128xf32, #tpu.memory_space<hbm>>) target(%arg20 : memref<16x128xf32, #tpu.memory_space<vmem>>) target_semaphore(%arg10 : memref<!tpu.dma_semaphore, #tpu.memory_space<semaphore_mem>>)
      %slice3A_1272 = vector.extract_strided_slice %gather3A_65 {offsets = [9], sizes = [1], strides = [1]} : vector<16xi32> to vector<1xi32>
      %squeeze3A_1273 = vector.extract %slice3A_1272[0] : i32 from vector<1xi32>
      %shift_right_arithmetic3A_1274 = arith.constant 7 : i32
      %shift_right_arithmetic3A_1275 = arith.shrsi %squeeze3A_1273, %shift_right_arithmetic3A_1274 : i32
      %mul3A_1276 = arith.constant 128 : i32
      %mul3A_1277 = arith.muli %shift_right_arithmetic3A_1275, %mul3A_1276 : i32
      %multiple_of3A_1278 = tpu.assume_multiple %mul3A_1277, 128 : i32
      %dma_start3A_1279 = arith.constant 0 : i32
      %dma_start3A_1280 = tpu.memref_slice %arg3[%dma_start3A_1279, %multiple_of3A_1278] : memref<16x1000000xf32, #tpu.memory_space<hbm>> -> memref<16x128xf32, #tpu.memory_space<hbm>>
      %dma_start3A_1281 = arith.constant 0 : i32
      %dma_start3A_1282 = tpu.memref_slice %arg3[%dma_start3A_1281, %multiple_of3A_1278] : memref<16x1000000xf32, #tpu.memory_space<hbm>> -> memref<16x128xf32, #tpu.memory_space<hbm>>
      tpu.enqueue_dma source(%dma_start3A_1282 : memref<16x128xf32, #tpu.memory_space<hbm>>) target(%arg21 : memref<16x128xf32, #tpu.memory_space<vmem>>) target_semaphore(%arg10 : memref<!tpu.dma_semaphore, #tpu.memory_space<semaphore_mem>>)
      %slice3A_1283 = vector.extract_strided_slice %gather3A_80 {offsets = [9], sizes = [1], strides = [1]} : vector<16xi32> to vector<1xi32>
      %squeeze3A_1284 = vector.extract %slice3A_1283[0] : i32 from vector<1xi32>
      %shift_right_arithmetic3A_1285 = arith.constant 7 : i32
      %shift_right_arithmetic3A_1286 = arith.shrsi %squeeze3A_1284, %shift_right_arithmetic3A_1285 : i32
      %mul3A_1287 = arith.constant 128 : i32
      %mul3A_1288 = arith.muli %shift_right_arithmetic3A_1286, %mul3A_1287 : i32
      %multiple_of3A_1289 = tpu.assume_multiple %mul3A_1288, 128 : i32
      %dma_start3A_1290 = arith.constant 0 : i32
      %dma_start3A_1291 = tpu.memref_slice %arg3[%dma_start3A_1290, %multiple_of3A_1289] : memref<16x1000000xf32, #tpu.memory_space<hbm>> -> memref<16x128xf32, #tpu.memory_space<hbm>>
      %dma_start3A_1292 = arith.constant 0 : i32
      %dma_start3A_1293 = tpu.memref_slice %arg3[%dma_start3A_1292, %multiple_of3A_1289] : memref<16x1000000xf32, #tpu.memory_space<hbm>> -> memref<16x128xf32, #tpu.memory_space<hbm>>
      tpu.enqueue_dma source(%dma_start3A_1293 : memref<16x128xf32, #tpu.memory_space<hbm>>) target(%arg22 : memref<16x128xf32, #tpu.memory_space<vmem>>) target_semaphore(%arg10 : memref<!tpu.dma_semaphore, #tpu.memory_space<semaphore_mem>>)
      %slice3A_1294 = vector.extract_strided_slice %gather3A {offsets = [10], sizes = [1], strides = [1]} : vector<16xi32> to vector<1xi32>
      %squeeze3A_1295 = vector.extract %slice3A_1294[0] : i32 from vector<1xi32>
      %shift_right_arithmetic3A_1296 = arith.constant 7 : i32
      %shift_right_arithmetic3A_1297 = arith.shrsi %squeeze3A_1295, %shift_right_arithmetic3A_1296 : i32
      %mul3A_1298 = arith.constant 128 : i32
      %mul3A_1299 = arith.muli %shift_right_arithmetic3A_1297, %mul3A_1298 : i32
      %multiple_of3A_1300 = tpu.assume_multiple %mul3A_1299, 128 : i32
      %dma_start3A_1301 = arith.constant 0 : i32
      %dma_start3A_1302 = tpu.memref_slice %arg4[%dma_start3A_1301, %multiple_of3A_1300] : memref<16x1000000xf32, #tpu.memory_space<hbm>> -> memref<16x128xf32, #tpu.memory_space<hbm>>
      %dma_start3A_1303 = arith.constant 0 : i32
      %dma_start3A_1304 = tpu.memref_slice %arg4[%dma_start3A_1303, %multiple_of3A_1300] : memref<16x1000000xf32, #tpu.memory_space<hbm>> -> memref<16x128xf32, #tpu.memory_space<hbm>>
      tpu.enqueue_dma source(%dma_start3A_1304 : memref<16x128xf32, #tpu.memory_space<hbm>>) target(%arg23 : memref<16x128xf32, #tpu.memory_space<vmem>>) target_semaphore(%arg10 : memref<!tpu.dma_semaphore, #tpu.memory_space<semaphore_mem>>)
      %slice3A_1305 = vector.extract_strided_slice %gather3A {offsets = [10], sizes = [1], strides = [1]} : vector<16xi32> to vector<1xi32>
      %squeeze3A_1306 = vector.extract %slice3A_1305[0] : i32 from vector<1xi32>
      %shift_right_arithmetic3A_1307 = arith.constant 7 : i32
      %shift_right_arithmetic3A_1308 = arith.shrsi %squeeze3A_1306, %shift_right_arithmetic3A_1307 : i32
      %mul3A_1309 = arith.constant 128 : i32
      %mul3A_1310 = arith.muli %shift_right_arithmetic3A_1308, %mul3A_1309 : i32
      %multiple_of3A_1311 = tpu.assume_multiple %mul3A_1310, 128 : i32
      %dma_start3A_1312 = arith.constant 0 : i32
      %dma_start3A_1313 = tpu.memref_slice %arg5[%dma_start3A_1312, %multiple_of3A_1311] : memref<16x1000000xf32, #tpu.memory_space<hbm>> -> memref<16x128xf32, #tpu.memory_space<hbm>>
      %dma_start3A_1314 = arith.constant 0 : i32
      %dma_start3A_1315 = tpu.memref_slice %arg5[%dma_start3A_1314, %multiple_of3A_1311] : memref<16x1000000xf32, #tpu.memory_space<hbm>> -> memref<16x128xf32, #tpu.memory_space<hbm>>
      tpu.enqueue_dma source(%dma_start3A_1315 : memref<16x128xf32, #tpu.memory_space<hbm>>) target(%arg24 : memref<16x128xf32, #tpu.memory_space<vmem>>) target_semaphore(%arg10 : memref<!tpu.dma_semaphore, #tpu.memory_space<semaphore_mem>>)
      %slice3A_1316 = vector.extract_strided_slice %gather3A_35 {offsets = [10], sizes = [1], strides = [1]} : vector<16xi32> to vector<1xi32>
      %squeeze3A_1317 = vector.extract %slice3A_1316[0] : i32 from vector<1xi32>
      %shift_right_arithmetic3A_1318 = arith.constant 7 : i32
      %shift_right_arithmetic3A_1319 = arith.shrsi %squeeze3A_1317, %shift_right_arithmetic3A_1318 : i32
      %mul3A_1320 = arith.constant 128 : i32
      %mul3A_1321 = arith.muli %shift_right_arithmetic3A_1319, %mul3A_1320 : i32
      %multiple_of3A_1322 = tpu.assume_multiple %mul3A_1321, 128 : i32
      %dma_start3A_1323 = arith.constant 0 : i32
      %dma_start3A_1324 = tpu.memref_slice %arg3[%dma_start3A_1323, %multiple_of3A_1322] : memref<16x1000000xf32, #tpu.memory_space<hbm>> -> memref<16x128xf32, #tpu.memory_space<hbm>>
      %dma_start3A_1325 = arith.constant 0 : i32
      %dma_start3A_1326 = tpu.memref_slice %arg3[%dma_start3A_1325, %multiple_of3A_1322] : memref<16x1000000xf32, #tpu.memory_space<hbm>> -> memref<16x128xf32, #tpu.memory_space<hbm>>
      tpu.enqueue_dma source(%dma_start3A_1326 : memref<16x128xf32, #tpu.memory_space<hbm>>) target(%arg25 : memref<16x128xf32, #tpu.memory_space<vmem>>) target_semaphore(%arg10 : memref<!tpu.dma_semaphore, #tpu.memory_space<semaphore_mem>>)
      %slice3A_1327 = vector.extract_strided_slice %gather3A_50 {offsets = [10], sizes = [1], strides = [1]} : vector<16xi32> to vector<1xi32>
      %squeeze3A_1328 = vector.extract %slice3A_1327[0] : i32 from vector<1xi32>
      %shift_right_arithmetic3A_1329 = arith.constant 7 : i32
      %shift_right_arithmetic3A_1330 = arith.shrsi %squeeze3A_1328, %shift_right_arithmetic3A_1329 : i32
      %mul3A_1331 = arith.constant 128 : i32
      %mul3A_1332 = arith.muli %shift_right_arithmetic3A_1330, %mul3A_1331 : i32
      %multiple_of3A_1333 = tpu.assume_multiple %mul3A_1332, 128 : i32
      %dma_start3A_1334 = arith.constant 0 : i32
      %dma_start3A_1335 = tpu.memref_slice %arg3[%dma_start3A_1334, %multiple_of3A_1333] : memref<16x1000000xf32, #tpu.memory_space<hbm>> -> memref<16x128xf32, #tpu.memory_space<hbm>>
      %dma_start3A_1336 = arith.constant 0 : i32
      %dma_start3A_1337 = tpu.memref_slice %arg3[%dma_start3A_1336, %multiple_of3A_1333] : memref<16x1000000xf32, #tpu.memory_space<hbm>> -> memref<16x128xf32, #tpu.memory_space<hbm>>
      tpu.enqueue_dma source(%dma_start3A_1337 : memref<16x128xf32, #tpu.memory_space<hbm>>) target(%arg26 : memref<16x128xf32, #tpu.memory_space<vmem>>) target_semaphore(%arg10 : memref<!tpu.dma_semaphore, #tpu.memory_space<semaphore_mem>>)
      %slice3A_1338 = vector.extract_strided_slice %gather3A_65 {offsets = [10], sizes = [1], strides = [1]} : vector<16xi32> to vector<1xi32>
      %squeeze3A_1339 = vector.extract %slice3A_1338[0] : i32 from vector<1xi32>
      %shift_right_arithmetic3A_1340 = arith.constant 7 : i32
      %shift_right_arithmetic3A_1341 = arith.shrsi %squeeze3A_1339, %shift_right_arithmetic3A_1340 : i32
      %mul3A_1342 = arith.constant 128 : i32
      %mul3A_1343 = arith.muli %shift_right_arithmetic3A_1341, %mul3A_1342 : i32
      %multiple_of3A_1344 = tpu.assume_multiple %mul3A_1343, 128 : i32
      %dma_start3A_1345 = arith.constant 0 : i32
      %dma_start3A_1346 = tpu.memref_slice %arg3[%dma_start3A_1345, %multiple_of3A_1344] : memref<16x1000000xf32, #tpu.memory_space<hbm>> -> memref<16x128xf32, #tpu.memory_space<hbm>>
      %dma_start3A_1347 = arith.constant 0 : i32
      %dma_start3A_1348 = tpu.memref_slice %arg3[%dma_start3A_1347, %multiple_of3A_1344] : memref<16x1000000xf32, #tpu.memory_space<hbm>> -> memref<16x128xf32, #tpu.memory_space<hbm>>
      tpu.enqueue_dma source(%dma_start3A_1348 : memref<16x128xf32, #tpu.memory_space<hbm>>) target(%arg27 : memref<16x128xf32, #tpu.memory_space<vmem>>) target_semaphore(%arg10 : memref<!tpu.dma_semaphore, #tpu.memory_space<semaphore_mem>>)
      %slice3A_1349 = vector.extract_strided_slice %gather3A_80 {offsets = [10], sizes = [1], strides = [1]} : vector<16xi32> to vector<1xi32>
      %squeeze3A_1350 = vector.extract %slice3A_1349[0] : i32 from vector<1xi32>
      %shift_right_arithmetic3A_1351 = arith.constant 7 : i32
      %shift_right_arithmetic3A_1352 = arith.shrsi %squeeze3A_1350, %shift_right_arithmetic3A_1351 : i32
      %mul3A_1353 = arith.constant 128 : i32
      %mul3A_1354 = arith.muli %shift_right_arithmetic3A_1352, %mul3A_1353 : i32
      %multiple_of3A_1355 = tpu.assume_multiple %mul3A_1354, 128 : i32
      %dma_start3A_1356 = arith.constant 0 : i32
      %dma_start3A_1357 = tpu.memref_slice %arg3[%dma_start3A_1356, %multiple_of3A_1355] : memref<16x1000000xf32, #tpu.memory_space<hbm>> -> memref<16x128xf32, #tpu.memory_space<hbm>>
      %dma_start3A_1358 = arith.constant 0 : i32
      %dma_start3A_1359 = tpu.memref_slice %arg3[%dma_start3A_1358, %multiple_of3A_1355] : memref<16x1000000xf32, #tpu.memory_space<hbm>> -> memref<16x128xf32, #tpu.memory_space<hbm>>
      tpu.enqueue_dma source(%dma_start3A_1359 : memref<16x128xf32, #tpu.memory_space<hbm>>) target(%arg28 : memref<16x128xf32, #tpu.memory_space<vmem>>) target_semaphore(%arg10 : memref<!tpu.dma_semaphore, #tpu.memory_space<semaphore_mem>>)
      %slice3A_1360 = vector.extract_strided_slice %gather3A {offsets = [11], sizes = [1], strides = [1]} : vector<16xi32> to vector<1xi32>
      %squeeze3A_1361 = vector.extract %slice3A_1360[0] : i32 from vector<1xi32>
      %shift_right_arithmetic3A_1362 = arith.constant 7 : i32
      %shift_right_arithmetic3A_1363 = arith.shrsi %squeeze3A_1361, %shift_right_arithmetic3A_1362 : i32
      %mul3A_1364 = arith.constant 128 : i32
      %mul3A_1365 = arith.muli %shift_right_arithmetic3A_1363, %mul3A_1364 : i32
      %multiple_of3A_1366 = tpu.assume_multiple %mul3A_1365, 128 : i32
      %dma_start3A_1367 = arith.constant 0 : i32
      %dma_start3A_1368 = tpu.memref_slice %arg4[%dma_start3A_1367, %multiple_of3A_1366] : memref<16x1000000xf32, #tpu.memory_space<hbm>> -> memref<16x128xf32, #tpu.memory_space<hbm>>
      %dma_start3A_1369 = arith.constant 0 : i32
      %dma_start3A_1370 = tpu.memref_slice %arg4[%dma_start3A_1369, %multiple_of3A_1366] : memref<16x1000000xf32, #tpu.memory_space<hbm>> -> memref<16x128xf32, #tpu.memory_space<hbm>>
      tpu.enqueue_dma source(%dma_start3A_1370 : memref<16x128xf32, #tpu.memory_space<hbm>>) target(%arg29 : memref<16x128xf32, #tpu.memory_space<vmem>>) target_semaphore(%arg10 : memref<!tpu.dma_semaphore, #tpu.memory_space<semaphore_mem>>)
      %slice3A_1371 = vector.extract_strided_slice %gather3A {offsets = [11], sizes = [1], strides = [1]} : vector<16xi32> to vector<1xi32>
      %squeeze3A_1372 = vector.extract %slice3A_1371[0] : i32 from vector<1xi32>
      %shift_right_arithmetic3A_1373 = arith.constant 7 : i32
      %shift_right_arithmetic3A_1374 = arith.shrsi %squeeze3A_1372, %shift_right_arithmetic3A_1373 : i32
      %mul3A_1375 = arith.constant 128 : i32
      %mul3A_1376 = arith.muli %shift_right_arithmetic3A_1374, %mul3A_1375 : i32
      %multiple_of3A_1377 = tpu.assume_multiple %mul3A_1376, 128 : i32
      %dma_start3A_1378 = arith.constant 0 : i32
      %dma_start3A_1379 = tpu.memref_slice %arg5[%dma_start3A_1378, %multiple_of3A_1377] : memref<16x1000000xf32, #tpu.memory_space<hbm>> -> memref<16x128xf32, #tpu.memory_space<hbm>>
      %dma_start3A_1380 = arith.constant 0 : i32
      %dma_start3A_1381 = tpu.memref_slice %arg5[%dma_start3A_1380, %multiple_of3A_1377] : memref<16x1000000xf32, #tpu.memory_space<hbm>> -> memref<16x128xf32, #tpu.memory_space<hbm>>
      tpu.enqueue_dma source(%dma_start3A_1381 : memref<16x128xf32, #tpu.memory_space<hbm>>) target(%arg30 : memref<16x128xf32, #tpu.memory_space<vmem>>) target_semaphore(%arg10 : memref<!tpu.dma_semaphore, #tpu.memory_space<semaphore_mem>>)
      %slice3A_1382 = vector.extract_strided_slice %gather3A_35 {offsets = [11], sizes = [1], strides = [1]} : vector<16xi32> to vector<1xi32>
      %squeeze3A_1383 = vector.extract %slice3A_1382[0] : i32 from vector<1xi32>
      %shift_right_arithmetic3A_1384 = arith.constant 7 : i32
      %shift_right_arithmetic3A_1385 = arith.shrsi %squeeze3A_1383, %shift_right_arithmetic3A_1384 : i32
      %mul3A_1386 = arith.constant 128 : i32
      %mul3A_1387 = arith.muli %shift_right_arithmetic3A_1385, %mul3A_1386 : i32
      %multiple_of3A_1388 = tpu.assume_multiple %mul3A_1387, 128 : i32
      %dma_start3A_1389 = arith.constant 0 : i32
      %dma_start3A_1390 = tpu.memref_slice %arg3[%dma_start3A_1389, %multiple_of3A_1388] : memref<16x1000000xf32, #tpu.memory_space<hbm>> -> memref<16x128xf32, #tpu.memory_space<hbm>>
      %dma_start3A_1391 = arith.constant 0 : i32
      %dma_start3A_1392 = tpu.memref_slice %arg3[%dma_start3A_1391, %multiple_of3A_1388] : memref<16x1000000xf32, #tpu.memory_space<hbm>> -> memref<16x128xf32, #tpu.memory_space<hbm>>
      tpu.enqueue_dma source(%dma_start3A_1392 : memref<16x128xf32, #tpu.memory_space<hbm>>) target(%arg31 : memref<16x128xf32, #tpu.memory_space<vmem>>) target_semaphore(%arg10 : memref<!tpu.dma_semaphore, #tpu.memory_space<semaphore_mem>>)
      %slice3A_1393 = vector.extract_strided_slice %gather3A_50 {offsets = [11], sizes = [1], strides = [1]} : vector<16xi32> to vector<1xi32>
      %squeeze3A_1394 = vector.extract %slice3A_1393[0] : i32 from vector<1xi32>
      %shift_right_arithmetic3A_1395 = arith.constant 7 : i32
      %shift_right_arithmetic3A_1396 = arith.shrsi %squeeze3A_1394, %shift_right_arithmetic3A_1395 : i32
      %mul3A_1397 = arith.constant 128 : i32
      %mul3A_1398 = arith.muli %shift_right_arithmetic3A_1396, %mul3A_1397 : i32
      %multiple_of3A_1399 = tpu.assume_multiple %mul3A_1398, 128 : i32
      %dma_start3A_1400 = arith.constant 0 : i32
      %dma_start3A_1401 = tpu.memref_slice %arg3[%dma_start3A_1400, %multiple_of3A_1399] : memref<16x1000000xf32, #tpu.memory_space<hbm>> -> memref<16x128xf32, #tpu.memory_space<hbm>>
      %dma_start3A_1402 = arith.constant 0 : i32
      %dma_start3A_1403 = tpu.memref_slice %arg3[%dma_start3A_1402, %multiple_of3A_1399] : memref<16x1000000xf32, #tpu.memory_space<hbm>> -> memref<16x128xf32, #tpu.memory_space<hbm>>
      tpu.enqueue_dma source(%dma_start3A_1403 : memref<16x128xf32, #tpu.memory_space<hbm>>) target(%arg32 : memref<16x128xf32, #tpu.memory_space<vmem>>) target_semaphore(%arg10 : memref<!tpu.dma_semaphore, #tpu.memory_space<semaphore_mem>>)
      %slice3A_1404 = vector.extract_strided_slice %gather3A_65 {offsets = [11], sizes = [1], strides = [1]} : vector<16xi32> to vector<1xi32>
      %squeeze3A_1405 = vector.extract %slice3A_1404[0] : i32 from vector<1xi32>
      %shift_right_arithmetic3A_1406 = arith.constant 7 : i32
      %shift_right_arithmetic3A_1407 = arith.shrsi %squeeze3A_1405, %shift_right_arithmetic3A_1406 : i32
      %mul3A_1408 = arith.constant 128 : i32
      %mul3A_1409 = arith.muli %shift_right_arithmetic3A_1407, %mul3A_1408 : i32
      %multiple_of3A_1410 = tpu.assume_multiple %mul3A_1409, 128 : i32
      %dma_start3A_1411 = arith.constant 0 : i32
      %dma_start3A_1412 = tpu.memref_slice %arg3[%dma_start3A_1411, %multiple_of3A_1410] : memref<16x1000000xf32, #tpu.memory_space<hbm>> -> memref<16x128xf32, #tpu.memory_space<hbm>>
      %dma_start3A_1413 = arith.constant 0 : i32
      %dma_start3A_1414 = tpu.memref_slice %arg3[%dma_start3A_1413, %multiple_of3A_1410] : memref<16x1000000xf32, #tpu.memory_space<hbm>> -> memref<16x128xf32, #tpu.memory_space<hbm>>
      tpu.enqueue_dma source(%dma_start3A_1414 : memref<16x128xf32, #tpu.memory_space<hbm>>) target(%arg33 : memref<16x128xf32, #tpu.memory_space<vmem>>) target_semaphore(%arg10 : memref<!tpu.dma_semaphore, #tpu.memory_space<semaphore_mem>>)
      %slice3A_1415 = vector.extract_strided_slice %gather3A_80 {offsets = [11], sizes = [1], strides = [1]} : vector<16xi32> to vector<1xi32>
      %squeeze3A_1416 = vector.extract %slice3A_1415[0] : i32 from vector<1xi32>
      %shift_right_arithmetic3A_1417 = arith.constant 7 : i32
      %shift_right_arithmetic3A_1418 = arith.shrsi %squeeze3A_1416, %shift_right_arithmetic3A_1417 : i32
      %mul3A_1419 = arith.constant 128 : i32
      %mul3A_1420 = arith.muli %shift_right_arithmetic3A_1418, %mul3A_1419 : i32
      %multiple_of3A_1421 = tpu.assume_multiple %mul3A_1420, 128 : i32
      %dma_start3A_1422 = arith.constant 0 : i32
      %dma_start3A_1423 = tpu.memref_slice %arg3[%dma_start3A_1422, %multiple_of3A_1421] : memref<16x1000000xf32, #tpu.memory_space<hbm>> -> memref<16x128xf32, #tpu.memory_space<hbm>>
      %dma_start3A_1424 = arith.constant 0 : i32
      %dma_start3A_1425 = tpu.memref_slice %arg3[%dma_start3A_1424, %multiple_of3A_1421] : memref<16x1000000xf32, #tpu.memory_space<hbm>> -> memref<16x128xf32, #tpu.memory_space<hbm>>
      tpu.enqueue_dma source(%dma_start3A_1425 : memref<16x128xf32, #tpu.memory_space<hbm>>) target(%arg34 : memref<16x128xf32, #tpu.memory_space<vmem>>) target_semaphore(%arg10 : memref<!tpu.dma_semaphore, #tpu.memory_space<semaphore_mem>>)
      %slice3A_1426 = vector.extract_strided_slice %gather3A {offsets = [12], sizes = [1], strides = [1]} : vector<16xi32> to vector<1xi32>
      %squeeze3A_1427 = vector.extract %slice3A_1426[0] : i32 from vector<1xi32>
      %shift_right_arithmetic3A_1428 = arith.constant 7 : i32
      %shift_right_arithmetic3A_1429 = arith.shrsi %squeeze3A_1427, %shift_right_arithmetic3A_1428 : i32
      %mul3A_1430 = arith.constant 128 : i32
      %mul3A_1431 = arith.muli %shift_right_arithmetic3A_1429, %mul3A_1430 : i32
      %multiple_of3A_1432 = tpu.assume_multiple %mul3A_1431, 128 : i32
      %dma_start3A_1433 = arith.constant 0 : i32
      %dma_start3A_1434 = tpu.memref_slice %arg4[%dma_start3A_1433, %multiple_of3A_1432] : memref<16x1000000xf32, #tpu.memory_space<hbm>> -> memref<16x128xf32, #tpu.memory_space<hbm>>
      %dma_start3A_1435 = arith.constant 0 : i32
      %dma_start3A_1436 = tpu.memref_slice %arg4[%dma_start3A_1435, %multiple_of3A_1432] : memref<16x1000000xf32, #tpu.memory_space<hbm>> -> memref<16x128xf32, #tpu.memory_space<hbm>>
      tpu.enqueue_dma source(%dma_start3A_1436 : memref<16x128xf32, #tpu.memory_space<hbm>>) target(%arg35 : memref<16x128xf32, #tpu.memory_space<vmem>>) target_semaphore(%arg10 : memref<!tpu.dma_semaphore, #tpu.memory_space<semaphore_mem>>)
      %slice3A_1437 = vector.extract_strided_slice %gather3A {offsets = [12], sizes = [1], strides = [1]} : vector<16xi32> to vector<1xi32>
      %squeeze3A_1438 = vector.extract %slice3A_1437[0] : i32 from vector<1xi32>
      %shift_right_arithmetic3A_1439 = arith.constant 7 : i32
      %shift_right_arithmetic3A_1440 = arith.shrsi %squeeze3A_1438, %shift_right_arithmetic3A_1439 : i32
      %mul3A_1441 = arith.constant 128 : i32
      %mul3A_1442 = arith.muli %shift_right_arithmetic3A_1440, %mul3A_1441 : i32
      %multiple_of3A_1443 = tpu.assume_multiple %mul3A_1442, 128 : i32
      %dma_start3A_1444 = arith.constant 0 : i32
      %dma_start3A_1445 = tpu.memref_slice %arg5[%dma_start3A_1444, %multiple_of3A_1443] : memref<16x1000000xf32, #tpu.memory_space<hbm>> -> memref<16x128xf32, #tpu.memory_space<hbm>>
      %dma_start3A_1446 = arith.constant 0 : i32
      %dma_start3A_1447 = tpu.memref_slice %arg5[%dma_start3A_1446, %multiple_of3A_1443] : memref<16x1000000xf32, #tpu.memory_space<hbm>> -> memref<16x128xf32, #tpu.memory_space<hbm>>
      tpu.enqueue_dma source(%dma_start3A_1447 : memref<16x128xf32, #tpu.memory_space<hbm>>) target(%arg36 : memref<16x128xf32, #tpu.memory_space<vmem>>) target_semaphore(%arg10 : memref<!tpu.dma_semaphore, #tpu.memory_space<semaphore_mem>>)
      %slice3A_1448 = vector.extract_strided_slice %gather3A_35 {offsets = [12], sizes = [1], strides = [1]} : vector<16xi32> to vector<1xi32>
      %squeeze3A_1449 = vector.extract %slice3A_1448[0] : i32 from vector<1xi32>
      %shift_right_arithmetic3A_1450 = arith.constant 7 : i32
      %shift_right_arithmetic3A_1451 = arith.shrsi %squeeze3A_1449, %shift_right_arithmetic3A_1450 : i32
      %mul3A_1452 = arith.constant 128 : i32
      %mul3A_1453 = arith.muli %shift_right_arithmetic3A_1451, %mul3A_1452 : i32
      %multiple_of3A_1454 = tpu.assume_multiple %mul3A_1453, 128 : i32
      %dma_start3A_1455 = arith.constant 0 : i32
      %dma_start3A_1456 = tpu.memref_slice %arg3[%dma_start3A_1455, %multiple_of3A_1454] : memref<16x1000000xf32, #tpu.memory_space<hbm>> -> memref<16x128xf32, #tpu.memory_space<hbm>>
      %dma_start3A_1457 = arith.constant 0 : i32
      %dma_start3A_1458 = tpu.memref_slice %arg3[%dma_start3A_1457, %multiple_of3A_1454] : memref<16x1000000xf32, #tpu.memory_space<hbm>> -> memref<16x128xf32, #tpu.memory_space<hbm>>
      tpu.enqueue_dma source(%dma_start3A_1458 : memref<16x128xf32, #tpu.memory_space<hbm>>) target(%arg37 : memref<16x128xf32, #tpu.memory_space<vmem>>) target_semaphore(%arg10 : memref<!tpu.dma_semaphore, #tpu.memory_space<semaphore_mem>>)
      %slice3A_1459 = vector.extract_strided_slice %gather3A_50 {offsets = [12], sizes = [1], strides = [1]} : vector<16xi32> to vector<1xi32>
      %squeeze3A_1460 = vector.extract %slice3A_1459[0] : i32 from vector<1xi32>
      %shift_right_arithmetic3A_1461 = arith.constant 7 : i32
      %shift_right_arithmetic3A_1462 = arith.shrsi %squeeze3A_1460, %shift_right_arithmetic3A_1461 : i32
      %mul3A_1463 = arith.constant 128 : i32
      %mul3A_1464 = arith.muli %shift_right_arithmetic3A_1462, %mul3A_1463 : i32
      %multiple_of3A_1465 = tpu.assume_multiple %mul3A_1464, 128 : i32
      %dma_start3A_1466 = arith.constant 0 : i32
      %dma_start3A_1467 = tpu.memref_slice %arg3[%dma_start3A_1466, %multiple_of3A_1465] : memref<16x1000000xf32, #tpu.memory_space<hbm>> -> memref<16x128xf32, #tpu.memory_space<hbm>>
      %dma_start3A_1468 = arith.constant 0 : i32
      %dma_start3A_1469 = tpu.memref_slice %arg3[%dma_start3A_1468, %multiple_of3A_1465] : memref<16x1000000xf32, #tpu.memory_space<hbm>> -> memref<16x128xf32, #tpu.memory_space<hbm>>
      tpu.enqueue_dma source(%dma_start3A_1469 : memref<16x128xf32, #tpu.memory_space<hbm>>) target(%arg38 : memref<16x128xf32, #tpu.memory_space<vmem>>) target_semaphore(%arg10 : memref<!tpu.dma_semaphore, #tpu.memory_space<semaphore_mem>>)
      %slice3A_1470 = vector.extract_strided_slice %gather3A_65 {offsets = [12], sizes = [1], strides = [1]} : vector<16xi32> to vector<1xi32>
      %squeeze3A_1471 = vector.extract %slice3A_1470[0] : i32 from vector<1xi32>
      %shift_right_arithmetic3A_1472 = arith.constant 7 : i32
      %shift_right_arithmetic3A_1473 = arith.shrsi %squeeze3A_1471, %shift_right_arithmetic3A_1472 : i32
      %mul3A_1474 = arith.constant 128 : i32
      %mul3A_1475 = arith.muli %shift_right_arithmetic3A_1473, %mul3A_1474 : i32
      %multiple_of3A_1476 = tpu.assume_multiple %mul3A_1475, 128 : i32
      %dma_start3A_1477 = arith.constant 0 : i32
      %dma_start3A_1478 = tpu.memref_slice %arg3[%dma_start3A_1477, %multiple_of3A_1476] : memref<16x1000000xf32, #tpu.memory_space<hbm>> -> memref<16x128xf32, #tpu.memory_space<hbm>>
      %dma_start3A_1479 = arith.constant 0 : i32
      %dma_start3A_1480 = tpu.memref_slice %arg3[%dma_start3A_1479, %multiple_of3A_1476] : memref<16x1000000xf32, #tpu.memory_space<hbm>> -> memref<16x128xf32, #tpu.memory_space<hbm>>
      tpu.enqueue_dma source(%dma_start3A_1480 : memref<16x128xf32, #tpu.memory_space<hbm>>) target(%arg39 : memref<16x128xf32, #tpu.memory_space<vmem>>) target_semaphore(%arg10 : memref<!tpu.dma_semaphore, #tpu.memory_space<semaphore_mem>>)
      %slice3A_1481 = vector.extract_strided_slice %gather3A_80 {offsets = [12], sizes = [1], strides = [1]} : vector<16xi32> to vector<1xi32>
      %squeeze3A_1482 = vector.extract %slice3A_1481[0] : i32 from vector<1xi32>
      %shift_right_arithmetic3A_1483 = arith.constant 7 : i32
      %shift_right_arithmetic3A_1484 = arith.shrsi %squeeze3A_1482, %shift_right_arithmetic3A_1483 : i32
      %mul3A_1485 = arith.constant 128 : i32
      %mul3A_1486 = arith.muli %shift_right_arithmetic3A_1484, %mul3A_1485 : i32
      %multiple_of3A_1487 = tpu.assume_multiple %mul3A_1486, 128 : i32
      %dma_start3A_1488 = arith.constant 0 : i32
      %dma_start3A_1489 = tpu.memref_slice %arg3[%dma_start3A_1488, %multiple_of3A_1487] : memref<16x1000000xf32, #tpu.memory_space<hbm>> -> memref<16x128xf32, #tpu.memory_space<hbm>>
      %dma_start3A_1490 = arith.constant 0 : i32
      %dma_start3A_1491 = tpu.memref_slice %arg3[%dma_start3A_1490, %multiple_of3A_1487] : memref<16x1000000xf32, #tpu.memory_space<hbm>> -> memref<16x128xf32, #tpu.memory_space<hbm>>
      tpu.enqueue_dma source(%dma_start3A_1491 : memref<16x128xf32, #tpu.memory_space<hbm>>) target(%arg40 : memref<16x128xf32, #tpu.memory_space<vmem>>) target_semaphore(%arg10 : memref<!tpu.dma_semaphore, #tpu.memory_space<semaphore_mem>>)
      %slice3A_1492 = vector.extract_strided_slice %gather3A {offsets = [13], sizes = [1], strides = [1]} : vector<16xi32> to vector<1xi32>
      %squeeze3A_1493 = vector.extract %slice3A_1492[0] : i32 from vector<1xi32>
      %shift_right_arithmetic3A_1494 = arith.constant 7 : i32
      %shift_right_arithmetic3A_1495 = arith.shrsi %squeeze3A_1493, %shift_right_arithmetic3A_1494 : i32
      %mul3A_1496 = arith.constant 128 : i32
      %mul3A_1497 = arith.muli %shift_right_arithmetic3A_1495, %mul3A_1496 : i32
      %multiple_of3A_1498 = tpu.assume_multiple %mul3A_1497, 128 : i32
      %dma_start3A_1499 = arith.constant 0 : i32
      %dma_start3A_1500 = tpu.memref_slice %arg4[%dma_start3A_1499, %multiple_of3A_1498] : memref<16x1000000xf32, #tpu.memory_space<hbm>> -> memref<16x128xf32, #tpu.memory_space<hbm>>
      %dma_start3A_1501 = arith.constant 0 : i32
      %dma_start3A_1502 = tpu.memref_slice %arg4[%dma_start3A_1501, %multiple_of3A_1498] : memref<16x1000000xf32, #tpu.memory_space<hbm>> -> memref<16x128xf32, #tpu.memory_space<hbm>>
      tpu.enqueue_dma source(%dma_start3A_1502 : memref<16x128xf32, #tpu.memory_space<hbm>>) target(%arg41 : memref<16x128xf32, #tpu.memory_space<vmem>>) target_semaphore(%arg10 : memref<!tpu.dma_semaphore, #tpu.memory_space<semaphore_mem>>)
      %slice3A_1503 = vector.extract_strided_slice %gather3A {offsets = [13], sizes = [1], strides = [1]} : vector<16xi32> to vector<1xi32>
      %squeeze3A_1504 = vector.extract %slice3A_1503[0] : i32 from vector<1xi32>
      %shift_right_arithmetic3A_1505 = arith.constant 7 : i32
      %shift_right_arithmetic3A_1506 = arith.shrsi %squeeze3A_1504, %shift_right_arithmetic3A_1505 : i32
      %mul3A_1507 = arith.constant 128 : i32
      %mul3A_1508 = arith.muli %shift_right_arithmetic3A_1506, %mul3A_1507 : i32
      %multiple_of3A_1509 = tpu.assume_multiple %mul3A_1508, 128 : i32
      %dma_start3A_1510 = arith.constant 0 : i32
      %dma_start3A_1511 = tpu.memref_slice %arg5[%dma_start3A_1510, %multiple_of3A_1509] : memref<16x1000000xf32, #tpu.memory_space<hbm>> -> memref<16x128xf32, #tpu.memory_space<hbm>>
      %dma_start3A_1512 = arith.constant 0 : i32
      %dma_start3A_1513 = tpu.memref_slice %arg5[%dma_start3A_1512, %multiple_of3A_1509] : memref<16x1000000xf32, #tpu.memory_space<hbm>> -> memref<16x128xf32, #tpu.memory_space<hbm>>
      tpu.enqueue_dma source(%dma_start3A_1513 : memref<16x128xf32, #tpu.memory_space<hbm>>) target(%arg42 : memref<16x128xf32, #tpu.memory_space<vmem>>) target_semaphore(%arg10 : memref<!tpu.dma_semaphore, #tpu.memory_space<semaphore_mem>>)
      %slice3A_1514 = vector.extract_strided_slice %gather3A_35 {offsets = [13], sizes = [1], strides = [1]} : vector<16xi32> to vector<1xi32>
      %squeeze3A_1515 = vector.extract %slice3A_1514[0] : i32 from vector<1xi32>
      %shift_right_arithmetic3A_1516 = arith.constant 7 : i32
      %shift_right_arithmetic3A_1517 = arith.shrsi %squeeze3A_1515, %shift_right_arithmetic3A_1516 : i32
      %mul3A_1518 = arith.constant 128 : i32
      %mul3A_1519 = arith.muli %shift_right_arithmetic3A_1517, %mul3A_1518 : i32
      %multiple_of3A_1520 = tpu.assume_multiple %mul3A_1519, 128 : i32
      %dma_start3A_1521 = arith.constant 0 : i32
      %dma_start3A_1522 = tpu.memref_slice %arg3[%dma_start3A_1521, %multiple_of3A_1520] : memref<16x1000000xf32, #tpu.memory_space<hbm>> -> memref<16x128xf32, #tpu.memory_space<hbm>>
      %dma_start3A_1523 = arith.constant 0 : i32
      %dma_start3A_1524 = tpu.memref_slice %arg3[%dma_start3A_1523, %multiple_of3A_1520] : memref<16x1000000xf32, #tpu.memory_space<hbm>> -> memref<16x128xf32, #tpu.memory_space<hbm>>
      tpu.enqueue_dma source(%dma_start3A_1524 : memref<16x128xf32, #tpu.memory_space<hbm>>) target(%arg43 : memref<16x128xf32, #tpu.memory_space<vmem>>) target_semaphore(%arg10 : memref<!tpu.dma_semaphore, #tpu.memory_space<semaphore_mem>>)
      %slice3A_1525 = vector.extract_strided_slice %gather3A_50 {offsets = [13], sizes = [1], strides = [1]} : vector<16xi32> to vector<1xi32>
      %squeeze3A_1526 = vector.extract %slice3A_1525[0] : i32 from vector<1xi32>
      %shift_right_arithmetic3A_1527 = arith.constant 7 : i32
      %shift_right_arithmetic3A_1528 = arith.shrsi %squeeze3A_1526, %shift_right_arithmetic3A_1527 : i32
      %mul3A_1529 = arith.constant 128 : i32
      %mul3A_1530 = arith.muli %shift_right_arithmetic3A_1528, %mul3A_1529 : i32
      %multiple_of3A_1531 = tpu.assume_multiple %mul3A_1530, 128 : i32
      %dma_start3A_1532 = arith.constant 0 : i32
      %dma_start3A_1533 = tpu.memref_slice %arg3[%dma_start3A_1532, %multiple_of3A_1531] : memref<16x1000000xf32, #tpu.memory_space<hbm>> -> memref<16x128xf32, #tpu.memory_space<hbm>>
      %dma_start3A_1534 = arith.constant 0 : i32
      %dma_start3A_1535 = tpu.memref_slice %arg3[%dma_start3A_1534, %multiple_of3A_1531] : memref<16x1000000xf32, #tpu.memory_space<hbm>> -> memref<16x128xf32, #tpu.memory_space<hbm>>
      tpu.enqueue_dma source(%dma_start3A_1535 : memref<16x128xf32, #tpu.memory_space<hbm>>) target(%arg44 : memref<16x128xf32, #tpu.memory_space<vmem>>) target_semaphore(%arg10 : memref<!tpu.dma_semaphore, #tpu.memory_space<semaphore_mem>>)
      %slice3A_1536 = vector.extract_strided_slice %gather3A_65 {offsets = [13], sizes = [1], strides = [1]} : vector<16xi32> to vector<1xi32>
      %squeeze3A_1537 = vector.extract %slice3A_1536[0] : i32 from vector<1xi32>
      %shift_right_arithmetic3A_1538 = arith.constant 7 : i32
      %shift_right_arithmetic3A_1539 = arith.shrsi %squeeze3A_1537, %shift_right_arithmetic3A_1538 : i32
      %mul3A_1540 = arith.constant 128 : i32
      %mul3A_1541 = arith.muli %shift_right_arithmetic3A_1539, %mul3A_1540 : i32
      %multiple_of3A_1542 = tpu.assume_multiple %mul3A_1541, 128 : i32
      %dma_start3A_1543 = arith.constant 0 : i32
      %dma_start3A_1544 = tpu.memref_slice %arg3[%dma_start3A_1543, %multiple_of3A_1542] : memref<16x1000000xf32, #tpu.memory_space<hbm>> -> memref<16x128xf32, #tpu.memory_space<hbm>>
      %dma_start3A_1545 = arith.constant 0 : i32
      %dma_start3A_1546 = tpu.memref_slice %arg3[%dma_start3A_1545, %multiple_of3A_1542] : memref<16x1000000xf32, #tpu.memory_space<hbm>> -> memref<16x128xf32, #tpu.memory_space<hbm>>
      tpu.enqueue_dma source(%dma_start3A_1546 : memref<16x128xf32, #tpu.memory_space<hbm>>) target(%arg45 : memref<16x128xf32, #tpu.memory_space<vmem>>) target_semaphore(%arg10 : memref<!tpu.dma_semaphore, #tpu.memory_space<semaphore_mem>>)
      %slice3A_1547 = vector.extract_strided_slice %gather3A_80 {offsets = [13], sizes = [1], strides = [1]} : vector<16xi32> to vector<1xi32>
      %squeeze3A_1548 = vector.extract %slice3A_1547[0] : i32 from vector<1xi32>
      %shift_right_arithmetic3A_1549 = arith.constant 7 : i32
      %shift_right_arithmetic3A_1550 = arith.shrsi %squeeze3A_1548, %shift_right_arithmetic3A_1549 : i32
      %mul3A_1551 = arith.constant 128 : i32
      %mul3A_1552 = arith.muli %shift_right_arithmetic3A_1550, %mul3A_1551 : i32
      %multiple_of3A_1553 = tpu.assume_multiple %mul3A_1552, 128 : i32
      %dma_start3A_1554 = arith.constant 0 : i32
      %dma_start3A_1555 = tpu.memref_slice %arg3[%dma_start3A_1554, %multiple_of3A_1553] : memref<16x1000000xf32, #tpu.memory_space<hbm>> -> memref<16x128xf32, #tpu.memory_space<hbm>>
      %dma_start3A_1556 = arith.constant 0 : i32
      %dma_start3A_1557 = tpu.memref_slice %arg3[%dma_start3A_1556, %multiple_of3A_1553] : memref<16x1000000xf32, #tpu.memory_space<hbm>> -> memref<16x128xf32, #tpu.memory_space<hbm>>
      tpu.enqueue_dma source(%dma_start3A_1557 : memref<16x128xf32, #tpu.memory_space<hbm>>) target(%arg46 : memref<16x128xf32, #tpu.memory_space<vmem>>) target_semaphore(%arg10 : memref<!tpu.dma_semaphore, #tpu.memory_space<semaphore_mem>>)
      %slice3A_1558 = vector.extract_strided_slice %gather3A {offsets = [14], sizes = [1], strides = [1]} : vector<16xi32> to vector<1xi32>
      %squeeze3A_1559 = vector.extract %slice3A_1558[0] : i32 from vector<1xi32>
      %shift_right_arithmetic3A_1560 = arith.constant 7 : i32
      %shift_right_arithmetic3A_1561 = arith.shrsi %squeeze3A_1559, %shift_right_arithmetic3A_1560 : i32
      %mul3A_1562 = arith.constant 128 : i32
      %mul3A_1563 = arith.muli %shift_right_arithmetic3A_1561, %mul3A_1562 : i32
      %multiple_of3A_1564 = tpu.assume_multiple %mul3A_1563, 128 : i32
      %dma_start3A_1565 = arith.constant 0 : i32
      %dma_start3A_1566 = tpu.memref_slice %arg4[%dma_start3A_1565, %multiple_of3A_1564] : memref<16x1000000xf32, #tpu.memory_space<hbm>> -> memref<16x128xf32, #tpu.memory_space<hbm>>
      %dma_start3A_1567 = arith.constant 0 : i32
      %dma_start3A_1568 = tpu.memref_slice %arg4[%dma_start3A_1567, %multiple_of3A_1564] : memref<16x1000000xf32, #tpu.memory_space<hbm>> -> memref<16x128xf32, #tpu.memory_space<hbm>>
      tpu.enqueue_dma source(%dma_start3A_1568 : memref<16x128xf32, #tpu.memory_space<hbm>>) target(%arg47 : memref<16x128xf32, #tpu.memory_space<vmem>>) target_semaphore(%arg10 : memref<!tpu.dma_semaphore, #tpu.memory_space<semaphore_mem>>)
      %slice3A_1569 = vector.extract_strided_slice %gather3A {offsets = [14], sizes = [1], strides = [1]} : vector<16xi32> to vector<1xi32>
      %squeeze3A_1570 = vector.extract %slice3A_1569[0] : i32 from vector<1xi32>
      %shift_right_arithmetic3A_1571 = arith.constant 7 : i32
      %shift_right_arithmetic3A_1572 = arith.shrsi %squeeze3A_1570, %shift_right_arithmetic3A_1571 : i32
      %mul3A_1573 = arith.constant 128 : i32
      %mul3A_1574 = arith.muli %shift_right_arithmetic3A_1572, %mul3A_1573 : i32
      %multiple_of3A_1575 = tpu.assume_multiple %mul3A_1574, 128 : i32
      %dma_start3A_1576 = arith.constant 0 : i32
      %dma_start3A_1577 = tpu.memref_slice %arg5[%dma_start3A_1576, %multiple_of3A_1575] : memref<16x1000000xf32, #tpu.memory_space<hbm>> -> memref<16x128xf32, #tpu.memory_space<hbm>>
      %dma_start3A_1578 = arith.constant 0 : i32
      %dma_start3A_1579 = tpu.memref_slice %arg5[%dma_start3A_1578, %multiple_of3A_1575] : memref<16x1000000xf32, #tpu.memory_space<hbm>> -> memref<16x128xf32, #tpu.memory_space<hbm>>
      tpu.enqueue_dma source(%dma_start3A_1579 : memref<16x128xf32, #tpu.memory_space<hbm>>) target(%arg48 : memref<16x128xf32, #tpu.memory_space<vmem>>) target_semaphore(%arg10 : memref<!tpu.dma_semaphore, #tpu.memory_space<semaphore_mem>>)
      %slice3A_1580 = vector.extract_strided_slice %gather3A_35 {offsets = [14], sizes = [1], strides = [1]} : vector<16xi32> to vector<1xi32>
      %squeeze3A_1581 = vector.extract %slice3A_1580[0] : i32 from vector<1xi32>
      %shift_right_arithmetic3A_1582 = arith.constant 7 : i32
      %shift_right_arithmetic3A_1583 = arith.shrsi %squeeze3A_1581, %shift_right_arithmetic3A_1582 : i32
      %mul3A_1584 = arith.constant 128 : i32
      %mul3A_1585 = arith.muli %shift_right_arithmetic3A_1583, %mul3A_1584 : i32
      %multiple_of3A_1586 = tpu.assume_multiple %mul3A_1585, 128 : i32
      %dma_start3A_1587 = arith.constant 0 : i32
      %dma_start3A_1588 = tpu.memref_slice %arg3[%dma_start3A_1587, %multiple_of3A_1586] : memref<16x1000000xf32, #tpu.memory_space<hbm>> -> memref<16x128xf32, #tpu.memory_space<hbm>>
      %dma_start3A_1589 = arith.constant 0 : i32
      %dma_start3A_1590 = tpu.memref_slice %arg3[%dma_start3A_1589, %multiple_of3A_1586] : memref<16x1000000xf32, #tpu.memory_space<hbm>> -> memref<16x128xf32, #tpu.memory_space<hbm>>
      tpu.enqueue_dma source(%dma_start3A_1590 : memref<16x128xf32, #tpu.memory_space<hbm>>) target(%arg49 : memref<16x128xf32, #tpu.memory_space<vmem>>) target_semaphore(%arg10 : memref<!tpu.dma_semaphore, #tpu.memory_space<semaphore_mem>>)
      %slice3A_1591 = vector.extract_strided_slice %gather3A_50 {offsets = [14], sizes = [1], strides = [1]} : vector<16xi32> to vector<1xi32>
      %squeeze3A_1592 = vector.extract %slice3A_1591[0] : i32 from vector<1xi32>
      %shift_right_arithmetic3A_1593 = arith.constant 7 : i32
      %shift_right_arithmetic3A_1594 = arith.shrsi %squeeze3A_1592, %shift_right_arithmetic3A_1593 : i32
      %mul3A_1595 = arith.constant 128 : i32
      %mul3A_1596 = arith.muli %shift_right_arithmetic3A_1594, %mul3A_1595 : i32
      %multiple_of3A_1597 = tpu.assume_multiple %mul3A_1596, 128 : i32
      %dma_start3A_1598 = arith.constant 0 : i32
      %dma_start3A_1599 = tpu.memref_slice %arg3[%dma_start3A_1598, %multiple_of3A_1597] : memref<16x1000000xf32, #tpu.memory_space<hbm>> -> memref<16x128xf32, #tpu.memory_space<hbm>>
      %dma_start3A_1600 = arith.constant 0 : i32
      %dma_start3A_1601 = tpu.memref_slice %arg3[%dma_start3A_1600, %multiple_of3A_1597] : memref<16x1000000xf32, #tpu.memory_space<hbm>> -> memref<16x128xf32, #tpu.memory_space<hbm>>
      tpu.enqueue_dma source(%dma_start3A_1601 : memref<16x128xf32, #tpu.memory_space<hbm>>) target(%arg50 : memref<16x128xf32, #tpu.memory_space<vmem>>) target_semaphore(%arg10 : memref<!tpu.dma_semaphore, #tpu.memory_space<semaphore_mem>>)
      %slice3A_1602 = vector.extract_strided_slice %gather3A_65 {offsets = [14], sizes = [1], strides = [1]} : vector<16xi32> to vector<1xi32>
      %squeeze3A_1603 = vector.extract %slice3A_1602[0] : i32 from vector<1xi32>
      %shift_right_arithmetic3A_1604 = arith.constant 7 : i32
      %shift_right_arithmetic3A_1605 = arith.shrsi %squeeze3A_1603, %shift_right_arithmetic3A_1604 : i32
      %mul3A_1606 = arith.constant 128 : i32
      %mul3A_1607 = arith.muli %shift_right_arithmetic3A_1605, %mul3A_1606 : i32
      %multiple_of3A_1608 = tpu.assume_multiple %mul3A_1607, 128 : i32
      %dma_start3A_1609 = arith.constant 0 : i32
      %dma_start3A_1610 = tpu.memref_slice %arg3[%dma_start3A_1609, %multiple_of3A_1608] : memref<16x1000000xf32, #tpu.memory_space<hbm>> -> memref<16x128xf32, #tpu.memory_space<hbm>>
      %dma_start3A_1611 = arith.constant 0 : i32
      %dma_start3A_1612 = tpu.memref_slice %arg3[%dma_start3A_1611, %multiple_of3A_1608] : memref<16x1000000xf32, #tpu.memory_space<hbm>> -> memref<16x128xf32, #tpu.memory_space<hbm>>
      tpu.enqueue_dma source(%dma_start3A_1612 : memref<16x128xf32, #tpu.memory_space<hbm>>) target(%arg51 : memref<16x128xf32, #tpu.memory_space<vmem>>) target_semaphore(%arg10 : memref<!tpu.dma_semaphore, #tpu.memory_space<semaphore_mem>>)
      %slice3A_1613 = vector.extract_strided_slice %gather3A_80 {offsets = [14], sizes = [1], strides = [1]} : vector<16xi32> to vector<1xi32>
      %squeeze3A_1614 = vector.extract %slice3A_1613[0] : i32 from vector<1xi32>
      %shift_right_arithmetic3A_1615 = arith.constant 7 : i32
      %shift_right_arithmetic3A_1616 = arith.shrsi %squeeze3A_1614, %shift_right_arithmetic3A_1615 : i32
      %mul3A_1617 = arith.constant 128 : i32
      %mul3A_1618 = arith.muli %shift_right_arithmetic3A_1616, %mul3A_1617 : i32
      %multiple_of3A_1619 = tpu.assume_multiple %mul3A_1618, 128 : i32
      %dma_start3A_1620 = arith.constant 0 : i32
      %dma_start3A_1621 = tpu.memref_slice %arg3[%dma_start3A_1620, %multiple_of3A_1619] : memref<16x1000000xf32, #tpu.memory_space<hbm>> -> memref<16x128xf32, #tpu.memory_space<hbm>>
      %dma_start3A_1622 = arith.constant 0 : i32
      %dma_start3A_1623 = tpu.memref_slice %arg3[%dma_start3A_1622, %multiple_of3A_1619] : memref<16x1000000xf32, #tpu.memory_space<hbm>> -> memref<16x128xf32, #tpu.memory_space<hbm>>
      tpu.enqueue_dma source(%dma_start3A_1623 : memref<16x128xf32, #tpu.memory_space<hbm>>) target(%arg52 : memref<16x128xf32, #tpu.memory_space<vmem>>) target_semaphore(%arg10 : memref<!tpu.dma_semaphore, #tpu.memory_space<semaphore_mem>>)
      %slice3A_1624 = vector.extract_strided_slice %gather3A {offsets = [15], sizes = [1], strides = [1]} : vector<16xi32> to vector<1xi32>
      %squeeze3A_1625 = vector.extract %slice3A_1624[0] : i32 from vector<1xi32>
      %shift_right_arithmetic3A_1626 = arith.constant 7 : i32
      %shift_right_arithmetic3A_1627 = arith.shrsi %squeeze3A_1625, %shift_right_arithmetic3A_1626 : i32
      %mul3A_1628 = arith.constant 128 : i32
      %mul3A_1629 = arith.muli %shift_right_arithmetic3A_1627, %mul3A_1628 : i32
      %multiple_of3A_1630 = tpu.assume_multiple %mul3A_1629, 128 : i32
      %dma_start3A_1631 = arith.constant 0 : i32
      %dma_start3A_1632 = tpu.memref_slice %arg4[%dma_start3A_1631, %multiple_of3A_1630] : memref<16x1000000xf32, #tpu.memory_space<hbm>> -> memref<16x128xf32, #tpu.memory_space<hbm>>
      %dma_start3A_1633 = arith.constant 0 : i32
      %dma_start3A_1634 = tpu.memref_slice %arg4[%dma_start3A_1633, %multiple_of3A_1630] : memref<16x1000000xf32, #tpu.memory_space<hbm>> -> memref<16x128xf32, #tpu.memory_space<hbm>>
      tpu.enqueue_dma source(%dma_start3A_1634 : memref<16x128xf32, #tpu.memory_space<hbm>>) target(%arg53 : memref<16x128xf32, #tpu.memory_space<vmem>>) target_semaphore(%arg10 : memref<!tpu.dma_semaphore, #tpu.memory_space<semaphore_mem>>)
      %slice3A_1635 = vector.extract_strided_slice %gather3A {offsets = [15], sizes = [1], strides = [1]} : vector<16xi32> to vector<1xi32>
      %squeeze3A_1636 = vector.extract %slice3A_1635[0] : i32 from vector<1xi32>
      %shift_right_arithmetic3A_1637 = arith.constant 7 : i32
      %shift_right_arithmetic3A_1638 = arith.shrsi %squeeze3A_1636, %shift_right_arithmetic3A_1637 : i32
      %mul3A_1639 = arith.constant 128 : i32
      %mul3A_1640 = arith.muli %shift_right_arithmetic3A_1638, %mul3A_1639 : i32
      %multiple_of3A_1641 = tpu.assume_multiple %mul3A_1640, 128 : i32
      %dma_start3A_1642 = arith.constant 0 : i32
      %dma_start3A_1643 = tpu.memref_slice %arg5[%dma_start3A_1642, %multiple_of3A_1641] : memref<16x1000000xf32, #tpu.memory_space<hbm>> -> memref<16x128xf32, #tpu.memory_space<hbm>>
      %dma_start3A_1644 = arith.constant 0 : i32
      %dma_start3A_1645 = tpu.memref_slice %arg5[%dma_start3A_1644, %multiple_of3A_1641] : memref<16x1000000xf32, #tpu.memory_space<hbm>> -> memref<16x128xf32, #tpu.memory_space<hbm>>
      tpu.enqueue_dma source(%dma_start3A_1645 : memref<16x128xf32, #tpu.memory_space<hbm>>) target(%arg54 : memref<16x128xf32, #tpu.memory_space<vmem>>) target_semaphore(%arg10 : memref<!tpu.dma_semaphore, #tpu.memory_space<semaphore_mem>>)
      %slice3A_1646 = vector.extract_strided_slice %gather3A_35 {offsets = [15], sizes = [1], strides = [1]} : vector<16xi32> to vector<1xi32>
      %squeeze3A_1647 = vector.extract %slice3A_1646[0] : i32 from vector<1xi32>
      %shift_right_arithmetic3A_1648 = arith.constant 7 : i32
      %shift_right_arithmetic3A_1649 = arith.shrsi %squeeze3A_1647, %shift_right_arithmetic3A_1648 : i32
      %mul3A_1650 = arith.constant 128 : i32
      %mul3A_1651 = arith.muli %shift_right_arithmetic3A_1649, %mul3A_1650 : i32
      %multiple_of3A_1652 = tpu.assume_multiple %mul3A_1651, 128 : i32
      %dma_start3A_1653 = arith.constant 0 : i32
      %dma_start3A_1654 = tpu.memref_slice %arg3[%dma_start3A_1653, %multiple_of3A_1652] : memref<16x1000000xf32, #tpu.memory_space<hbm>> -> memref<16x128xf32, #tpu.memory_space<hbm>>
      %dma_start3A_1655 = arith.constant 0 : i32
      %dma_start3A_1656 = tpu.memref_slice %arg3[%dma_start3A_1655, %multiple_of3A_1652] : memref<16x1000000xf32, #tpu.memory_space<hbm>> -> memref<16x128xf32, #tpu.memory_space<hbm>>
      tpu.enqueue_dma source(%dma_start3A_1656 : memref<16x128xf32, #tpu.memory_space<hbm>>) target(%arg55 : memref<16x128xf32, #tpu.memory_space<vmem>>) target_semaphore(%arg10 : memref<!tpu.dma_semaphore, #tpu.memory_space<semaphore_mem>>)
      %slice3A_1657 = vector.extract_strided_slice %gather3A_50 {offsets = [15], sizes = [1], strides = [1]} : vector<16xi32> to vector<1xi32>
      %squeeze3A_1658 = vector.extract %slice3A_1657[0] : i32 from vector<1xi32>
      %shift_right_arithmetic3A_1659 = arith.constant 7 : i32
      %shift_right_arithmetic3A_1660 = arith.shrsi %squeeze3A_1658, %shift_right_arithmetic3A_1659 : i32
      %mul3A_1661 = arith.constant 128 : i32
      %mul3A_1662 = arith.muli %shift_right_arithmetic3A_1660, %mul3A_1661 : i32
      %multiple_of3A_1663 = tpu.assume_multiple %mul3A_1662, 128 : i32
      %dma_start3A_1664 = arith.constant 0 : i32
      %dma_start3A_1665 = tpu.memref_slice %arg3[%dma_start3A_1664, %multiple_of3A_1663] : memref<16x1000000xf32, #tpu.memory_space<hbm>> -> memref<16x128xf32, #tpu.memory_space<hbm>>
      %dma_start3A_1666 = arith.constant 0 : i32
      %dma_start3A_1667 = tpu.memref_slice %arg3[%dma_start3A_1666, %multiple_of3A_1663] : memref<16x1000000xf32, #tpu.memory_space<hbm>> -> memref<16x128xf32, #tpu.memory_space<hbm>>
      tpu.enqueue_dma source(%dma_start3A_1667 : memref<16x128xf32, #tpu.memory_space<hbm>>) target(%arg56 : memref<16x128xf32, #tpu.memory_space<vmem>>) target_semaphore(%arg10 : memref<!tpu.dma_semaphore, #tpu.memory_space<semaphore_mem>>)
      %slice3A_1668 = vector.extract_strided_slice %gather3A_65 {offsets = [15], sizes = [1], strides = [1]} : vector<16xi32> to vector<1xi32>
      %squeeze3A_1669 = vector.extract %slice3A_1668[0] : i32 from vector<1xi32>
      %shift_right_arithmetic3A_1670 = arith.constant 7 : i32
      %shift_right_arithmetic3A_1671 = arith.shrsi %squeeze3A_1669, %shift_right_arithmetic3A_1670 : i32
      %mul3A_1672 = arith.constant 128 : i32
      %mul3A_1673 = arith.muli %shift_right_arithmetic3A_1671, %mul3A_1672 : i32
      %multiple_of3A_1674 = tpu.assume_multiple %mul3A_1673, 128 : i32
      %dma_start3A_1675 = arith.constant 0 : i32
      %dma_start3A_1676 = tpu.memref_slice %arg3[%dma_start3A_1675, %multiple_of3A_1674] : memref<16x1000000xf32, #tpu.memory_space<hbm>> -> memref<16x128xf32, #tpu.memory_space<hbm>>
      %dma_start3A_1677 = arith.constant 0 : i32
      %dma_start3A_1678 = tpu.memref_slice %arg3[%dma_start3A_1677, %multiple_of3A_1674] : memref<16x1000000xf32, #tpu.memory_space<hbm>> -> memref<16x128xf32, #tpu.memory_space<hbm>>
      tpu.enqueue_dma source(%dma_start3A_1678 : memref<16x128xf32, #tpu.memory_space<hbm>>) target(%arg57 : memref<16x128xf32, #tpu.memory_space<vmem>>) target_semaphore(%arg10 : memref<!tpu.dma_semaphore, #tpu.memory_space<semaphore_mem>>)
      %slice3A_1679 = vector.extract_strided_slice %gather3A_80 {offsets = [15], sizes = [1], strides = [1]} : vector<16xi32> to vector<1xi32>
      %squeeze3A_1680 = vector.extract %slice3A_1679[0] : i32 from vector<1xi32>
      %shift_right_arithmetic3A_1681 = arith.constant 7 : i32
      %shift_right_arithmetic3A_1682 = arith.shrsi %squeeze3A_1680, %shift_right_arithmetic3A_1681 : i32
      %mul3A_1683 = arith.constant 128 : i32
      %mul3A_1684 = arith.muli %shift_right_arithmetic3A_1682, %mul3A_1683 : i32
      %multiple_of3A_1685 = tpu.assume_multiple %mul3A_1684, 128 : i32
      %dma_start3A_1686 = arith.constant 0 : i32
      %dma_start3A_1687 = tpu.memref_slice %arg3[%dma_start3A_1686, %multiple_of3A_1685] : memref<16x1000000xf32, #tpu.memory_space<hbm>> -> memref<16x128xf32, #tpu.memory_space<hbm>>
      %dma_start3A_1688 = arith.constant 0 : i32
      %dma_start3A_1689 = tpu.memref_slice %arg3[%dma_start3A_1688, %multiple_of3A_1685] : memref<16x1000000xf32, #tpu.memory_space<hbm>> -> memref<16x128xf32, #tpu.memory_space<hbm>>
      tpu.enqueue_dma source(%dma_start3A_1689 : memref<16x128xf32, #tpu.memory_space<hbm>>) target(%arg58 : memref<16x128xf32, #tpu.memory_space<vmem>>) target_semaphore(%arg10 : memref<!tpu.dma_semaphore, #tpu.memory_space<semaphore_mem>>)
      %dma_wait3A_1690 = arith.constant 0 : i32
      %dma_wait3A_1691 = tpu.memref_slice %arg4[%dma_wait3A_1690, %multiple_of3A_1168] : memref<16x1000000xf32, #tpu.memory_space<hbm>> -> memref<16x128xf32, #tpu.memory_space<hbm>>
      %dma_wait3A_1692 = arith.constant 0 : i32
      %dma_wait3A_1693 = tpu.memref_slice %arg4[%dma_wait3A_1692, %multiple_of3A_1168] : memref<16x1000000xf32, #tpu.memory_space<hbm>> -> memref<16x128xf32, #tpu.memory_space<hbm>>
      tpu.wait_dma2 semaphore(%arg10 : memref<!tpu.dma_semaphore, #tpu.memory_space<semaphore_mem>>) src(%dma_wait3A_1693 : memref<16x128xf32, #tpu.memory_space<hbm>>) dst(%arg11 : memref<16x128xf32, #tpu.memory_space<vmem>>)
      %dma_wait3A_1694 = arith.constant 0 : i32
      %dma_wait3A_1695 = tpu.memref_slice %arg5[%dma_wait3A_1694, %multiple_of3A_1179] : memref<16x1000000xf32, #tpu.memory_space<hbm>> -> memref<16x128xf32, #tpu.memory_space<hbm>>
      %dma_wait3A_1696 = arith.constant 0 : i32
      %dma_wait3A_1697 = tpu.memref_slice %arg5[%dma_wait3A_1696, %multiple_of3A_1179] : memref<16x1000000xf32, #tpu.memory_space<hbm>> -> memref<16x128xf32, #tpu.memory_space<hbm>>
      tpu.wait_dma2 semaphore(%arg10 : memref<!tpu.dma_semaphore, #tpu.memory_space<semaphore_mem>>) src(%dma_wait3A_1697 : memref<16x128xf32, #tpu.memory_space<hbm>>) dst(%arg12 : memref<16x128xf32, #tpu.memory_space<vmem>>)
      %dma_wait3A_1698 = arith.constant 0 : i32
      %dma_wait3A_1699 = tpu.memref_slice %arg3[%dma_wait3A_1698, %multiple_of3A_1190] : memref<16x1000000xf32, #tpu.memory_space<hbm>> -> memref<16x128xf32, #tpu.memory_space<hbm>>
      %dma_wait3A_1700 = arith.constant 0 : i32
      %dma_wait3A_1701 = tpu.memref_slice %arg3[%dma_wait3A_1700, %multiple_of3A_1190] : memref<16x1000000xf32, #tpu.memory_space<hbm>> -> memref<16x128xf32, #tpu.memory_space<hbm>>
      tpu.wait_dma2 semaphore(%arg10 : memref<!tpu.dma_semaphore, #tpu.memory_space<semaphore_mem>>) src(%dma_wait3A_1701 : memref<16x128xf32, #tpu.memory_space<hbm>>) dst(%arg13 : memref<16x128xf32, #tpu.memory_space<vmem>>)
      %dma_wait3A_1702 = arith.constant 0 : i32
      %dma_wait3A_1703 = tpu.memref_slice %arg3[%dma_wait3A_1702, %multiple_of3A_1201] : memref<16x1000000xf32, #tpu.memory_space<hbm>> -> memref<16x128xf32, #tpu.memory_space<hbm>>
      %dma_wait3A_1704 = arith.constant 0 : i32
      %dma_wait3A_1705 = tpu.memref_slice %arg3[%dma_wait3A_1704, %multiple_of3A_1201] : memref<16x1000000xf32, #tpu.memory_space<hbm>> -> memref<16x128xf32, #tpu.memory_space<hbm>>
      tpu.wait_dma2 semaphore(%arg10 : memref<!tpu.dma_semaphore, #tpu.memory_space<semaphore_mem>>) src(%dma_wait3A_1705 : memref<16x128xf32, #tpu.memory_space<hbm>>) dst(%arg14 : memref<16x128xf32, #tpu.memory_space<vmem>>)
      %dma_wait3A_1706 = arith.constant 0 : i32
      %dma_wait3A_1707 = tpu.memref_slice %arg3[%dma_wait3A_1706, %multiple_of3A_1212] : memref<16x1000000xf32, #tpu.memory_space<hbm>> -> memref<16x128xf32, #tpu.memory_space<hbm>>
      %dma_wait3A_1708 = arith.constant 0 : i32
      %dma_wait3A_1709 = tpu.memref_slice %arg3[%dma_wait3A_1708, %multiple_of3A_1212] : memref<16x1000000xf32, #tpu.memory_space<hbm>> -> memref<16x128xf32, #tpu.memory_space<hbm>>
      tpu.wait_dma2 semaphore(%arg10 : memref<!tpu.dma_semaphore, #tpu.memory_space<semaphore_mem>>) src(%dma_wait3A_1709 : memref<16x128xf32, #tpu.memory_space<hbm>>) dst(%arg15 : memref<16x128xf32, #tpu.memory_space<vmem>>)
      %dma_wait3A_1710 = arith.constant 0 : i32
      %dma_wait3A_1711 = tpu.memref_slice %arg3[%dma_wait3A_1710, %multiple_of3A_1223] : memref<16x1000000xf32, #tpu.memory_space<hbm>> -> memref<16x128xf32, #tpu.memory_space<hbm>>
      %dma_wait3A_1712 = arith.constant 0 : i32
      %dma_wait3A_1713 = tpu.memref_slice %arg3[%dma_wait3A_1712, %multiple_of3A_1223] : memref<16x1000000xf32, #tpu.memory_space<hbm>> -> memref<16x128xf32, #tpu.memory_space<hbm>>
      tpu.wait_dma2 semaphore(%arg10 : memref<!tpu.dma_semaphore, #tpu.memory_space<semaphore_mem>>) src(%dma_wait3A_1713 : memref<16x128xf32, #tpu.memory_space<hbm>>) dst(%arg16 : memref<16x128xf32, #tpu.memory_space<vmem>>)
      %dma_wait3A_1714 = arith.constant 0 : i32
      %dma_wait3A_1715 = tpu.memref_slice %arg4[%dma_wait3A_1714, %multiple_of3A_1234] : memref<16x1000000xf32, #tpu.memory_space<hbm>> -> memref<16x128xf32, #tpu.memory_space<hbm>>
      %dma_wait3A_1716 = arith.constant 0 : i32
      %dma_wait3A_1717 = tpu.memref_slice %arg4[%dma_wait3A_1716, %multiple_of3A_1234] : memref<16x1000000xf32, #tpu.memory_space<hbm>> -> memref<16x128xf32, #tpu.memory_space<hbm>>
      tpu.wait_dma2 semaphore(%arg10 : memref<!tpu.dma_semaphore, #tpu.memory_space<semaphore_mem>>) src(%dma_wait3A_1717 : memref<16x128xf32, #tpu.memory_space<hbm>>) dst(%arg17 : memref<16x128xf32, #tpu.memory_space<vmem>>)
      %dma_wait3A_1718 = arith.constant 0 : i32
      %dma_wait3A_1719 = tpu.memref_slice %arg5[%dma_wait3A_1718, %multiple_of3A_1245] : memref<16x1000000xf32, #tpu.memory_space<hbm>> -> memref<16x128xf32, #tpu.memory_space<hbm>>
      %dma_wait3A_1720 = arith.constant 0 : i32
      %dma_wait3A_1721 = tpu.memref_slice %arg5[%dma_wait3A_1720, %multiple_of3A_1245] : memref<16x1000000xf32, #tpu.memory_space<hbm>> -> memref<16x128xf32, #tpu.memory_space<hbm>>
      tpu.wait_dma2 semaphore(%arg10 : memref<!tpu.dma_semaphore, #tpu.memory_space<semaphore_mem>>) src(%dma_wait3A_1721 : memref<16x128xf32, #tpu.memory_space<hbm>>) dst(%arg18 : memref<16x128xf32, #tpu.memory_space<vmem>>)
      %dma_wait3A_1722 = arith.constant 0 : i32
      %dma_wait3A_1723 = tpu.memref_slice %arg3[%dma_wait3A_1722, %multiple_of3A_1256] : memref<16x1000000xf32, #tpu.memory_space<hbm>> -> memref<16x128xf32, #tpu.memory_space<hbm>>
      %dma_wait3A_1724 = arith.constant 0 : i32
      %dma_wait3A_1725 = tpu.memref_slice %arg3[%dma_wait3A_1724, %multiple_of3A_1256] : memref<16x1000000xf32, #tpu.memory_space<hbm>> -> memref<16x128xf32, #tpu.memory_space<hbm>>
      tpu.wait_dma2 semaphore(%arg10 : memref<!tpu.dma_semaphore, #tpu.memory_space<semaphore_mem>>) src(%dma_wait3A_1725 : memref<16x128xf32, #tpu.memory_space<hbm>>) dst(%arg19 : memref<16x128xf32, #tpu.memory_space<vmem>>)
      %dma_wait3A_1726 = arith.constant 0 : i32
      %dma_wait3A_1727 = tpu.memref_slice %arg3[%dma_wait3A_1726, %multiple_of3A_1267] : memref<16x1000000xf32, #tpu.memory_space<hbm>> -> memref<16x128xf32, #tpu.memory_space<hbm>>
      %dma_wait3A_1728 = arith.constant 0 : i32
      %dma_wait3A_1729 = tpu.memref_slice %arg3[%dma_wait3A_1728, %multiple_of3A_1267] : memref<16x1000000xf32, #tpu.memory_space<hbm>> -> memref<16x128xf32, #tpu.memory_space<hbm>>
      tpu.wait_dma2 semaphore(%arg10 : memref<!tpu.dma_semaphore, #tpu.memory_space<semaphore_mem>>) src(%dma_wait3A_1729 : memref<16x128xf32, #tpu.memory_space<hbm>>) dst(%arg20 : memref<16x128xf32, #tpu.memory_space<vmem>>)
      %dma_wait3A_1730 = arith.constant 0 : i32
      %dma_wait3A_1731 = tpu.memref_slice %arg3[%dma_wait3A_1730, %multiple_of3A_1278] : memref<16x1000000xf32, #tpu.memory_space<hbm>> -> memref<16x128xf32, #tpu.memory_space<hbm>>
      %dma_wait3A_1732 = arith.constant 0 : i32
      %dma_wait3A_1733 = tpu.memref_slice %arg3[%dma_wait3A_1732, %multiple_of3A_1278] : memref<16x1000000xf32, #tpu.memory_space<hbm>> -> memref<16x128xf32, #tpu.memory_space<hbm>>
      tpu.wait_dma2 semaphore(%arg10 : memref<!tpu.dma_semaphore, #tpu.memory_space<semaphore_mem>>) src(%dma_wait3A_1733 : memref<16x128xf32, #tpu.memory_space<hbm>>) dst(%arg21 : memref<16x128xf32, #tpu.memory_space<vmem>>)
      %dma_wait3A_1734 = arith.constant 0 : i32
      %dma_wait3A_1735 = tpu.memref_slice %arg3[%dma_wait3A_1734, %multiple_of3A_1289] : memref<16x1000000xf32, #tpu.memory_space<hbm>> -> memref<16x128xf32, #tpu.memory_space<hbm>>
      %dma_wait3A_1736 = arith.constant 0 : i32
      %dma_wait3A_1737 = tpu.memref_slice %arg3[%dma_wait3A_1736, %multiple_of3A_1289] : memref<16x1000000xf32, #tpu.memory_space<hbm>> -> memref<16x128xf32, #tpu.memory_space<hbm>>
      tpu.wait_dma2 semaphore(%arg10 : memref<!tpu.dma_semaphore, #tpu.memory_space<semaphore_mem>>) src(%dma_wait3A_1737 : memref<16x128xf32, #tpu.memory_space<hbm>>) dst(%arg22 : memref<16x128xf32, #tpu.memory_space<vmem>>)
      %dma_wait3A_1738 = arith.constant 0 : i32
      %dma_wait3A_1739 = tpu.memref_slice %arg4[%dma_wait3A_1738, %multiple_of3A_1300] : memref<16x1000000xf32, #tpu.memory_space<hbm>> -> memref<16x128xf32, #tpu.memory_space<hbm>>
      %dma_wait3A_1740 = arith.constant 0 : i32
      %dma_wait3A_1741 = tpu.memref_slice %arg4[%dma_wait3A_1740, %multiple_of3A_1300] : memref<16x1000000xf32, #tpu.memory_space<hbm>> -> memref<16x128xf32, #tpu.memory_space<hbm>>
      tpu.wait_dma2 semaphore(%arg10 : memref<!tpu.dma_semaphore, #tpu.memory_space<semaphore_mem>>) src(%dma_wait3A_1741 : memref<16x128xf32, #tpu.memory_space<hbm>>) dst(%arg23 : memref<16x128xf32, #tpu.memory_space<vmem>>)
      %dma_wait3A_1742 = arith.constant 0 : i32
      %dma_wait3A_1743 = tpu.memref_slice %arg5[%dma_wait3A_1742, %multiple_of3A_1311] : memref<16x1000000xf32, #tpu.memory_space<hbm>> -> memref<16x128xf32, #tpu.memory_space<hbm>>
      %dma_wait3A_1744 = arith.constant 0 : i32
      %dma_wait3A_1745 = tpu.memref_slice %arg5[%dma_wait3A_1744, %multiple_of3A_1311] : memref<16x1000000xf32, #tpu.memory_space<hbm>> -> memref<16x128xf32, #tpu.memory_space<hbm>>
      tpu.wait_dma2 semaphore(%arg10 : memref<!tpu.dma_semaphore, #tpu.memory_space<semaphore_mem>>) src(%dma_wait3A_1745 : memref<16x128xf32, #tpu.memory_space<hbm>>) dst(%arg24 : memref<16x128xf32, #tpu.memory_space<vmem>>)
      %dma_wait3A_1746 = arith.constant 0 : i32
      %dma_wait3A_1747 = tpu.memref_slice %arg3[%dma_wait3A_1746, %multiple_of3A_1322] : memref<16x1000000xf32, #tpu.memory_space<hbm>> -> memref<16x128xf32, #tpu.memory_space<hbm>>
      %dma_wait3A_1748 = arith.constant 0 : i32
      %dma_wait3A_1749 = tpu.memref_slice %arg3[%dma_wait3A_1748, %multiple_of3A_1322] : memref<16x1000000xf32, #tpu.memory_space<hbm>> -> memref<16x128xf32, #tpu.memory_space<hbm>>
      tpu.wait_dma2 semaphore(%arg10 : memref<!tpu.dma_semaphore, #tpu.memory_space<semaphore_mem>>) src(%dma_wait3A_1749 : memref<16x128xf32, #tpu.memory_space<hbm>>) dst(%arg25 : memref<16x128xf32, #tpu.memory_space<vmem>>)
      %dma_wait3A_1750 = arith.constant 0 : i32
      %dma_wait3A_1751 = tpu.memref_slice %arg3[%dma_wait3A_1750, %multiple_of3A_1333] : memref<16x1000000xf32, #tpu.memory_space<hbm>> -> memref<16x128xf32, #tpu.memory_space<hbm>>
      %dma_wait3A_1752 = arith.constant 0 : i32
      %dma_wait3A_1753 = tpu.memref_slice %arg3[%dma_wait3A_1752, %multiple_of3A_1333] : memref<16x1000000xf32, #tpu.memory_space<hbm>> -> memref<16x128xf32, #tpu.memory_space<hbm>>
      tpu.wait_dma2 semaphore(%arg10 : memref<!tpu.dma_semaphore, #tpu.memory_space<semaphore_mem>>) src(%dma_wait3A_1753 : memref<16x128xf32, #tpu.memory_space<hbm>>) dst(%arg26 : memref<16x128xf32, #tpu.memory_space<vmem>>)
      %dma_wait3A_1754 = arith.constant 0 : i32
      %dma_wait3A_1755 = tpu.memref_slice %arg3[%dma_wait3A_1754, %multiple_of3A_1344] : memref<16x1000000xf32, #tpu.memory_space<hbm>> -> memref<16x128xf32, #tpu.memory_space<hbm>>
      %dma_wait3A_1756 = arith.constant 0 : i32
      %dma_wait3A_1757 = tpu.memref_slice %arg3[%dma_wait3A_1756, %multiple_of3A_1344] : memref<16x1000000xf32, #tpu.memory_space<hbm>> -> memref<16x128xf32, #tpu.memory_space<hbm>>
      tpu.wait_dma2 semaphore(%arg10 : memref<!tpu.dma_semaphore, #tpu.memory_space<semaphore_mem>>) src(%dma_wait3A_1757 : memref<16x128xf32, #tpu.memory_space<hbm>>) dst(%arg27 : memref<16x128xf32, #tpu.memory_space<vmem>>)
      %dma_wait3A_1758 = arith.constant 0 : i32
      %dma_wait3A_1759 = tpu.memref_slice %arg3[%dma_wait3A_1758, %multiple_of3A_1355] : memref<16x1000000xf32, #tpu.memory_space<hbm>> -> memref<16x128xf32, #tpu.memory_space<hbm>>
      %dma_wait3A_1760 = arith.constant 0 : i32
      %dma_wait3A_1761 = tpu.memref_slice %arg3[%dma_wait3A_1760, %multiple_of3A_1355] : memref<16x1000000xf32, #tpu.memory_space<hbm>> -> memref<16x128xf32, #tpu.memory_space<hbm>>
      tpu.wait_dma2 semaphore(%arg10 : memref<!tpu.dma_semaphore, #tpu.memory_space<semaphore_mem>>) src(%dma_wait3A_1761 : memref<16x128xf32, #tpu.memory_space<hbm>>) dst(%arg28 : memref<16x128xf32, #tpu.memory_space<vmem>>)
      %dma_wait3A_1762 = arith.constant 0 : i32
      %dma_wait3A_1763 = tpu.memref_slice %arg4[%dma_wait3A_1762, %multiple_of3A_1366] : memref<16x1000000xf32, #tpu.memory_space<hbm>> -> memref<16x128xf32, #tpu.memory_space<hbm>>
      %dma_wait3A_1764 = arith.constant 0 : i32
      %dma_wait3A_1765 = tpu.memref_slice %arg4[%dma_wait3A_1764, %multiple_of3A_1366] : memref<16x1000000xf32, #tpu.memory_space<hbm>> -> memref<16x128xf32, #tpu.memory_space<hbm>>
      tpu.wait_dma2 semaphore(%arg10 : memref<!tpu.dma_semaphore, #tpu.memory_space<semaphore_mem>>) src(%dma_wait3A_1765 : memref<16x128xf32, #tpu.memory_space<hbm>>) dst(%arg29 : memref<16x128xf32, #tpu.memory_space<vmem>>)
      %dma_wait3A_1766 = arith.constant 0 : i32
      %dma_wait3A_1767 = tpu.memref_slice %arg5[%dma_wait3A_1766, %multiple_of3A_1377] : memref<16x1000000xf32, #tpu.memory_space<hbm>> -> memref<16x128xf32, #tpu.memory_space<hbm>>
      %dma_wait3A_1768 = arith.constant 0 : i32
      %dma_wait3A_1769 = tpu.memref_slice %arg5[%dma_wait3A_1768, %multiple_of3A_1377] : memref<16x1000000xf32, #tpu.memory_space<hbm>> -> memref<16x128xf32, #tpu.memory_space<hbm>>
      tpu.wait_dma2 semaphore(%arg10 : memref<!tpu.dma_semaphore, #tpu.memory_space<semaphore_mem>>) src(%dma_wait3A_1769 : memref<16x128xf32, #tpu.memory_space<hbm>>) dst(%arg30 : memref<16x128xf32, #tpu.memory_space<vmem>>)
      %dma_wait3A_1770 = arith.constant 0 : i32
      %dma_wait3A_1771 = tpu.memref_slice %arg3[%dma_wait3A_1770, %multiple_of3A_1388] : memref<16x1000000xf32, #tpu.memory_space<hbm>> -> memref<16x128xf32, #tpu.memory_space<hbm>>
      %dma_wait3A_1772 = arith.constant 0 : i32
      %dma_wait3A_1773 = tpu.memref_slice %arg3[%dma_wait3A_1772, %multiple_of3A_1388] : memref<16x1000000xf32, #tpu.memory_space<hbm>> -> memref<16x128xf32, #tpu.memory_space<hbm>>
      tpu.wait_dma2 semaphore(%arg10 : memref<!tpu.dma_semaphore, #tpu.memory_space<semaphore_mem>>) src(%dma_wait3A_1773 : memref<16x128xf32, #tpu.memory_space<hbm>>) dst(%arg31 : memref<16x128xf32, #tpu.memory_space<vmem>>)
      %dma_wait3A_1774 = arith.constant 0 : i32
      %dma_wait3A_1775 = tpu.memref_slice %arg3[%dma_wait3A_1774, %multiple_of3A_1399] : memref<16x1000000xf32, #tpu.memory_space<hbm>> -> memref<16x128xf32, #tpu.memory_space<hbm>>
      %dma_wait3A_1776 = arith.constant 0 : i32
      %dma_wait3A_1777 = tpu.memref_slice %arg3[%dma_wait3A_1776, %multiple_of3A_1399] : memref<16x1000000xf32, #tpu.memory_space<hbm>> -> memref<16x128xf32, #tpu.memory_space<hbm>>
      tpu.wait_dma2 semaphore(%arg10 : memref<!tpu.dma_semaphore, #tpu.memory_space<semaphore_mem>>) src(%dma_wait3A_1777 : memref<16x128xf32, #tpu.memory_space<hbm>>) dst(%arg32 : memref<16x128xf32, #tpu.memory_space<vmem>>)
      %dma_wait3A_1778 = arith.constant 0 : i32
      %dma_wait3A_1779 = tpu.memref_slice %arg3[%dma_wait3A_1778, %multiple_of3A_1410] : memref<16x1000000xf32, #tpu.memory_space<hbm>> -> memref<16x128xf32, #tpu.memory_space<hbm>>
      %dma_wait3A_1780 = arith.constant 0 : i32
      %dma_wait3A_1781 = tpu.memref_slice %arg3[%dma_wait3A_1780, %multiple_of3A_1410] : memref<16x1000000xf32, #tpu.memory_space<hbm>> -> memref<16x128xf32, #tpu.memory_space<hbm>>
      tpu.wait_dma2 semaphore(%arg10 : memref<!tpu.dma_semaphore, #tpu.memory_space<semaphore_mem>>) src(%dma_wait3A_1781 : memref<16x128xf32, #tpu.memory_space<hbm>>) dst(%arg33 : memref<16x128xf32, #tpu.memory_space<vmem>>)
      %dma_wait3A_1782 = arith.constant 0 : i32
      %dma_wait3A_1783 = tpu.memref_slice %arg3[%dma_wait3A_1782, %multiple_of3A_1421] : memref<16x1000000xf32, #tpu.memory_space<hbm>> -> memref<16x128xf32, #tpu.memory_space<hbm>>
      %dma_wait3A_1784 = arith.constant 0 : i32
      %dma_wait3A_1785 = tpu.memref_slice %arg3[%dma_wait3A_1784, %multiple_of3A_1421] : memref<16x1000000xf32, #tpu.memory_space<hbm>> -> memref<16x128xf32, #tpu.memory_space<hbm>>
      tpu.wait_dma2 semaphore(%arg10 : memref<!tpu.dma_semaphore, #tpu.memory_space<semaphore_mem>>) src(%dma_wait3A_1785 : memref<16x128xf32, #tpu.memory_space<hbm>>) dst(%arg34 : memref<16x128xf32, #tpu.memory_space<vmem>>)
      %dma_wait3A_1786 = arith.constant 0 : i32
      %dma_wait3A_1787 = tpu.memref_slice %arg4[%dma_wait3A_1786, %multiple_of3A_1432] : memref<16x1000000xf32, #tpu.memory_space<hbm>> -> memref<16x128xf32, #tpu.memory_space<hbm>>
      %dma_wait3A_1788 = arith.constant 0 : i32
      %dma_wait3A_1789 = tpu.memref_slice %arg4[%dma_wait3A_1788, %multiple_of3A_1432] : memref<16x1000000xf32, #tpu.memory_space<hbm>> -> memref<16x128xf32, #tpu.memory_space<hbm>>
      tpu.wait_dma2 semaphore(%arg10 : memref<!tpu.dma_semaphore, #tpu.memory_space<semaphore_mem>>) src(%dma_wait3A_1789 : memref<16x128xf32, #tpu.memory_space<hbm>>) dst(%arg35 : memref<16x128xf32, #tpu.memory_space<vmem>>)
      %dma_wait3A_1790 = arith.constant 0 : i32
      %dma_wait3A_1791 = tpu.memref_slice %arg5[%dma_wait3A_1790, %multiple_of3A_1443] : memref<16x1000000xf32, #tpu.memory_space<hbm>> -> memref<16x128xf32, #tpu.memory_space<hbm>>
      %dma_wait3A_1792 = arith.constant 0 : i32
      %dma_wait3A_1793 = tpu.memref_slice %arg5[%dma_wait3A_1792, %multiple_of3A_1443] : memref<16x1000000xf32, #tpu.memory_space<hbm>> -> memref<16x128xf32, #tpu.memory_space<hbm>>
      tpu.wait_dma2 semaphore(%arg10 : memref<!tpu.dma_semaphore, #tpu.memory_space<semaphore_mem>>) src(%dma_wait3A_1793 : memref<16x128xf32, #tpu.memory_space<hbm>>) dst(%arg36 : memref<16x128xf32, #tpu.memory_space<vmem>>)
      %dma_wait3A_1794 = arith.constant 0 : i32
      %dma_wait3A_1795 = tpu.memref_slice %arg3[%dma_wait3A_1794, %multiple_of3A_1454] : memref<16x1000000xf32, #tpu.memory_space<hbm>> -> memref<16x128xf32, #tpu.memory_space<hbm>>
      %dma_wait3A_1796 = arith.constant 0 : i32
      %dma_wait3A_1797 = tpu.memref_slice %arg3[%dma_wait3A_1796, %multiple_of3A_1454] : memref<16x1000000xf32, #tpu.memory_space<hbm>> -> memref<16x128xf32, #tpu.memory_space<hbm>>
      tpu.wait_dma2 semaphore(%arg10 : memref<!tpu.dma_semaphore, #tpu.memory_space<semaphore_mem>>) src(%dma_wait3A_1797 : memref<16x128xf32, #tpu.memory_space<hbm>>) dst(%arg37 : memref<16x128xf32, #tpu.memory_space<vmem>>)
      %dma_wait3A_1798 = arith.constant 0 : i32
      %dma_wait3A_1799 = tpu.memref_slice %arg3[%dma_wait3A_1798, %multiple_of3A_1465] : memref<16x1000000xf32, #tpu.memory_space<hbm>> -> memref<16x128xf32, #tpu.memory_space<hbm>>
      %dma_wait3A_1800 = arith.constant 0 : i32
      %dma_wait3A_1801 = tpu.memref_slice %arg3[%dma_wait3A_1800, %multiple_of3A_1465] : memref<16x1000000xf32, #tpu.memory_space<hbm>> -> memref<16x128xf32, #tpu.memory_space<hbm>>
      tpu.wait_dma2 semaphore(%arg10 : memref<!tpu.dma_semaphore, #tpu.memory_space<semaphore_mem>>) src(%dma_wait3A_1801 : memref<16x128xf32, #tpu.memory_space<hbm>>) dst(%arg38 : memref<16x128xf32, #tpu.memory_space<vmem>>)
      %dma_wait3A_1802 = arith.constant 0 : i32
      %dma_wait3A_1803 = tpu.memref_slice %arg3[%dma_wait3A_1802, %multiple_of3A_1476] : memref<16x1000000xf32, #tpu.memory_space<hbm>> -> memref<16x128xf32, #tpu.memory_space<hbm>>
      %dma_wait3A_1804 = arith.constant 0 : i32
      %dma_wait3A_1805 = tpu.memref_slice %arg3[%dma_wait3A_1804, %multiple_of3A_1476] : memref<16x1000000xf32, #tpu.memory_space<hbm>> -> memref<16x128xf32, #tpu.memory_space<hbm>>
      tpu.wait_dma2 semaphore(%arg10 : memref<!tpu.dma_semaphore, #tpu.memory_space<semaphore_mem>>) src(%dma_wait3A_1805 : memref<16x128xf32, #tpu.memory_space<hbm>>) dst(%arg39 : memref<16x128xf32, #tpu.memory_space<vmem>>)
      %dma_wait3A_1806 = arith.constant 0 : i32
      %dma_wait3A_1807 = tpu.memref_slice %arg3[%dma_wait3A_1806, %multiple_of3A_1487] : memref<16x1000000xf32, #tpu.memory_space<hbm>> -> memref<16x128xf32, #tpu.memory_space<hbm>>
      %dma_wait3A_1808 = arith.constant 0 : i32
      %dma_wait3A_1809 = tpu.memref_slice %arg3[%dma_wait3A_1808, %multiple_of3A_1487] : memref<16x1000000xf32, #tpu.memory_space<hbm>> -> memref<16x128xf32, #tpu.memory_space<hbm>>
      tpu.wait_dma2 semaphore(%arg10 : memref<!tpu.dma_semaphore, #tpu.memory_space<semaphore_mem>>) src(%dma_wait3A_1809 : memref<16x128xf32, #tpu.memory_space<hbm>>) dst(%arg40 : memref<16x128xf32, #tpu.memory_space<vmem>>)
      %dma_wait3A_1810 = arith.constant 0 : i32
      %dma_wait3A_1811 = tpu.memref_slice %arg4[%dma_wait3A_1810, %multiple_of3A_1498] : memref<16x1000000xf32, #tpu.memory_space<hbm>> -> memref<16x128xf32, #tpu.memory_space<hbm>>
      %dma_wait3A_1812 = arith.constant 0 : i32
      %dma_wait3A_1813 = tpu.memref_slice %arg4[%dma_wait3A_1812, %multiple_of3A_1498] : memref<16x1000000xf32, #tpu.memory_space<hbm>> -> memref<16x128xf32, #tpu.memory_space<hbm>>
      tpu.wait_dma2 semaphore(%arg10 : memref<!tpu.dma_semaphore, #tpu.memory_space<semaphore_mem>>) src(%dma_wait3A_1813 : memref<16x128xf32, #tpu.memory_space<hbm>>) dst(%arg41 : memref<16x128xf32, #tpu.memory_space<vmem>>)
      %dma_wait3A_1814 = arith.constant 0 : i32
      %dma_wait3A_1815 = tpu.memref_slice %arg5[%dma_wait3A_1814, %multiple_of3A_1509] : memref<16x1000000xf32, #tpu.memory_space<hbm>> -> memref<16x128xf32, #tpu.memory_space<hbm>>
      %dma_wait3A_1816 = arith.constant 0 : i32
      %dma_wait3A_1817 = tpu.memref_slice %arg5[%dma_wait3A_1816, %multiple_of3A_1509] : memref<16x1000000xf32, #tpu.memory_space<hbm>> -> memref<16x128xf32, #tpu.memory_space<hbm>>
      tpu.wait_dma2 semaphore(%arg10 : memref<!tpu.dma_semaphore, #tpu.memory_space<semaphore_mem>>) src(%dma_wait3A_1817 : memref<16x128xf32, #tpu.memory_space<hbm>>) dst(%arg42 : memref<16x128xf32, #tpu.memory_space<vmem>>)
      %dma_wait3A_1818 = arith.constant 0 : i32
      %dma_wait3A_1819 = tpu.memref_slice %arg3[%dma_wait3A_1818, %multiple_of3A_1520] : memref<16x1000000xf32, #tpu.memory_space<hbm>> -> memref<16x128xf32, #tpu.memory_space<hbm>>
      %dma_wait3A_1820 = arith.constant 0 : i32
      %dma_wait3A_1821 = tpu.memref_slice %arg3[%dma_wait3A_1820, %multiple_of3A_1520] : memref<16x1000000xf32, #tpu.memory_space<hbm>> -> memref<16x128xf32, #tpu.memory_space<hbm>>
      tpu.wait_dma2 semaphore(%arg10 : memref<!tpu.dma_semaphore, #tpu.memory_space<semaphore_mem>>) src(%dma_wait3A_1821 : memref<16x128xf32, #tpu.memory_space<hbm>>) dst(%arg43 : memref<16x128xf32, #tpu.memory_space<vmem>>)
      %dma_wait3A_1822 = arith.constant 0 : i32
      %dma_wait3A_1823 = tpu.memref_slice %arg3[%dma_wait3A_1822, %multiple_of3A_1531] : memref<16x1000000xf32, #tpu.memory_space<hbm>> -> memref<16x128xf32, #tpu.memory_space<hbm>>
      %dma_wait3A_1824 = arith.constant 0 : i32
      %dma_wait3A_1825 = tpu.memref_slice %arg3[%dma_wait3A_1824, %multiple_of3A_1531] : memref<16x1000000xf32, #tpu.memory_space<hbm>> -> memref<16x128xf32, #tpu.memory_space<hbm>>
      tpu.wait_dma2 semaphore(%arg10 : memref<!tpu.dma_semaphore, #tpu.memory_space<semaphore_mem>>) src(%dma_wait3A_1825 : memref<16x128xf32, #tpu.memory_space<hbm>>) dst(%arg44 : memref<16x128xf32, #tpu.memory_space<vmem>>)
      %dma_wait3A_1826 = arith.constant 0 : i32
      %dma_wait3A_1827 = tpu.memref_slice %arg3[%dma_wait3A_1826, %multiple_of3A_1542] : memref<16x1000000xf32, #tpu.memory_space<hbm>> -> memref<16x128xf32, #tpu.memory_space<hbm>>
      %dma_wait3A_1828 = arith.constant 0 : i32
      %dma_wait3A_1829 = tpu.memref_slice %arg3[%dma_wait3A_1828, %multiple_of3A_1542] : memref<16x1000000xf32, #tpu.memory_space<hbm>> -> memref<16x128xf32, #tpu.memory_space<hbm>>
      tpu.wait_dma2 semaphore(%arg10 : memref<!tpu.dma_semaphore, #tpu.memory_space<semaphore_mem>>) src(%dma_wait3A_1829 : memref<16x128xf32, #tpu.memory_space<hbm>>) dst(%arg45 : memref<16x128xf32, #tpu.memory_space<vmem>>)
      %dma_wait3A_1830 = arith.constant 0 : i32
      %dma_wait3A_1831 = tpu.memref_slice %arg3[%dma_wait3A_1830, %multiple_of3A_1553] : memref<16x1000000xf32, #tpu.memory_space<hbm>> -> memref<16x128xf32, #tpu.memory_space<hbm>>
      %dma_wait3A_1832 = arith.constant 0 : i32
      %dma_wait3A_1833 = tpu.memref_slice %arg3[%dma_wait3A_1832, %multiple_of3A_1553] : memref<16x1000000xf32, #tpu.memory_space<hbm>> -> memref<16x128xf32, #tpu.memory_space<hbm>>
      tpu.wait_dma2 semaphore(%arg10 : memref<!tpu.dma_semaphore, #tpu.memory_space<semaphore_mem>>) src(%dma_wait3A_1833 : memref<16x128xf32, #tpu.memory_space<hbm>>) dst(%arg46 : memref<16x128xf32, #tpu.memory_space<vmem>>)
      %dma_wait3A_1834 = arith.constant 0 : i32
      %dma_wait3A_1835 = tpu.memref_slice %arg4[%dma_wait3A_1834, %multiple_of3A_1564] : memref<16x1000000xf32, #tpu.memory_space<hbm>> -> memref<16x128xf32, #tpu.memory_space<hbm>>
      %dma_wait3A_1836 = arith.constant 0 : i32
      %dma_wait3A_1837 = tpu.memref_slice %arg4[%dma_wait3A_1836, %multiple_of3A_1564] : memref<16x1000000xf32, #tpu.memory_space<hbm>> -> memref<16x128xf32, #tpu.memory_space<hbm>>
      tpu.wait_dma2 semaphore(%arg10 : memref<!tpu.dma_semaphore, #tpu.memory_space<semaphore_mem>>) src(%dma_wait3A_1837 : memref<16x128xf32, #tpu.memory_space<hbm>>) dst(%arg47 : memref<16x128xf32, #tpu.memory_space<vmem>>)
      %dma_wait3A_1838 = arith.constant 0 : i32
      %dma_wait3A_1839 = tpu.memref_slice %arg5[%dma_wait3A_1838, %multiple_of3A_1575] : memref<16x1000000xf32, #tpu.memory_space<hbm>> -> memref<16x128xf32, #tpu.memory_space<hbm>>
      %dma_wait3A_1840 = arith.constant 0 : i32
      %dma_wait3A_1841 = tpu.memref_slice %arg5[%dma_wait3A_1840, %multiple_of3A_1575] : memref<16x1000000xf32, #tpu.memory_space<hbm>> -> memref<16x128xf32, #tpu.memory_space<hbm>>
      tpu.wait_dma2 semaphore(%arg10 : memref<!tpu.dma_semaphore, #tpu.memory_space<semaphore_mem>>) src(%dma_wait3A_1841 : memref<16x128xf32, #tpu.memory_space<hbm>>) dst(%arg48 : memref<16x128xf32, #tpu.memory_space<vmem>>)
      %dma_wait3A_1842 = arith.constant 0 : i32
      %dma_wait3A_1843 = tpu.memref_slice %arg3[%dma_wait3A_1842, %multiple_of3A_1586] : memref<16x1000000xf32, #tpu.memory_space<hbm>> -> memref<16x128xf32, #tpu.memory_space<hbm>>
      %dma_wait3A_1844 = arith.constant 0 : i32
      %dma_wait3A_1845 = tpu.memref_slice %arg3[%dma_wait3A_1844, %multiple_of3A_1586] : memref<16x1000000xf32, #tpu.memory_space<hbm>> -> memref<16x128xf32, #tpu.memory_space<hbm>>
      tpu.wait_dma2 semaphore(%arg10 : memref<!tpu.dma_semaphore, #tpu.memory_space<semaphore_mem>>) src(%dma_wait3A_1845 : memref<16x128xf32, #tpu.memory_space<hbm>>) dst(%arg49 : memref<16x128xf32, #tpu.memory_space<vmem>>)
      %dma_wait3A_1846 = arith.constant 0 : i32
      %dma_wait3A_1847 = tpu.memref_slice %arg3[%dma_wait3A_1846, %multiple_of3A_1597] : memref<16x1000000xf32, #tpu.memory_space<hbm>> -> memref<16x128xf32, #tpu.memory_space<hbm>>
      %dma_wait3A_1848 = arith.constant 0 : i32
      %dma_wait3A_1849 = tpu.memref_slice %arg3[%dma_wait3A_1848, %multiple_of3A_1597] : memref<16x1000000xf32, #tpu.memory_space<hbm>> -> memref<16x128xf32, #tpu.memory_space<hbm>>
      tpu.wait_dma2 semaphore(%arg10 : memref<!tpu.dma_semaphore, #tpu.memory_space<semaphore_mem>>) src(%dma_wait3A_1849 : memref<16x128xf32, #tpu.memory_space<hbm>>) dst(%arg50 : memref<16x128xf32, #tpu.memory_space<vmem>>)
      %dma_wait3A_1850 = arith.constant 0 : i32
      %dma_wait3A_1851 = tpu.memref_slice %arg3[%dma_wait3A_1850, %multiple_of3A_1608] : memref<16x1000000xf32, #tpu.memory_space<hbm>> -> memref<16x128xf32, #tpu.memory_space<hbm>>
      %dma_wait3A_1852 = arith.constant 0 : i32
      %dma_wait3A_1853 = tpu.memref_slice %arg3[%dma_wait3A_1852, %multiple_of3A_1608] : memref<16x1000000xf32, #tpu.memory_space<hbm>> -> memref<16x128xf32, #tpu.memory_space<hbm>>
      tpu.wait_dma2 semaphore(%arg10 : memref<!tpu.dma_semaphore, #tpu.memory_space<semaphore_mem>>) src(%dma_wait3A_1853 : memref<16x128xf32, #tpu.memory_space<hbm>>) dst(%arg51 : memref<16x128xf32, #tpu.memory_space<vmem>>)
      %dma_wait3A_1854 = arith.constant 0 : i32
      %dma_wait3A_1855 = tpu.memref_slice %arg3[%dma_wait3A_1854, %multiple_of3A_1619] : memref<16x1000000xf32, #tpu.memory_space<hbm>> -> memref<16x128xf32, #tpu.memory_space<hbm>>
      %dma_wait3A_1856 = arith.constant 0 : i32
      %dma_wait3A_1857 = tpu.memref_slice %arg3[%dma_wait3A_1856, %multiple_of3A_1619] : memref<16x1000000xf32, #tpu.memory_space<hbm>> -> memref<16x128xf32, #tpu.memory_space<hbm>>
      tpu.wait_dma2 semaphore(%arg10 : memref<!tpu.dma_semaphore, #tpu.memory_space<semaphore_mem>>) src(%dma_wait3A_1857 : memref<16x128xf32, #tpu.memory_space<hbm>>) dst(%arg52 : memref<16x128xf32, #tpu.memory_space<vmem>>)
      %dma_wait3A_1858 = arith.constant 0 : i32
      %dma_wait3A_1859 = tpu.memref_slice %arg4[%dma_wait3A_1858, %multiple_of3A_1630] : memref<16x1000000xf32, #tpu.memory_space<hbm>> -> memref<16x128xf32, #tpu.memory_space<hbm>>
      %dma_wait3A_1860 = arith.constant 0 : i32
      %dma_wait3A_1861 = tpu.memref_slice %arg4[%dma_wait3A_1860, %multiple_of3A_1630] : memref<16x1000000xf32, #tpu.memory_space<hbm>> -> memref<16x128xf32, #tpu.memory_space<hbm>>
      tpu.wait_dma2 semaphore(%arg10 : memref<!tpu.dma_semaphore, #tpu.memory_space<semaphore_mem>>) src(%dma_wait3A_1861 : memref<16x128xf32, #tpu.memory_space<hbm>>) dst(%arg53 : memref<16x128xf32, #tpu.memory_space<vmem>>)
      %dma_wait3A_1862 = arith.constant 0 : i32
      %dma_wait3A_1863 = tpu.memref_slice %arg5[%dma_wait3A_1862, %multiple_of3A_1641] : memref<16x1000000xf32, #tpu.memory_space<hbm>> -> memref<16x128xf32, #tpu.memory_space<hbm>>
      %dma_wait3A_1864 = arith.constant 0 : i32
      %dma_wait3A_1865 = tpu.memref_slice %arg5[%dma_wait3A_1864, %multiple_of3A_1641] : memref<16x1000000xf32, #tpu.memory_space<hbm>> -> memref<16x128xf32, #tpu.memory_space<hbm>>
      tpu.wait_dma2 semaphore(%arg10 : memref<!tpu.dma_semaphore, #tpu.memory_space<semaphore_mem>>) src(%dma_wait3A_1865 : memref<16x128xf32, #tpu.memory_space<hbm>>) dst(%arg54 : memref<16x128xf32, #tpu.memory_space<vmem>>)
      %dma_wait3A_1866 = arith.constant 0 : i32
      %dma_wait3A_1867 = tpu.memref_slice %arg3[%dma_wait3A_1866, %multiple_of3A_1652] : memref<16x1000000xf32, #tpu.memory_space<hbm>> -> memref<16x128xf32, #tpu.memory_space<hbm>>
      %dma_wait3A_1868 = arith.constant 0 : i32
      %dma_wait3A_1869 = tpu.memref_slice %arg3[%dma_wait3A_1868, %multiple_of3A_1652] : memref<16x1000000xf32, #tpu.memory_space<hbm>> -> memref<16x128xf32, #tpu.memory_space<hbm>>
      tpu.wait_dma2 semaphore(%arg10 : memref<!tpu.dma_semaphore, #tpu.memory_space<semaphore_mem>>) src(%dma_wait3A_1869 : memref<16x128xf32, #tpu.memory_space<hbm>>) dst(%arg55 : memref<16x128xf32, #tpu.memory_space<vmem>>)
      %dma_wait3A_1870 = arith.constant 0 : i32
      %dma_wait3A_1871 = tpu.memref_slice %arg3[%dma_wait3A_1870, %multiple_of3A_1663] : memref<16x1000000xf32, #tpu.memory_space<hbm>> -> memref<16x128xf32, #tpu.memory_space<hbm>>
      %dma_wait3A_1872 = arith.constant 0 : i32
      %dma_wait3A_1873 = tpu.memref_slice %arg3[%dma_wait3A_1872, %multiple_of3A_1663] : memref<16x1000000xf32, #tpu.memory_space<hbm>> -> memref<16x128xf32, #tpu.memory_space<hbm>>
      tpu.wait_dma2 semaphore(%arg10 : memref<!tpu.dma_semaphore, #tpu.memory_space<semaphore_mem>>) src(%dma_wait3A_1873 : memref<16x128xf32, #tpu.memory_space<hbm>>) dst(%arg56 : memref<16x128xf32, #tpu.memory_space<vmem>>)
      %dma_wait3A_1874 = arith.constant 0 : i32
      %dma_wait3A_1875 = tpu.memref_slice %arg3[%dma_wait3A_1874, %multiple_of3A_1674] : memref<16x1000000xf32, #tpu.memory_space<hbm>> -> memref<16x128xf32, #tpu.memory_space<hbm>>
      %dma_wait3A_1876 = arith.constant 0 : i32
      %dma_wait3A_1877 = tpu.memref_slice %arg3[%dma_wait3A_1876, %multiple_of3A_1674] : memref<16x1000000xf32, #tpu.memory_space<hbm>> -> memref<16x128xf32, #tpu.memory_space<hbm>>
      tpu.wait_dma2 semaphore(%arg10 : memref<!tpu.dma_semaphore, #tpu.memory_space<semaphore_mem>>) src(%dma_wait3A_1877 : memref<16x128xf32, #tpu.memory_space<hbm>>) dst(%arg57 : memref<16x128xf32, #tpu.memory_space<vmem>>)
      %dma_wait3A_1878 = arith.constant 0 : i32
      %dma_wait3A_1879 = tpu.memref_slice %arg3[%dma_wait3A_1878, %multiple_of3A_1685] : memref<16x1000000xf32, #tpu.memory_space<hbm>> -> memref<16x128xf32, #tpu.memory_space<hbm>>
      %dma_wait3A_1880 = arith.constant 0 : i32
      %dma_wait3A_1881 = tpu.memref_slice %arg3[%dma_wait3A_1880, %multiple_of3A_1685] : memref<16x1000000xf32, #tpu.memory_space<hbm>> -> memref<16x128xf32, #tpu.memory_space<hbm>>
      tpu.wait_dma2 semaphore(%arg10 : memref<!tpu.dma_semaphore, #tpu.memory_space<semaphore_mem>>) src(%dma_wait3A_1881 : memref<16x128xf32, #tpu.memory_space<hbm>>) dst(%arg58 : memref<16x128xf32, #tpu.memory_space<vmem>>)
      %slice3A_1882 = vector.extract_strided_slice %gather3A {offsets = [8], sizes = [1], strides = [1]} : vector<16xi32> to vector<1xi32>
      %squeeze3A_1883 = vector.extract %slice3A_1882[0] : i32 from vector<1xi32>
      %and3A_1884 = arith.constant 127 : i32
      %and3A_1885 = arith.andi %squeeze3A_1883, %and3A_1884 : i32
      %broadcast_in_dim3A_1886 = vector.broadcast %and3A_1885 : i32 to vector<16xi32>
      %slice3A_1887 = vector.extract_strided_slice %gather3A_35 {offsets = [8], sizes = [1], strides = [1]} : vector<16xi32> to vector<1xi32>
      %squeeze3A_1888 = vector.extract %slice3A_1887[0] : i32 from vector<1xi32>
      %and3A_1889 = arith.constant 127 : i32
      %and3A_1890 = arith.andi %squeeze3A_1888, %and3A_1889 : i32
      %broadcast_in_dim3A_1891 = vector.broadcast %and3A_1890 : i32 to vector<16xi32>
      %slice3A_1892 = vector.extract_strided_slice %gather3A_50 {offsets = [8], sizes = [1], strides = [1]} : vector<16xi32> to vector<1xi32>
      %squeeze3A_1893 = vector.extract %slice3A_1892[0] : i32 from vector<1xi32>
      %and3A_1894 = arith.constant 127 : i32
      %and3A_1895 = arith.andi %squeeze3A_1893, %and3A_1894 : i32
      %broadcast_in_dim3A_1896 = vector.broadcast %and3A_1895 : i32 to vector<16xi32>
      %slice3A_1897 = vector.extract_strided_slice %gather3A_65 {offsets = [8], sizes = [1], strides = [1]} : vector<16xi32> to vector<1xi32>
      %squeeze3A_1898 = vector.extract %slice3A_1897[0] : i32 from vector<1xi32>
      %and3A_1899 = arith.constant 127 : i32
      %and3A_1900 = arith.andi %squeeze3A_1898, %and3A_1899 : i32
      %broadcast_in_dim3A_1901 = vector.broadcast %and3A_1900 : i32 to vector<16xi32>
      %slice3A_1902 = vector.extract_strided_slice %gather3A_80 {offsets = [8], sizes = [1], strides = [1]} : vector<16xi32> to vector<1xi32>
      %squeeze3A_1903 = vector.extract %slice3A_1902[0] : i32 from vector<1xi32>
      %and3A_1904 = arith.constant 127 : i32
      %and3A_1905 = arith.andi %squeeze3A_1903, %and3A_1904 : i32
      %broadcast_in_dim3A_1906 = vector.broadcast %and3A_1905 : i32 to vector<16xi32>
      %gather3A_1907 = tpu.vector_load_idx %arg11[%iota3A, %broadcast_in_dim3A_1886] : memref<16x128xf32, #tpu.memory_space<vmem>>[vector<16xi32>, vector<16xi32>], vector<16xf32>,
      %gather3A_1908 = tpu.vector_load_idx %arg12[%iota3A, %broadcast_in_dim3A_1886] : memref<16x128xf32, #tpu.memory_space<vmem>>[vector<16xi32>, vector<16xi32>], vector<16xf32>,
      %gather3A_1909 = tpu.vector_load_idx %arg13[%iota3A, %broadcast_in_dim3A_1891] : memref<16x128xf32, #tpu.memory_space<vmem>>[vector<16xi32>, vector<16xi32>], vector<16xf32>,
      %gather3A_1910 = tpu.vector_load_idx %arg14[%iota3A, %broadcast_in_dim3A_1896] : memref<16x128xf32, #tpu.memory_space<vmem>>[vector<16xi32>, vector<16xi32>], vector<16xf32>,
      %gather3A_1911 = tpu.vector_load_idx %arg15[%iota3A, %broadcast_in_dim3A_1901] : memref<16x128xf32, #tpu.memory_space<vmem>>[vector<16xi32>, vector<16xi32>], vector<16xf32>,
      %gather3A_1912 = tpu.vector_load_idx %arg16[%iota3A, %broadcast_in_dim3A_1906] : memref<16x128xf32, #tpu.memory_space<vmem>>[vector<16xi32>, vector<16xi32>], vector<16xf32>,
      %sub3A_1913 = arith.subf %gather3A_1912, %gather3A_1911 : vector<16xf32>
      %sub3A_1914 = arith.subf %sub3A_1913, %gather3A_1910 : vector<16xf32>
      %add3A_1915 = arith.addf %sub3A_1914, %gather3A_1909 : vector<16xf32>
      %mul3A_1916 = arith.mulf %add3A_1915, %gather3A_1907 : vector<16xf32>
      %mul3A_1917 = arith.mulf %gather3A_1911, %gather3A_1912 : vector<16xf32>
      %mul3A_1918 = arith.mulf %gather3A_1909, %gather3A_1910 : vector<16xf32>
      %sub3A_1919 = arith.subf %mul3A_1917, %mul3A_1918 : vector<16xf32>
      %mul3A_1920 = arith.mulf %sub3A_1919, %gather3A_1908 : vector<16xf32>
      %add3A_1921 = arith.addf %mul3A_1916, %mul3A_1920 : vector<16xf32>
      %mul3A_1922 = arith.constant 16 : i32
      %mul3A_1923 = vector.broadcast %mul3A_1922 : i32 to vector<16xi32>
      %mul3A_1924 = arith.muli %iota3A, %mul3A_1923 : vector<16xi32>
      %add3A_1925 = arith.constant 8 : i32
      %add3A_1926 = vector.broadcast %add3A_1925 : i32 to vector<16xi32>
      %add3A_1927 = arith.addi %mul3A_1924, %add3A_1926 : vector<16xi32>
      tpu.vector_store_idx %arg8[%add3A_1927], %add3A_1921 : memref<256xf32, #tpu.memory_space<vmem>>[vector<16xi32>], vector<16xf32>,
      %slice3A_1928 = vector.extract_strided_slice %gather3A {offsets = [9], sizes = [1], strides = [1]} : vector<16xi32> to vector<1xi32>
      %squeeze3A_1929 = vector.extract %slice3A_1928[0] : i32 from vector<1xi32>
      %and3A_1930 = arith.constant 127 : i32
      %and3A_1931 = arith.andi %squeeze3A_1929, %and3A_1930 : i32
      %broadcast_in_dim3A_1932 = vector.broadcast %and3A_1931 : i32 to vector<16xi32>
      %slice3A_1933 = vector.extract_strided_slice %gather3A_35 {offsets = [9], sizes = [1], strides = [1]} : vector<16xi32> to vector<1xi32>
      %squeeze3A_1934 = vector.extract %slice3A_1933[0] : i32 from vector<1xi32>
      %and3A_1935 = arith.constant 127 : i32
      %and3A_1936 = arith.andi %squeeze3A_1934, %and3A_1935 : i32
      %broadcast_in_dim3A_1937 = vector.broadcast %and3A_1936 : i32 to vector<16xi32>
      %slice3A_1938 = vector.extract_strided_slice %gather3A_50 {offsets = [9], sizes = [1], strides = [1]} : vector<16xi32> to vector<1xi32>
      %squeeze3A_1939 = vector.extract %slice3A_1938[0] : i32 from vector<1xi32>
      %and3A_1940 = arith.constant 127 : i32
      %and3A_1941 = arith.andi %squeeze3A_1939, %and3A_1940 : i32
      %broadcast_in_dim3A_1942 = vector.broadcast %and3A_1941 : i32 to vector<16xi32>
      %slice3A_1943 = vector.extract_strided_slice %gather3A_65 {offsets = [9], sizes = [1], strides = [1]} : vector<16xi32> to vector<1xi32>
      %squeeze3A_1944 = vector.extract %slice3A_1943[0] : i32 from vector<1xi32>
      %and3A_1945 = arith.constant 127 : i32
      %and3A_1946 = arith.andi %squeeze3A_1944, %and3A_1945 : i32
      %broadcast_in_dim3A_1947 = vector.broadcast %and3A_1946 : i32 to vector<16xi32>
      %slice3A_1948 = vector.extract_strided_slice %gather3A_80 {offsets = [9], sizes = [1], strides = [1]} : vector<16xi32> to vector<1xi32>
      %squeeze3A_1949 = vector.extract %slice3A_1948[0] : i32 from vector<1xi32>
      %and3A_1950 = arith.constant 127 : i32
      %and3A_1951 = arith.andi %squeeze3A_1949, %and3A_1950 : i32
      %broadcast_in_dim3A_1952 = vector.broadcast %and3A_1951 : i32 to vector<16xi32>
      %gather3A_1953 = tpu.vector_load_idx %arg17[%iota3A, %broadcast_in_dim3A_1932] : memref<16x128xf32, #tpu.memory_space<vmem>>[vector<16xi32>, vector<16xi32>], vector<16xf32>,
      %gather3A_1954 = tpu.vector_load_idx %arg18[%iota3A, %broadcast_in_dim3A_1932] : memref<16x128xf32, #tpu.memory_space<vmem>>[vector<16xi32>, vector<16xi32>], vector<16xf32>,
      %gather3A_1955 = tpu.vector_load_idx %arg19[%iota3A, %broadcast_in_dim3A_1937] : memref<16x128xf32, #tpu.memory_space<vmem>>[vector<16xi32>, vector<16xi32>], vector<16xf32>,
      %gather3A_1956 = tpu.vector_load_idx %arg20[%iota3A, %broadcast_in_dim3A_1942] : memref<16x128xf32, #tpu.memory_space<vmem>>[vector<16xi32>, vector<16xi32>], vector<16xf32>,
      %gather3A_1957 = tpu.vector_load_idx %arg21[%iota3A, %broadcast_in_dim3A_1947] : memref<16x128xf32, #tpu.memory_space<vmem>>[vector<16xi32>, vector<16xi32>], vector<16xf32>,
      %gather3A_1958 = tpu.vector_load_idx %arg22[%iota3A, %broadcast_in_dim3A_1952] : memref<16x128xf32, #tpu.memory_space<vmem>>[vector<16xi32>, vector<16xi32>], vector<16xf32>,
      %sub3A_1959 = arith.subf %gather3A_1958, %gather3A_1957 : vector<16xf32>
      %sub3A_1960 = arith.subf %sub3A_1959, %gather3A_1956 : vector<16xf32>
      %add3A_1961 = arith.addf %sub3A_1960, %gather3A_1955 : vector<16xf32>
      %mul3A_1962 = arith.mulf %add3A_1961, %gather3A_1953 : vector<16xf32>
      %mul3A_1963 = arith.mulf %gather3A_1957, %gather3A_1958 : vector<16xf32>
      %mul3A_1964 = arith.mulf %gather3A_1955, %gather3A_1956 : vector<16xf32>
      %sub3A_1965 = arith.subf %mul3A_1963, %mul3A_1964 : vector<16xf32>
      %mul3A_1966 = arith.mulf %sub3A_1965, %gather3A_1954 : vector<16xf32>
      %add3A_1967 = arith.addf %mul3A_1962, %mul3A_1966 : vector<16xf32>
      %mul3A_1968 = arith.constant 16 : i32
      %mul3A_1969 = vector.broadcast %mul3A_1968 : i32 to vector<16xi32>
      %mul3A_1970 = arith.muli %iota3A, %mul3A_1969 : vector<16xi32>
      %add3A_1971 = arith.constant 9 : i32
      %add3A_1972 = vector.broadcast %add3A_1971 : i32 to vector<16xi32>
      %add3A_1973 = arith.addi %mul3A_1970, %add3A_1972 : vector<16xi32>
      tpu.vector_store_idx %arg8[%add3A_1973], %add3A_1967 : memref<256xf32, #tpu.memory_space<vmem>>[vector<16xi32>], vector<16xf32>,
      %slice3A_1974 = vector.extract_strided_slice %gather3A {offsets = [10], sizes = [1], strides = [1]} : vector<16xi32> to vector<1xi32>
      %squeeze3A_1975 = vector.extract %slice3A_1974[0] : i32 from vector<1xi32>
      %and3A_1976 = arith.constant 127 : i32
      %and3A_1977 = arith.andi %squeeze3A_1975, %and3A_1976 : i32
      %broadcast_in_dim3A_1978 = vector.broadcast %and3A_1977 : i32 to vector<16xi32>
      %slice3A_1979 = vector.extract_strided_slice %gather3A_35 {offsets = [10], sizes = [1], strides = [1]} : vector<16xi32> to vector<1xi32>
      %squeeze3A_1980 = vector.extract %slice3A_1979[0] : i32 from vector<1xi32>
      %and3A_1981 = arith.constant 127 : i32
      %and3A_1982 = arith.andi %squeeze3A_1980, %and3A_1981 : i32
      %broadcast_in_dim3A_1983 = vector.broadcast %and3A_1982 : i32 to vector<16xi32>
      %slice3A_1984 = vector.extract_strided_slice %gather3A_50 {offsets = [10], sizes = [1], strides = [1]} : vector<16xi32> to vector<1xi32>
      %squeeze3A_1985 = vector.extract %slice3A_1984[0] : i32 from vector<1xi32>
      %and3A_1986 = arith.constant 127 : i32
      %and3A_1987 = arith.andi %squeeze3A_1985, %and3A_1986 : i32
      %broadcast_in_dim3A_1988 = vector.broadcast %and3A_1987 : i32 to vector<16xi32>
      %slice3A_1989 = vector.extract_strided_slice %gather3A_65 {offsets = [10], sizes = [1], strides = [1]} : vector<16xi32> to vector<1xi32>
      %squeeze3A_1990 = vector.extract %slice3A_1989[0] : i32 from vector<1xi32>
      %and3A_1991 = arith.constant 127 : i32
      %and3A_1992 = arith.andi %squeeze3A_1990, %and3A_1991 : i32
      %broadcast_in_dim3A_1993 = vector.broadcast %and3A_1992 : i32 to vector<16xi32>
      %slice3A_1994 = vector.extract_strided_slice %gather3A_80 {offsets = [10], sizes = [1], strides = [1]} : vector<16xi32> to vector<1xi32>
      %squeeze3A_1995 = vector.extract %slice3A_1994[0] : i32 from vector<1xi32>
      %and3A_1996 = arith.constant 127 : i32
      %and3A_1997 = arith.andi %squeeze3A_1995, %and3A_1996 : i32
      %broadcast_in_dim3A_1998 = vector.broadcast %and3A_1997 : i32 to vector<16xi32>
      %gather3A_1999 = tpu.vector_load_idx %arg23[%iota3A, %broadcast_in_dim3A_1978] : memref<16x128xf32, #tpu.memory_space<vmem>>[vector<16xi32>, vector<16xi32>], vector<16xf32>,
      %gather3A_2000 = tpu.vector_load_idx %arg24[%iota3A, %broadcast_in_dim3A_1978] : memref<16x128xf32, #tpu.memory_space<vmem>>[vector<16xi32>, vector<16xi32>], vector<16xf32>,
      %gather3A_2001 = tpu.vector_load_idx %arg25[%iota3A, %broadcast_in_dim3A_1983] : memref<16x128xf32, #tpu.memory_space<vmem>>[vector<16xi32>, vector<16xi32>], vector<16xf32>,
      %gather3A_2002 = tpu.vector_load_idx %arg26[%iota3A, %broadcast_in_dim3A_1988] : memref<16x128xf32, #tpu.memory_space<vmem>>[vector<16xi32>, vector<16xi32>], vector<16xf32>,
      %gather3A_2003 = tpu.vector_load_idx %arg27[%iota3A, %broadcast_in_dim3A_1993] : memref<16x128xf32, #tpu.memory_space<vmem>>[vector<16xi32>, vector<16xi32>], vector<16xf32>,
      %gather3A_2004 = tpu.vector_load_idx %arg28[%iota3A, %broadcast_in_dim3A_1998] : memref<16x128xf32, #tpu.memory_space<vmem>>[vector<16xi32>, vector<16xi32>], vector<16xf32>,
      %sub3A_2005 = arith.subf %gather3A_2004, %gather3A_2003 : vector<16xf32>
      %sub3A_2006 = arith.subf %sub3A_2005, %gather3A_2002 : vector<16xf32>
      %add3A_2007 = arith.addf %sub3A_2006, %gather3A_2001 : vector<16xf32>
      %mul3A_2008 = arith.mulf %add3A_2007, %gather3A_1999 : vector<16xf32>
      %mul3A_2009 = arith.mulf %gather3A_2003, %gather3A_2004 : vector<16xf32>
      %mul3A_2010 = arith.mulf %gather3A_2001, %gather3A_2002 : vector<16xf32>
      %sub3A_2011 = arith.subf %mul3A_2009, %mul3A_2010 : vector<16xf32>
      %mul3A_2012 = arith.mulf %sub3A_2011, %gather3A_2000 : vector<16xf32>
      %add3A_2013 = arith.addf %mul3A_2008, %mul3A_2012 : vector<16xf32>
      %mul3A_2014 = arith.constant 16 : i32
      %mul3A_2015 = vector.broadcast %mul3A_2014 : i32 to vector<16xi32>
      %mul3A_2016 = arith.muli %iota3A, %mul3A_2015 : vector<16xi32>
      %add3A_2017 = arith.constant 10 : i32
      %add3A_2018 = vector.broadcast %add3A_2017 : i32 to vector<16xi32>
      %add3A_2019 = arith.addi %mul3A_2016, %add3A_2018 : vector<16xi32>
      tpu.vector_store_idx %arg8[%add3A_2019], %add3A_2013 : memref<256xf32, #tpu.memory_space<vmem>>[vector<16xi32>], vector<16xf32>,
      %slice3A_2020 = vector.extract_strided_slice %gather3A {offsets = [11], sizes = [1], strides = [1]} : vector<16xi32> to vector<1xi32>
      %squeeze3A_2021 = vector.extract %slice3A_2020[0] : i32 from vector<1xi32>
      %and3A_2022 = arith.constant 127 : i32
      %and3A_2023 = arith.andi %squeeze3A_2021, %and3A_2022 : i32
      %broadcast_in_dim3A_2024 = vector.broadcast %and3A_2023 : i32 to vector<16xi32>
      %slice3A_2025 = vector.extract_strided_slice %gather3A_35 {offsets = [11], sizes = [1], strides = [1]} : vector<16xi32> to vector<1xi32>
      %squeeze3A_2026 = vector.extract %slice3A_2025[0] : i32 from vector<1xi32>
      %and3A_2027 = arith.constant 127 : i32
      %and3A_2028 = arith.andi %squeeze3A_2026, %and3A_2027 : i32
      %broadcast_in_dim3A_2029 = vector.broadcast %and3A_2028 : i32 to vector<16xi32>
      %slice3A_2030 = vector.extract_strided_slice %gather3A_50 {offsets = [11], sizes = [1], strides = [1]} : vector<16xi32> to vector<1xi32>
      %squeeze3A_2031 = vector.extract %slice3A_2030[0] : i32 from vector<1xi32>
      %and3A_2032 = arith.constant 127 : i32
      %and3A_2033 = arith.andi %squeeze3A_2031, %and3A_2032 : i32
      %broadcast_in_dim3A_2034 = vector.broadcast %and3A_2033 : i32 to vector<16xi32>
      %slice3A_2035 = vector.extract_strided_slice %gather3A_65 {offsets = [11], sizes = [1], strides = [1]} : vector<16xi32> to vector<1xi32>
      %squeeze3A_2036 = vector.extract %slice3A_2035[0] : i32 from vector<1xi32>
      %and3A_2037 = arith.constant 127 : i32
      %and3A_2038 = arith.andi %squeeze3A_2036, %and3A_2037 : i32
      %broadcast_in_dim3A_2039 = vector.broadcast %and3A_2038 : i32 to vector<16xi32>
      %slice3A_2040 = vector.extract_strided_slice %gather3A_80 {offsets = [11], sizes = [1], strides = [1]} : vector<16xi32> to vector<1xi32>
      %squeeze3A_2041 = vector.extract %slice3A_2040[0] : i32 from vector<1xi32>
      %and3A_2042 = arith.constant 127 : i32
      %and3A_2043 = arith.andi %squeeze3A_2041, %and3A_2042 : i32
      %broadcast_in_dim3A_2044 = vector.broadcast %and3A_2043 : i32 to vector<16xi32>
      %gather3A_2045 = tpu.vector_load_idx %arg29[%iota3A, %broadcast_in_dim3A_2024] : memref<16x128xf32, #tpu.memory_space<vmem>>[vector<16xi32>, vector<16xi32>], vector<16xf32>,
      %gather3A_2046 = tpu.vector_load_idx %arg30[%iota3A, %broadcast_in_dim3A_2024] : memref<16x128xf32, #tpu.memory_space<vmem>>[vector<16xi32>, vector<16xi32>], vector<16xf32>,
      %gather3A_2047 = tpu.vector_load_idx %arg31[%iota3A, %broadcast_in_dim3A_2029] : memref<16x128xf32, #tpu.memory_space<vmem>>[vector<16xi32>, vector<16xi32>], vector<16xf32>,
      %gather3A_2048 = tpu.vector_load_idx %arg32[%iota3A, %broadcast_in_dim3A_2034] : memref<16x128xf32, #tpu.memory_space<vmem>>[vector<16xi32>, vector<16xi32>], vector<16xf32>,
      %gather3A_2049 = tpu.vector_load_idx %arg33[%iota3A, %broadcast_in_dim3A_2039] : memref<16x128xf32, #tpu.memory_space<vmem>>[vector<16xi32>, vector<16xi32>], vector<16xf32>,
      %gather3A_2050 = tpu.vector_load_idx %arg34[%iota3A, %broadcast_in_dim3A_2044] : memref<16x128xf32, #tpu.memory_space<vmem>>[vector<16xi32>, vector<16xi32>], vector<16xf32>,
      %sub3A_2051 = arith.subf %gather3A_2050, %gather3A_2049 : vector<16xf32>
      %sub3A_2052 = arith.subf %sub3A_2051, %gather3A_2048 : vector<16xf32>
      %add3A_2053 = arith.addf %sub3A_2052, %gather3A_2047 : vector<16xf32>
      %mul3A_2054 = arith.mulf %add3A_2053, %gather3A_2045 : vector<16xf32>
      %mul3A_2055 = arith.mulf %gather3A_2049, %gather3A_2050 : vector<16xf32>
      %mul3A_2056 = arith.mulf %gather3A_2047, %gather3A_2048 : vector<16xf32>
      %sub3A_2057 = arith.subf %mul3A_2055, %mul3A_2056 : vector<16xf32>
      %mul3A_2058 = arith.mulf %sub3A_2057, %gather3A_2046 : vector<16xf32>
      %add3A_2059 = arith.addf %mul3A_2054, %mul3A_2058 : vector<16xf32>
      %mul3A_2060 = arith.constant 16 : i32
      %mul3A_2061 = vector.broadcast %mul3A_2060 : i32 to vector<16xi32>
      %mul3A_2062 = arith.muli %iota3A, %mul3A_2061 : vector<16xi32>
      %add3A_2063 = arith.constant 11 : i32
      %add3A_2064 = vector.broadcast %add3A_2063 : i32 to vector<16xi32>
      %add3A_2065 = arith.addi %mul3A_2062, %add3A_2064 : vector<16xi32>
      tpu.vector_store_idx %arg8[%add3A_2065], %add3A_2059 : memref<256xf32, #tpu.memory_space<vmem>>[vector<16xi32>], vector<16xf32>,
      %slice3A_2066 = vector.extract_strided_slice %gather3A {offsets = [12], sizes = [1], strides = [1]} : vector<16xi32> to vector<1xi32>
      %squeeze3A_2067 = vector.extract %slice3A_2066[0] : i32 from vector<1xi32>
      %and3A_2068 = arith.constant 127 : i32
      %and3A_2069 = arith.andi %squeeze3A_2067, %and3A_2068 : i32
      %broadcast_in_dim3A_2070 = vector.broadcast %and3A_2069 : i32 to vector<16xi32>
      %slice3A_2071 = vector.extract_strided_slice %gather3A_35 {offsets = [12], sizes = [1], strides = [1]} : vector<16xi32> to vector<1xi32>
      %squeeze3A_2072 = vector.extract %slice3A_2071[0] : i32 from vector<1xi32>
      %and3A_2073 = arith.constant 127 : i32
      %and3A_2074 = arith.andi %squeeze3A_2072, %and3A_2073 : i32
      %broadcast_in_dim3A_2075 = vector.broadcast %and3A_2074 : i32 to vector<16xi32>
      %slice3A_2076 = vector.extract_strided_slice %gather3A_50 {offsets = [12], sizes = [1], strides = [1]} : vector<16xi32> to vector<1xi32>
      %squeeze3A_2077 = vector.extract %slice3A_2076[0] : i32 from vector<1xi32>
      %and3A_2078 = arith.constant 127 : i32
      %and3A_2079 = arith.andi %squeeze3A_2077, %and3A_2078 : i32
      %broadcast_in_dim3A_2080 = vector.broadcast %and3A_2079 : i32 to vector<16xi32>
      %slice3A_2081 = vector.extract_strided_slice %gather3A_65 {offsets = [12], sizes = [1], strides = [1]} : vector<16xi32> to vector<1xi32>
      %squeeze3A_2082 = vector.extract %slice3A_2081[0] : i32 from vector<1xi32>
      %and3A_2083 = arith.constant 127 : i32
      %and3A_2084 = arith.andi %squeeze3A_2082, %and3A_2083 : i32
      %broadcast_in_dim3A_2085 = vector.broadcast %and3A_2084 : i32 to vector<16xi32>
      %slice3A_2086 = vector.extract_strided_slice %gather3A_80 {offsets = [12], sizes = [1], strides = [1]} : vector<16xi32> to vector<1xi32>
      %squeeze3A_2087 = vector.extract %slice3A_2086[0] : i32 from vector<1xi32>
      %and3A_2088 = arith.constant 127 : i32
      %and3A_2089 = arith.andi %squeeze3A_2087, %and3A_2088 : i32
      %broadcast_in_dim3A_2090 = vector.broadcast %and3A_2089 : i32 to vector<16xi32>
      %gather3A_2091 = tpu.vector_load_idx %arg35[%iota3A, %broadcast_in_dim3A_2070] : memref<16x128xf32, #tpu.memory_space<vmem>>[vector<16xi32>, vector<16xi32>], vector<16xf32>,
      %gather3A_2092 = tpu.vector_load_idx %arg36[%iota3A, %broadcast_in_dim3A_2070] : memref<16x128xf32, #tpu.memory_space<vmem>>[vector<16xi32>, vector<16xi32>], vector<16xf32>,
      %gather3A_2093 = tpu.vector_load_idx %arg37[%iota3A, %broadcast_in_dim3A_2075] : memref<16x128xf32, #tpu.memory_space<vmem>>[vector<16xi32>, vector<16xi32>], vector<16xf32>,
      %gather3A_2094 = tpu.vector_load_idx %arg38[%iota3A, %broadcast_in_dim3A_2080] : memref<16x128xf32, #tpu.memory_space<vmem>>[vector<16xi32>, vector<16xi32>], vector<16xf32>,
      %gather3A_2095 = tpu.vector_load_idx %arg39[%iota3A, %broadcast_in_dim3A_2085] : memref<16x128xf32, #tpu.memory_space<vmem>>[vector<16xi32>, vector<16xi32>], vector<16xf32>,
      %gather3A_2096 = tpu.vector_load_idx %arg40[%iota3A, %broadcast_in_dim3A_2090] : memref<16x128xf32, #tpu.memory_space<vmem>>[vector<16xi32>, vector<16xi32>], vector<16xf32>,
      %sub3A_2097 = arith.subf %gather3A_2096, %gather3A_2095 : vector<16xf32>
      %sub3A_2098 = arith.subf %sub3A_2097, %gather3A_2094 : vector<16xf32>
      %add3A_2099 = arith.addf %sub3A_2098, %gather3A_2093 : vector<16xf32>
      %mul3A_2100 = arith.mulf %add3A_2099, %gather3A_2091 : vector<16xf32>
      %mul3A_2101 = arith.mulf %gather3A_2095, %gather3A_2096 : vector<16xf32>
      %mul3A_2102 = arith.mulf %gather3A_2093, %gather3A_2094 : vector<16xf32>
      %sub3A_2103 = arith.subf %mul3A_2101, %mul3A_2102 : vector<16xf32>
      %mul3A_2104 = arith.mulf %sub3A_2103, %gather3A_2092 : vector<16xf32>
      %add3A_2105 = arith.addf %mul3A_2100, %mul3A_2104 : vector<16xf32>
      %mul3A_2106 = arith.constant 16 : i32
      %mul3A_2107 = vector.broadcast %mul3A_2106 : i32 to vector<16xi32>
      %mul3A_2108 = arith.muli %iota3A, %mul3A_2107 : vector<16xi32>
      %add3A_2109 = arith.constant 12 : i32
      %add3A_2110 = vector.broadcast %add3A_2109 : i32 to vector<16xi32>
      %add3A_2111 = arith.addi %mul3A_2108, %add3A_2110 : vector<16xi32>
      tpu.vector_store_idx %arg8[%add3A_2111], %add3A_2105 : memref<256xf32, #tpu.memory_space<vmem>>[vector<16xi32>], vector<16xf32>,
      %slice3A_2112 = vector.extract_strided_slice %gather3A {offsets = [13], sizes = [1], strides = [1]} : vector<16xi32> to vector<1xi32>
      %squeeze3A_2113 = vector.extract %slice3A_2112[0] : i32 from vector<1xi32>
      %and3A_2114 = arith.constant 127 : i32
      %and3A_2115 = arith.andi %squeeze3A_2113, %and3A_2114 : i32
      %broadcast_in_dim3A_2116 = vector.broadcast %and3A_2115 : i32 to vector<16xi32>
      %slice3A_2117 = vector.extract_strided_slice %gather3A_35 {offsets = [13], sizes = [1], strides = [1]} : vector<16xi32> to vector<1xi32>
      %squeeze3A_2118 = vector.extract %slice3A_2117[0] : i32 from vector<1xi32>
      %and3A_2119 = arith.constant 127 : i32
      %and3A_2120 = arith.andi %squeeze3A_2118, %and3A_2119 : i32
      %broadcast_in_dim3A_2121 = vector.broadcast %and3A_2120 : i32 to vector<16xi32>
      %slice3A_2122 = vector.extract_strided_slice %gather3A_50 {offsets = [13], sizes = [1], strides = [1]} : vector<16xi32> to vector<1xi32>
      %squeeze3A_2123 = vector.extract %slice3A_2122[0] : i32 from vector<1xi32>
      %and3A_2124 = arith.constant 127 : i32
      %and3A_2125 = arith.andi %squeeze3A_2123, %and3A_2124 : i32
      %broadcast_in_dim3A_2126 = vector.broadcast %and3A_2125 : i32 to vector<16xi32>
      %slice3A_2127 = vector.extract_strided_slice %gather3A_65 {offsets = [13], sizes = [1], strides = [1]} : vector<16xi32> to vector<1xi32>
      %squeeze3A_2128 = vector.extract %slice3A_2127[0] : i32 from vector<1xi32>
      %and3A_2129 = arith.constant 127 : i32
      %and3A_2130 = arith.andi %squeeze3A_2128, %and3A_2129 : i32
      %broadcast_in_dim3A_2131 = vector.broadcast %and3A_2130 : i32 to vector<16xi32>
      %slice3A_2132 = vector.extract_strided_slice %gather3A_80 {offsets = [13], sizes = [1], strides = [1]} : vector<16xi32> to vector<1xi32>
      %squeeze3A_2133 = vector.extract %slice3A_2132[0] : i32 from vector<1xi32>
      %and3A_2134 = arith.constant 127 : i32
      %and3A_2135 = arith.andi %squeeze3A_2133, %and3A_2134 : i32
      %broadcast_in_dim3A_2136 = vector.broadcast %and3A_2135 : i32 to vector<16xi32>
      %gather3A_2137 = tpu.vector_load_idx %arg41[%iota3A, %broadcast_in_dim3A_2116] : memref<16x128xf32, #tpu.memory_space<vmem>>[vector<16xi32>, vector<16xi32>], vector<16xf32>,
      %gather3A_2138 = tpu.vector_load_idx %arg42[%iota3A, %broadcast_in_dim3A_2116] : memref<16x128xf32, #tpu.memory_space<vmem>>[vector<16xi32>, vector<16xi32>], vector<16xf32>,
      %gather3A_2139 = tpu.vector_load_idx %arg43[%iota3A, %broadcast_in_dim3A_2121] : memref<16x128xf32, #tpu.memory_space<vmem>>[vector<16xi32>, vector<16xi32>], vector<16xf32>,
      %gather3A_2140 = tpu.vector_load_idx %arg44[%iota3A, %broadcast_in_dim3A_2126] : memref<16x128xf32, #tpu.memory_space<vmem>>[vector<16xi32>, vector<16xi32>], vector<16xf32>,
      %gather3A_2141 = tpu.vector_load_idx %arg45[%iota3A, %broadcast_in_dim3A_2131] : memref<16x128xf32, #tpu.memory_space<vmem>>[vector<16xi32>, vector<16xi32>], vector<16xf32>,
      %gather3A_2142 = tpu.vector_load_idx %arg46[%iota3A, %broadcast_in_dim3A_2136] : memref<16x128xf32, #tpu.memory_space<vmem>>[vector<16xi32>, vector<16xi32>], vector<16xf32>,
      %sub3A_2143 = arith.subf %gather3A_2142, %gather3A_2141 : vector<16xf32>
      %sub3A_2144 = arith.subf %sub3A_2143, %gather3A_2140 : vector<16xf32>
      %add3A_2145 = arith.addf %sub3A_2144, %gather3A_2139 : vector<16xf32>
      %mul3A_2146 = arith.mulf %add3A_2145, %gather3A_2137 : vector<16xf32>
      %mul3A_2147 = arith.mulf %gather3A_2141, %gather3A_2142 : vector<16xf32>
      %mul3A_2148 = arith.mulf %gather3A_2139, %gather3A_2140 : vector<16xf32>
      %sub3A_2149 = arith.subf %mul3A_2147, %mul3A_2148 : vector<16xf32>
      %mul3A_2150 = arith.mulf %sub3A_2149, %gather3A_2138 : vector<16xf32>
      %add3A_2151 = arith.addf %mul3A_2146, %mul3A_2150 : vector<16xf32>
      %mul3A_2152 = arith.constant 16 : i32
      %mul3A_2153 = vector.broadcast %mul3A_2152 : i32 to vector<16xi32>
      %mul3A_2154 = arith.muli %iota3A, %mul3A_2153 : vector<16xi32>
      %add3A_2155 = arith.constant 13 : i32
      %add3A_2156 = vector.broadcast %add3A_2155 : i32 to vector<16xi32>
      %add3A_2157 = arith.addi %mul3A_2154, %add3A_2156 : vector<16xi32>
      tpu.vector_store_idx %arg8[%add3A_2157], %add3A_2151 : memref<256xf32, #tpu.memory_space<vmem>>[vector<16xi32>], vector<16xf32>,
      %slice3A_2158 = vector.extract_strided_slice %gather3A {offsets = [14], sizes = [1], strides = [1]} : vector<16xi32> to vector<1xi32>
      %squeeze3A_2159 = vector.extract %slice3A_2158[0] : i32 from vector<1xi32>
      %and3A_2160 = arith.constant 127 : i32
      %and3A_2161 = arith.andi %squeeze3A_2159, %and3A_2160 : i32
      %broadcast_in_dim3A_2162 = vector.broadcast %and3A_2161 : i32 to vector<16xi32>
      %slice3A_2163 = vector.extract_strided_slice %gather3A_35 {offsets = [14], sizes = [1], strides = [1]} : vector<16xi32> to vector<1xi32>
      %squeeze3A_2164 = vector.extract %slice3A_2163[0] : i32 from vector<1xi32>
      %and3A_2165 = arith.constant 127 : i32
      %and3A_2166 = arith.andi %squeeze3A_2164, %and3A_2165 : i32
      %broadcast_in_dim3A_2167 = vector.broadcast %and3A_2166 : i32 to vector<16xi32>
      %slice3A_2168 = vector.extract_strided_slice %gather3A_50 {offsets = [14], sizes = [1], strides = [1]} : vector<16xi32> to vector<1xi32>
      %squeeze3A_2169 = vector.extract %slice3A_2168[0] : i32 from vector<1xi32>
      %and3A_2170 = arith.constant 127 : i32
      %and3A_2171 = arith.andi %squeeze3A_2169, %and3A_2170 : i32
      %broadcast_in_dim3A_2172 = vector.broadcast %and3A_2171 : i32 to vector<16xi32>
      %slice3A_2173 = vector.extract_strided_slice %gather3A_65 {offsets = [14], sizes = [1], strides = [1]} : vector<16xi32> to vector<1xi32>
      %squeeze3A_2174 = vector.extract %slice3A_2173[0] : i32 from vector<1xi32>
      %and3A_2175 = arith.constant 127 : i32
      %and3A_2176 = arith.andi %squeeze3A_2174, %and3A_2175 : i32
      %broadcast_in_dim3A_2177 = vector.broadcast %and3A_2176 : i32 to vector<16xi32>
      %slice3A_2178 = vector.extract_strided_slice %gather3A_80 {offsets = [14], sizes = [1], strides = [1]} : vector<16xi32> to vector<1xi32>
      %squeeze3A_2179 = vector.extract %slice3A_2178[0] : i32 from vector<1xi32>
      %and3A_2180 = arith.constant 127 : i32
      %and3A_2181 = arith.andi %squeeze3A_2179, %and3A_2180 : i32
      %broadcast_in_dim3A_2182 = vector.broadcast %and3A_2181 : i32 to vector<16xi32>
      %gather3A_2183 = tpu.vector_load_idx %arg47[%iota3A, %broadcast_in_dim3A_2162] : memref<16x128xf32, #tpu.memory_space<vmem>>[vector<16xi32>, vector<16xi32>], vector<16xf32>,
      %gather3A_2184 = tpu.vector_load_idx %arg48[%iota3A, %broadcast_in_dim3A_2162] : memref<16x128xf32, #tpu.memory_space<vmem>>[vector<16xi32>, vector<16xi32>], vector<16xf32>,
      %gather3A_2185 = tpu.vector_load_idx %arg49[%iota3A, %broadcast_in_dim3A_2167] : memref<16x128xf32, #tpu.memory_space<vmem>>[vector<16xi32>, vector<16xi32>], vector<16xf32>,
      %gather3A_2186 = tpu.vector_load_idx %arg50[%iota3A, %broadcast_in_dim3A_2172] : memref<16x128xf32, #tpu.memory_space<vmem>>[vector<16xi32>, vector<16xi32>], vector<16xf32>,
      %gather3A_2187 = tpu.vector_load_idx %arg51[%iota3A, %broadcast_in_dim3A_2177] : memref<16x128xf32, #tpu.memory_space<vmem>>[vector<16xi32>, vector<16xi32>], vector<16xf32>,
      %gather3A_2188 = tpu.vector_load_idx %arg52[%iota3A, %broadcast_in_dim3A_2182] : memref<16x128xf32, #tpu.memory_space<vmem>>[vector<16xi32>, vector<16xi32>], vector<16xf32>,
      %sub3A_2189 = arith.subf %gather3A_2188, %gather3A_2187 : vector<16xf32>
      %sub3A_2190 = arith.subf %sub3A_2189, %gather3A_2186 : vector<16xf32>
      %add3A_2191 = arith.addf %sub3A_2190, %gather3A_2185 : vector<16xf32>
      %mul3A_2192 = arith.mulf %add3A_2191, %gather3A_2183 : vector<16xf32>
      %mul3A_2193 = arith.mulf %gather3A_2187, %gather3A_2188 : vector<16xf32>
      %mul3A_2194 = arith.mulf %gather3A_2185, %gather3A_2186 : vector<16xf32>
      %sub3A_2195 = arith.subf %mul3A_2193, %mul3A_2194 : vector<16xf32>
      %mul3A_2196 = arith.mulf %sub3A_2195, %gather3A_2184 : vector<16xf32>
      %add3A_2197 = arith.addf %mul3A_2192, %mul3A_2196 : vector<16xf32>
      %mul3A_2198 = arith.constant 16 : i32
      %mul3A_2199 = vector.broadcast %mul3A_2198 : i32 to vector<16xi32>
      %mul3A_2200 = arith.muli %iota3A, %mul3A_2199 : vector<16xi32>
      %add3A_2201 = arith.constant 14 : i32
      %add3A_2202 = vector.broadcast %add3A_2201 : i32 to vector<16xi32>
      %add3A_2203 = arith.addi %mul3A_2200, %add3A_2202 : vector<16xi32>
      tpu.vector_store_idx %arg8[%add3A_2203], %add3A_2197 : memref<256xf32, #tpu.memory_space<vmem>>[vector<16xi32>], vector<16xf32>,
      %slice3A_2204 = vector.extract_strided_slice %gather3A {offsets = [15], sizes = [1], strides = [1]} : vector<16xi32> to vector<1xi32>
      %squeeze3A_2205 = vector.extract %slice3A_2204[0] : i32 from vector<1xi32>
      %and3A_2206 = arith.constant 127 : i32
      %and3A_2207 = arith.andi %squeeze3A_2205, %and3A_2206 : i32
      %broadcast_in_dim3A_2208 = vector.broadcast %and3A_2207 : i32 to vector<16xi32>
      %slice3A_2209 = vector.extract_strided_slice %gather3A_35 {offsets = [15], sizes = [1], strides = [1]} : vector<16xi32> to vector<1xi32>
      %squeeze3A_2210 = vector.extract %slice3A_2209[0] : i32 from vector<1xi32>
      %and3A_2211 = arith.constant 127 : i32
      %and3A_2212 = arith.andi %squeeze3A_2210, %and3A_2211 : i32
      %broadcast_in_dim3A_2213 = vector.broadcast %and3A_2212 : i32 to vector<16xi32>
      %slice3A_2214 = vector.extract_strided_slice %gather3A_50 {offsets = [15], sizes = [1], strides = [1]} : vector<16xi32> to vector<1xi32>
      %squeeze3A_2215 = vector.extract %slice3A_2214[0] : i32 from vector<1xi32>
      %and3A_2216 = arith.constant 127 : i32
      %and3A_2217 = arith.andi %squeeze3A_2215, %and3A_2216 : i32
      %broadcast_in_dim3A_2218 = vector.broadcast %and3A_2217 : i32 to vector<16xi32>
      %slice3A_2219 = vector.extract_strided_slice %gather3A_65 {offsets = [15], sizes = [1], strides = [1]} : vector<16xi32> to vector<1xi32>
      %squeeze3A_2220 = vector.extract %slice3A_2219[0] : i32 from vector<1xi32>
      %and3A_2221 = arith.constant 127 : i32
      %and3A_2222 = arith.andi %squeeze3A_2220, %and3A_2221 : i32
      %broadcast_in_dim3A_2223 = vector.broadcast %and3A_2222 : i32 to vector<16xi32>
      %slice3A_2224 = vector.extract_strided_slice %gather3A_80 {offsets = [15], sizes = [1], strides = [1]} : vector<16xi32> to vector<1xi32>
      %squeeze3A_2225 = vector.extract %slice3A_2224[0] : i32 from vector<1xi32>
      %and3A_2226 = arith.constant 127 : i32
      %and3A_2227 = arith.andi %squeeze3A_2225, %and3A_2226 : i32
      %broadcast_in_dim3A_2228 = vector.broadcast %and3A_2227 : i32 to vector<16xi32>
      %gather3A_2229 = tpu.vector_load_idx %arg53[%iota3A, %broadcast_in_dim3A_2208] : memref<16x128xf32, #tpu.memory_space<vmem>>[vector<16xi32>, vector<16xi32>], vector<16xf32>,
      %gather3A_2230 = tpu.vector_load_idx %arg54[%iota3A, %broadcast_in_dim3A_2208] : memref<16x128xf32, #tpu.memory_space<vmem>>[vector<16xi32>, vector<16xi32>], vector<16xf32>,
      %gather3A_2231 = tpu.vector_load_idx %arg55[%iota3A, %broadcast_in_dim3A_2213] : memref<16x128xf32, #tpu.memory_space<vmem>>[vector<16xi32>, vector<16xi32>], vector<16xf32>,
      %gather3A_2232 = tpu.vector_load_idx %arg56[%iota3A, %broadcast_in_dim3A_2218] : memref<16x128xf32, #tpu.memory_space<vmem>>[vector<16xi32>, vector<16xi32>], vector<16xf32>,
      %gather3A_2233 = tpu.vector_load_idx %arg57[%iota3A, %broadcast_in_dim3A_2223] : memref<16x128xf32, #tpu.memory_space<vmem>>[vector<16xi32>, vector<16xi32>], vector<16xf32>,
      %gather3A_2234 = tpu.vector_load_idx %arg58[%iota3A, %broadcast_in_dim3A_2228] : memref<16x128xf32, #tpu.memory_space<vmem>>[vector<16xi32>, vector<16xi32>], vector<16xf32>,
      %sub3A_2235 = arith.subf %gather3A_2234, %gather3A_2233 : vector<16xf32>
      %sub3A_2236 = arith.subf %sub3A_2235, %gather3A_2232 : vector<16xf32>
      %add3A_2237 = arith.addf %sub3A_2236, %gather3A_2231 : vector<16xf32>
      %mul3A_2238 = arith.mulf %add3A_2237, %gather3A_2229 : vector<16xf32>
      %mul3A_2239 = arith.mulf %gather3A_2233, %gather3A_2234 : vector<16xf32>
      %mul3A_2240 = arith.mulf %gather3A_2231, %gather3A_2232 : vector<16xf32>
      %sub3A_2241 = arith.subf %mul3A_2239, %mul3A_2240 : vector<16xf32>
      %mul3A_2242 = arith.mulf %sub3A_2241, %gather3A_2230 : vector<16xf32>
      %add3A_2243 = arith.addf %mul3A_2238, %mul3A_2242 : vector<16xf32>
      %mul3A_2244 = arith.constant 16 : i32
      %mul3A_2245 = vector.broadcast %mul3A_2244 : i32 to vector<16xi32>
      %mul3A_2246 = arith.muli %iota3A, %mul3A_2245 : vector<16xi32>
      %add3A_2247 = arith.constant 15 : i32
      %add3A_2248 = vector.broadcast %add3A_2247 : i32 to vector<16xi32>
      %add3A_2249 = arith.addi %mul3A_2246, %add3A_2248 : vector<16xi32>
      tpu.vector_store_idx %arg8[%add3A_2249], %add3A_2243 : memref<256xf32, #tpu.memory_space<vmem>>[vector<16xi32>], vector<16xf32>,
      %broadcast_in_dim3A_2250 = arith.constant 0.000000e+00 : f32
      %broadcast_in_dim3A_2251 = vector.broadcast %broadcast_in_dim3A_2250 : f32 to vector<16xf32>
      %add3A_2252 = arith.constant 0 : i32
      %add3A_2253 = vector.broadcast %add3A_2252 : i32 to vector<16xi32>
      %add3A_2254 = arith.addi %add3A_2253, %iota3A : vector<16xi32>
      %gather3A_2255 = tpu.vector_load_idx %arg8[%add3A_2254] : memref<256xf32, #tpu.memory_space<vmem>>[vector<16xi32>], vector<16xf32>,
      %add3A_2256 = arith.addf %broadcast_in_dim3A_2251, %gather3A_2255 : vector<16xf32>
      %add3A_2257 = arith.constant 16 : i32
      %add3A_2258 = vector.broadcast %add3A_2257 : i32 to vector<16xi32>
      %add3A_2259 = arith.addi %add3A_2258, %iota3A : vector<16xi32>
      %gather3A_2260 = tpu.vector_load_idx %arg8[%add3A_2259] : memref<256xf32, #tpu.memory_space<vmem>>[vector<16xi32>], vector<16xf32>,
      %add3A_2261 = arith.addf %add3A_2256, %gather3A_2260 : vector<16xf32>
      %add3A_2262 = arith.constant 32 : i32
      %add3A_2263 = vector.broadcast %add3A_2262 : i32 to vector<16xi32>
      %add3A_2264 = arith.addi %add3A_2263, %iota3A : vector<16xi32>
      %gather3A_2265 = tpu.vector_load_idx %arg8[%add3A_2264] : memref<256xf32, #tpu.memory_space<vmem>>[vector<16xi32>], vector<16xf32>,
      %add3A_2266 = arith.addf %add3A_2261, %gather3A_2265 : vector<16xf32>
      %add3A_2267 = arith.constant 48 : i32
      %add3A_2268 = vector.broadcast %add3A_2267 : i32 to vector<16xi32>
      %add3A_2269 = arith.addi %add3A_2268, %iota3A : vector<16xi32>
      %gather3A_2270 = tpu.vector_load_idx %arg8[%add3A_2269] : memref<256xf32, #tpu.memory_space<vmem>>[vector<16xi32>], vector<16xf32>,
      %add3A_2271 = arith.addf %add3A_2266, %gather3A_2270 : vector<16xf32>
      %add3A_2272 = arith.constant 64 : i32
      %add3A_2273 = vector.broadcast %add3A_2272 : i32 to vector<16xi32>
      %add3A_2274 = arith.addi %add3A_2273, %iota3A : vector<16xi32>
      %gather3A_2275 = tpu.vector_load_idx %arg8[%add3A_2274] : memref<256xf32, #tpu.memory_space<vmem>>[vector<16xi32>], vector<16xf32>,
      %add3A_2276 = arith.addf %add3A_2271, %gather3A_2275 : vector<16xf32>
      %add3A_2277 = arith.constant 80 : i32
      %add3A_2278 = vector.broadcast %add3A_2277 : i32 to vector<16xi32>
      %add3A_2279 = arith.addi %add3A_2278, %iota3A : vector<16xi32>
      %gather3A_2280 = tpu.vector_load_idx %arg8[%add3A_2279] : memref<256xf32, #tpu.memory_space<vmem>>[vector<16xi32>], vector<16xf32>,
      %add3A_2281 = arith.addf %add3A_2276, %gather3A_2280 : vector<16xf32>
      %add3A_2282 = arith.constant 96 : i32
      %add3A_2283 = vector.broadcast %add3A_2282 : i32 to vector<16xi32>
      %add3A_2284 = arith.addi %add3A_2283, %iota3A : vector<16xi32>
      %gather3A_2285 = tpu.vector_load_idx %arg8[%add3A_2284] : memref<256xf32, #tpu.memory_space<vmem>>[vector<16xi32>], vector<16xf32>,
      %add3A_2286 = arith.addf %add3A_2281, %gather3A_2285 : vector<16xf32>
      %add3A_2287 = arith.constant 112 : i32
      %add3A_2288 = vector.broadcast %add3A_2287 : i32 to vector<16xi32>
      %add3A_2289 = arith.addi %add3A_2288, %iota3A : vector<16xi32>
      %gather3A_2290 = tpu.vector_load_idx %arg8[%add3A_2289] : memref<256xf32, #tpu.memory_space<vmem>>[vector<16xi32>], vector<16xf32>,
      %add3A_2291 = arith.addf %add3A_2286, %gather3A_2290 : vector<16xf32>
      %add3A_2292 = arith.constant 128 : i32
      %add3A_2293 = vector.broadcast %add3A_2292 : i32 to vector<16xi32>
      %add3A_2294 = arith.addi %add3A_2293, %iota3A : vector<16xi32>
      %gather3A_2295 = tpu.vector_load_idx %arg8[%add3A_2294] : memref<256xf32, #tpu.memory_space<vmem>>[vector<16xi32>], vector<16xf32>,
      %add3A_2296 = arith.addf %add3A_2291, %gather3A_2295 : vector<16xf32>
      %add3A_2297 = arith.constant 144 : i32
      %add3A_2298 = vector.broadcast %add3A_2297 : i32 to vector<16xi32>
      %add3A_2299 = arith.addi %add3A_2298, %iota3A : vector<16xi32>
      %gather3A_2300 = tpu.vector_load_idx %arg8[%add3A_2299] : memref<256xf32, #tpu.memory_space<vmem>>[vector<16xi32>], vector<16xf32>,
      %add3A_2301 = arith.addf %add3A_2296, %gather3A_2300 : vector<16xf32>
      %add3A_2302 = arith.constant 160 : i32
      %add3A_2303 = vector.broadcast %add3A_2302 : i32 to vector<16xi32>
      %add3A_2304 = arith.addi %add3A_2303, %iota3A : vector<16xi32>
      %gather3A_2305 = tpu.vector_load_idx %arg8[%add3A_2304] : memref<256xf32, #tpu.memory_space<vmem>>[vector<16xi32>], vector<16xf32>,
      %add3A_2306 = arith.addf %add3A_2301, %gather3A_2305 : vector<16xf32>
      %add3A_2307 = arith.constant 176 : i32
      %add3A_2308 = vector.broadcast %add3A_2307 : i32 to vector<16xi32>
      %add3A_2309 = arith.addi %add3A_2308, %iota3A : vector<16xi32>
      %gather3A_2310 = tpu.vector_load_idx %arg8[%add3A_2309] : memref<256xf32, #tpu.memory_space<vmem>>[vector<16xi32>], vector<16xf32>,
      %add3A_2311 = arith.addf %add3A_2306, %gather3A_2310 : vector<16xf32>
      %add3A_2312 = arith.constant 192 : i32
      %add3A_2313 = vector.broadcast %add3A_2312 : i32 to vector<16xi32>
      %add3A_2314 = arith.addi %add3A_2313, %iota3A : vector<16xi32>
      %gather3A_2315 = tpu.vector_load_idx %arg8[%add3A_2314] : memref<256xf32, #tpu.memory_space<vmem>>[vector<16xi32>], vector<16xf32>,
      %add3A_2316 = arith.addf %add3A_2311, %gather3A_2315 : vector<16xf32>
      %add3A_2317 = arith.constant 208 : i32
      %add3A_2318 = vector.broadcast %add3A_2317 : i32 to vector<16xi32>
      %add3A_2319 = arith.addi %add3A_2318, %iota3A : vector<16xi32>
      %gather3A_2320 = tpu.vector_load_idx %arg8[%add3A_2319] : memref<256xf32, #tpu.memory_space<vmem>>[vector<16xi32>], vector<16xf32>,
      %add3A_2321 = arith.addf %add3A_2316, %gather3A_2320 : vector<16xf32>
      %add3A_2322 = arith.constant 224 : i32
      %add3A_2323 = vector.broadcast %add3A_2322 : i32 to vector<16xi32>
      %add3A_2324 = arith.addi %add3A_2323, %iota3A : vector<16xi32>
      %gather3A_2325 = tpu.vector_load_idx %arg8[%add3A_2324] : memref<256xf32, #tpu.memory_space<vmem>>[vector<16xi32>], vector<16xf32>,
      %add3A_2326 = arith.addf %add3A_2321, %gather3A_2325 : vector<16xf32>
      %add3A_2327 = arith.constant 240 : i32
      %add3A_2328 = vector.broadcast %add3A_2327 : i32 to vector<16xi32>
      %add3A_2329 = arith.addi %add3A_2328, %iota3A : vector<16xi32>
      %gather3A_2330 = tpu.vector_load_idx %arg8[%add3A_2329] : memref<256xf32, #tpu.memory_space<vmem>>[vector<16xi32>], vector<16xf32>,
      %add3A_2331 = arith.addf %add3A_2326, %gather3A_2330 : vector<16xf32>
      %add3A_2332 = vector.broadcast %mul3A_8 : i32 to vector<16xi32>
      %add3A_2333 = arith.addi %add3A_2332, %iota3A : vector<16xi32>
      %shift_right_arithmetic3A_2334 = arith.constant 7 : i32
      %shift_right_arithmetic3A_2335 = vector.broadcast %shift_right_arithmetic3A_2334 : i32 to vector<16xi32>
      %shift_right_arithmetic3A_2336 = arith.shrsi %add3A_2333, %shift_right_arithmetic3A_2335 : vector<16xi32>
      %and3A_2337 = arith.constant 127 : i32
      %and3A_2338 = vector.broadcast %and3A_2337 : i32 to vector<16xi32>
      %and3A_2339 = arith.andi %add3A_2333, %and3A_2338 : vector<16xi32>
      tpu.vector_store_idx %arg9[%shift_right_arithmetic3A_2336, %and3A_2339], %add3A_2331 : memref<4x128xf32, #tpu.memory_space<vmem>>[vector<16xi32>, vector<16xi32>], vector<16xf32>,
    }
    %scan3A_5 = arith.constant 32 : i32
    "tpu.region"() ({
      %run_scoped3A = tpu.sem_alloc : memref<!tpu.dma_semaphore, #tpu.memory_space<semaphore_mem>>
      %dma_start3A = arith.constant 0 : i32
      %dma_start3A_6 = arith.constant 0 : i32
      %dma_start3A_7 = tpu.memref_slice %arg6[%add3A, %dma_start3A, %dma_start3A_6] : memref<32x4x128xf32, #tpu.memory_space<hbm>> -> memref<1x4x128xf32, #tpu.memory_space<hbm>>
      %dma_start3A_8 = tpu.memref_squeeze %dma_start3A_7 : memref<1x4x128xf32, #tpu.memory_space<hbm>> -> memref<4x128xf32, #tpu.memory_space<hbm>>
      %dma_start3A_9 = arith.constant 0 : i32
      %dma_start3A_10 = arith.constant 0 : i32
      %dma_start3A_11 = tpu.memref_slice %arg6[%add3A, %dma_start3A_9, %dma_start3A_10] : memref<32x4x128xf32, #tpu.memory_space<hbm>> -> memref<1x4x128xf32, #tpu.memory_space<hbm>>
      %dma_start3A_12 = tpu.memref_squeeze %dma_start3A_11 : memref<1x4x128xf32, #tpu.memory_space<hbm>> -> memref<4x128xf32, #tpu.memory_space<hbm>>
      tpu.enqueue_dma source(%arg9 : memref<4x128xf32, #tpu.memory_space<vmem>>) target(%dma_start3A_12 : memref<4x128xf32, #tpu.memory_space<hbm>>) target_semaphore(%run_scoped3A : memref<!tpu.dma_semaphore, #tpu.memory_space<semaphore_mem>>)
      %dma_wait3A = arith.constant 0 : i32
      %dma_wait3A_13 = arith.constant 0 : i32
      %dma_wait3A_14 = tpu.memref_slice %arg6[%add3A, %dma_wait3A, %dma_wait3A_13] : memref<32x4x128xf32, #tpu.memory_space<hbm>> -> memref<1x4x128xf32, #tpu.memory_space<hbm>>
      %dma_wait3A_15 = tpu.memref_squeeze %dma_wait3A_14 : memref<1x4x128xf32, #tpu.memory_space<hbm>> -> memref<4x128xf32, #tpu.memory_space<hbm>>
      %dma_wait3A_16 = arith.constant 0 : i32
      %dma_wait3A_17 = arith.constant 0 : i32
      %dma_wait3A_18 = tpu.memref_slice %arg6[%add3A, %dma_wait3A_16, %dma_wait3A_17] : memref<32x4x128xf32, #tpu.memory_space<hbm>> -> memref<1x4x128xf32, #tpu.memory_space<hbm>>
      %dma_wait3A_19 = tpu.memref_squeeze %dma_wait3A_18 : memref<1x4x128xf32, #tpu.memory_space<hbm>> -> memref<4x128xf32, #tpu.memory_space<hbm>>
      tpu.wait_dma2 semaphore(%run_scoped3A : memref<!tpu.dma_semaphore, #tpu.memory_space<semaphore_mem>>) src(%arg9 : memref<4x128xf32, #tpu.memory_space<vmem>>) dst(%dma_wait3A_19 : memref<4x128xf32, #tpu.memory_space<hbm>>)
      tpu.yield
    }) : () -> ()
    return
  }
}

module attributes {stable_mosaic.version = 14 : i64} {
  func.func @_softplus_body(%arg0: memref<128x128xf32, #tpu.memory_space<vmem>>, %arg1: memref<128x128xf32, #tpu.memory_space<vmem>>) attributes {dimension_semantics = [], scalar_prefetch = 0 : i64, scratch_operands = 0 : i64, tpu.core_type = #tpu.core_type<tc>} {
    %get3A = arith.constant 0 : index
    %get3A_0 = arith.constant 0 : index
    %get3A_1 = vector.load %arg0[%get3A, %get3A_0] : memref<128x128xf32, #tpu.memory_space<vmem>>, vector<128x128xf32>
    %max3A = arith.constant 0.000000e+00 : f32
    %max3A_2 = vector.broadcast %max3A : f32 to vector<128x128xf32>
    %max3A_3 = arith.maximumf %get3A_1, %max3A_2 : vector<128x128xf32>
    %abs3A = math.absf %get3A_1 : vector<128x128xf32>
    %neg3A = arith.constant 0.000000e+00 : f32
    %neg3A_4 = vector.broadcast %neg3A : f32 to vector<128x128xf32>
    %neg3A_5 = arith.subf %neg3A_4, %abs3A : vector<128x128xf32>
    %exp3A = math.exp %neg3A_5 : vector<128x128xf32>
    %log1p3A = math.log1p %exp3A : vector<128x128xf32>
    %add3A = arith.addf %max3A_3, %log1p3A : vector<128x128xf32>
    %swap3A = arith.constant 0 : index
    %swap3A_6 = arith.constant 0 : index
    %swap3A_7 = vector.load %arg1[%swap3A, %swap3A_6] : memref<128x128xf32, #tpu.memory_space<vmem>>, vector<128x128xf32>
    tpu.vector_store %arg1[%swap3A, %swap3A_6], %add3A {strides = array<i32>} : memref<128x128xf32, #tpu.memory_space<vmem>>, vector<128x128xf32>,
    return
  }
}

</mosaic_0001>

<sc_bundles>
// kernel: kernel.4.cloned.1.call-start
scs
__scs_entry_jumppad:
0x0: {  	(pc) =	sbr.rel $0x88, $3  }
0x1: {  	(tag) =	ssettag $0x0;
	lr =	simm.s32 $0x1  }
0x2: {  	[smem:$0x3F9D] =	sst lr;
	_ =	strace $0xD0000000  }
0x3: {  	_ = 	snop  }
0x4: {  	_ = 	snop  }
0x5: {  	_ = 	snop  }
0x6: {  	_ = 	snop  }
0x7: {  	_ = 	snop  }
__scs_overlays_trampoline_lowered:
0x8: {  	[smem:$0x3FAC] =	sst s0  }
0x9: {  	[smem:$0x3FAD] =	sst s1  }
0xa: {  	[smem:$0x3FAE] =	sst s2  }
0xb: {  	[smem:$0x3FAF] =	sst s3  }
0xc: {  	[smem:$0x3FB0] =	sst s4  }
0xd: {  	[smem:$0x3FB1] =	sst s5  }
0xe: {  	[smem:$0x3FB2] =	sst s6  }
0xf: {  	[smem:$0x3FB3] =	sst s7  }
0x10: {  	[smem:$0x3FB4] =	sst s8  }
0x11: {  	[smem:$0x3FB5] =	sst s9;
	s0 =	simm.s32 @!p0 $0x0  }
0x12: {  	s1 =	sld [smem:$0x3F9B];
	s0 =	simm.s32 @p0 $0x1  }
0x13: {  	[smem:$0x3FB6] =	sst s0;
	s0 =	simm.s32 @!p1 $0x0  }
0x14: {  	s2 =	sld [smem:$0x3F9A];
	s0 =	simm.s32 @p1 $0x1  }
0x15: {  	[smem:$0x3FB7] =	sst s0;
	s0 =	simm.s32 @!p2 $0x0  }
0x16: {  	s3 =	sld [smem:$0x3FDB];
	s0 =	simm.s32 @p2 $0x1  }
0x17: {  	s4 =	simm.s32 $0x1BF5;
	[smem:$0x3FB9] =	sst s0  }
0x18: {  	s0 =	sld [smem:$0x3F9C];
	_ =	swait.ge [sflag:s4], $0x0  }
0x19: {  	s7 =	sld [smem:$0x3F9D]  }
0x1a: {  	s8 =	sadd.s32 $0xFFFFE003, lr  }
0x1b: {  	s9 =	sadd.s32 $0xFFFFFEF7, lr;
	s5 =	simm.s32 $0xFFFFFFFF;
	p2 =	slt.u32 s8, $0xFFFFF086  }
0x1c: {  	p1 =	slt.u32 s9, $0xF7A;
	s5 =	simm.s32 @!p2 $0x0  }
0x1d: {  	s5 =	simm.s32 @p1 $0x1;
	p0 =	seq.s32 s7, s2  }
0x1e: {  	s7 =	smul.u32 @!p0 $0xF7A, s2;
	p2 =	seq.s32 @!p0 s5, $0x0  }
0x1f: {  	s9 =	smul.u32 $0xF7A, s1;
	s8 =	simm.s32 @!p0 $0x1BF5;
	p2 =	por !p2, p0  }
0x20: {  	[sflag:s8] =	ssyncset.s32 @!p0 $0xFFFFF086;
	s6 =	sadd.s32 @!p0 s3, s7;
	s7 =	simm.s32 @!p0 $0x108  }
0x21: {  	s3 =	sadd.s32 s3, s9;
	s6 =	sadd.s32 @!p0 $0x88, s6;
	s7 =	simm.s32 @p2 $0x1082  }
0x22: {  	[simem:s7], [sflag:s8] =	dma.local @!p0 [hbm:s6], $0xF7A  }
0x23: {  	s9 =	sor.u32 $0xD0000000, s2;
	s6 =	simm.s32 $0x108;
	_ =	swait.ge @!p0 [sflag:s8], $0x0  }
0x24: {  	s3 =	sadd.s32 $0x88, s3;
	s6 =	simm.s32 @!p1 $0x1082;
	[sflag:s4] =	ssyncset.s32 $0xFFFFF086  }
0x25: {  	[simem:s6], [sflag:s4] =	dma.local [hbm:s3], $0xF7A  }
0x26: {  	[smem:$0x3F9D] =	sst s1;
	(tag) =	ssettag s2;
	_ =	strace s9  }
0x27: {  	s1 =	sld [smem:$0x3FAD]  }
0x28: {  	s2 =	sld [smem:$0x3FAE]  }
0x29: {  	s4 =	sld [smem:$0x3FB0]  }
0x2a: {  	p0 =	seq.s32 s5, $0x0;
	s5 =	sld [smem:$0x3FB1]  }
0x2b: {  	s6 =	sld [smem:$0x3FB2]  }
0x2c: {  	s7 =	sld [smem:$0x3FB3]  }
0x2d: {  	s3 =	simm.s32 $0x108;
	s8 =	sld [smem:$0x3FB4]  }
0x2e: {  	s3 =	simm.s32 @!p0 $0x1082;
	s9 =	sld [smem:$0x3FB5]  }
0x2f: {  	lr =	sadd.s32 s0, s3;
	s0 =	sld [smem:$0x3FAC]  }
0x30: {  	s3 =	sld [smem:$0x3FAF]  }
0x31: {  	[smem:$0x3FB8] =	sst s10  }
0x32: {  	s10 =	sld [smem:$0x3FB6];
	_ =	sdelay $0x3  }
0x33: {  	p0 =	seq.s32 s10, $0x1;
	s10 =	sld [smem:$0x3FB8];
	_ =	sdelay $0x3  }
0x34: {  	[smem:$0x3FB8] =	sst s10  }
0x35: {  	s10 =	sld [smem:$0x3FB7];
	_ =	sdelay $0x3  }
0x36: {  	p1 =	seq.s32 s10, $0x1;
	s10 =	sld [smem:$0x3FB8];
	_ =	sdelay $0x3  }
0x37: {  	[smem:$0x3FB8] =	sst s10  }
0x38: {  	s10 =	sld [smem:$0x3FB9]  }
0x39: {  	_ = 	snop;
	(pc) =	sbr.ind lr, $3  }
0x3a: {  	_ = 	snop  }
0x3b: {  	_ = 	snop  }
0x3c: {  	p2 =	seq.s32 s10, $0x1;
	s10 =	sld [smem:$0x3FB8]  }
0x3d: {  	_ =	shalt  }
0x3e: {  	_ =	shalt  }
0x3f: {  	_ =	shalt  }
0x40: {  	_ =	shalt  }
0x41: {  	_ =	shalt  }
0x42: {  	_ =	shalt  }
0x43: {  	_ =	shalt  }
0x44: {  	_ =	shalt  }
0x45: {  	_ =	shalt  }
0x46: {  	_ =	shalt  }
0x47: {  	_ =	shalt  }
0x48: {  	_ =	shalt  }
0x49: {  	_ =	shalt  }
0x4a: {  	_ =	shalt  }
0x4b: {  	_ =	shalt  }
0x4c: {  	_ =	shalt  }
0x4d: {  	_ =	shalt  }
0x4e: {  	_ =	shalt  }
0x4f: {  	_ =	shalt  }
0x50: {  	_ =	shalt  }
0x51: {  	_ =	shalt  }
0x52: {  	_ =	shalt  }
0x53: {  	_ =	shalt  }
0x54: {  	_ =	shalt  }
0x55: {  	_ =	shalt  }
0x56: {  	_ =	shalt  }
0x57: {  	_ =	shalt  }
0x58: {  	_ =	shalt  }
0x59: {  	_ =	shalt  }
0x5a: {  	_ =	shalt  }
0x5b: {  	_ =	shalt  }
0x5c: {  	_ =	shalt  }
0x5d: {  	_ =	shalt  }
0x5e: {  	_ =	shalt  }
0x5f: {  	_ =	shalt  }
0x60: {  	_ =	shalt  }
0x61: {  	_ =	shalt  }
0x62: {  	_ =	shalt  }
0x63: {  	_ =	shalt  }
0x64: {  	_ =	shalt  }
0x65: {  	_ =	shalt  }
0x66: {  	_ =	shalt  }
0x67: {  	_ =	shalt  }
0x68: {  	_ =	shalt  }
0x69: {  	_ =	shalt  }
0x6a: {  	_ =	shalt  }
0x6b: {  	_ =	shalt  }
0x6c: {  	_ =	shalt  }
0x6d: {  	_ =	shalt  }
0x6e: {  	_ =	shalt  }
0x6f: {  	_ =	shalt  }
0x70: {  	_ =	shalt  }
0x71: {  	_ =	shalt  }
0x72: {  	_ =	shalt  }
0x73: {  	_ =	shalt  }
0x74: {  	_ =	shalt  }
0x75: {  	_ =	shalt  }
0x76: {  	_ =	shalt  }
0x77: {  	_ =	shalt  }
0x78: {  	_ =	shalt  }
0x79: {  	_ =	shalt  }
0x7a: {  	_ =	shalt  }
0x7b: {  	_ =	shalt  }
0x7c: {  	_ =	shalt  }
0x7d: {  	_ =	shalt  }
0x7e: {  	_ =	shalt  }
0x7f: {  	_ =	shalt  }
0x80: {  	_ =	shalt  }
0x81: {  	_ =	shalt  }
0x82: {  	_ =	shalt  }
0x83: {  	_ =	shalt  }
0x84: {  	_ =	shalt  }
0x85: {  	_ =	shalt  }
0x86: {  	_ =	shalt  }
0x87: {  	_ =	shalt  }
.Lfunc_end0:
.L_simem_size_0:
called_computation_lowered:
.L_overlay_start_0:
0x88: {  	s2 =	sld [smem:$0x3FD9]  }
0x89: {  	s3 =	sld [smem:$0x3FFE];
	_ =	sdelay $0x1  }
0x8a: {  	s1 =	srdreg.scid  }
0x8b: {  	s0 =	sand.u32 $0x1, s1  }
0x8c: {  	s17 =	sshll.u32 s0, $0xA;
	s2 =	sadd.s32 s3, s2  }
0x8d: {  	s2 =	sadd.s32 s2, s17  }
0x8e: {  	[smem:$0x3FC4] =	sst s2  }
0x8f: {  	_ = 	snop  }
0x90: {  	s2 =	sld [smem:$0x3FC8]  }
0x91: {  	s18 =	sld [smem:$0x3FC7]  }
0x92: {  	s4 =	sld [smem:$0x3FC6]  }
0x93: {  	s5 =	sld [smem:$0x3FD0];
	(tm) =	ssettm $0x1  }
0x94: {  	s6 =	sld [smem:$0x3FFB];
	_ =	sdelay $0x3  }
0x95: {  	_ =	strace s6  }
0x96: {  	s6 =	sld [smem:$0x3FFC];
	_ =	sdelay $0x3  }
0x97: {  	_ =	strace s6  }
0x98: {  	s6 =	sld [smem:$0x3FFD];
	_ =	sdelay $0x3  }
0x99: {  	_ =	strace s6  }
0x9a: {  	_ =	strace $0x8FFFFFFF  }
0x9b: {  	s19 =	sld [smem:$0x3FDB];
	_ =	sdelay $0x1  }
0x9c: {  	s7 =	simm.s32 $_scs_section_size  }
0x9d: {  	s8 =	simm.s32 $_size__tile_overlayer_lowered;
	s9 =	simm.s32 $_tile_overlayer_lowered  }
0x9e: {  	s22 =	simm.s32 $0x1BFF;
	s21 =	sshll.u32 s9, $0x1;
	s6 =	sadd.s32 s7, s19  }
0x9f: {  	s10 =	simm.s32 $0x0;
	s20 =	sshll.u32 s8, $0x1;
	s8 =	sadd.s32 s21, s6  }
0xa0: {  	[timem:s10], [sflag:s22] =	dma.local [hbm:s8], s20  }
0xa1: {  	_ =	swait.ge [sflag:s22], s20  }
0xa2: {  	s7 =	ssub.s32 $0x0, s20;
	[sflag:s22] =	ssyncset.done $0x0  }
0xa3: {  	[sflag:s22] =	ssyncadd.s32 s7;
	_ =	sdelay $0x1  }
0xa4: {  	s23 =	simm.s32 $0x1B8B  }
0xa5: {  	_ =	swait.ge [sflag:s23], $0x1  }
0xa6: {  	[sflag:s23] =	ssyncset.done $0x0  }
0xa7: {  	s25 =	simm.s32 $0x1B8E;
	s24 =	sld [smem:$0x3FFE];
	[sflag:s23] =	ssyncadd.s32 $0xFFFFFFFF  }
0xa8: {  	s26 =	simm.s32 $execute0_lowered;
	[smem:$0x3FD2] =	sst s25  }
0xa9: {  	s8 =	sshll.u32 s26, $0x1;
	_ =	strace $0x80000046;
	[dreg:$0x1] =	wrdreg $0xFFFFFFFF  }
0xaa: {  	s28 =	simm.s32 $_size_execute0_lowered;
	s6 =	sadd.s32 s6, s8;
	[dreg:$0x0] =	wrdreg $0x0  }
0xab: {  	s8 =	sshll.u32 s28, $0x1;
	[dreg:$0x2] =	wrdreg s6  }
0xac: {  	[dreg:$0x3] =	wrdreg s8  }
0xad: {  	[dreg:$0x4] =	wrdreg $0xC0  }
0xae: {  	_ =	task [dreg:s10], $0x5FFFF  }
0xaf: {  	[dreg:$0x1] =	wrdreg $0xFFFFFFFF  }
0xb0: {  	[dreg:$0x0] =	wrdreg $0x60  }
0xb1: {  	[dreg:$0x2] =	wrdreg s24  }
0xb2: {  	[dreg:$0x3] =	wrdreg s2  }
0xb3: {  	[dreg:$0x4] =	wrdreg s18  }
0xb4: {  	[dreg:$0x5] =	wrdreg s4  }
0xb5: {  	[dreg:$0x6] =	wrdreg s5  }
0xb6: {  	[dreg:$0x7] =	wrdreg $0x9  }
0xb7: {  	_ =	task.clear_ibuf [dreg:s10], $0x8FFFF;
	_ =	strace $0x90000046  }
0xb8: {  	s29 =	simm.s32 $0x9;
	_ =	strace $0x80000048  }
0xb9: {  	_ =	swait.ge [sflag:s29], $0x1  }
0xba: {  	[sflag:s29] =	ssyncadd.s32 $0xFFFFFFFF  }
0xbb: {  	_ =	strace $0x90000048  }
0xbc: {  	_ =	sfence  }
0xbd: {  	s30 =	sld [smem:$0x0];
	_ =	sdelay $0x2  }
0xbe: {  	s31 =	sshll.u32 s1, $0xD;
	s1 =	sshrl.u32 s1, $0x2  }
0xbf: {  	s3 =	sand.u32 $0x4000, s31;
	s1 =	sadd.s32 s1, s30  }
0xc0: {  	s0 =	sor.u32 s3, s0;
	s1 =	sshll.u32 s1, $0x11  }
0xc1: {  	s0 =	sor.u32 s1, s0  }
0xc2: {  	s0 =	sadd.s32 $0x8F2B, s0  }
0xc3: {  	[sflag:s0] =	ssyncadd.remote.s32 $0x1  }
0xc4: {  	_ =	sfence.sel $0xFFFF  }
0xc5: {  	[dreg:$0x0] =	wrdreg $0xFFFFFFFF;
	(pc) =	sbr.abs _section_cstart, $3  }
0xc6: {  	[dreg:$0x1] =	wrdreg $0xFFFFFFFF  }
0xc7: {  	_ =	task.clear_ibuf [dreg:s10], $0x2FFFF;
	_ =	strace $0x9FFFFFFF  }
0xc8: {  	(tm) =	ssettm $0x7FFFFFFF  }
0xc9: {  	_ =	shalt  }
tec
execute0_lowered:
.L_overlay_start_1:
0x0: {  	(tag) =	ssettag $0x1  }
0x1: {  	s0 =	rddreg [dreg:$0x0]  }
0x2: {  	s1 =	rddreg [dreg:$0x1]  }
0x3: {  	s12 =	rddreg [dreg:$0x2]  }
0x4: {  	s2 =	srdreg.scid;
	s30 =	rddreg [dreg:$0x3]  }
0x5: {  	s3 =	stileid.u32;
	s4 =	rddreg [dreg:$0x4];
	s6 =	simm.s32 $0x0  }
0x6: {  	s10 =	simm.s32 $0x400;
	s11 =	simm.s32 $0x7A1400;
	s21 =	simm.s32 $0xF00  }
0x7: {  	s28 =	simm.s32 $0x1700;
	s18 =	simm.s32 $0x3F00;
	s20 =	simm.s32 $0x4700  }
0x8: {  	s7 =	simm.s32 $0x4F00;
	s13 =	simm.s32 $0x5700;
	s14 =	simm.s32 $0x5F00;
	v0 =	vlaneseq.u32  }
0x9: {  	s31 =	simm.s32 $0x6700;
	s16 =	simm.s32 $0x6F00;
	s19 =	simm.s32 $0x7700;
	v1 =	vmul.u32 $0x10, v0;
	v2 =	vmul.u32 $0x80, v0  }
0xa: {  	s17 =	simm.s32 $0x7F00;
	s22 =	simm.s32 $0x8700;
	s23 =	simm.s32 $0x8F00;
	v18 =	vor.u32 $0x10, v0;
	v19 =	vor.u32 $0x20, v0;
	v20 =	vor.u32 $0x30, v0  }
0xb: {  	s24 =	simm.s32 $0x9700;
	s8 =	simm.s32 $0x1;
	s9 =	simm.s32 $0xC00;
	v21 =	vor.u32 $0x40, v0;
	v22 =	vor.u32 $0x50, v0;
	v23 =	vor.u32 $0x60, v0  }
0xc: {  	s2 =	sand.u32 $0x1, s2;
	s3 =	sshll.u32 s3, $0x1;
	[smem:$0x7FF] =	sst s6;
	v24 =	vor.u32 $0x70, v0;
	v25 =	vor.u32 $0x80, v0;
	v26 =	vor.u32 $0x90, v0  }
0xd: {  	s6 =	simm.s32 $0x2F00;
	v27 =	vor.u32 $0xA0, v0;
	v28 =	vor.u32 $0xB0, v0;
	v29 =	vor.u32 $0xC0, v0;
	s3 =	sor.u32 s2, s3;
	s2 =	ssub.s32 $0x2, s2  }
0xe: {  	v30 =	vor.u32 $0xD0, v0;
	v31 =	vor.u32 $0xE0, v0;
	v32 =	vor.u32 $0xF0, v0;
	_ =	strace $0x80000047;
	s5 =	smul.u32 $0x180, s3;
	s25 =	sshrl.u32 s2, $0x1  }
0xf: {  	s26 =	sshll.u32 s3, $0x6;
	s3 =	simm.s32 $0x2;
	v3 =	vor.u32 $0x1, v1;
	v4 =	vor.u32 $0x2, v1;
	v5 =	vor.u32 $0x3, v1;
	s2 =	ssub.s32 s2, s25  }
0x10: {  	v6 =	vor.u32 $0x4, v1;
	v7 =	vor.u32 $0x5, v1;
	v8 =	vor.u32 $0x6, v1;
	s25 =	simm.s32 $0xAF00;
	s0 =	sadd.s32 s5, s0;
	s29 =	smax.u32 s2, $0x1  }
0x11: {  	v9 =	vor.u32 $0x7, v1;
	v10 =	vor.u32 $0x8, v1;
	v11 =	vor.u32 $0x9, v1;
	s5 =	simm.s32 $0x2700;
	s0 =	sadd.s32 $0x600, s0;
	[dreg:$0x8] =	wrdreg s29  }
0x12: {  	v12 =	vor.u32 $0xA, v1;
	v13 =	vor.u32 $0xB, v1;
	v14 =	vor.u32 $0xC, v1;
	s2 =	simm.s32 $0x0;
	[dreg:$0x6] =	wrdreg s0;
	s0 =	sadd.s32 s4, s26  }
0x13: {  	v15 =	vor.u32 $0xD, v1;
	v16 =	vor.u32 $0xE, v1;
	v17 =	vor.u32 $0xF, v1;
	s4 =	simm.s32 $0x1F00;
	s26 =	simm.s32 $0x3700;
	[dreg:$0x7] =	wrdreg s0  }
.LBB2_1:
0x14: {  	[dreg:$0x9] =	wrdreg s2  }
0x15: {  	s0 =	simm.s32 $0x0;
	s29 =	rddreg [dreg:$0x6]  }
0x16: {  	[tilespmem:s0], [sflag:$0x2] =	stream.linear.gather [hbm4b:s29+s0], $0xA00, $0x38;
	[tilespmem:$0x18F00] =	vst v63  }
0x17: {  	_ =	swait.ge [sflag:s3], $0xA00  }
0x18: {  	[sflag:s3] =	ssyncset.done $0x0  }
0x19: {  	s0 =	simm.s32 $0x0;
	[sflag:s3] =	ssyncadd.s32 $0xFFFFF600  }
.LBB2_2:
0x1a: {  	v33 =	vor.u32 s0, v0  }
0x1b: {  	[smem:$0x7FD] =	sst s0  }
0x1c: {  	s3 =	sld [smem:$0x7FD];
	_ =	sdelay $0x1  }
0x1d: {  	s2 =	simm.s32 $0x0  }
0x1e: {  	s0 =	sadd.s32 $0x200, s3;
	v38 =	vld.idx.msk [tilespmem:v33+s2+$0x0], $0xffff  }
0x1f: {  	s15 =	sld [smem:$0x7FD];
	v34 =	vor.u32 s0, v0;
	_ =	sdelay $0x1  }
0x20: {  	s29 =	sld [smem:$0x7FD]  }
0x21: {  	s0 =	sadd.s32 $0x400, s15  }
0x22: {  	v35 =	vor.u32 s0, v0;
	(v2sf) =	vpush v38, $0x0  }
0x23: {  	s0 =	sadd.s32 $0x600, s29;
	v37 =	vld.idx.msk [tilespmem:v34+s2+$0x0], $0xffff  }
0x24: {  	v54 =	vor.u32 s0, v0  }
0x25: {  	s3 =	sld [smem:$0x7FD];
	_ =	sdelay $0x1  }
0x26: {  	v36 =	vld.idx.msk [tilespmem:v35+s2+$0x0], $0xffff  }
0x27: {  	s0 =	sadd.s32 $0x800, s3;
	(v2sf) =	vpush v37, $0x0  }
0x28: {  	v39 =	vor.u32 s0, v0;
	v35 =	vld.idx.msk [tilespmem:v54+s2+$0x0], $0xffff;
	_ =	sdelay $0x2  }
0x29: {  	(v2sf) =	vpush v36, $0x0;
	_ =	sdelay $0x1  }
0x2a: {  	v34 =	vld.idx.msk [tilespmem:v39+s2+$0x0], $0xffff;
	(v2sf) =	vpush v35, $0x0;
	_ =	sdelay $0x2  }
0x2b: {  	s15 =	spop (v2sf)  }
0x2c: {  	s0 =	sand.u32 $0xFFFFF80, s15  }
0x2d: {  	(v2sf) =	vpush v34, $0x0;
	s29 =	sadd.s32 s12, s0  }
0x2e: {  	[tilespmem:s21], [sflag:$0x1] =	stream.strided.gather [hbm4b:s29+s10], $0x800, s11, s10, $0x38;
	[tilespmem:$0x18F00] =	vst v63  }
0x2f: {  	s0 =	sadd.s32 s30, s0  }
0x30: {  	[tilespmem:s28], [sflag:$0x1] =	stream.strided.gather [hbm4b:s0+s10], $0x800, s11, s10, $0x38;
	[tilespmem:$0x18F00] =	vst v63  }
0x31: {  	s3 =	spop (v2sf);
	(v2sf) =	vpush v38, $0x1  }
0x32: {  	s0 =	sand.u32 $0xFFFFF80, s3  }
0x33: {  	s0 =	sadd.s32 s1, s0  }
0x34: {  	[tilespmem:s4], [sflag:$0x1] =	stream.strided.gather [hbm4b:s0+s10], $0x800, s11, s10, $0x38;
	[tilespmem:$0x18F00] =	vst v63  }
0x35: {  	s4 =	spop (v2sf);
	(v2sf) =	vpush v37, $0x1;
	_ =	sdelay $0x1  }
0x36: {  	s0 =	sand.u32 $0xFFFFF80, s4;
	s21 =	spop (v2sf)  }
0x37: {  	[dreg:$0xb] =	wrdreg s15;
	(v2sf) =	vpush v36, $0x1;
	s0 =	sadd.s32 s1, s0;
	s15 =	sand.u32 $0xFFFFF80, s21  }
0x38: {  	[tilespmem:s5], [sflag:$0x1] =	stream.strided.gather [hbm4b:s0+s10], $0x800, s11, s10, $0x38;
	[tilespmem:$0x18F00] =	vst v63  }
0x39: {  	s0 =	sadd.s32 s1, s15  }
0x3a: {  	[tilespmem:s6], [sflag:$0x1] =	stream.strided.gather [hbm4b:s0+s10], $0x800, s11, s10, $0x38;
	[tilespmem:$0x18F00] =	vst v63  }
0x3b: {  	s15 =	spop (v2sf)  }
0x3c: {  	(v2sf) =	vpush v35, $0x1;
	s29 =	sand.u32 $0xFFFFF80, s15  }
0x3d: {  	s0 =	sadd.s32 s1, s29  }
0x3e: {  	[tilespmem:s26], [sflag:$0x1] =	stream.strided.gather [hbm4b:s0+s10], $0x800, s11, s10, $0x38;
	[tilespmem:$0x18F00] =	vst v63  }
0x3f: {  	s2 =	spop (v2sf)  }
0x40: {  	(v2sf) =	vpush v34, $0x1;
	s0 =	sand.u32 $0xFFFFF80, s2  }
0x41: {  	[dreg:$0x1a] =	wrdreg s3;
	s3 =	sadd.s32 s12, s0  }
0x42: {  	[tilespmem:s18], [sflag:$0x1] =	stream.strided.gather [hbm4b:s3+s10], $0x800, s11, s10, $0x38;
	[tilespmem:$0x18F00] =	vst v63  }
0x43: {  	[smem:$0x7E9] =	sst s4;
	s0 =	sadd.s32 s30, s0;
	s4 =	spop (v2sf)  }
0x44: {  	(v2sf) =	vpush v38, $0x2;
	[tilespmem:s20], [sflag:$0x1] =	stream.strided.gather [hbm4b:s0+s10], $0x800, s11, s10, $0x38;
	[tilespmem:$0x18F00] =	vst v63  }
0x45: {  	s0 =	sand.u32 $0xFFFFF80, s4  }
0x46: {  	s5 =	spop (v2sf);
	s0 =	sadd.s32 s1, s0  }
0x47: {  	[tilespmem:s7], [sflag:$0x1] =	stream.strided.gather [hbm4b:s0+s10], $0x800, s11, s10, $0x38;
	[tilespmem:$0x18F00] =	vst v63  }
0x48: {  	(v2sf) =	vpush v37, $0x2;
	s0 =	sand.u32 $0xFFFFF80, s5  }
0x49: {  	s0 =	sadd.s32 s1, s0  }
0x4a: {  	[tilespmem:s13], [sflag:$0x1] =	stream.strided.gather [hbm4b:s0+s10], $0x800, s11, s10, $0x38;
	[tilespmem:$0x18F00] =	vst v63  }
0x4b: {  	s20 =	spop (v2sf)  }
0x4c: {  	s6 =	sand.u32 $0xFFFFF80, s20  }
0x4d: {  	(v2sf) =	vpush v36, $0x2;
	s0 =	sadd.s32 s1, s6  }
0x4e: {  	[tilespmem:s14], [sflag:$0x1] =	stream.strided.gather [hbm4b:s0+s10], $0x800, s11, s10, $0x38;
	[tilespmem:$0x18F00] =	vst v63  }
0x4f: {  	s18 =	spop (v2sf)  }
0x50: {  	s7 =	sand.u32 $0xFFFFF80, s18  }
0x51: {  	(v2sf) =	vpush v35, $0x2;
	s0 =	sadd.s32 s1, s7  }
0x52: {  	[tilespmem:s31], [sflag:$0x1] =	stream.strided.gather [hbm4b:s0+s10], $0x800, s11, s10, $0x38;
	[tilespmem:$0x18F00] =	vst v63  }
0x53: {  	s13 =	spop (v2sf)  }
0x54: {  	s0 =	sand.u32 $0xFFFFF80, s13  }
0x55: {  	(v2sf) =	vpush v34, $0x2;
	s14 =	sadd.s32 s12, s0  }
0x56: {  	[tilespmem:s16], [sflag:$0x1] =	stream.strided.gather [hbm4b:s14+s10], $0x800, s11, s10, $0x38;
	[tilespmem:$0x18F00] =	vst v63  }
0x57: {  	s0 =	sadd.s32 s30, s0;
	s16 =	spop (v2sf)  }
0x58: {  	[tilespmem:s19], [sflag:$0x1] =	stream.strided.gather [hbm4b:s0+s10], $0x800, s11, s10, $0x38;
	[tilespmem:$0x18F00] =	vst v63  }
0x59: {  	(v2sf) =	vpush v38, $0x3;
	s0 =	sand.u32 $0xFFFFF80, s16  }
0x5a: {  	s0 =	sadd.s32 s1, s0  }
0x5b: {  	[tilespmem:s17], [sflag:$0x1] =	stream.strided.gather [hbm4b:s0+s10], $0x800, s11, s10, $0x38;
	[tilespmem:$0x18F00] =	vst v63  }
0x5c: {  	s19 =	spop (v2sf)  }
0x5d: {  	(v2sf) =	vpush v37, $0x3;
	s0 =	sand.u32 $0xFFFFF80, s19  }
0x5e: {  	s0 =	sadd.s32 s1, s0  }
0x5f: {  	[tilespmem:s22], [sflag:$0x1] =	stream.strided.gather [hbm4b:s0+s10], $0x800, s11, s10, $0x38;
	[tilespmem:$0x18F00] =	vst v63  }
0x60: {  	s17 =	spop (v2sf)  }
0x61: {  	s22 =	sand.u32 $0xFFFFF80, s17  }
0x62: {  	(v2sf) =	vpush v36, $0x3;
	s0 =	sadd.s32 s1, s22  }
0x63: {  	[tilespmem:s23], [sflag:$0x1] =	stream.strided.gather [hbm4b:s0+s10], $0x800, s11, s10, $0x38;
	[tilespmem:$0x18F00] =	vst v63  }
0x64: {  	[dreg:$0x1e] =	wrdreg s16;
	s16 =	spop (v2sf)  }
0x65: {  	s23 =	sand.u32 $0xFFFFF80, s16  }
0x66: {  	(v2sf) =	vpush v35, $0x3;
	s0 =	sadd.s32 s1, s23  }
0x67: {  	[tilespmem:s24], [sflag:$0x1] =	stream.strided.gather [hbm4b:s0+s10], $0x800, s11, s10, $0x38;
	[tilespmem:$0x18F00] =	vst v63  }
0x68: {  	s26 =	spop (v2sf)  }
0x69: {  	[dreg:$0x1b] =	wrdreg s4;
	s0 =	sand.u32 $0xFFFFF80, s26  }
0x6a: {  	s3 =	simm.s32 $0x9F00;
	[smem:$0x7EA] =	sst s5;
	(v2sf) =	vpush v34, $0x3;
	s29 =	sadd.s32 s12, s0  }
0x6b: {  	[tilespmem:s3], [sflag:$0x1] =	stream.strided.gather [hbm4b:s29+s10], $0x800, s11, s10, $0x38;
	[tilespmem:$0x18F00] =	vst v63  }
0x6c: {  	s4 =	simm.s32 $0xA700;
	s0 =	sadd.s32 s30, s0;
	s5 =	spop (v2sf)  }
0x6d: {  	[tilespmem:s4], [sflag:$0x1] =	stream.strided.gather [hbm4b:s0+s10], $0x800, s11, s10, $0x38;
	[tilespmem:$0x18F00] =	vst v63  }
0x6e: {  	(v2sf) =	vpush v38, $0x4;
	s0 =	sand.u32 $0xFFFFF80, s5  }
0x6f: {  	s0 =	sadd.s32 s1, s0  }
0x70: {  	[tilespmem:s25], [sflag:$0x1] =	stream.strided.gather [hbm4b:s0+s10], $0x800, s11, s10, $0x38;
	[tilespmem:$0x18F00] =	vst v63  }
0x71: {  	s6 =	spop (v2sf)  }
0x72: {  	s0 =	sand.u32 $0xFFFFF80, s6  }
0x73: {  	s7 =	simm.s32 $0xB700;
	s0 =	sadd.s32 s1, s0  }
0x74: {  	(v2sf) =	vpush v37, $0x4;
	[tilespmem:s7], [sflag:$0x1] =	stream.strided.gather [hbm4b:s0+s10], $0x800, s11, s10, $0x38;
	[tilespmem:$0x18F00] =	vst v63  }
0x75: {  	s14 =	spop (v2sf)  }
0x76: {  	[dreg:$0xd] =	wrdreg s13;
	s13 =	sand.u32 $0xFFFFF80, s14  }
0x77: {  	[smem:$0x7EB] =	sst s19;
	s19 =	simm.s32 $0xBF00;
	s0 =	sadd.s32 s1, s13  }
0x78: {  	(v2sf) =	vpush v36, $0x4;
	[tilespmem:s19], [sflag:$0x1] =	stream.strided.gather [hbm4b:s0+s10], $0x800, s11, s10, $0x38;
	[tilespmem:$0x18F00] =	vst v63  }
0x79: {  	s7 =	spop (v2sf)  }
0x7a: {  	s22 =	sand.u32 $0xFFFFF80, s7  }
0x7b: {  	s23 =	simm.s32 $0xC700;
	s0 =	sadd.s32 s1, s22  }
0x7c: {  	(v2sf) =	vpush v35, $0x4;
	[tilespmem:s23], [sflag:$0x1] =	stream.strided.gather [hbm4b:s0+s10], $0x800, s11, s10, $0x38;
	[tilespmem:$0x18F00] =	vst v63  }
0x7d: {  	s24 =	spop (v2sf)  }
0x7e: {  	s0 =	sand.u32 $0xFFFFF80, s24  }
0x7f: {  	[dreg:$0xf] =	wrdreg s26;
	s26 =	simm.s32 $0xCF00;
	s25 =	sadd.s32 s12, s0  }
0x80: {  	(v2sf) =	vpush v34, $0x4;
	[tilespmem:s26], [sflag:$0x1] =	stream.strided.gather [hbm4b:s25+s10], $0x800, s11, s10, $0x38;
	[tilespmem:$0x18F00] =	vst v63  }
0x81: {  	s29 =	simm.s32 $0xD700;
	s0 =	sadd.s32 s30, s0  }
0x82: {  	[tilespmem:s29], [sflag:$0x1] =	stream.strided.gather [hbm4b:s0+s10], $0x800, s11, s10, $0x38;
	[tilespmem:$0x18F00] =	vst v63  }
0x83: {  	s3 =	spop (v2sf)  }
0x84: {  	(v2sf) =	vpush v38, $0x5;
	s0 =	sand.u32 $0xFFFFF80, s3  }
0x85: {  	s4 =	simm.s32 $0xDF00;
	s0 =	sadd.s32 s1, s0  }
0x86: {  	[tilespmem:s4], [sflag:$0x1] =	stream.strided.gather [hbm4b:s0+s10], $0x800, s11, s10, $0x38;
	[tilespmem:$0x18F00] =	vst v63  }
0x87: {  	[smem:$0x7EC] =	sst s5;
	s5 =	spop (v2sf)  }
0x88: {  	(v2sf) =	vpush v37, $0x5;
	s0 =	sand.u32 $0xFFFFF80, s5  }
0x89: {  	[smem:$0x7ED] =	sst s6;
	s6 =	simm.s32 $0xE700;
	s0 =	sadd.s32 s1, s0  }
0x8a: {  	[tilespmem:s6], [sflag:$0x1] =	stream.strided.gather [hbm4b:s0+s10], $0x800, s11, s10, $0x38;
	[tilespmem:$0x18F00] =	vst v63  }
0x8b: {  	s19 =	spop (v2sf);
	(v2sf) =	vpush v36, $0x5  }
0x8c: {  	s13 =	sand.u32 $0xFFFFF80, s19  }
0x8d: {  	s22 =	simm.s32 $0xEF00;
	s0 =	sadd.s32 s1, s13  }
0x8e: {  	[tilespmem:s22], [sflag:$0x1] =	stream.strided.gather [hbm4b:s0+s10], $0x800, s11, s10, $0x38;
	[tilespmem:$0x18F00] =	vst v63  }
0x8f: {  	s4 =	spop (v2sf)  }
0x90: {  	(v2sf) =	vpush v35, $0x5;
	s23 =	sand.u32 $0xFFFFF80, s4  }
0x91: {  	[dreg:$0x12] =	wrdreg s24;
	s24 =	simm.s32 $0xF700;
	s0 =	sadd.s32 s1, s23  }
0x92: {  	[tilespmem:s24], [sflag:$0x1] =	stream.strided.gather [hbm4b:s0+s10], $0x800, s11, s10, $0x38;
	[tilespmem:$0x18F00] =	vst v63  }
0x93: {  	s25 =	spop (v2sf)  }
0x94: {  	s29 =	simm.s32 $0xFF00;
	(v2sf) =	vpush v34, $0x5;
	s0 =	sand.u32 $0xFFFFF80, s25  }
0x95: {  	[smem:$0x7EE] =	sst s3;
	s3 =	simm.s32 $0x10700;
	s26 =	sadd.s32 s12, s0  }
0x96: {  	[tilespmem:s29], [sflag:$0x1] =	stream.strided.gather [hbm4b:s26+s10], $0x800, s11, s10, $0x38;
	[tilespmem:$0x18F00] =	vst v63  }
0x97: {  	[smem:$0x7EF] =	sst s5;
	s0 =	sadd.s32 s30, s0;
	s5 =	spop (v2sf)  }
0x98: {  	(v2sf) =	vpush v38, $0x6;
	[tilespmem:s3], [sflag:$0x1] =	stream.strided.gather [hbm4b:s0+s10], $0x800, s11, s10, $0x38;
	[tilespmem:$0x18F00] =	vst v63  }
0x99: {  	s6 =	simm.s32 $0x10F00;
	s0 =	sand.u32 $0xFFFFF80, s5  }
0x9a: {  	[dreg:$0x14] =	wrdreg s25;
	s0 =	sadd.s32 s1, s0;
	s25 =	spop (v2sf)  }
0x9b: {  	[tilespmem:s6], [sflag:$0x1] =	stream.strided.gather [hbm4b:s0+s10], $0x800, s11, s10, $0x38;
	[tilespmem:$0x18F00] =	vst v63  }
0x9c: {  	(v2sf) =	vpush v37, $0x6;
	s13 =	sand.u32 $0xFFFFF80, s25  }
0x9d: {  	s22 =	simm.s32 $0x11700;
	s0 =	sadd.s32 s1, s13  }
0x9e: {  	[tilespmem:s22], [sflag:$0x1] =	stream.strided.gather [hbm4b:s0+s10], $0x800, s11, s10, $0x38;
	[tilespmem:$0x18F00] =	vst v63  }
0x9f: {  	s13 =	spop (v2sf)  }
0xa0: {  	s23 =	sand.u32 $0xFFFFF80, s13  }
0xa1: {  	s24 =	simm.s32 $0x11F00;
	(v2sf) =	vpush v36, $0x6;
	s0 =	sadd.s32 s1, s23  }
0xa2: {  	[tilespmem:s24], [sflag:$0x1] =	stream.strided.gather [hbm4b:s0+s10], $0x800, s11, s10, $0x38;
	[tilespmem:$0x18F00] =	vst v63  }
0xa3: {  	[dreg:$0x11] =	wrdreg s2;
	s2 =	spop (v2sf)  }
0xa4: {  	s26 =	sand.u32 $0xFFFFF80, s2  }
0xa5: {  	s29 =	simm.s32 $0x12700;
	(v2sf) =	vpush v35, $0x6;
	s0 =	sadd.s32 s1, s26  }
0xa6: {  	[tilespmem:s29], [sflag:$0x1] =	stream.strided.gather [hbm4b:s0+s10], $0x800, s11, s10, $0x38;
	[tilespmem:$0x18F00] =	vst v63  }
0xa7: {  	[smem:$0x7F0] =	sst s5;
	s5 =	spop (v2sf)  }
0xa8: {  	s0 =	sand.u32 $0xFFFFF80, s5  }
0xa9: {  	s22 =	simm.s32 $0x12F00;
	(v2sf) =	vpush v34, $0x6;
	s6 =	sadd.s32 s12, s0  }
0xaa: {  	[tilespmem:s22], [sflag:$0x1] =	stream.strided.gather [hbm4b:s6+s10], $0x800, s11, s10, $0x38;
	[tilespmem:$0x18F00] =	vst v63  }
0xab: {  	s26 =	spop (v2sf)  }
0xac: {  	s23 =	simm.s32 $0x13700;
	s0 =	sadd.s32 s30, s0;
	s24 =	sand.u32 $0xFFFFF80, s26  }
0xad: {  	(v2sf) =	vpush v38, $0x7;
	[tilespmem:s23], [sflag:$0x1] =	stream.strided.gather [hbm4b:s0+s10], $0x800, s11, s10, $0x38;
	[tilespmem:$0x18F00] =	vst v63  }
0xae: {  	s29 =	simm.s32 $0x13F00;
	s0 =	sadd.s32 s1, s24  }
0xaf: {  	[tilespmem:s29], [sflag:$0x1] =	stream.strided.gather [hbm4b:s0+s10], $0x800, s11, s10, $0x38;
	[tilespmem:$0x18F00] =	vst v63  }
0xb0: {  	s23 =	spop (v2sf)  }
0xb1: {  	(v2sf) =	vpush v37, $0x7;
	s3 =	sand.u32 $0xFFFFF80, s23  }
0xb2: {  	[dreg:$0x17] =	wrdreg s5;
	s5 =	simm.s32 $0x14700;
	s0 =	sadd.s32 s1, s3  }
0xb3: {  	[tilespmem:s5], [sflag:$0x1] =	stream.strided.gather [hbm4b:s0+s10], $0x800, s11, s10, $0x38;
	[tilespmem:$0x18F00] =	vst v63  }
0xb4: {  	s5 =	spop (v2sf)  }
0xb5: {  	s6 =	sand.u32 $0xFFFFF80, s5  }
0xb6: {  	s22 =	simm.s32 $0x14F00;
	(v2sf) =	vpush v36, $0x7;
	s0 =	sadd.s32 s1, s6  }
0xb7: {  	[tilespmem:s22], [sflag:$0x1] =	stream.strided.gather [hbm4b:s0+s10], $0x800, s11, s10, $0x38;
	[tilespmem:$0x18F00] =	vst v63  }
0xb8: {  	s0 =	spop (v2sf)  }
0xb9: {  	s24 =	sand.u32 $0xFFFFF80, s0  }
0xba: {  	s29 =	simm.s32 $0x15700;
	(v2sf) =	vpush v35, $0x7;
	s3 =	sadd.s32 s1, s24  }
0xbb: {  	[tilespmem:s29], [sflag:$0x1] =	stream.strided.gather [hbm4b:s3+s10], $0x800, s11, s10, $0x38;
	[tilespmem:$0x18F00] =	vst v63  }
0xbc: {  	s6 =	spop (v2sf)  }
0xbd: {  	s3 =	sand.u32 $0xFFFFF80, s6  }
0xbe: {  	s24 =	simm.s32 $0x15F00;
	(v2sf) =	vpush v34, $0x7;
	s22 =	sadd.s32 s12, s3  }
0xbf: {  	[tilespmem:s24], [sflag:$0x1] =	stream.strided.gather [hbm4b:s22+s10], $0x800, s11, s10, $0x38;
	[tilespmem:$0x18F00] =	vst v63  }
0xc0: {  	s29 =	simm.s32 $0x16700;
	s3 =	sadd.s32 s30, s3;
	s24 =	spop (v2sf)  }
0xc1: {  	[tilespmem:s29], [sflag:$0x1] =	stream.strided.gather [hbm4b:s3+s10], $0x800, s11, s10, $0x38;
	[tilespmem:$0x18F00] =	vst v63  }
0xc2: {  	s22 =	sand.u32 $0xFFFFF80, s24  }
0xc3: {  	s29 =	simm.s32 $0x16F00;
	s3 =	sadd.s32 s1, s22  }
0xc4: {  	[tilespmem:s29], [sflag:$0x1] =	stream.strided.gather [hbm4b:s3+s10], $0x800, s11, s10, $0x38;
	[tilespmem:$0x18F00] =	vst v63  }
0xc5: {  	s22 =	spop (v2sf)  }
0xc6: {  	[dreg:$0x16] =	wrdreg s6;
	s6 =	sand.u32 $0xFFFFF80, s22  }
0xc7: {  	s29 =	simm.s32 $0x17700;
	s3 =	sadd.s32 s1, s6  }
0xc8: {  	[tilespmem:s29], [sflag:$0x1] =	stream.strided.gather [hbm4b:s3+s10], $0x800, s11, s10, $0x38;
	[tilespmem:$0x18F00] =	vst v63  }
0xc9: {  	s6 =	spop (v2sf)  }
0xca: {  	s29 =	sand.u32 $0xFFFFF80, s6  }
0xcb: {  	s3 =	sadd.s32 s1, s29;
	s29 =	simm.s32 $0x17F00  }
0xcc: {  	[tilespmem:s29], [sflag:$0x1] =	stream.strided.gather [hbm4b:s3+s10], $0x800, s11, s10, $0x38;
	[tilespmem:$0x18F00] =	vst v63  }
0xcd: {  	s3 =	spop (v2sf)  }
0xce: {  	s29 =	sand.u32 $0xFFFFF80, s3  }
0xcf: {  	s31 =	simm.s32 $0x18700;
	s29 =	sadd.s32 s1, s29  }
0xd0: {  	[tilespmem:s31], [sflag:$0x1] =	stream.strided.gather [hbm4b:s29+s10], $0x800, s11, s10, $0x38;
	[tilespmem:$0x18F00] =	vst v63  }
0xd1: {  	_ =	swait.ge [sflag:s8], $0x800  }
0xd2: {  	[sflag:s8] =	ssyncset.done $0x0  }
0xd3: {  	[sflag:s8] =	ssyncadd.s32 $0xFFFFF800  }
0xd4: {  	_ =	swait.ge [sflag:s8], $0x800  }
0xd5: {  	[sflag:s8] =	ssyncset.done $0x0  }
0xd6: {  	[sflag:s8] =	ssyncadd.s32 $0xFFFFF800  }
0xd7: {  	_ =	swait.ge [sflag:s8], $0x800  }
0xd8: {  	[sflag:s8] =	ssyncset.done $0x0  }
0xd9: {  	[sflag:s8] =	ssyncadd.s32 $0xFFFFF800  }
0xda: {  	_ =	swait.ge [sflag:s8], $0x800  }
0xdb: {  	[sflag:s8] =	ssyncset.done $0x0  }
0xdc: {  	[sflag:s8] =	ssyncadd.s32 $0xFFFFF800  }
0xdd: {  	_ =	swait.ge [sflag:s8], $0x800  }
0xde: {  	[sflag:s8] =	ssyncset.done $0x0  }
0xdf: {  	[sflag:s8] =	ssyncadd.s32 $0xFFFFF800  }
0xe0: {  	_ =	swait.ge [sflag:s8], $0x800  }
0xe1: {  	[sflag:s8] =	ssyncset.done $0x0  }
0xe2: {  	[sflag:s8] =	ssyncadd.s32 $0xFFFFF800  }
0xe3: {  	_ =	swait.ge [sflag:s8], $0x800  }
0xe4: {  	[sflag:s8] =	ssyncset.done $0x0  }
0xe5: {  	[sflag:s8] =	ssyncadd.s32 $0xFFFFF800  }
0xe6: {  	_ =	swait.ge [sflag:s8], $0x800  }
0xe7: {  	[sflag:s8] =	ssyncset.done $0x0  }
0xe8: {  	[sflag:s8] =	ssyncadd.s32 $0xFFFFF800  }
0xe9: {  	_ =	swait.ge [sflag:s8], $0x800  }
0xea: {  	[sflag:s8] =	ssyncset.done $0x0  }
0xeb: {  	[sflag:s8] =	ssyncadd.s32 $0xFFFFF800  }
0xec: {  	_ =	swait.ge [sflag:s8], $0x800  }
0xed: {  	[sflag:s8] =	ssyncset.done $0x0  }
0xee: {  	[sflag:s8] =	ssyncadd.s32 $0xFFFFF800  }
0xef: {  	_ =	swait.ge [sflag:s8], $0x800  }
0xf0: {  	[sflag:s8] =	ssyncset.done $0x0  }
0xf1: {  	[sflag:s8] =	ssyncadd.s32 $0xFFFFF800  }
0xf2: {  	_ =	swait.ge [sflag:s8], $0x800  }
0xf3: {  	[sflag:s8] =	ssyncset.done $0x0  }
0xf4: {  	[sflag:s8] =	ssyncadd.s32 $0xFFFFF800  }
0xf5: {  	_ =	swait.ge [sflag:s8], $0x800  }
0xf6: {  	[sflag:s8] =	ssyncset.done $0x0  }
0xf7: {  	[sflag:s8] =	ssyncadd.s32 $0xFFFFF800  }
0xf8: {  	_ =	swait.ge [sflag:s8], $0x800  }
0xf9: {  	[sflag:s8] =	ssyncset.done $0x0  }
0xfa: {  	[sflag:s8] =	ssyncadd.s32 $0xFFFFF800  }
0xfb: {  	_ =	swait.ge [sflag:s8], $0x800  }
0xfc: {  	[sflag:s8] =	ssyncset.done $0x0  }
0xfd: {  	[sflag:s8] =	ssyncadd.s32 $0xFFFFF800  }
0xfe: {  	_ =	swait.ge [sflag:s8], $0x800  }
0xff: {  	[sflag:s8] =	ssyncset.done $0x0  }
0x100: {  	[sflag:s8] =	ssyncadd.s32 $0xFFFFF800  }
0x101: {  	_ =	swait.ge [sflag:s8], $0x800  }
0x102: {  	[sflag:s8] =	ssyncset.done $0x0  }
0x103: {  	[sflag:s8] =	ssyncadd.s32 $0xFFFFF800  }
0x104: {  	_ =	swait.ge [sflag:s8], $0x800  }
0x105: {  	[sflag:s8] =	ssyncset.done $0x0  }
0x106: {  	[sflag:s8] =	ssyncadd.s32 $0xFFFFF800  }
0x107: {  	_ =	swait.ge [sflag:s8], $0x800  }
0x108: {  	[sflag:s8] =	ssyncset.done $0x0  }
0x109: {  	[sflag:s8] =	ssyncadd.s32 $0xFFFFF800  }
0x10a: {  	_ =	swait.ge [sflag:s8], $0x800  }
0x10b: {  	[sflag:s8] =	ssyncset.done $0x0  }
0x10c: {  	[sflag:s8] =	ssyncadd.s32 $0xFFFFF800  }
0x10d: {  	_ =	swait.ge [sflag:s8], $0x800  }
0x10e: {  	[sflag:s8] =	ssyncset.done $0x0  }
0x10f: {  	[sflag:s8] =	ssyncadd.s32 $0xFFFFF800  }
0x110: {  	_ =	swait.ge [sflag:s8], $0x800  }
0x111: {  	[sflag:s8] =	ssyncset.done $0x0  }
0x112: {  	[sflag:s8] =	ssyncadd.s32 $0xFFFFF800  }
0x113: {  	_ =	swait.ge [sflag:s8], $0x800  }
0x114: {  	[sflag:s8] =	ssyncset.done $0x0  }
0x115: {  	[sflag:s8] =	ssyncadd.s32 $0xFFFFF800  }
0x116: {  	_ =	swait.ge [sflag:s8], $0x800  }
0x117: {  	[sflag:s8] =	ssyncset.done $0x0  }
0x118: {  	[sflag:s8] =	ssyncadd.s32 $0xFFFFF800  }
0x119: {  	_ =	swait.ge [sflag:s8], $0x800  }
0x11a: {  	[sflag:s8] =	ssyncset.done $0x0  }
0x11b: {  	[sflag:s8] =	ssyncadd.s32 $0xFFFFF800  }
0x11c: {  	_ =	swait.ge [sflag:s8], $0x800  }
0x11d: {  	[sflag:s8] =	ssyncset.done $0x0  }
0x11e: {  	[sflag:s8] =	ssyncadd.s32 $0xFFFFF800  }
0x11f: {  	_ =	swait.ge [sflag:s8], $0x800  }
0x120: {  	[sflag:s8] =	ssyncset.done $0x0  }
0x121: {  	[sflag:s8] =	ssyncadd.s32 $0xFFFFF800  }
0x122: {  	_ =	swait.ge [sflag:s8], $0x800  }
0x123: {  	[sflag:s8] =	ssyncset.done $0x0  }
0x124: {  	[sflag:s8] =	ssyncadd.s32 $0xFFFFF800  }
0x125: {  	_ =	swait.ge [sflag:s8], $0x800  }
0x126: {  	[sflag:s8] =	ssyncset.done $0x0  }
0x127: {  	[sflag:s8] =	ssyncadd.s32 $0xFFFFF800  }
0x128: {  	_ =	swait.ge [sflag:s8], $0x800  }
0x129: {  	[sflag:s8] =	ssyncset.done $0x0  }
0x12a: {  	[sflag:s8] =	ssyncadd.s32 $0xFFFFF800  }
0x12b: {  	_ =	swait.ge [sflag:s8], $0x800  }
0x12c: {  	[sflag:s8] =	ssyncset.done $0x0  }
0x12d: {  	[sflag:s8] =	ssyncadd.s32 $0xFFFFF800  }
0x12e: {  	_ =	swait.ge [sflag:s8], $0x800  }
0x12f: {  	[sflag:s8] =	ssyncset.done $0x0  }
0x130: {  	[sflag:s8] =	ssyncadd.s32 $0xFFFFF800  }
0x131: {  	_ =	swait.ge [sflag:s8], $0x800  }
0x132: {  	[sflag:s8] =	ssyncset.done $0x0  }
0x133: {  	[sflag:s8] =	ssyncadd.s32 $0xFFFFF800  }
0x134: {  	_ =	swait.ge [sflag:s8], $0x800  }
0x135: {  	[sflag:s8] =	ssyncset.done $0x0  }
0x136: {  	[sflag:s8] =	ssyncadd.s32 $0xFFFFF800  }
0x137: {  	_ =	swait.ge [sflag:s8], $0x800  }
0x138: {  	[sflag:s8] =	ssyncset.done $0x0  }
0x139: {  	[sflag:s8] =	ssyncadd.s32 $0xFFFFF800  }
0x13a: {  	_ =	swait.ge [sflag:s8], $0x800  }
0x13b: {  	[sflag:s8] =	ssyncset.done $0x0  }
0x13c: {  	[sflag:s8] =	ssyncadd.s32 $0xFFFFF800  }
0x13d: {  	_ =	swait.ge [sflag:s8], $0x800  }
0x13e: {  	[sflag:s8] =	ssyncset.done $0x0  }
0x13f: {  	[sflag:s8] =	ssyncadd.s32 $0xFFFFF800  }
0x140: {  	_ =	swait.ge [sflag:s8], $0x800  }
0x141: {  	[sflag:s8] =	ssyncset.done $0x0  }
0x142: {  	[sflag:s8] =	ssyncadd.s32 $0xFFFFF800  }
0x143: {  	_ =	swait.ge [sflag:s8], $0x800  }
0x144: {  	[sflag:s8] =	ssyncset.done $0x0  }
0x145: {  	[sflag:s8] =	ssyncadd.s32 $0xFFFFF800  }
0x146: {  	_ =	swait.ge [sflag:s8], $0x800  }
0x147: {  	[sflag:s8] =	ssyncset.done $0x0  }
0x148: {  	[sflag:s8] =	ssyncadd.s32 $0xFFFFF800  }
0x149: {  	_ =	swait.ge [sflag:s8], $0x800  }
0x14a: {  	[sflag:s8] =	ssyncset.done $0x0  }
0x14b: {  	[sflag:s8] =	ssyncadd.s32 $0xFFFFF800  }
0x14c: {  	_ =	swait.ge [sflag:s8], $0x800  }
0x14d: {  	[sflag:s8] =	ssyncset.done $0x0  }
0x14e: {  	[sflag:s8] =	ssyncadd.s32 $0xFFFFF800  }
0x14f: {  	_ =	swait.ge [sflag:s8], $0x800  }
0x150: {  	[sflag:s8] =	ssyncset.done $0x0  }
0x151: {  	[sflag:s8] =	ssyncadd.s32 $0xFFFFF800  }
0x152: {  	_ =	swait.ge [sflag:s8], $0x800  }
0x153: {  	[sflag:s8] =	ssyncset.done $0x0  }
0x154: {  	[sflag:s8] =	ssyncadd.s32 $0xFFFFF800  }
0x155: {  	_ =	swait.ge [sflag:s8], $0x800  }
0x156: {  	[sflag:s8] =	ssyncset.done $0x0  }
0x157: {  	[sflag:s8] =	ssyncadd.s32 $0xFFFFF800  }
0x158: {  	_ =	swait.ge [sflag:s8], $0x800  }
0x159: {  	[sflag:s8] =	ssyncset.done $0x0  }
0x15a: {  	[sflag:s8] =	ssyncadd.s32 $0xFFFFF800  }
0x15b: {  	_ =	swait.ge [sflag:s8], $0x800  }
0x15c: {  	[sflag:s8] =	ssyncset.done $0x0  }
0x15d: {  	s21 =	sand.u32 $0x7F, s21;
	[sflag:s8] =	ssyncadd.s32 $0xFFFFF800  }
0x15e: {  	v55 =	vor.u32 s21, v2;
	s21 =	rddreg [dreg:$0x1a];
	_ =	swait.ge [sflag:s8], $0x800  }
0x15f: {  	s29 =	sld [smem:$0x7E9]  }
0x160: {  	s15 =	sand.u32 $0x7F, s15  }
0x161: {  	v40 =	vor.u32 s15, v2;
	s15 =	sand.u32 $0x7F, s21  }
0x162: {  	v41 =	vor.u32 s15, v2;
	s15 =	sand.u32 $0x7F, s29  }
0x163: {  	[sflag:s8] =	ssyncset.done $0x0;
	v42 =	vor.u32 s15, v2  }
0x164: {  	s21 =	rddreg [dreg:$0xb];
	[sflag:s8] =	ssyncadd.s32 $0xFFFFF800;
	s29 =	simm.s32 $0x2F00  }
0x165: {  	s15 =	sand.u32 $0x7F, s21;
	v39 =	vld.idx.msk [tilespmem:v55+s29+$0x0], $0xffff;
	s21 =	simm.s32 $0x3700  }
0x166: {  	s29 =	simm.s32 $0x1F00;
	v43 =	vor.u32 s15, v2;
	v40 =	vld.idx.msk [tilespmem:v40+s21+$0x0], $0xffff  }
0x167: {  	v41 =	vld.idx.msk [tilespmem:v41+s29+$0x0], $0xffff;
	s21 =	simm.s32 $0x2700  }
0x168: {  	v42 =	vld.idx.msk [tilespmem:v42+s21+$0x0], $0xffff;
	_ =	sdelay $0x1  }
0x169: {  	s29 =	simm.s32 $0xF00  }
0x16a: {  	s21 =	simm.s32 $0x1700;
	v44 =	vld.idx.msk [tilespmem:v43+s29+$0x0], $0xffff;
	v45 =	vsub.f32 v40, v39  }
0x16b: {  	v43 =	vld.idx.msk [tilespmem:v43+s21+$0x0], $0xffff  }
0x16c: {  	v39 =	vmul.f32 v40, v39;
	v45 =	vsub.f32 v45, v42;
	v56 =	vmul.f32 v42, v41;
	_ =	sdelay $0x1  }
0x16d: {  	s29 =	sand.u32 $0x7F, s20;
	v41 =	vadd.f32 v45, v41;
	v39 =	vsub.f32 v39, v56  }
0x16e: {  	v57 =	vor.u32 s29, v2;
	s29 =	sld [smem:$0x7EA]  }
0x16f: {  	s20 =	sand.u32 $0x7F, s18;
	s21 =	rddreg [dreg:$0x1b];
	v41 =	vmul.f32 v41, v44;
	v39 =	vmul.f32 v39, v43  }
0x170: {  	v58 =	vor.u32 s20, v2;
	s15 =	sand.u32 $0x7F, s21  }
0x171: {  	v59 =	vor.u32 s15, v2;
	s15 =	sand.u32 $0x7F, s29;
	v39 =	vadd.f32 v41, v39  }
0x172: {  	v60 =	vor.u32 s15, v2  }
0x173: {  	s18 =	rddreg [dreg:$0x11];
	s20 =	simm.s32 $0x5F00;
	[tilespmem:v1+s9+$0x0] =	vst.idx.msk $0xffff, v39  }
0x174: {  	s21 =	simm.s32 $0x6700;
	s15 =	sand.u32 $0x7F, s18;
	v39 =	vld.idx.msk [tilespmem:v57+s20+$0x0], $0xffff  }
0x175: {  	s29 =	simm.s32 $0x4F00;
	v61 =	vor.u32 s15, v2;
	v42 =	vld.idx.msk [tilespmem:v58+s21+$0x0], $0xffff  }
0x176: {  	s18 =	simm.s32 $0x5700;
	v43 =	vld.idx.msk [tilespmem:v59+s29+$0x0], $0xffff  }
0x177: {  	v41 =	vld.idx.msk [tilespmem:v60+s18+$0x0], $0xffff;
	_ =	sdelay $0x1  }
0x178: {  	s20 =	simm.s32 $0x3F00  }
0x179: {  	s21 =	simm.s32 $0x4700;
	v62 =	vld.idx.msk [tilespmem:v61+s20+$0x0], $0xffff;
	v63 =	vsub.f32 v42, v39  }
0x17a: {  	v40 =	vld.idx.msk [tilespmem:v61+s21+$0x0], $0xffff  }
0x17b: {  	v39 =	vmul.f32 v42, v39;
	v45 =	vsub.f32 v63, v41;
	v41 =	vmul.f32 v41, v43;
	_ =	sdelay $0x1  }
0x17c: {  	v46 =	vadd.f32 v45, v43;
	v39 =	vsub.f32 v39, v41  }
0x17d: {  	s29 =	sand.u32 $0x7F, s17;
	s18 =	sld [smem:$0x7EB]  }
0x17e: {  	s16 =	sand.u32 $0x7F, s16;
	s17 =	rddreg [dreg:$0x1e];
	v47 =	vor.u32 s29, v2;
	v42 =	vmul.f32 v46, v62;
	v39 =	vmul.f32 v39, v40  }
0x17f: {  	v48 =	vor.u32 s16, v2;
	s15 =	sand.u32 $0x7F, s17  }
0x180: {  	v49 =	vor.u32 s15, v2;
	s15 =	sand.u32 $0x7F, s18;
	v39 =	vadd.f32 v42, v39  }
0x181: {  	v50 =	vor.u32 s15, v2  }
0x182: {  	s20 =	rddreg [dreg:$0xd];
	s21 =	simm.s32 $0x8F00;
	[tilespmem:v3+s9+$0x0] =	vst.idx.msk $0xffff, v39  }
0x183: {  	s29 =	simm.s32 $0x9700;
	s15 =	sand.u32 $0x7F, s20;
	v39 =	vld.idx.msk [tilespmem:v47+s21+$0x0], $0xffff  }
0x184: {  	s16 =	simm.s32 $0x7F00;
	v51 =	vor.u32 s15, v2;
	v40 =	vld.idx.msk [tilespmem:v48+s29+$0x0], $0xffff  }
0x185: {  	s17 =	simm.s32 $0x8700;
	v43 =	vld.idx.msk [tilespmem:v49+s16+$0x0], $0xffff  }
0x186: {  	v42 =	vld.idx.msk [tilespmem:v50+s17+$0x0], $0xffff;
	_ =	sdelay $0x1  }
0x187: {  	s18 =	simm.s32 $0x6F00  }
0x188: {  	s20 =	simm.s32 $0x7700;
	v52 =	vld.idx.msk [tilespmem:v51+s18+$0x0], $0xffff;
	v53 =	vsub.f32 v40, v39  }
0x189: {  	v41 =	vld.idx.msk [tilespmem:v51+s20+$0x0], $0xffff  }
0x18a: {  	v39 =	vmul.f32 v40, v39;
	v54 =	vmul.f32 v42, v43;
	v45 =	vsub.f32 v53, v42;
	_ =	sdelay $0x1  }
0x18b: {  	s21 =	sld [smem:$0x7EC];
	v39 =	vsub.f32 v39, v54;
	v55 =	vadd.f32 v45, v43  }
0x18c: {  	s14 =	sand.u32 $0x7F, s14;
	s29 =	sld [smem:$0x7ED]  }
0x18d: {  	s7 =	sand.u32 $0x7F, s7;
	v57 =	vor.u32 s14, v2;
	v39 =	vmul.f32 v39, v41;
	v56 =	vmul.f32 v55, v52  }
0x18e: {  	v58 =	vor.u32 s7, v2;
	s14 =	sand.u32 $0x7F, s21  }
0x18f: {  	s7 =	sand.u32 $0x7F, s29;
	v59 =	vor.u32 s14, v2;
	v39 =	vadd.f32 v56, v39  }
0x190: {  	v60 =	vor.u32 s7, v2  }
0x191: {  	s31 =	simm.s32 $0xBF00;
	s14 =	rddreg [dreg:$0xf];
	[tilespmem:v4+s9+$0x0] =	vst.idx.msk $0xffff, v39  }
0x192: {  	s15 =	simm.s32 $0xC700;
	s7 =	sand.u32 $0x7F, s14;
	v39 =	vld.idx.msk [tilespmem:v57+s31+$0x0], $0xffff  }
0x193: {  	s16 =	simm.s32 $0xAF00;
	v61 =	vor.u32 s7, v2;
	v42 =	vld.idx.msk [tilespmem:v58+s15+$0x0], $0xffff  }
0x194: {  	s14 =	simm.s32 $0xB700;
	v40 =	vld.idx.msk [tilespmem:v59+s16+$0x0], $0xffff  }
0x195: {  	v43 =	vld.idx.msk [tilespmem:v60+s14+$0x0], $0xffff;
	_ =	sdelay $0x1  }
0x196: {  	s17 =	simm.s32 $0x9F00  }
0x197: {  	s18 =	simm.s32 $0xA700;
	v62 =	vld.idx.msk [tilespmem:v61+s17+$0x0], $0xffff;
	v63 =	vsub.f32 v42, v39  }
0x198: {  	v41 =	vld.idx.msk [tilespmem:v61+s18+$0x0], $0xffff  }
0x199: {  	v39 =	vmul.f32 v42, v39;
	v48 =	vmul.f32 v43, v40;
	v45 =	vsub.f32 v63, v43;
	_ =	sdelay $0x1  }
0x19a: {  	s21 =	sld [smem:$0x7EE];
	v39 =	vsub.f32 v39, v48;
	v40 =	vadd.f32 v45, v40  }
0x19b: {  	s20 =	sand.u32 $0x7F, s19;
	s29 =	sld [smem:$0x7EF]  }
0x19c: {  	s4 =	sand.u32 $0x7F, s4;
	v49 =	vor.u32 s20, v2;
	v39 =	vmul.f32 v39, v41;
	v40 =	vmul.f32 v40, v62  }
0x19d: {  	v50 =	vor.u32 s4, v2;
	s7 =	sand.u32 $0x7F, s21  }
0x19e: {  	s4 =	sand.u32 $0x7F, s29;
	v51 =	vor.u32 s7, v2;
	v39 =	vadd.f32 v40, v39  }
0x19f: {  	v52 =	vor.u32 s4, v2  }
0x1a0: {  	s15 =	rddreg [dreg:$0x12];
	s16 =	simm.s32 $0xEF00;
	[tilespmem:v5+s9+$0x0] =	vst.idx.msk $0xffff, v39  }
0x1a1: {  	s17 =	simm.s32 $0xF700;
	s4 =	sand.u32 $0x7F, s15;
	v39 =	vld.idx.msk [tilespmem:v49+s16+$0x0], $0xffff  }
0x1a2: {  	s7 =	simm.s32 $0xDF00;
	v53 =	vor.u32 s4, v2;
	v42 =	vld.idx.msk [tilespmem:v50+s17+$0x0], $0xffff  }
0x1a3: {  	s29 =	simm.s32 $0xE700;
	v40 =	vld.idx.msk [tilespmem:v51+s7+$0x0], $0xffff  }
0x1a4: {  	v43 =	vld.idx.msk [tilespmem:v52+s29+$0x0], $0xffff;
	_ =	sdelay $0x1  }
0x1a5: {  	s18 =	simm.s32 $0xCF00  }
0x1a6: {  	s19 =	simm.s32 $0xD700;
	v54 =	vld.idx.msk [tilespmem:v53+s18+$0x0], $0xffff;
	v55 =	vsub.f32 v42, v39  }
0x1a7: {  	v41 =	vld.idx.msk [tilespmem:v53+s19+$0x0], $0xffff  }
0x1a8: {  	v39 =	vmul.f32 v42, v39;
	v56 =	vmul.f32 v43, v40;
	v45 =	vsub.f32 v55, v43;
	_ =	sdelay $0x1  }
0x1a9: {  	s21 =	sld [smem:$0x7F0];
	v39 =	vsub.f32 v39, v56;
	v40 =	vadd.f32 v45, v40  }
0x1aa: {  	s20 =	sand.u32 $0x7F, s13  }
0x1ab: {  	s2 =	sand.u32 $0x7F, s2;
	v57 =	vor.u32 s20, v2;
	v39 =	vmul.f32 v39, v41;
	v40 =	vmul.f32 v40, v54  }
0x1ac: {  	v58 =	vor.u32 s2, v2;
	s4 =	sand.u32 $0x7F, s21  }
0x1ad: {  	s25 =	sand.u32 $0x7F, s25;
	v59 =	vor.u32 s4, v2;
	v39 =	vadd.f32 v40, v39  }
0x1ae: {  	v60 =	vor.u32 s25, v2  }
0x1af: {  	s13 =	rddreg [dreg:$0x14];
	s15 =	simm.s32 $0x11F00;
	[tilespmem:v6+s9+$0x0] =	vst.idx.msk $0xffff, v39  }
0x1b0: {  	s2 =	sand.u32 $0x7F, s13;
	s16 =	simm.s32 $0x12700;
	v39 =	vld.idx.msk [tilespmem:v57+s15+$0x0], $0xffff  }
0x1b1: {  	v61 =	vor.u32 s2, v2;
	s4 =	simm.s32 $0x10F00;
	v42 =	vld.idx.msk [tilespmem:v58+s16+$0x0], $0xffff  }
0x1b2: {  	s25 =	simm.s32 $0x11700;
	v40 =	vld.idx.msk [tilespmem:v59+s4+$0x0], $0xffff  }
0x1b3: {  	v43 =	vld.idx.msk [tilespmem:v60+s25+$0x0], $0xffff;
	_ =	sdelay $0x1  }
0x1b4: {  	s17 =	simm.s32 $0xFF00  }
0x1b5: {  	s18 =	simm.s32 $0x10700;
	v62 =	vld.idx.msk [tilespmem:v61+s17+$0x0], $0xffff;
	v63 =	vsub.f32 v42, v39  }
0x1b6: {  	v41 =	vld.idx.msk [tilespmem:v61+s18+$0x0], $0xffff  }
0x1b7: {  	v39 =	vmul.f32 v42, v39;
	v47 =	vmul.f32 v43, v40;
	v45 =	vsub.f32 v63, v43;
	_ =	sdelay $0x1  }
0x1b8: {  	v39 =	vsub.f32 v39, v47;
	v40 =	vadd.f32 v45, v40  }
0x1b9: {  	s19 =	sand.u32 $0x7F, s5  }
0x1ba: {  	s0 =	sand.u32 $0x7F, s0;
	v48 =	vor.u32 s19, v2;
	v39 =	vmul.f32 v39, v41;
	v40 =	vmul.f32 v40, v62  }
0x1bb: {  	s20 =	sand.u32 $0x7F, s26;
	v49 =	vor.u32 s0, v2  }
0x1bc: {  	s21 =	sand.u32 $0x7F, s23;
	v50 =	vor.u32 s20, v2;
	v39 =	vadd.f32 v40, v39  }
0x1bd: {  	v51 =	vor.u32 s21, v2  }
0x1be: {  	s26 =	simm.s32 $0x14F00;
	s23 =	rddreg [dreg:$0x17];
	[tilespmem:v7+s9+$0x0] =	vst.idx.msk $0xffff, v39  }
0x1bf: {  	s2 =	simm.s32 $0x15700;
	s0 =	sand.u32 $0x7F, s23;
	v39 =	vld.idx.msk [tilespmem:v48+s26+$0x0], $0xffff  }
0x1c0: {  	s23 =	simm.s32 $0x13F00;
	v52 =	vor.u32 s0, v2;
	v42 =	vld.idx.msk [tilespmem:v49+s2+$0x0], $0xffff  }
0x1c1: {  	v40 =	vld.idx.msk [tilespmem:v50+s23+$0x0], $0xffff;
	s26 =	simm.s32 $0x14700  }
0x1c2: {  	v43 =	vld.idx.msk [tilespmem:v51+s26+$0x0], $0xffff;
	_ =	sdelay $0x1  }
0x1c3: {  	s5 =	simm.s32 $0x12F00  }
0x1c4: {  	s13 =	simm.s32 $0x13700;
	v53 =	vld.idx.msk [tilespmem:v52+s5+$0x0], $0xffff;
	v54 =	vsub.f32 v42, v39  }
0x1c5: {  	v41 =	vld.idx.msk [tilespmem:v52+s13+$0x0], $0xffff  }
0x1c6: {  	v39 =	vmul.f32 v42, v39;
	v55 =	vmul.f32 v43, v40;
	v45 =	vsub.f32 v54, v43  }
0x1c7: {  	(v2sf) =	vpush v38, $0x8  }
0x1c8: {  	v39 =	vsub.f32 v39, v55;
	v40 =	vadd.f32 v45, v40  }
0x1c9: {  	(v2sf) =	vpush v37, $0x8;
	s15 =	sand.u32 $0x7F, s6  }
0x1ca: {  	s16 =	sand.u32 $0x7F, s3;
	v56 =	vor.u32 s15, v2;
	v39 =	vmul.f32 v39, v41;
	v40 =	vmul.f32 v40, v53  }
0x1cb: {  	s17 =	sand.u32 $0x7F, s24;
	v57 =	vor.u32 s16, v2  }
0x1cc: {  	s18 =	sand.u32 $0x7F, s22;
	v58 =	vor.u32 s17, v2;
	v39 =	vadd.f32 v40, v39  }
0x1cd: {  	v59 =	vor.u32 s18, v2  }
0x1ce: {  	s19 =	rddreg [dreg:$0x16];
	s24 =	simm.s32 $0x17F00;
	[tilespmem:v8+s9+$0x0] =	vst.idx.msk $0xffff, v39  }
0x1cf: {  	(v2sf) =	vpush v36, $0x8;
	s20 =	simm.s32 $0x18700;
	s0 =	sand.u32 $0x7F, s19;
	v39 =	vld.idx.msk [tilespmem:v56+s24+$0x0], $0xffff  }
0x1d0: {  	(v2sf) =	vpush v35, $0x8;
	s21 =	simm.s32 $0x16F00;
	v60 =	vor.u32 s0, v2;
	v42 =	vld.idx.msk [tilespmem:v57+s20+$0x0], $0xffff  }
0x1d1: {  	s22 =	simm.s32 $0x17700;
	v40 =	vld.idx.msk [tilespmem:v58+s21+$0x0], $0xffff  }
0x1d2: {  	v43 =	vld.idx.msk [tilespmem:v59+s22+$0x0], $0xffff;
	_ =	sdelay $0x1  }
0x1d3: {  	s2 =	simm.s32 $0x15F00  }
0x1d4: {  	s3 =	simm.s32 $0x16700;
	v61 =	vld.idx.msk [tilespmem:v60+s2+$0x0], $0xffff;
	v62 =	vsub.f32 v42, v39  }
0x1d5: {  	s5 =	spop (v2sf);
	(v2sf) =	vpush v34, $0x8;
	v41 =	vld.idx.msk [tilespmem:v60+s3+$0x0], $0xffff  }
0x1d6: {  	v39 =	vmul.f32 v42, v39;
	v63 =	vmul.f32 v43, v40;
	v45 =	vsub.f32 v62, v43  }
0x1d7: {  	s16 =	spop (v2sf);
	(v2sf) =	vpush v38, $0x9  }
0x1d8: {  	v39 =	vsub.f32 v39, v63;
	v40 =	vadd.f32 v45, v40;
	_ =	sdelay $0x1  }
0x1d9: {  	v39 =	vmul.f32 v39, v41;
	v40 =	vmul.f32 v40, v61;
	_ =	sdelay $0x1  }
0x1da: {  	v39 =	vadd.f32 v40, v39  }
0x1db: {  	s0 =	sand.u32 $0xFFFFF80, s5;
	s18 =	spop (v2sf);
	(v2sf) =	vpush v37, $0x9  }
0x1dc: {  	s13 =	simm.s32 $0xF00;
	s6 =	sadd.s32 s12, s0;
	s21 =	spop (v2sf);
	(v2sf) =	vpush v36, $0x9;
	[tilespmem:v9+s9+$0x0] =	vst.idx.msk $0xffff, v39  }
0x1dd: {  	[tilespmem:s13], [sflag:$0x1] =	stream.strided.gather [hbm4b:s6+s10], $0x800, s11, s10, $0x38;
	[tilespmem:$0x18F00] =	vst v63  }
0x1de: {  	s15 =	simm.s32 $0x1700;
	s0 =	sadd.s32 s30, s0  }
0x1df: {  	[tilespmem:s15], [sflag:$0x1] =	stream.strided.gather [hbm4b:s0+s10], $0x800, s11, s10, $0x38;
	[tilespmem:$0x18F00] =	vst v63  }
0x1e0: {  	s0 =	sand.u32 $0xFFFFF80, s16  }
0x1e1: {  	s19 =	simm.s32 $0x2700;
	s17 =	simm.s32 $0x1F00;
	s0 =	sadd.s32 s1, s0  }
0x1e2: {  	[tilespmem:s17], [sflag:$0x1] =	stream.strided.gather [hbm4b:s0+s10], $0x800, s11, s10, $0x38;
	[tilespmem:$0x18F00] =	vst v63  }
0x1e3: {  	[dreg:$0xa] =	wrdreg s5;
	s15 =	spop (v2sf);
	(v2sf) =	vpush v35, $0x9;
	s0 =	sand.u32 $0xFFFFF80, s18  }
0x1e4: {  	s20 =	sand.u32 $0xFFFFF80, s21;
	s6 =	spop (v2sf);
	s0 =	sadd.s32 s1, s0  }
0x1e5: {  	(v2sf) =	vpush v34, $0x9;
	[tilespmem:s19], [sflag:$0x1] =	stream.strided.gather [hbm4b:s0+s10], $0x800, s11, s10, $0x38;
	[tilespmem:$0x18F00] =	vst v63  }
0x1e6: {  	s22 =	simm.s32 $0x2F00;
	s3 =	sand.u32 $0xFFFFF80, s15;
	s0 =	sadd.s32 s1, s20  }
0x1e7: {  	[tilespmem:s22], [sflag:$0x1] =	stream.strided.gather [hbm4b:s0+s10], $0x800, s11, s10, $0x38;
	[tilespmem:$0x18F00] =	vst v63  }
0x1e8: {  	s5 =	simm.s32 $0x3700;
	[dreg:$0x1c] =	wrdreg s16;
	s0 =	sadd.s32 s1, s3  }
0x1e9: {  	[tilespmem:s5], [sflag:$0x1] =	stream.strided.gather [hbm4b:s0+s10], $0x800, s11, s10, $0x38;
	[tilespmem:$0x18F00] =	vst v63  }
0x1ea: {  	[smem:$0x7F1] =	sst s18;
	s18 =	spop (v2sf);
	(v2sf) =	vpush v38, $0xA;
	s0 =	sand.u32 $0xFFFFF80, s6  }
0x1eb: {  	s16 =	simm.s32 $0x3F00;
	s20 =	spop (v2sf);
	s13 =	sadd.s32 s12, s0  }
0x1ec: {  	(v2sf) =	vpush v37, $0xA;
	[tilespmem:s16], [sflag:$0x1] =	stream.strided.gather [hbm4b:s13+s10], $0x800, s11, s10, $0x38;
	[tilespmem:$0x18F00] =	vst v63  }
0x1ed: {  	s17 =	simm.s32 $0x4700;
	s0 =	sadd.s32 s30, s0  }
0x1ee: {  	[tilespmem:s17], [sflag:$0x1] =	stream.strided.gather [hbm4b:s0+s10], $0x800, s11, s10, $0x38;
	[tilespmem:$0x18F00] =	vst v63  }
0x1ef: {  	s0 =	sand.u32 $0xFFFFF80, s18  }
0x1f0: {  	s19 =	simm.s32 $0x4F00;
	s0 =	sadd.s32 s1, s0  }
0x1f1: {  	[tilespmem:s19], [sflag:$0x1] =	stream.strided.gather [hbm4b:s0+s10], $0x800, s11, s10, $0x38;
	[tilespmem:$0x18F00] =	vst v63  }
0x1f2: {  	[smem:$0x7F2] =	sst s20;
	s0 =	sand.u32 $0xFFFFF80, s20;
	s20 =	spop (v2sf);
	(v2sf) =	vpush v36, $0xA  }
0x1f3: {  	[dreg:$0x1d] =	wrdreg s18  }
0x1f4: {  	s22 =	simm.s32 $0x5700;
	s0 =	sadd.s32 s1, s0;
	s18 =	spop (v2sf);
	(v2sf) =	vpush v35, $0xA  }
0x1f5: {  	[tilespmem:s22], [sflag:$0x1] =	stream.strided.gather [hbm4b:s0+s10], $0x800, s11, s10, $0x38;
	[tilespmem:$0x18F00] =	vst v63  }
0x1f6: {  	[dreg:$0xc] =	wrdreg s6;
	s3 =	sand.u32 $0xFFFFF80, s20  }
0x1f7: {  	s5 =	simm.s32 $0x5F00;
	s0 =	sadd.s32 s1, s3;
	s6 =	sand.u32 $0xFFFFF80, s18  }
0x1f8: {  	[tilespmem:s5], [sflag:$0x1] =	stream.strided.gather [hbm4b:s0+s10], $0x800, s11, s10, $0x38;
	[tilespmem:$0x18F00] =	vst v63  }
0x1f9: {  	s13 =	simm.s32 $0x6700;
	s16 =	spop (v2sf);
	(v2sf) =	vpush v34, $0xA;
	s0 =	sadd.s32 s1, s6  }
0x1fa: {  	[tilespmem:s13], [sflag:$0x1] =	stream.strided.gather [hbm4b:s0+s10], $0x800, s11, s10, $0x38;
	[tilespmem:$0x18F00] =	vst v63  }
0x1fb: {  	s2 =	spop (v2sf);
	(v2sf) =	vpush v38, $0xB;
	s0 =	sand.u32 $0xFFFFF80, s16  }
0x1fc: {  	s19 =	simm.s32 $0x6F00;
	s17 =	sadd.s32 s12, s0  }
0x1fd: {  	[tilespmem:s19], [sflag:$0x1] =	stream.strided.gather [hbm4b:s17+s10], $0x800, s11, s10, $0x38;
	[tilespmem:$0x18F00] =	vst v63  }
0x1fe: {  	s22 =	simm.s32 $0x7700;
	s0 =	sadd.s32 s30, s0  }
0x1ff: {  	[tilespmem:s22], [sflag:$0x1] =	stream.strided.gather [hbm4b:s0+s10], $0x800, s11, s10, $0x38;
	[tilespmem:$0x18F00] =	vst v63  }
0x200: {  	s0 =	sand.u32 $0xFFFFF80, s2  }
0x201: {  	s3 =	simm.s32 $0x7F00;
	s0 =	sadd.s32 s1, s0;
	s5 =	spop (v2sf);
	(v2sf) =	vpush v37, $0xB  }
0x202: {  	[tilespmem:s3], [sflag:$0x1] =	stream.strided.gather [hbm4b:s0+s10], $0x800, s11, s10, $0x38;
	[tilespmem:$0x18F00] =	vst v63  }
0x203: {  	s0 =	sand.u32 $0xFFFFF80, s5;
	s19 =	spop (v2sf);
	(v2sf) =	vpush v36, $0xB  }
0x204: {  	s6 =	simm.s32 $0x8700;
	s0 =	sadd.s32 s1, s0;
	s13 =	sand.u32 $0xFFFFF80, s19  }
0x205: {  	[tilespmem:s6], [sflag:$0x1] =	stream.strided.gather [hbm4b:s0+s10], $0x800, s11, s10, $0x38;
	[tilespmem:$0x18F00] =	vst v63  }
0x206: {  	[dreg:$0xe] =	wrdreg s16;
	s16 =	simm.s32 $0x8F00;
	s0 =	sadd.s32 s1, s13  }
0x207: {  	[tilespmem:s16], [sflag:$0x1] =	stream.strided.gather [hbm4b:s0+s10], $0x800, s11, s10, $0x38;
	[tilespmem:$0x18F00] =	vst v63  }
0x208: {  	s16 =	spop (v2sf);
	(v2sf) =	vpush v35, $0xB;
	_ =	sdelay $0x1  }
0x209: {  	[dreg:$0x1f] =	wrdreg s2;
	s17 =	sand.u32 $0xFFFFF80, s16;
	s2 =	spop (v2sf);
	(v2sf) =	vpush v34, $0xB  }
0x20a: {  	s22 =	simm.s32 $0x9700;
	s0 =	sadd.s32 s1, s17  }
0x20b: {  	[tilespmem:s22], [sflag:$0x1] =	stream.strided.gather [hbm4b:s0+s10], $0x800, s11, s10, $0x38;
	[tilespmem:$0x18F00] =	vst v63  }
0x20c: {  	s0 =	sand.u32 $0xFFFFF80, s2  }
0x20d: {  	[smem:$0x7F3] =	sst s5;
	s5 =	simm.s32 $0x9F00;
	s3 =	sadd.s32 s12, s0  }
0x20e: {  	[tilespmem:s5], [sflag:$0x1] =	stream.strided.gather [hbm4b:s3+s10], $0x800, s11, s10, $0x38;
	[tilespmem:$0x18F00] =	vst v63  }
0x20f: {  	s6 =	simm.s32 $0xA700;
	s0 =	sadd.s32 s30, s0;
	s13 =	spop (v2sf);
	(v2sf) =	vpush v38, $0xC  }
0x210: {  	[tilespmem:s6], [sflag:$0x1] =	stream.strided.gather [hbm4b:s0+s10], $0x800, s11, s10, $0x38;
	[tilespmem:$0x18F00] =	vst v63  }
0x211: {  	s22 =	spop (v2sf);
	(v2sf) =	vpush v37, $0xC  }
0x212: {  	s0 =	sand.u32 $0xFFFFF80, s13  }
0x213: {  	s17 =	simm.s32 $0xAF00;
	s0 =	sadd.s32 s1, s0  }
0x214: {  	[tilespmem:s17], [sflag:$0x1] =	stream.strided.gather [hbm4b:s0+s10], $0x800, s11, s10, $0x38;
	[tilespmem:$0x18F00] =	vst v63  }
0x215: {  	s0 =	sand.u32 $0xFFFFF80, s22  }
0x216: {  	s0 =	sadd.s32 s1, s0;
	s17 =	spop (v2sf);
	(v2sf) =	vpush v36, $0xC  }
0x217: {  	[tilespmem:s14], [sflag:$0x1] =	stream.strided.gather [hbm4b:s0+s10], $0x800, s11, s10, $0x38;
	[tilespmem:$0x18F00] =	vst v63  }
0x218: {  	s14 =	spop (v2sf);
	(v2sf) =	vpush v35, $0xC  }
0x219: {  	[dreg:$0x10] =	wrdreg s2;
	s2 =	sand.u32 $0xFFFFF80, s17  }
0x21a: {  	s0 =	sadd.s32 s1, s2;
	s3 =	sand.u32 $0xFFFFF80, s14  }
0x21b: {  	[tilespmem:s31], [sflag:$0x1] =	stream.strided.gather [hbm4b:s0+s10], $0x800, s11, s10, $0x38;
	[tilespmem:$0x18F00] =	vst v63  }
0x21c: {  	s5 =	simm.s32 $0xC700;
	s0 =	sadd.s32 s1, s3  }
0x21d: {  	[tilespmem:s5], [sflag:$0x1] =	stream.strided.gather [hbm4b:s0+s10], $0x800, s11, s10, $0x38;
	[tilespmem:$0x18F00] =	vst v63  }
0x21e: {  	[smem:$0x7F4] =	sst s13;
	s6 =	spop (v2sf);
	(v2sf) =	vpush v34, $0xC  }
0x21f: {  	[smem:$0x7F5] =	sst s22;
	s22 =	simm.s32 $0xCF00;
	s0 =	sand.u32 $0xFFFFF80, s6  }
0x220: {  	[dreg:$0x13] =	wrdreg s6;
	s6 =	spop (v2sf);
	(v2sf) =	vpush v38, $0xD;
	s13 =	sadd.s32 s12, s0  }
0x221: {  	[tilespmem:s22], [sflag:$0x1] =	stream.strided.gather [hbm4b:s13+s10], $0x800, s11, s10, $0x38;
	[tilespmem:$0x18F00] =	vst v63  }
0x222: {  	s5 =	simm.s32 $0xD700;
	s0 =	sadd.s32 s30, s0  }
0x223: {  	[tilespmem:s5], [sflag:$0x1] =	stream.strided.gather [hbm4b:s0+s10], $0x800, s11, s10, $0x38;
	[tilespmem:$0x18F00] =	vst v63  }
0x224: {  	s0 =	sand.u32 $0xFFFFF80, s6  }
0x225: {  	s13 =	spop (v2sf);
	(v2sf) =	vpush v37, $0xD;
	s0 =	sadd.s32 s1, s0  }
0x226: {  	[tilespmem:s7], [sflag:$0x1] =	stream.strided.gather [hbm4b:s0+s10], $0x800, s11, s10, $0x38;
	[tilespmem:$0x18F00] =	vst v63  }
0x227: {  	[smem:$0x7F7] =	sst s13;
	s0 =	sand.u32 $0xFFFFF80, s13;
	s13 =	spop (v2sf);
	(v2sf) =	vpush v36, $0xD  }
0x228: {  	_ = 	snop  }
0x229: {  	s0 =	sadd.s32 s1, s0;
	s22 =	sand.u32 $0xFFFFF80, s13  }
0x22a: {  	[tilespmem:s29], [sflag:$0x1] =	stream.strided.gather [hbm4b:s0+s10], $0x800, s11, s10, $0x38;
	[tilespmem:$0x18F00] =	vst v63  }
0x22b: {  	s0 =	sadd.s32 s1, s22;
	s29 =	simm.s32 $0xEF00  }
0x22c: {  	[tilespmem:s29], [sflag:$0x1] =	stream.strided.gather [hbm4b:s0+s10], $0x800, s11, s10, $0x38;
	[tilespmem:$0x18F00] =	vst v63  }
0x22d: {  	s5 =	spop (v2sf)  }
0x22e: {  	[smem:$0x7F6] =	sst s6;
	(v2sf) =	vpush v35, $0xD;
	s3 =	sand.u32 $0xFFFFF80, s5  }
0x22f: {  	s6 =	simm.s32 $0xF700;
	s7 =	spop (v2sf);
	(v2sf) =	vpush v34, $0xD;
	s0 =	sadd.s32 s1, s3  }
0x230: {  	[tilespmem:s6], [sflag:$0x1] =	stream.strided.gather [hbm4b:s0+s10], $0x800, s11, s10, $0x38;
	[tilespmem:$0x18F00] =	vst v63  }
0x231: {  	s0 =	sand.u32 $0xFFFFF80, s7  }
0x232: {  	s29 =	simm.s32 $0xFF00;
	[dreg:$0x15] =	wrdreg s7;
	s22 =	sadd.s32 s12, s0  }
0x233: {  	[tilespmem:s29], [sflag:$0x1] =	stream.strided.gather [hbm4b:s22+s10], $0x800, s11, s10, $0x38;
	[tilespmem:$0x18F00] =	vst v63  }
0x234: {  	s6 =	simm.s32 $0x10700;
	s0 =	sadd.s32 s30, s0;
	s7 =	spop (v2sf);
	(v2sf) =	vpush v38, $0xE  }
0x235: {  	[tilespmem:s6], [sflag:$0x1] =	stream.strided.gather [hbm4b:s0+s10], $0x800, s11, s10, $0x38;
	[tilespmem:$0x18F00] =	vst v63  }
0x236: {  	s22 =	spop (v2sf);
	(v2sf) =	vpush v37, $0xE  }
0x237: {  	s0 =	sand.u32 $0xFFFFF80, s7  }
0x238: {  	s0 =	sadd.s32 s1, s0  }
0x239: {  	[tilespmem:s4], [sflag:$0x1] =	stream.strided.gather [hbm4b:s0+s10], $0x800, s11, s10, $0x38;
	[tilespmem:$0x18F00] =	vst v63  }
0x23a: {  	s0 =	sand.u32 $0xFFFFF80, s22  }
0x23b: {  	s0 =	sadd.s32 s1, s0  }
0x23c: {  	[tilespmem:s25], [sflag:$0x1] =	stream.strided.gather [hbm4b:s0+s10], $0x800, s11, s10, $0x38;
	[tilespmem:$0x18F00] =	vst v63  }
0x23d: {  	s6 =	spop (v2sf);
	(v2sf) =	vpush v36, $0xE  }
0x23e: {  	s25 =	sand.u32 $0xFFFFF80, s6;
	s3 =	spop (v2sf);
	(v2sf) =	vpush v35, $0xE  }
0x23f: {  	s29 =	simm.s32 $0x11F00;
	s0 =	sadd.s32 s1, s25;
	s2 =	sand.u32 $0xFFFFF80, s3  }
0x240: {  	[tilespmem:s29], [sflag:$0x1] =	stream.strided.gather [hbm4b:s0+s10], $0x800, s11, s10, $0x38;
	[tilespmem:$0x18F00] =	vst v63  }
0x241: {  	s4 =	simm.s32 $0x12700;
	s0 =	sadd.s32 s1, s2  }
0x242: {  	[tilespmem:s4], [sflag:$0x1] =	stream.strided.gather [hbm4b:s0+s10], $0x800, s11, s10, $0x38;
	[tilespmem:$0x18F00] =	vst v63  }
0x243: {  	[smem:$0x7F8] =	sst s7;
	s7 =	spop (v2sf);
	(v2sf) =	vpush v34, $0xE  }
0x244: {  	[smem:$0x7F9] =	sst s22;
	s0 =	sand.u32 $0xFFFFF80, s7  }
0x245: {  	s25 =	simm.s32 $0x12F00;
	s22 =	sadd.s32 s12, s0;
	s2 =	spop (v2sf);
	(v2sf) =	vpush v38, $0xF  }
0x246: {  	[tilespmem:s25], [sflag:$0x1] =	stream.strided.gather [hbm4b:s22+s10], $0x800, s11, s10, $0x38;
	[tilespmem:$0x18F00] =	vst v63  }
0x247: {  	s29 =	simm.s32 $0x13700;
	s0 =	sadd.s32 s30, s0  }
0x248: {  	[tilespmem:s29], [sflag:$0x1] =	stream.strided.gather [hbm4b:s0+s10], $0x800, s11, s10, $0x38;
	[tilespmem:$0x18F00] =	vst v63  }
0x249: {  	s0 =	sand.u32 $0xFFFFF80, s2  }
0x24a: {  	s0 =	sadd.s32 s1, s0  }
0x24b: {  	[tilespmem:s23], [sflag:$0x1] =	stream.strided.gather [hbm4b:s0+s10], $0x800, s11, s10, $0x38;
	[tilespmem:$0x18F00] =	vst v63  }
0x24c: {  	s4 =	spop (v2sf);
	(v2sf) =	vpush v37, $0xF  }
0x24d: {  	[smem:$0x7FA] =	sst s2;
	s0 =	sand.u32 $0xFFFFF80, s4;
	s2 =	spop (v2sf);
	(v2sf) =	vpush v36, $0xF  }
0x24e: {  	[dreg:$0x18] =	wrdreg s7;
	s0 =	sadd.s32 s1, s0;
	s7 =	sand.u32 $0xFFFFF80, s2  }
0x24f: {  	[tilespmem:s26], [sflag:$0x1] =	stream.strided.gather [hbm4b:s0+s10], $0x800, s11, s10, $0x38;
	[tilespmem:$0x18F00] =	vst v63  }
0x250: {  	s22 =	simm.s32 $0x14F00;
	s0 =	sadd.s32 s1, s7  }
0x251: {  	[tilespmem:s22], [sflag:$0x1] =	stream.strided.gather [hbm4b:s0+s10], $0x800, s11, s10, $0x38;
	[tilespmem:$0x18F00] =	vst v63  }
0x252: {  	s0 =	spop (v2sf);
	(v2sf) =	vpush v35, $0xF  }
0x253: {  	s25 =	simm.s32 $0x15700;
	s23 =	sand.u32 $0xFFFFF80, s0  }
0x254: {  	[smem:$0x7FB] =	sst s4;
	s4 =	sadd.s32 s1, s23;
	s26 =	spop (v2sf)  }
0x255: {  	[tilespmem:s25], [sflag:$0x1] =	stream.strided.gather [hbm4b:s4+s10], $0x800, s11, s10, $0x38;
	[tilespmem:$0x18F00] =	vst v63  }
0x256: {  	(v2sf) =	vpush v34, $0xF;
	s4 =	sand.u32 $0xFFFFF80, s26  }
0x257: {  	s22 =	simm.s32 $0x15F00;
	s29 =	sadd.s32 s12, s4  }
0x258: {  	[tilespmem:s22], [sflag:$0x1] =	stream.strided.gather [hbm4b:s29+s10], $0x800, s11, s10, $0x38;
	[tilespmem:$0x18F00] =	vst v63  }
0x259: {  	s25 =	simm.s32 $0x16700;
	s4 =	sadd.s32 s30, s4  }
0x25a: {  	[tilespmem:s25], [sflag:$0x1] =	stream.strided.gather [hbm4b:s4+s10], $0x800, s11, s10, $0x38;
	[tilespmem:$0x18F00] =	vst v63  }
0x25b: {  	[dreg:$0x19] =	wrdreg s26;
	s26 =	spop (v2sf)  }
0x25c: {  	s4 =	sand.u32 $0xFFFFF80, s26;
	s23 =	spop (v2sf)  }
0x25d: {  	s29 =	simm.s32 $0x16F00;
	s4 =	sadd.s32 s1, s4;
	s7 =	sand.u32 $0xFFFFF80, s23  }
0x25e: {  	[tilespmem:s29], [sflag:$0x1] =	stream.strided.gather [hbm4b:s4+s10], $0x800, s11, s10, $0x38;
	[tilespmem:$0x18F00] =	vst v63  }
0x25f: {  	s22 =	simm.s32 $0x17700;
	s4 =	sadd.s32 s1, s7  }
0x260: {  	[tilespmem:s22], [sflag:$0x1] =	stream.strided.gather [hbm4b:s4+s10], $0x800, s11, s10, $0x38;
	[tilespmem:$0x18F00] =	vst v63  }
0x261: {  	s7 =	spop (v2sf)  }
0x262: {  	s25 =	sand.u32 $0xFFFFF80, s7  }
0x263: {  	s4 =	sadd.s32 s1, s25  }
0x264: {  	[tilespmem:s24], [sflag:$0x1] =	stream.strided.gather [hbm4b:s4+s10], $0x800, s11, s10, $0x38;
	[tilespmem:$0x18F00] =	vst v63  }
0x265: {  	s4 =	spop (v2sf)  }
0x266: {  	[smem:$0x7FC] =	sst s26;
	s26 =	sand.u32 $0xFFFFF80, s4  }
0x267: {  	s22 =	simm.s32 $0x18700;
	s29 =	sadd.s32 s1, s26  }
0x268: {  	[tilespmem:s22], [sflag:$0x1] =	stream.strided.gather [hbm4b:s29+s10], $0x800, s11, s10, $0x38;
	[tilespmem:$0x18F00] =	vst v63  }
0x269: {  	_ =	swait.ge [sflag:s8], $0x800  }
0x26a: {  	[sflag:s8] =	ssyncset.done $0x0  }
0x26b: {  	[sflag:s8] =	ssyncadd.s32 $0xFFFFF800  }
0x26c: {  	_ =	swait.ge [sflag:s8], $0x800  }
0x26d: {  	[sflag:s8] =	ssyncset.done $0x0  }
0x26e: {  	[sflag:s8] =	ssyncadd.s32 $0xFFFFF800  }
0x26f: {  	_ =	swait.ge [sflag:s8], $0x800  }
0x270: {  	[sflag:s8] =	ssyncset.done $0x0  }
0x271: {  	[sflag:s8] =	ssyncadd.s32 $0xFFFFF800  }
0x272: {  	_ =	swait.ge [sflag:s8], $0x800  }
0x273: {  	[sflag:s8] =	ssyncset.done $0x0  }
0x274: {  	[sflag:s8] =	ssyncadd.s32 $0xFFFFF800  }
0x275: {  	_ =	swait.ge [sflag:s8], $0x800  }
0x276: {  	[sflag:s8] =	ssyncset.done $0x0  }
0x277: {  	[sflag:s8] =	ssyncadd.s32 $0xFFFFF800  }
0x278: {  	_ =	swait.ge [sflag:s8], $0x800  }
0x279: {  	[sflag:s8] =	ssyncset.done $0x0  }
0x27a: {  	[sflag:s8] =	ssyncadd.s32 $0xFFFFF800  }
0x27b: {  	_ =	swait.ge [sflag:s8], $0x800  }
0x27c: {  	[sflag:s8] =	ssyncset.done $0x0  }
0x27d: {  	[sflag:s8] =	ssyncadd.s32 $0xFFFFF800  }
0x27e: {  	_ =	swait.ge [sflag:s8], $0x800  }
0x27f: {  	[sflag:s8] =	ssyncset.done $0x0  }
0x280: {  	[sflag:s8] =	ssyncadd.s32 $0xFFFFF800  }
0x281: {  	_ =	swait.ge [sflag:s8], $0x800  }
0x282: {  	[sflag:s8] =	ssyncset.done $0x0  }
0x283: {  	[sflag:s8] =	ssyncadd.s32 $0xFFFFF800  }
0x284: {  	_ =	swait.ge [sflag:s8], $0x800  }
0x285: {  	[sflag:s8] =	ssyncset.done $0x0  }
0x286: {  	[sflag:s8] =	ssyncadd.s32 $0xFFFFF800  }
0x287: {  	_ =	swait.ge [sflag:s8], $0x800  }
0x288: {  	[sflag:s8] =	ssyncset.done $0x0  }
0x289: {  	[sflag:s8] =	ssyncadd.s32 $0xFFFFF800  }
0x28a: {  	_ =	swait.ge [sflag:s8], $0x800  }
0x28b: {  	[sflag:s8] =	ssyncset.done $0x0  }
0x28c: {  	[sflag:s8] =	ssyncadd.s32 $0xFFFFF800  }
0x28d: {  	_ =	swait.ge [sflag:s8], $0x800  }
0x28e: {  	[sflag:s8] =	ssyncset.done $0x0  }
0x28f: {  	[sflag:s8] =	ssyncadd.s32 $0xFFFFF800  }
0x290: {  	_ =	swait.ge [sflag:s8], $0x800  }
0x291: {  	[sflag:s8] =	ssyncset.done $0x0  }
0x292: {  	[sflag:s8] =	ssyncadd.s32 $0xFFFFF800  }
0x293: {  	_ =	swait.ge [sflag:s8], $0x800  }
0x294: {  	[sflag:s8] =	ssyncset.done $0x0  }
0x295: {  	[sflag:s8] =	ssyncadd.s32 $0xFFFFF800  }
0x296: {  	_ =	swait.ge [sflag:s8], $0x800  }
0x297: {  	[sflag:s8] =	ssyncset.done $0x0  }
0x298: {  	[sflag:s8] =	ssyncadd.s32 $0xFFFFF800  }
0x299: {  	_ =	swait.ge [sflag:s8], $0x800  }
0x29a: {  	[sflag:s8] =	ssyncset.done $0x0  }
0x29b: {  	[sflag:s8] =	ssyncadd.s32 $0xFFFFF800  }
0x29c: {  	_ =	swait.ge [sflag:s8], $0x800  }
0x29d: {  	[sflag:s8] =	ssyncset.done $0x0  }
0x29e: {  	[sflag:s8] =	ssyncadd.s32 $0xFFFFF800  }
0x29f: {  	_ =	swait.ge [sflag:s8], $0x800  }
0x2a0: {  	[sflag:s8] =	ssyncset.done $0x0  }
0x2a1: {  	[sflag:s8] =	ssyncadd.s32 $0xFFFFF800  }
0x2a2: {  	_ =	swait.ge [sflag:s8], $0x800  }
0x2a3: {  	[sflag:s8] =	ssyncset.done $0x0  }
0x2a4: {  	[sflag:s8] =	ssyncadd.s32 $0xFFFFF800  }
0x2a5: {  	_ =	swait.ge [sflag:s8], $0x800  }
0x2a6: {  	[sflag:s8] =	ssyncset.done $0x0  }
0x2a7: {  	[sflag:s8] =	ssyncadd.s32 $0xFFFFF800  }
0x2a8: {  	_ =	swait.ge [sflag:s8], $0x800  }
0x2a9: {  	[sflag:s8] =	ssyncset.done $0x0  }
0x2aa: {  	[sflag:s8] =	ssyncadd.s32 $0xFFFFF800  }
0x2ab: {  	_ =	swait.ge [sflag:s8], $0x800  }
0x2ac: {  	[sflag:s8] =	ssyncset.done $0x0  }
0x2ad: {  	[sflag:s8] =	ssyncadd.s32 $0xFFFFF800  }
0x2ae: {  	_ =	swait.ge [sflag:s8], $0x800  }
0x2af: {  	[sflag:s8] =	ssyncset.done $0x0  }
0x2b0: {  	[sflag:s8] =	ssyncadd.s32 $0xFFFFF800  }
0x2b1: {  	_ =	swait.ge [sflag:s8], $0x800  }
0x2b2: {  	[sflag:s8] =	ssyncset.done $0x0  }
0x2b3: {  	[sflag:s8] =	ssyncadd.s32 $0xFFFFF800  }
0x2b4: {  	_ =	swait.ge [sflag:s8], $0x800  }
0x2b5: {  	[sflag:s8] =	ssyncset.done $0x0  }
0x2b6: {  	[sflag:s8] =	ssyncadd.s32 $0xFFFFF800  }
0x2b7: {  	_ =	swait.ge [sflag:s8], $0x800  }
0x2b8: {  	[sflag:s8] =	ssyncset.done $0x0  }
0x2b9: {  	[sflag:s8] =	ssyncadd.s32 $0xFFFFF800  }
0x2ba: {  	_ =	swait.ge [sflag:s8], $0x800  }
0x2bb: {  	[sflag:s8] =	ssyncset.done $0x0  }
0x2bc: {  	[sflag:s8] =	ssyncadd.s32 $0xFFFFF800  }
0x2bd: {  	_ =	swait.ge [sflag:s8], $0x800  }
0x2be: {  	[sflag:s8] =	ssyncset.done $0x0  }
0x2bf: {  	[sflag:s8] =	ssyncadd.s32 $0xFFFFF800  }
0x2c0: {  	_ =	swait.ge [sflag:s8], $0x800  }
0x2c1: {  	[sflag:s8] =	ssyncset.done $0x0  }
0x2c2: {  	[sflag:s8] =	ssyncadd.s32 $0xFFFFF800  }
0x2c3: {  	_ =	swait.ge [sflag:s8], $0x800  }
0x2c4: {  	[sflag:s8] =	ssyncset.done $0x0  }
0x2c5: {  	[sflag:s8] =	ssyncadd.s32 $0xFFFFF800  }
0x2c6: {  	_ =	swait.ge [sflag:s8], $0x800  }
0x2c7: {  	[sflag:s8] =	ssyncset.done $0x0  }
0x2c8: {  	[sflag:s8] =	ssyncadd.s32 $0xFFFFF800  }
0x2c9: {  	_ =	swait.ge [sflag:s8], $0x800  }
0x2ca: {  	[sflag:s8] =	ssyncset.done $0x0  }
0x2cb: {  	[sflag:s8] =	ssyncadd.s32 $0xFFFFF800  }
0x2cc: {  	_ =	swait.ge [sflag:s8], $0x800  }
0x2cd: {  	[sflag:s8] =	ssyncset.done $0x0  }
0x2ce: {  	[sflag:s8] =	ssyncadd.s32 $0xFFFFF800  }
0x2cf: {  	_ =	swait.ge [sflag:s8], $0x800  }
0x2d0: {  	[sflag:s8] =	ssyncset.done $0x0  }
0x2d1: {  	[sflag:s8] =	ssyncadd.s32 $0xFFFFF800  }
0x2d2: {  	_ =	swait.ge [sflag:s8], $0x800  }
0x2d3: {  	[sflag:s8] =	ssyncset.done $0x0  }
0x2d4: {  	[sflag:s8] =	ssyncadd.s32 $0xFFFFF800  }
0x2d5: {  	_ =	swait.ge [sflag:s8], $0x800  }
0x2d6: {  	[sflag:s8] =	ssyncset.done $0x0  }
0x2d7: {  	[sflag:s8] =	ssyncadd.s32 $0xFFFFF800  }
0x2d8: {  	_ =	swait.ge [sflag:s8], $0x800  }
0x2d9: {  	[sflag:s8] =	ssyncset.done $0x0  }
0x2da: {  	[sflag:s8] =	ssyncadd.s32 $0xFFFFF800  }
0x2db: {  	_ =	swait.ge [sflag:s8], $0x800  }
0x2dc: {  	[sflag:s8] =	ssyncset.done $0x0  }
0x2dd: {  	[sflag:s8] =	ssyncadd.s32 $0xFFFFF800  }
0x2de: {  	_ =	swait.ge [sflag:s8], $0x800  }
0x2df: {  	[sflag:s8] =	ssyncset.done $0x0  }
0x2e0: {  	[sflag:s8] =	ssyncadd.s32 $0xFFFFF800  }
0x2e1: {  	_ =	swait.ge [sflag:s8], $0x800  }
0x2e2: {  	[sflag:s8] =	ssyncset.done $0x0  }
0x2e3: {  	[sflag:s8] =	ssyncadd.s32 $0xFFFFF800  }
0x2e4: {  	_ =	swait.ge [sflag:s8], $0x800  }
0x2e5: {  	[sflag:s8] =	ssyncset.done $0x0  }
0x2e6: {  	[sflag:s8] =	ssyncadd.s32 $0xFFFFF800  }
0x2e7: {  	_ =	swait.ge [sflag:s8], $0x800  }
0x2e8: {  	[sflag:s8] =	ssyncset.done $0x0  }
0x2e9: {  	[sflag:s8] =	ssyncadd.s32 $0xFFFFF800  }
0x2ea: {  	_ =	swait.ge [sflag:s8], $0x800  }
0x2eb: {  	[sflag:s8] =	ssyncset.done $0x0  }
0x2ec: {  	[sflag:s8] =	ssyncadd.s32 $0xFFFFF800  }
0x2ed: {  	_ =	swait.ge [sflag:s8], $0x800  }
0x2ee: {  	[sflag:s8] =	ssyncset.done $0x0  }
0x2ef: {  	[sflag:s8] =	ssyncadd.s32 $0xFFFFF800  }
0x2f0: {  	_ =	swait.ge [sflag:s8], $0x800  }
0x2f1: {  	[sflag:s8] =	ssyncset.done $0x0  }
0x2f2: {  	[sflag:s8] =	ssyncadd.s32 $0xFFFFF800  }
0x2f3: {  	_ =	swait.ge [sflag:s8], $0x800  }
0x2f4: {  	[sflag:s8] =	ssyncset.done $0x0  }
0x2f5: {  	[sflag:s8] =	ssyncadd.s32 $0xFFFFF800  }
0x2f6: {  	s24 =	rddreg [dreg:$0x1c];
	_ =	swait.ge [sflag:s8], $0x800  }
0x2f7: {  	s21 =	sand.u32 $0x7F, s21;
	s25 =	sld [smem:$0x7F1]  }
0x2f8: {  	v42 =	vor.u32 s21, v2;
	s15 =	sand.u32 $0x7F, s15  }
0x2f9: {  	v43 =	vor.u32 s15, v2;
	s15 =	sand.u32 $0x7F, s24  }
0x2fa: {  	v44 =	vor.u32 s15, v2;
	s15 =	sand.u32 $0x7F, s25  }
0x2fb: {  	[sflag:s8] =	ssyncset.done $0x0;
	v45 =	vor.u32 s15, v2  }
0x2fc: {  	s29 =	simm.s32 $0x2F00;
	s26 =	rddreg [dreg:$0xa];
	[sflag:s8] =	ssyncadd.s32 $0xFFFFF800  }
0x2fd: {  	v34 =	vld.idx.msk [tilespmem:v42+s29+$0x0], $0xffff;
	s15 =	sand.u32 $0x7F, s26;
	s26 =	simm.s32 $0x3700  }
0x2fe: {  	s24 =	simm.s32 $0x1F00;
	v46 =	vor.u32 s15, v2;
	v35 =	vld.idx.msk [tilespmem:v43+s26+$0x0], $0xffff  }
0x2ff: {  	s25 =	simm.s32 $0x2700;
	v36 =	vld.idx.msk [tilespmem:v44+s24+$0x0], $0xffff  }
0x300: {  	v37 =	vld.idx.msk [tilespmem:v45+s25+$0x0], $0xffff;
	_ =	sdelay $0x1  }
0x301: {  	s21 =	simm.s32 $0xF00  }
0x302: {  	s22 =	simm.s32 $0x1700;
	v47 =	vld.idx.msk [tilespmem:v46+s21+$0x0], $0xffff;
	v48 =	vsub.f32 v35, v34  }
0x303: {  	v38 =	vld.idx.msk [tilespmem:v46+s22+$0x0], $0xffff  }
0x304: {  	v34 =	vmul.f32 v35, v34;
	v40 =	vsub.f32 v48, v37;
	v49 =	vmul.f32 v37, v36;
	_ =	sdelay $0x1  }
0x305: {  	v36 =	vadd.f32 v40, v36;
	v34 =	vsub.f32 v34, v49  }
0x306: {  	s29 =	sand.u32 $0x7F, s20;
	s25 =	sld [smem:$0x7F2]  }
0x307: {  	v50 =	vor.u32 s29, v2;
	s24 =	rddreg [dreg:$0x1d];
	s22 =	sand.u32 $0x7F, s18;
	v36 =	vmul.f32 v36, v47;
	v34 =	vmul.f32 v34, v38  }
0x308: {  	s15 =	sand.u32 $0x7F, s24;
	v51 =	vor.u32 s22, v2  }
0x309: {  	v52 =	vor.u32 s15, v2;
	s15 =	sand.u32 $0x7F, s25;
	v34 =	vadd.f32 v36, v34  }
0x30a: {  	v53 =	vor.u32 s15, v2  }
0x30b: {  	s31 =	simm.s32 $0x5F00;
	s29 =	rddreg [dreg:$0xc];
	[tilespmem:v10+s9+$0x0] =	vst.idx.msk $0xffff, v34  }
0x30c: {  	s15 =	sand.u32 $0x7F, s29;
	v34 =	vld.idx.msk [tilespmem:v50+s31+$0x0], $0xffff;
	s31 =	simm.s32 $0x6700  }
0x30d: {  	s22 =	simm.s32 $0x4F00;
	v54 =	vor.u32 s15, v2;
	v37 =	vld.idx.msk [tilespmem:v51+s31+$0x0], $0xffff  }
0x30e: {  	s24 =	simm.s32 $0x5700;
	v38 =	vld.idx.msk [tilespmem:v52+s22+$0x0], $0xffff  }
0x30f: {  	v36 =	vld.idx.msk [tilespmem:v53+s24+$0x0], $0xffff;
	_ =	sdelay $0x1  }
0x310: {  	s18 =	simm.s32 $0x3F00  }
0x311: {  	s20 =	simm.s32 $0x4700;
	v55 =	vld.idx.msk [tilespmem:v54+s18+$0x0], $0xffff;
	v56 =	vsub.f32 v37, v34  }
0x312: {  	v35 =	vld.idx.msk [tilespmem:v54+s20+$0x0], $0xffff  }
0x313: {  	v34 =	vmul.f32 v37, v34;
	v40 =	vsub.f32 v56, v36;
	v36 =	vmul.f32 v36, v38;
	_ =	sdelay $0x1  }
0x314: {  	v57 =	vadd.f32 v40, v38;
	v34 =	vsub.f32 v34, v36  }
0x315: {  	s25 =	sand.u32 $0x7F, s19;
	s24 =	sld [smem:$0x7F3]  }
0x316: {  	v58 =	vor.u32 s25, v2;
	s29 =	sand.u32 $0x7F, s16;
	s22 =	rddreg [dreg:$0x1f];
	v37 =	vmul.f32 v57, v55;
	v34 =	vmul.f32 v34, v35  }
0x317: {  	v59 =	vor.u32 s29, v2;
	s15 =	sand.u32 $0x7F, s22  }
0x318: {  	v60 =	vor.u32 s15, v2;
	s15 =	sand.u32 $0x7F, s24;
	v34 =	vadd.f32 v37, v34  }
0x319: {  	v61 =	vor.u32 s15, v2  }
0x31a: {  	s25 =	rddreg [dreg:$0xe];
	s29 =	simm.s32 $0x8F00;
	[tilespmem:v11+s9+$0x0] =	vst.idx.msk $0xffff, v34  }
0x31b: {  	s24 =	simm.s32 $0x9700;
	s15 =	sand.u32 $0x7F, s25;
	v34 =	vld.idx.msk [tilespmem:v58+s29+$0x0], $0xffff  }
0x31c: {  	s22 =	simm.s32 $0x7F00;
	v62 =	vor.u32 s15, v2;
	v35 =	vld.idx.msk [tilespmem:v59+s24+$0x0], $0xffff  }
0x31d: {  	s25 =	simm.s32 $0x8700;
	v38 =	vld.idx.msk [tilespmem:v60+s22+$0x0], $0xffff  }
0x31e: {  	v37 =	vld.idx.msk [tilespmem:v61+s25+$0x0], $0xffff;
	_ =	sdelay $0x1  }
0x31f: {  	s16 =	simm.s32 $0x6F00  }
0x320: {  	s19 =	simm.s32 $0x7700;
	v63 =	vld.idx.msk [tilespmem:v62+s16+$0x0], $0xffff;
	v44 =	vsub.f32 v35, v34  }
0x321: {  	v36 =	vld.idx.msk [tilespmem:v62+s19+$0x0], $0xffff  }
0x322: {  	v34 =	vmul.f32 v35, v34;
	v45 =	vmul.f32 v37, v38;
	v40 =	vsub.f32 v44, v37;
	_ =	sdelay $0x1  }
0x323: {  	s22 =	sld [smem:$0x7F4];
	v34 =	vsub.f32 v34, v45;
	v46 =	vadd.f32 v40, v38  }
0x324: {  	s29 =	sand.u32 $0x7F, s17;
	s25 =	sld [smem:$0x7F5]  }
0x325: {  	s14 =	sand.u32 $0x7F, s14;
	v47 =	vor.u32 s29, v2;
	v34 =	vmul.f32 v34, v36;
	v37 =	vmul.f32 v46, v63  }
0x326: {  	v48 =	vor.u32 s14, v2;
	s14 =	sand.u32 $0x7F, s22  }
0x327: {  	v49 =	vor.u32 s14, v2;
	s14 =	sand.u32 $0x7F, s25;
	v34 =	vadd.f32 v37, v34  }
0x328: {  	v50 =	vor.u32 s14, v2  }
0x329: {  	s29 =	rddreg [dreg:$0x10];
	s22 =	simm.s32 $0xBF00;
	[tilespmem:v12+s9+$0x0] =	vst.idx.msk $0xffff, v34  }
0x32a: {  	s25 =	simm.s32 $0xC700;
	s14 =	sand.u32 $0x7F, s29;
	v34 =	vld.idx.msk [tilespmem:v47+s22+$0x0], $0xffff  }
0x32b: {  	s29 =	simm.s32 $0xAF00;
	v51 =	vor.u32 s14, v2;
	v36 =	vld.idx.msk [tilespmem:v48+s25+$0x0], $0xffff  }
0x32c: {  	v38 =	vld.idx.msk [tilespmem:v49+s29+$0x0], $0xffff;
	s22 =	simm.s32 $0xB700  }
0x32d: {  	v37 =	vld.idx.msk [tilespmem:v50+s22+$0x0], $0xffff;
	_ =	sdelay $0x1  }
0x32e: {  	s15 =	simm.s32 $0x9F00  }
0x32f: {  	v52 =	vld.idx.msk [tilespmem:v51+s15+$0x0], $0xffff;
	s29 =	simm.s32 $0xA700;
	v53 =	vsub.f32 v36, v34  }
0x330: {  	v35 =	vld.idx.msk [tilespmem:v51+s29+$0x0], $0xffff  }
0x331: {  	v34 =	vmul.f32 v36, v34;
	v54 =	vmul.f32 v37, v38;
	v40 =	vsub.f32 v53, v37  }
0x332: {  	s22 =	sld [smem:$0x7F6]  }
0x333: {  	s13 =	sand.u32 $0x7F, s13;
	s25 =	sld [smem:$0x7F7];
	v34 =	vsub.f32 v34, v54;
	v55 =	vadd.f32 v40, v38  }
0x334: {  	s5 =	sand.u32 $0x7F, s5;
	v56 =	vor.u32 s13, v2  }
0x335: {  	v57 =	vor.u32 s5, v2;
	s5 =	sand.u32 $0x7F, s22;
	v34 =	vmul.f32 v34, v35;
	v37 =	vmul.f32 v55, v52  }
0x336: {  	v58 =	vor.u32 s5, v2;
	s5 =	sand.u32 $0x7F, s25  }
0x337: {  	v59 =	vor.u32 s5, v2;
	v34 =	vadd.f32 v37, v34;
	_ =	sdelay $0x1  }
0x338: {  	s29 =	rddreg [dreg:$0x13];
	s22 =	simm.s32 $0xEF00;
	[tilespmem:v13+s9+$0x0] =	vst.idx.msk $0xffff, v34  }
0x339: {  	s5 =	sand.u32 $0x7F, s29;
	s29 =	simm.s32 $0xF700;
	v34 =	vld.idx.msk [tilespmem:v56+s22+$0x0], $0xffff  }
0x33a: {  	s25 =	simm.s32 $0xE700;
	v60 =	vor.u32 s5, v2;
	v35 =	vld.idx.msk [tilespmem:v57+s29+$0x0], $0xffff  }
0x33b: {  	s22 =	simm.s32 $0xDF00;
	v37 =	vld.idx.msk [tilespmem:v59+s25+$0x0], $0xffff  }
0x33c: {  	v38 =	vld.idx.msk [tilespmem:v58+s22+$0x0], $0xffff;
	_ =	sdelay $0x1  }
0x33d: {  	s15 =	simm.s32 $0xCF00  }
0x33e: {  	v61 =	vld.idx.msk [tilespmem:v60+s15+$0x0], $0xffff;
	s29 =	simm.s32 $0xD700;
	v62 =	vsub.f32 v35, v34  }
0x33f: {  	v36 =	vld.idx.msk [tilespmem:v60+s29+$0x0], $0xffff  }
0x340: {  	v34 =	vmul.f32 v35, v34;
	v63 =	vmul.f32 v37, v38;
	v40 =	vsub.f32 v62, v37;
	_ =	sdelay $0x1  }
0x341: {  	s25 =	sld [smem:$0x7F8];
	v34 =	vsub.f32 v34, v63;
	v40 =	vadd.f32 v40, v38  }
0x342: {  	s22 =	sand.u32 $0x7F, s6;
	s29 =	sld [smem:$0x7F9]  }
0x343: {  	s3 =	sand.u32 $0x7F, s3;
	v41 =	vor.u32 s22, v2;
	v34 =	vmul.f32 v34, v36;
	v37 =	vmul.f32 v40, v61  }
0x344: {  	v42 =	vor.u32 s3, v2;
	s3 =	sand.u32 $0x7F, s25  }
0x345: {  	v43 =	vor.u32 s3, v2;
	s3 =	sand.u32 $0x7F, s29;
	v34 =	vadd.f32 v37, v34  }
0x346: {  	v44 =	vor.u32 s3, v2  }
0x347: {  	s22 =	rddreg [dreg:$0x15];
	s29 =	simm.s32 $0x11F00;
	[tilespmem:v14+s9+$0x0] =	vst.idx.msk $0xffff, v34  }
0x348: {  	s3 =	sand.u32 $0x7F, s22;
	s22 =	simm.s32 $0x12700;
	v34 =	vld.idx.msk [tilespmem:v41+s29+$0x0], $0xffff  }
0x349: {  	v45 =	vor.u32 s3, v2;
	v36 =	vld.idx.msk [tilespmem:v42+s22+$0x0], $0xffff;
	s29 =	simm.s32 $0x10F00  }
0x34a: {  	s22 =	simm.s32 $0x11700;
	v38 =	vld.idx.msk [tilespmem:v43+s29+$0x0], $0xffff  }
0x34b: {  	v37 =	vld.idx.msk [tilespmem:v44+s22+$0x0], $0xffff;
	_ =	sdelay $0x1  }
0x34c: {  	s15 =	simm.s32 $0xFF00  }
0x34d: {  	v46 =	vld.idx.msk [tilespmem:v45+s15+$0x0], $0xffff;
	s29 =	simm.s32 $0x10700;
	v47 =	vsub.f32 v36, v34  }
0x34e: {  	v35 =	vld.idx.msk [tilespmem:v45+s29+$0x0], $0xffff  }
0x34f: {  	v34 =	vmul.f32 v36, v34;
	v48 =	vmul.f32 v37, v38;
	v40 =	vsub.f32 v47, v37;
	_ =	sdelay $0x1  }
0x350: {  	s22 =	sld [smem:$0x7FA];
	v34 =	vsub.f32 v34, v48;
	v49 =	vadd.f32 v40, v38  }
0x351: {  	s2 =	sand.u32 $0x7F, s2;
	s29 =	sld [smem:$0x7FB]  }
0x352: {  	s0 =	sand.u32 $0x7F, s0;
	v50 =	vor.u32 s2, v2;
	v34 =	vmul.f32 v34, v35;
	v37 =	vmul.f32 v49, v46  }
0x353: {  	v51 =	vor.u32 s0, v2;
	s0 =	sand.u32 $0x7F, s22  }
0x354: {  	v52 =	vor.u32 s0, v2;
	s0 =	sand.u32 $0x7F, s29;
	v34 =	vadd.f32 v37, v34  }
0x355: {  	v53 =	vor.u32 s0, v2  }
0x356: {  	s2 =	rddreg [dreg:$0x18];
	s3 =	simm.s32 $0x14F00;
	[tilespmem:v15+s9+$0x0] =	vst.idx.msk $0xffff, v34  }
0x357: {  	s29 =	simm.s32 $0x15700;
	s0 =	sand.u32 $0x7F, s2;
	v34 =	vld.idx.msk [tilespmem:v50+s3+$0x0], $0xffff  }
0x358: {  	s2 =	simm.s32 $0x13F00;
	v54 =	vor.u32 s0, v2;
	v35 =	vld.idx.msk [tilespmem:v51+s29+$0x0], $0xffff  }
0x359: {  	v38 =	vld.idx.msk [tilespmem:v52+s2+$0x0], $0xffff;
	s3 =	simm.s32 $0x14700  }
0x35a: {  	v37 =	vld.idx.msk [tilespmem:v53+s3+$0x0], $0xffff;
	_ =	sdelay $0x1  }
0x35b: {  	s15 =	simm.s32 $0x12F00  }
0x35c: {  	v55 =	vld.idx.msk [tilespmem:v54+s15+$0x0], $0xffff;
	s29 =	simm.s32 $0x13700;
	v56 =	vsub.f32 v35, v34  }
0x35d: {  	v36 =	vld.idx.msk [tilespmem:v54+s29+$0x0], $0xffff  }
0x35e: {  	s29 =	sand.u32 $0x7F, s7;
	v34 =	vmul.f32 v35, v34;
	v57 =	vmul.f32 v37, v38;
	v40 =	vsub.f32 v56, v37  }
0x35f: {  	v59 =	vor.u32 s29, v2;
	s29 =	sand.u32 $0x7F, s4  }
0x360: {  	v60 =	vor.u32 s29, v2;
	s29 =	sld [smem:$0x7FC];
	v34 =	vsub.f32 v34, v57;
	v58 =	vadd.f32 v40, v38;
	_ =	sdelay $0x1  }
0x361: {  	v34 =	vmul.f32 v34, v36;
	v37 =	vmul.f32 v58, v55  }
0x362: {  	s0 =	sand.u32 $0x7F, s29  }
0x363: {  	s29 =	sand.u32 $0x7F, s23;
	v61 =	vor.u32 s0, v2;
	v34 =	vadd.f32 v37, v34  }
0x364: {  	v62 =	vor.u32 s29, v2;
	s29 =	rddreg [dreg:$0x19]  }
0x365: {  	s0 =	sand.u32 $0x7F, s29;
	s29 =	simm.s32 $0x17F00;
	[tilespmem:v16+s9+$0x0] =	vst.idx.msk $0xffff, v34  }
0x366: {  	v34 =	vld.idx.msk [tilespmem:v59+s29+$0x0], $0xffff;
	s29 =	simm.s32 $0x18700  }
0x367: {  	s15 =	simm.s32 $0x16F00;
	v63 =	vor.u32 s0, v2;
	v36 =	vld.idx.msk [tilespmem:v60+s29+$0x0], $0xffff  }
0x368: {  	v38 =	vld.idx.msk [tilespmem:v61+s15+$0x0], $0xffff;
	s29 =	simm.s32 $0x17700  }
0x369: {  	v37 =	vld.idx.msk [tilespmem:v62+s29+$0x0], $0xffff;
	_ =	sdelay $0x1  }
0x36a: {  	s2 =	simm.s32 $0x15F00  }
0x36b: {  	s3 =	simm.s32 $0x16700;
	v44 =	vld.idx.msk [tilespmem:v63+s2+$0x0], $0xffff;
	v45 =	vsub.f32 v36, v34  }
0x36c: {  	v35 =	vld.idx.msk [tilespmem:v63+s3+$0x0], $0xffff  }
0x36d: {  	v34 =	vmul.f32 v36, v34;
	v46 =	vmul.f32 v37, v38;
	v40 =	vsub.f32 v45, v37;
	_ =	sdelay $0x1  }
0x36e: {  	v34 =	vsub.f32 v34, v46;
	v47 =	vadd.f32 v40, v38;
	_ =	sdelay $0x1  }
0x36f: {  	v34 =	vmul.f32 v34, v35;
	v48 =	vmul.f32 v47, v44;
	_ =	sdelay $0x1  }
0x370: {  	v34 =	vadd.f32 v48, v34;
	_ =	sdelay $0x1  }
0x371: {  	[tilespmem:v17+s9+$0x0] =	vst.idx.msk $0xffff, v34  }
0x372: {  	v34 =	vld.idx.msk [tilespmem:v0+s9+$0x0], $0xffff;
	_ =	sdelay $0x1  }
0x373: {  	v49 =	vld.idx.msk [tilespmem:v18+s9+$0x0], $0xffff;
	_ =	sdelay $0x1  }
0x374: {  	v50 =	vld.idx.msk [tilespmem:v19+s9+$0x0], $0xffff  }
0x375: {  	v34 =	vadd.f32 $0.0e+00, v34  }
0x376: {  	v51 =	vld.idx.msk [tilespmem:v20+s9+$0x0], $0xffff  }
0x377: {  	v34 =	vadd.f32 v49, v34  }
0x378: {  	v52 =	vld.idx.msk [tilespmem:v21+s9+$0x0], $0xffff  }
0x379: {  	v34 =	vadd.f32 v50, v34  }
0x37a: {  	v53 =	vld.idx.msk [tilespmem:v22+s9+$0x0], $0xffff  }
0x37b: {  	v34 =	vadd.f32 v51, v34  }
0x37c: {  	v54 =	vld.idx.msk [tilespmem:v23+s9+$0x0], $0xffff  }
0x37d: {  	v34 =	vadd.f32 v52, v34  }
0x37e: {  	v55 =	vld.idx.msk [tilespmem:v24+s9+$0x0], $0xffff  }
0x37f: {  	v34 =	vadd.f32 v53, v34  }
0x380: {  	v56 =	vld.idx.msk [tilespmem:v25+s9+$0x0], $0xffff  }
0x381: {  	v34 =	vadd.f32 v54, v34  }
0x382: {  	v57 =	vld.idx.msk [tilespmem:v26+s9+$0x0], $0xffff  }
0x383: {  	v34 =	vadd.f32 v55, v34  }
0x384: {  	v58 =	vld.idx.msk [tilespmem:v27+s9+$0x0], $0xffff  }
0x385: {  	v34 =	vadd.f32 v56, v34  }
0x386: {  	v59 =	vld.idx.msk [tilespmem:v28+s9+$0x0], $0xffff  }
0x387: {  	v34 =	vadd.f32 v57, v34  }
0x388: {  	v60 =	vld.idx.msk [tilespmem:v29+s9+$0x0], $0xffff  }
0x389: {  	v34 =	vadd.f32 v58, v34  }
0x38a: {  	v61 =	vld.idx.msk [tilespmem:v30+s9+$0x0], $0xffff  }
0x38b: {  	v34 =	vadd.f32 v59, v34  }
0x38c: {  	v62 =	vld.idx.msk [tilespmem:v31+s9+$0x0], $0xffff  }
0x38d: {  	s29 =	sld [smem:$0x7FD];
	v34 =	vadd.f32 v60, v34  }
0x38e: {  	v63 =	vld.idx.msk [tilespmem:v32+s9+$0x0], $0xffff  }
0x38f: {  	v34 =	vadd.f32 v61, v34  }
0x390: {  	p0 =	sne.s32 s29, $0x1F0  }
.Ltmp0:
0x391: {  	s28 =	simm.s32 $0x1700;
	v34 =	vadd.f32 v62, v34;
	(pc) =	sbr.rel @p0 .LBB2_2-.Ltmp0, $4  }
0x392: {  	s13 =	simm.s32 $0x5700;
	s17 =	simm.s32 $0x7F00;
	s14 =	simm.s32 $0x5F00  }
0x393: {  	s5 =	simm.s32 $0x2700;
	s6 =	simm.s32 $0x2F00;
	s25 =	simm.s32 $0xAF00;
	v34 =	vadd.f32 v63, v34  }
0x394: {  	s22 =	simm.s32 $0x8700;
	s7 =	simm.s32 $0x4F00;
	s15 =	simm.s32 $0xD00  }
0x395: {  	s4 =	simm.s32 $0x1F00;
	s23 =	simm.s32 $0x8F00;
	s0 =	sadd.s32 $0x10, s29;
	[tilespmem:v33+s15+$0x0] =	vst.idx.msk $0xffff, v34  }
0x396: {  	s0 =	simm.s32 $0x0;
	s2 =	rddreg [dreg:$0x7];
	s3 =	simm.s32 $0x2  }
0x397: {  	[hbm4b:s2+s0] =	stream.linear.scatter [tilespmem:s15], [sflag:$0x2], $0x200, $0x38;
	[tilespmem:$0x18F00] =	vst v63  }
0x398: {  	_ =	swait.ge [sflag:s3], $0x200  }
0x399: {  	s15 =	rddreg [dreg:$0x9]  }
0x39a: {  	s29 =	rddreg [dreg:$0x8];
	s2 =	sadd.s32 $0x1, s15  }
0x39b: {  	p0 =	sne.s32 s2, s29  }
.Ltmp1:
0x39c: {  	_ = 	snop;
	(pc) =	sbr.rel @p0 .LBB2_1-.Ltmp1, $3  }
0x39d: {  	_ =	sdelay $0x1  }
0x39e: {  	[sflag:s3] =	ssyncset.done $0x0  }
0x39f: {  	[sflag:s3] =	ssyncadd.s32 $0xFFFFFE00  }
0x3a0: {  	_ =	sfence.sel $0x180000  }
0x3a1: {  	[bflag:$0x0] =	sbarrier.arrive $0xFFFF  }
0x3a2: {  	_ =	strace $0x90000047  }
0x3a3: {  	s0 =	stileid.u32;
	[bflag:$0x2] =	sbarrier.arrive $0xFFFF  }
0x3a4: {  	p0 =	sne.s32 s0, $0x0;
	s0 =	rddreg [dreg:$0x5]  }
0x3a5: {  	s0 =	sadd.s32 @!p0 $0x100000, s0  }
0x3a6: {  	[sflag:s0] =	ssyncadd.tile.s32 @!p0 $0x1;
	_ =	shalt  }
.Lfunc_end2:
_tile_overlayer_lowered:
.L_overlay_start_2:
0x3a7: {  	(tag) =	ssettag $0x2  }
0x3a8: {  	s0 =	rddreg [dreg:$0x0];
	s2 =	stileid.u32  }
0x3a9: {  	s1 =	rddreg [dreg:$0x1];
	p0 =	sne.s32 s2, $0x0  }
0x3aa: {  	s3 =	rddreg [dreg:$0x2];
	[bflag:$0x3] =	sbarrier.arrive $0xFFFF;
	s2 =	simm.s32 @!p0 $0x1C02  }
0x3ab: {  	[timem:s3], [sflag:s2] =	dma.local @!p0 [hbm:s0], s1  }
0x3ac: {  	s0 =	simm.s32 @!p0 $0x2  }
0x3ad: {  	_ =	swait.ge @!p0 [sflag:s0], s1  }
0x3ae: {  	s1 =	ssub.s32 @!p0 $0x0, s1;
	[sflag:s0] =	ssyncset.done @!p0 $0x0  }
0x3af: {  	[sflag:s0] =	ssyncadd.s32 @!p0 s1  }
0x3b0: {  	[bflag:$0x3] =	sbarrier.arrive $0xFFFF  }
0x3b1: {  	_ =	shalt  }

</sc_bundles>
